<compile_context>
chip_gen: v7x
topology: tpu7x:2x2x1
jax: 0.10.2.dev20260603
libtpu: 0.0.44.dev20260713+nightly
codegen_flags: <defaults>
</compile_context>

<pallas_src>
import functools

import jax
import jax.numpy as jnp
from jax import lax
from jax.experimental import pallas as pl
from jax.experimental.pallas import tpu as pltpu
from jax.experimental.pallas import tpu_sc as plsc

B = 16
Q = 900
C = 91
QC = Q * C
QCPAD = 81920
NVEC = QCPAD // 16
NSEL = 300
NPAD = 304
NSELV = NPAD // 16
CANDBUF = 320
CAP8 = 4096
INT_MIN = -(2 ** 31)
INT_MAX = 2 ** 31 - 1


def _sortkey(v):
    u = lax.bitcast_convert_type(v, jnp.int32)
    return u ^ lax.shift_right_logical(lax.shift_right_arithmetic(u, 31), 1)


def _store1(ref, pos, val, lane):
    plsc.store_scatter(ref, [jnp.broadcast_to(pos, (16,))],
                       jnp.broadcast_to(val, (16,)), mask=lane == 0)


def _popcnt(mask):
    return plsc.all_reduce_population_count(mask)[0]


def _body(logits_h, boxes_h, scale_h,
          scores_h, labels_h, boxesout_h, keep_h,
          slab, h0, h1, h2, h3, cand_key, cand_idx,
          gt_key, gt_idx, eq_idx, bx,
          sel_key, sel_idx, x0a, y0a, x1a, y1a, areaa,
          keepv, aosb, scorev, labelv, scalev):
    cid = lax.axis_index("c")
    sid = lax.axis_index("s")
    wid = sid * 2 + cid

    lane = lax.iota(jnp.int32, 16)
    ones_i = jnp.ones((16,), jnp.int32)
    zeros_i = jnp.zeros((16,), jnp.int32)
    hists = (h0, h1, h2, h3)

    @pl.when(wid < B)
    def _work():
        img = wid
        pltpu.sync_copy(logits_h.at[pl.ds(img * QCPAD, QCPAD)], slab)
        pltpu.sync_copy(boxes_h.at[pl.ds(img * (Q * 4), Q * 4)], bx)
        pltpu.sync_copy(scale_h.at[pl.ds(img * 16, 16)], scalev)

        def _zero_hists():
            def _z(k, _):
                for h in hists:
                    h[pl.ds(k * 16, 16)] = zeros_i
                return 0
            lax.fori_loop(0, 256, _z, 0)

        def _slab_hist(sh, prefix, level):
            def _hb(i, _):
                for j, h in enumerate(hists):
                    key = _sortkey(slab[pl.ds(i * 64 + j * 16, 16)])
                    b = lax.shift_right_arithmetic(key, sh) & 0xFF
                    if level == 0:
                        b = b ^ 128
                        mask = lane < 16
                    else:
                        mask = lax.shift_right_arithmetic(key, sh + 8) == prefix
                    addr = b * 16 + lane
                    cnt = plsc.load_gather(h, [addr])
                    plsc.store_scatter(h, [addr], cnt + 1, mask=mask)
                return 0
            lax.fori_loop(0, NVEC // 4, _hb, 0)

        def _cand_hist(sh, prefix, candcnt):
            nv = lax.shift_right_logical(candcnt + 15, 4)

            def _hb(i, _):
                key = cand_key[pl.ds(i * 16, 16)]
                mask = jnp.logical_and(
                    (i * 16 + lane) < candcnt,
                    lax.shift_right_arithmetic(key, sh + 8) == prefix)
                b = lax.shift_right_arithmetic(key, sh) & 0xFF
                addr = b * 16 + lane
                cnt = plsc.load_gather(h0, [addr])
                plsc.store_scatter(h0, [addr], cnt + 1, mask=mask)
                return 0
            lax.fori_loop(0, nv, _hb, 0)

        def _scan_level(n_above):
            def _s(k, carry):
                cum, bsel, above, csel, found = carry
                bb = 255 - k
                dsb = pl.ds(bb * 16, 16)
                row = h0[dsb] + h1[dsb] + h2[dsb] + h3[dsb]
                cnt = jnp.sum(row)
                newcum = cum + cnt
                hit = jnp.logical_and(jnp.logical_not(found),
                                      n_above + newcum >= NSEL)
                bsel = jnp.where(hit, bb, bsel)
                above = jnp.where(hit, cum, above)
                csel = jnp.where(hit, cnt, csel)
                found = jnp.logical_or(found, hit)
                return newcum, bsel, above, csel, found
            _, bsel, above, csel, _ = lax.fori_loop(
                0, 256, _s,
                (jnp.int32(0), jnp.int32(0), jnp.int32(0), jnp.int32(0),
                 False))
            return bsel, above, csel

        _zero_hists()
        _slab_hist(24, None, 0)
        bsel, above, csel = _scan_level(jnp.int32(0))
        n_above = above
        prefix = bsel - 128

        candtot = n_above + csel
        collected = candtot <= CAP8

        @pl.when(collected)
        def _():
            def _cc(i, cc):
                ks = [_sortkey(slab[pl.ds(i * 64 + j * 16, 16)])
                      for j in range(4)]
                ms = [lax.shift_right_arithmetic(k, 24) >= prefix for k in ks]
                incs = [_popcnt(m) for m in ms]
                tot = incs[0] + incs[1] + incs[2] + incs[3]

                @pl.when(tot > 0)
                def _():
                    off = cc
                    for j in range(4):
                        plsc.store_compressed(cand_key.at[pl.ds(off, 16)],
                                              ks[j], mask=ms[j])
                        plsc.store_compressed(cand_idx.at[pl.ds(off, 16)],
                                              i * 64 + j * 16 + lane,
                                              mask=ms[j])
                        off = off + incs[j]
                return cc + tot
            lax.fori_loop(0, NVEC // 4, _cc, jnp.int32(0))

        for sh, level in ((16, 1), (8, 2), (0, 3)):
            _zero_hists()

            @pl.when(collected)
            def _(sh=sh, prefix=prefix):
                _cand_hist(sh, prefix, candtot)

            @pl.when(jnp.logical_not(collected))
            def _(sh=sh, level=level, prefix=prefix):
                _slab_hist(sh, prefix, level)

            bsel, above, csel = _scan_level(n_above)
            n_above = n_above + above
            prefix = lax.shift_left(prefix, 8) | bsel

        t = prefix
        n_gt = n_above

        def _clr(k, _):
            gt_key[pl.ds(k * 16, 16)] = jnp.full((16,), INT_MIN, jnp.int32)
            return 0
        lax.fori_loop(0, CANDBUF // 16, _clr, 0)

        def _appends(key, idxv, mgt, meq, cgt, ceq):
            inc_gt = _popcnt(mgt)

            @pl.when(inc_gt > 0)
            def _():
                plsc.store_compressed(gt_key.at[pl.ds(cgt, 16)], key,
                                      mask=mgt)
                plsc.store_compressed(gt_idx.at[pl.ds(cgt, 16)], idxv,
                                      mask=mgt)
            inc_eq = _popcnt(meq)

            @pl.when(jnp.logical_and(inc_eq > 0, ceq < NSEL))
            def _():
                plsc.store_compressed(eq_idx.at[pl.ds(ceq, 16)], idxv,
                                      mask=meq)
            return (cgt + inc_gt,
                    jnp.where(ceq < NSEL, ceq + inc_eq, ceq))

        @pl.when(collected)
        def _():
            nv = lax.shift_right_logical(candtot + 15, 4)

            def _fc(i, carry):
                key = cand_key[pl.ds(i * 16, 16)]
                idxv = cand_idx[pl.ds(i * 16, 16)]
                mpos = (i * 16 + lane) < candtot
                mgt = jnp.logical_and(mpos, key > t)
                meq = jnp.logical_and(mpos, key == t)
                return _appends(key, idxv, mgt, meq, *carry)
            lax.fori_loop(0, nv, _fc, (jnp.int32(0), jnp.int32(0)))

        @pl.when(jnp.logical_not(collected))
        def _():
            def _fc(i, carry):
                key = _sortkey(slab[pl.ds(i * 16, 16)])
                idxv = i * 16 + lane
                return _appends(key, idxv, key > t, key == t, *carry)
            lax.fori_loop(0, NVEC, _fc, (jnp.int32(0), jnp.int32(0)))

        sel_idx[pl.ds(288, 16)] = zeros_i
        sel_key[pl.ds(288, 16)] = zeros_i

        def _extract(k, _):
            in_gt = k < n_gt

            @pl.when(in_gt)
            def _():
                mv = gt_key[pl.ds(0, 16)]
                for v in range(1, CANDBUF // 16):
                    mv = jnp.maximum(mv, gt_key[pl.ds(v * 16, 16)])
                m = jnp.max(mv)
                sv = jnp.full((16,), INT_MAX, jnp.int32)
                for v in range(CANDBUF // 16):
                    kv = gt_key[pl.ds(v * 16, 16)]
                    iv = gt_idx[pl.ds(v * 16, 16)]
                    sv = jnp.minimum(sv, jnp.where(kv == m, iv, INT_MAX))
                bidx = jnp.min(sv)
                for v in range(CANDBUF // 16):
                    kv = gt_key[pl.ds(v * 16, 16)]
                    iv = gt_idx[pl.ds(v * 16, 16)]
                    hitv = jnp.logical_and(kv == m, iv == bidx)
                    gt_key[pl.ds(v * 16, 16)] = jnp.where(hitv, INT_MIN, kv)
                _store1(sel_key, k, m, lane)
                _store1(sel_idx, k, bidx, lane)

            @pl.when(jnp.logical_not(in_gt))
            def _():
                _store1(sel_key, k, t, lane)
                _store1(sel_idx, k, eq_idx[pl.ds(k - n_gt, 16)][0], lane)
            return 0
        lax.fori_loop(0, NSEL, _extract, 0)

        srow = scalev[pl.ds(0, 16)]
        W = srow[0]
        H = srow[1]

        def _boxes(v, _):
            dsv = pl.ds(v * 16, 16)
            kv = sel_key[dsv]
            iv = sel_idx[dsv]
            ub = kv ^ lax.shift_right_logical(
                lax.shift_right_arithmetic(kv, 31), 1)
            x = lax.bitcast_convert_type(ub, jnp.float32)
            scorev[dsv] = 1.0 / (1.0 + jnp.exp(-x))
            q0 = (iv.astype(jnp.float32) * jnp.float32(1.0 / C)).astype(jnp.int32)
            r = iv - q0 * C
            q = q0 + (r >= C).astype(jnp.int32) - (r < 0).astype(jnp.int32)
            labelv[dsv] = iv - q * C
            fi = q * 4
            cx = plsc.load_gather(bx, [fi])
            cy = plsc.load_gather(bx, [fi + 1])
            w = plsc.load_gather(bx, [fi + 2])
            h = plsc.load_gather(bx, [fi + 3])
            x0 = (cx - 0.5 * w) * W
            y0 = (cy - 0.5 * h) * H
            x1 = (cx + 0.5 * w) * W
            y1 = (cy + 0.5 * h) * H
            x0a[dsv] = x0
            y0a[dsv] = y0
            x1a[dsv] = x1
            y1a[dsv] = y1
            areaa[dsv] = (x1 - x0) * (y1 - y0)
            keepv[dsv] = ones_i
            pos = (v * 16 + lane) * 4
            plsc.store_scatter(aosb, [pos], x0)
            plsc.store_scatter(aosb, [pos + 1], y0)
            plsc.store_scatter(aosb, [pos + 2], x1)
            plsc.store_scatter(aosb, [pos + 3], y1)
            return 0
        lax.fori_loop(0, NSELV, _boxes, 0)

        def _nms(i, _):
            @pl.when(keepv[pl.ds(i, 16)][0] != 0)
            def _():
                bx0 = x0a[pl.ds(i, 16)][0]
                by0 = y0a[pl.ds(i, 16)][0]
                bx1 = x1a[pl.ds(i, 16)][0]
                by1 = y1a[pl.ds(i, 16)][0]
                ai = areaa[pl.ds(i, 16)][0]

                def _inner(v, _):
                    dsv = pl.ds(v * 16, 16)
                    iw = jnp.maximum(
                        jnp.minimum(bx1, x1a[dsv]) - jnp.maximum(bx0, x0a[dsv]),
                        0.0)
                    ih = jnp.maximum(
                        jnp.minimum(by1, y1a[dsv]) - jnp.maximum(by0, y0a[dsv]),
                        0.0)
                    inter = iw * ih
                    union = ai + areaa[dsv] - inter
                    iou = inter / jnp.maximum(union, 1e-9)
                    jv = v * 16 + lane
                    supp = jnp.logical_and(iou > 0.5, jv > i)
                    keepv[dsv] = jnp.where(supp, 0, keepv[dsv])
                    return 0
                lax.fori_loop(lax.shift_right_logical(i, 4), NSELV, _inner, 0)
            return 0
        lax.fori_loop(0, NSEL, _nms, 0)

        pltpu.sync_copy(scorev, scores_h.at[pl.ds(img * NPAD, NPAD)])
        pltpu.sync_copy(labelv, labels_h.at[pl.ds(img * NPAD, NPAD)])
        pltpu.sync_copy(keepv.at[pl.ds(0, NPAD)],
                        keep_h.at[pl.ds(img * NPAD, NPAD)])
        pltpu.sync_copy(aosb, boxesout_h.at[pl.ds(img * NPAD * 4, NPAD * 4)])


_mesh = plsc.VectorSubcoreMesh(core_axis_name="c", subcore_axis_name="s")

_sc_call = functools.partial(
    pl.kernel,
    out_type=(
        jax.ShapeDtypeStruct((B * NPAD,), jnp.float32),
        jax.ShapeDtypeStruct((B * NPAD,), jnp.int32),
        jax.ShapeDtypeStruct((B * NPAD * 4,), jnp.float32),
        jax.ShapeDtypeStruct((B * NPAD,), jnp.int32),
    ),
    mesh=_mesh,
    compiler_params=pltpu.CompilerParams(needs_layout_passes=False),
    scratch_types=(
        pltpu.VMEM((QCPAD,), jnp.float32),
        pltpu.VMEM((4096,), jnp.int32),
        pltpu.VMEM((4096,), jnp.int32),
        pltpu.VMEM((4096,), jnp.int32),
        pltpu.VMEM((4096,), jnp.int32),
        pltpu.VMEM((CAP8 + 16,), jnp.int32),
        pltpu.VMEM((CAP8 + 16,), jnp.int32),
        pltpu.VMEM((CANDBUF,), jnp.int32),
        pltpu.VMEM((CANDBUF,), jnp.int32),
        pltpu.VMEM((CANDBUF,), jnp.int32),
        pltpu.VMEM((Q * 4,), jnp.float32),
        pltpu.VMEM((NPAD,), jnp.int32),
        pltpu.VMEM((NPAD,), jnp.int32),
        pltpu.VMEM((NPAD + 16,), jnp.float32),
        pltpu.VMEM((NPAD + 16,), jnp.float32),
        pltpu.VMEM((NPAD + 16,), jnp.float32),
        pltpu.VMEM((NPAD + 16,), jnp.float32),
        pltpu.VMEM((NPAD + 16,), jnp.float32),
        pltpu.VMEM((NPAD + 16,), jnp.int32),
        pltpu.VMEM((NPAD * 4,), jnp.float32),
        pltpu.VMEM((NPAD,), jnp.float32),
        pltpu.VMEM((NPAD,), jnp.int32),
        pltpu.VMEM((16,), jnp.float32),
    ),
)(_body)


@jax.jit
def kernel(pred_logits, pred_boxes, target_sizes):
    logits = jnp.pad(pred_logits.reshape(B, QC), ((0, 0), (0, QCPAD - QC)),
                     constant_values=-jnp.inf).reshape(-1)
    boxes_in = pred_boxes.reshape(-1)
    ts = target_sizes.astype(jnp.float32)
    scale = jnp.pad(jnp.stack([ts[:, 1], ts[:, 0]], axis=1),
                    ((0, 0), (0, 14))).reshape(-1)
    scores, labels, boxes, keep = _sc_call(logits, boxes_in, scale)
    scores = scores.reshape(B, NPAD)[:, :NSEL]
    labels = labels.reshape(B, NPAD)[:, :NSEL]
    boxes = boxes.reshape(B, NPAD, 4)[:, :NSEL]
    keep = keep.reshape(B, NPAD)[:, :NSEL].astype(bool)
    return scores, labels, boxes, keep

# --- scband reference (transcript-rebuilt; emitter-appended) ---
"""Pipeline reference for scband-post-process-31731218383169 (READ-ONLY COPY).

The authoritative reference and input builder live on the scoring server;
editing this copy changes nothing except your own understanding.
"""

import jax, jax.numpy as jnp
import numpy as np

NMS_IOU_THRESHOLD = 0.5
NUM_SELECT = 300


def _box_cxcywh_to_xyxy(b):
    cx, cy, w, h = b[..., 0], b[..., 1], b[..., 2], b[..., 3]
    return jnp.stack([cx - 0.5 * w, cy - 0.5 * h, cx + 0.5 * w, cy + 0.5 * h], axis=-1)


def _iou_one_vs_all(box, boxes):
    x0 = jnp.maximum(box[0], boxes[:, 0])
    y0 = jnp.maximum(box[1], boxes[:, 1])
    x1 = jnp.minimum(box[2], boxes[:, 2])
    y1 = jnp.minimum(box[3], boxes[:, 3])
    inter = jnp.clip(x1 - x0, 0.0, None) * jnp.clip(y1 - y0, 0.0, None)
    area1 = (box[2] - box[0]) * (box[3] - box[1])
    area2 = (boxes[:, 2] - boxes[:, 0]) * (boxes[:, 3] - boxes[:, 1])
    union = area1 + area2 - inter
    return inter / jnp.clip(union, 1e-9, None)


def _nms_keep(boxes, scores, iou_threshold):
    # scores are already sorted descending (output of top_k), so greedy NMS
    # in index order matches torchvision.ops.nms semantics.
    n = boxes.shape[0]
    idx = jnp.arange(n)

    def body(i, keep):
        ious = _iou_one_vs_all(boxes[i], boxes)
        suppressed = jnp.any((idx < i) & keep & (ious > iou_threshold))
        return keep.at[i].set(jnp.logical_not(suppressed))

    return jax.lax.fori_loop(0, n, body, jnp.ones((n,), dtype=bool))


def setup_inputs(seed: int = 0) -> dict:
    key = jax.random.key(seed)
    k1, k2, k3 = jax.random.split(key, 3)
    pred_logits = jax.random.normal(k1, (16, 900, 91), dtype=jnp.float32)
    pred_boxes = jax.random.uniform(k2, (16, 900, 4), dtype=jnp.float32)
    target_sizes = jax.random.randint(k3, (16, 2), 0, 1333, dtype=jnp.int64 if jax.config.read('jax_enable_x64') else jnp.int32).astype(jnp.int32)
    return {"pred_logits": pred_logits, "pred_boxes": pred_boxes, "target_sizes": target_sizes}


def reference(pred_logits, pred_boxes, target_sizes):
    num_select = NUM_SELECT
    B, Q, C = pred_logits.shape
    prob = jax.nn.sigmoid(pred_logits)
    topk_values, topk_indexes = jax.lax.top_k(prob.reshape(B, Q * C), num_select)
    scores = topk_values
    topk_boxes = topk_indexes // C
    labels = topk_indexes % C
    boxes = _box_cxcywh_to_xyxy(pred_boxes)
    gather_idx = jnp.broadcast_to(topk_boxes[:, :, None], (B, num_select, 4))
    boxes = jnp.take_along_axis(boxes, gather_idx, axis=1)
    img_h = target_sizes[:, 0].astype(jnp.float32)
    img_w = target_sizes[:, 1].astype(jnp.float32)
    scale_fct = jnp.stack([img_w, img_h, img_w, img_h], axis=1)
    boxes = boxes * scale_fct[:, None, :]
    keep = jax.vmap(lambda b, s: _nms_keep(b, s, NMS_IOU_THRESHOLD))(boxes, scores)
    return scores, labels, boxes, keep

if __name__ == "__main__":
    import jax
    _d = setup_inputs()
    print(jax.jit(kernel)(*tuple(_d.values())))

</pallas_src>

<mosaic_0001>
#map = affine_map<(d0, d1) -> (0)>
module attributes {stable_mosaic.version = 14 : i64} {
  func.func @_body(%arg0: i32, %arg1: i32, %arg2: memref<1310720xf32, #tpu.memory_space<hbm>>, %arg3: memref<57600xf32, #tpu.memory_space<hbm>>, %arg4: memref<256xf32, #tpu.memory_space<hbm>>, %arg5: memref<4864xf32, #tpu.memory_space<hbm>>, %arg6: memref<4864xi32, #tpu.memory_space<hbm>>, %arg7: memref<19456xf32, #tpu.memory_space<hbm>>, %arg8: memref<4864xi32, #tpu.memory_space<hbm>>, %arg9: memref<81920xf32, #tpu.memory_space<vmem>>, %arg10: memref<4096xi32, #tpu.memory_space<vmem>>, %arg11: memref<4096xi32, #tpu.memory_space<vmem>>, %arg12: memref<4096xi32, #tpu.memory_space<vmem>>, %arg13: memref<4096xi32, #tpu.memory_space<vmem>>, %arg14: memref<4112xi32, #tpu.memory_space<vmem>>, %arg15: memref<4112xi32, #tpu.memory_space<vmem>>, %arg16: memref<320xi32, #tpu.memory_space<vmem>>, %arg17: memref<320xi32, #tpu.memory_space<vmem>>, %arg18: memref<320xi32, #tpu.memory_space<vmem>>, %arg19: memref<3600xf32, #tpu.memory_space<vmem>>, %arg20: memref<304xi32, #tpu.memory_space<vmem>>, %arg21: memref<304xi32, #tpu.memory_space<vmem>>, %arg22: memref<320xf32, #tpu.memory_space<vmem>>, %arg23: memref<320xf32, #tpu.memory_space<vmem>>, %arg24: memref<320xf32, #tpu.memory_space<vmem>>, %arg25: memref<320xf32, #tpu.memory_space<vmem>>, %arg26: memref<320xf32, #tpu.memory_space<vmem>>, %arg27: memref<320xi32, #tpu.memory_space<vmem>>, %arg28: memref<1216xf32, #tpu.memory_space<vmem>>, %arg29: memref<304xf32, #tpu.memory_space<vmem>>, %arg30: memref<304xi32, #tpu.memory_space<vmem>>, %arg31: memref<16xf32, #tpu.memory_space<vmem>>) attributes {dimension_semantics = [#tpu.dimension_semantics<core_parallel>, #tpu.dimension_semantics<subcore_parallel>], iteration_bounds = array<i64: 2, 16>, scalar_prefetch = 0 : i64, scratch_operands = 23 : i64, tpu.core_type = #tpu.core_type<sc_vector_subcore>, window_params = [{transform_indices = #map}, {transform_indices = #map}, {transform_indices = #map}, {transform_indices = #map}, {transform_indices = #map}, {transform_indices = #map}, {transform_indices = #map}]} {
    %mul3A = arith.constant 2 : i32
    %mul3A_0 = arith.muli %arg1, %mul3A : i32
    %add3A = arith.addi %mul3A_0, %arg0 : i32
    %iota3A = tpu.iota {dimensions = array<i32: 0>} : vector<16xi32>
    %broadcast_in_dim3A = arith.constant 1 : i32
    %broadcast_in_dim3A_1 = vector.broadcast %broadcast_in_dim3A : i32 to vector<16xi32>
    %broadcast_in_dim3A_2 = arith.constant 0 : i32
    %broadcast_in_dim3A_3 = vector.broadcast %broadcast_in_dim3A_2 : i32 to vector<16xi32>
    %lt3A = arith.constant 16 : i32
    %lt3A_4 = arith.cmpi slt, %add3A, %lt3A : i32
    %convert_element_type3A = arith.extui %lt3A_4 : i1 to i32
    %cond3A = arith.constant 0 : i32
    %cond3A_5 = arith.cmpi ne, %convert_element_type3A, %cond3A : i32
    scf.if %cond3A_5 {
      %mul3A_6 = arith.constant 81920 : i32
      %mul3A_7 = arith.muli %add3A, %mul3A_6 : i32
      "tpu.region"() ({
        %run_scoped3A = tpu.sem_alloc : memref<!tpu.dma_semaphore, #tpu.memory_space<semaphore_mem>>
        %dma_start3A = tpu.memref_slice %arg2[%mul3A_7] : memref<1310720xf32, #tpu.memory_space<hbm>> -> memref<81920xf32, #tpu.memory_space<hbm>>
        %dma_start3A_182 = tpu.memref_slice %arg2[%mul3A_7] : memref<1310720xf32, #tpu.memory_space<hbm>> -> memref<81920xf32, #tpu.memory_space<hbm>>
        tpu.enqueue_dma source(%dma_start3A_182 : memref<81920xf32, #tpu.memory_space<hbm>>) target(%arg9 : memref<81920xf32, #tpu.memory_space<vmem>>) target_semaphore(%run_scoped3A : memref<!tpu.dma_semaphore, #tpu.memory_space<semaphore_mem>>)
        %dma_wait3A = tpu.memref_slice %arg2[%mul3A_7] : memref<1310720xf32, #tpu.memory_space<hbm>> -> memref<81920xf32, #tpu.memory_space<hbm>>
        %dma_wait3A_183 = tpu.memref_slice %arg2[%mul3A_7] : memref<1310720xf32, #tpu.memory_space<hbm>> -> memref<81920xf32, #tpu.memory_space<hbm>>
        tpu.wait_dma2 semaphore(%run_scoped3A : memref<!tpu.dma_semaphore, #tpu.memory_space<semaphore_mem>>) src(%dma_wait3A_183 : memref<81920xf32, #tpu.memory_space<hbm>>) dst(%arg9 : memref<81920xf32, #tpu.memory_space<vmem>>)
        tpu.yield
      }) : () -> ()
      %mul3A_8 = arith.constant 3600 : i32
      %mul3A_9 = arith.muli %add3A, %mul3A_8 : i32
      "tpu.region"() ({
        %run_scoped3A = tpu.sem_alloc : memref<!tpu.dma_semaphore, #tpu.memory_space<semaphore_mem>>
        %dma_start3A = tpu.memref_slice %arg3[%mul3A_9] : memref<57600xf32, #tpu.memory_space<hbm>> -> memref<3600xf32, #tpu.memory_space<hbm>>
        %dma_start3A_182 = tpu.memref_slice %arg3[%mul3A_9] : memref<57600xf32, #tpu.memory_space<hbm>> -> memref<3600xf32, #tpu.memory_space<hbm>>
        tpu.enqueue_dma source(%dma_start3A_182 : memref<3600xf32, #tpu.memory_space<hbm>>) target(%arg19 : memref<3600xf32, #tpu.memory_space<vmem>>) target_semaphore(%run_scoped3A : memref<!tpu.dma_semaphore, #tpu.memory_space<semaphore_mem>>)
        %dma_wait3A = tpu.memref_slice %arg3[%mul3A_9] : memref<57600xf32, #tpu.memory_space<hbm>> -> memref<3600xf32, #tpu.memory_space<hbm>>
        %dma_wait3A_183 = tpu.memref_slice %arg3[%mul3A_9] : memref<57600xf32, #tpu.memory_space<hbm>> -> memref<3600xf32, #tpu.memory_space<hbm>>
        tpu.wait_dma2 semaphore(%run_scoped3A : memref<!tpu.dma_semaphore, #tpu.memory_space<semaphore_mem>>) src(%dma_wait3A_183 : memref<3600xf32, #tpu.memory_space<hbm>>) dst(%arg19 : memref<3600xf32, #tpu.memory_space<vmem>>)
        tpu.yield
      }) : () -> ()
      %mul3A_10 = arith.constant 16 : i32
      %mul3A_11 = arith.muli %add3A, %mul3A_10 : i32
      "tpu.region"() ({
        %run_scoped3A = tpu.sem_alloc : memref<!tpu.dma_semaphore, #tpu.memory_space<semaphore_mem>>
        %dma_start3A = tpu.memref_slice %arg4[%mul3A_11] : memref<256xf32, #tpu.memory_space<hbm>> -> memref<16xf32, #tpu.memory_space<hbm>>
        %dma_start3A_182 = tpu.memref_slice %arg4[%mul3A_11] : memref<256xf32, #tpu.memory_space<hbm>> -> memref<16xf32, #tpu.memory_space<hbm>>
        tpu.enqueue_dma source(%dma_start3A_182 : memref<16xf32, #tpu.memory_space<hbm>>) target(%arg31 : memref<16xf32, #tpu.memory_space<vmem>>) target_semaphore(%run_scoped3A : memref<!tpu.dma_semaphore, #tpu.memory_space<semaphore_mem>>)
        %dma_wait3A = tpu.memref_slice %arg4[%mul3A_11] : memref<256xf32, #tpu.memory_space<hbm>> -> memref<16xf32, #tpu.memory_space<hbm>>
        %dma_wait3A_183 = tpu.memref_slice %arg4[%mul3A_11] : memref<256xf32, #tpu.memory_space<hbm>> -> memref<16xf32, #tpu.memory_space<hbm>>
        tpu.wait_dma2 semaphore(%run_scoped3A : memref<!tpu.dma_semaphore, #tpu.memory_space<semaphore_mem>>) src(%dma_wait3A_183 : memref<16xf32, #tpu.memory_space<hbm>>) dst(%arg31 : memref<16xf32, #tpu.memory_space<vmem>>)
        tpu.yield
      }) : () -> ()
      %scan3A = arith.constant 0 : i32
      %scan3A_12 = arith.constant 0 : i32
      %scan3A_13 = arith.constant 256 : i32
      %scan3A_14 = arith.addi %scan3A_12, %scan3A_13 : i32
      %scan3A_15 = arith.constant 1 : i32
      %scan3A_16 = scf.for %scan3A_182 = %scan3A_12 to %scan3A_14 step %scan3A_15 iter_args(%scan3A_183 = %scan3A) -> (i32)  : i32 {
        %mul3A_184 = arith.constant 16 : i32
        %mul3A_185 = arith.muli %scan3A_182, %mul3A_184 : i32
        %swap3A_186 = arith.index_cast %mul3A_185 : i32 to index
        %swap3A_187 = tpu.vector_load %arg10[%swap3A_186] {strides = array<i32>} : memref<4096xi32, #tpu.memory_space<vmem>>, vector<16xi32>,
        tpu.vector_store %arg10[%swap3A_186], %broadcast_in_dim3A_3 {strides = array<i32>} : memref<4096xi32, #tpu.memory_space<vmem>>, vector<16xi32>,
        %mul3A_188 = arith.constant 16 : i32
        %mul3A_189 = arith.muli %scan3A_182, %mul3A_188 : i32
        %swap3A_190 = arith.index_cast %mul3A_189 : i32 to index
        %swap3A_191 = tpu.vector_load %arg11[%swap3A_190] {strides = array<i32>} : memref<4096xi32, #tpu.memory_space<vmem>>, vector<16xi32>,
        tpu.vector_store %arg11[%swap3A_190], %broadcast_in_dim3A_3 {strides = array<i32>} : memref<4096xi32, #tpu.memory_space<vmem>>, vector<16xi32>,
        %mul3A_192 = arith.constant 16 : i32
        %mul3A_193 = arith.muli %scan3A_182, %mul3A_192 : i32
        %swap3A_194 = arith.index_cast %mul3A_193 : i32 to index
        %swap3A_195 = tpu.vector_load %arg12[%swap3A_194] {strides = array<i32>} : memref<4096xi32, #tpu.memory_space<vmem>>, vector<16xi32>,
        tpu.vector_store %arg12[%swap3A_194], %broadcast_in_dim3A_3 {strides = array<i32>} : memref<4096xi32, #tpu.memory_space<vmem>>, vector<16xi32>,
        %mul3A_196 = arith.constant 16 : i32
        %mul3A_197 = arith.muli %scan3A_182, %mul3A_196 : i32
        %swap3A_198 = arith.index_cast %mul3A_197 : i32 to index
        %swap3A_199 = tpu.vector_load %arg13[%swap3A_198] {strides = array<i32>} : memref<4096xi32, #tpu.memory_space<vmem>>, vector<16xi32>,
        tpu.vector_store %arg13[%swap3A_198], %broadcast_in_dim3A_3 {strides = array<i32>} : memref<4096xi32, #tpu.memory_space<vmem>>, vector<16xi32>,
        %scan3A_200 = arith.constant 0 : i32
        scf.yield %scan3A_200 : i32
      }
      %scan3A_17 = arith.constant 256 : i32
      %scan3A_18 = arith.constant 0 : i32
      %scan3A_19 = arith.constant 0 : i32
      %scan3A_20 = arith.constant 1280 : i32
      %scan3A_21 = arith.addi %scan3A_19, %scan3A_20 : i32
      %scan3A_22 = arith.constant 1 : i32
      %scan3A_23 = scf.for %scan3A_182 = %scan3A_19 to %scan3A_21 step %scan3A_22 iter_args(%scan3A_183 = %scan3A_18) -> (i32)  : i32 {
        %mul3A_184 = arith.constant 64 : i32
        %mul3A_185 = arith.muli %scan3A_182, %mul3A_184 : i32
        %add3A_186 = arith.constant 0 : i32
        %add3A_187 = arith.addi %mul3A_185, %add3A_186 : i32
        %get3A_188 = arith.index_cast %add3A_187 : i32 to index
        %get3A_189 = tpu.vector_load %arg9[%get3A_188] {strides = array<i32>} : memref<81920xf32, #tpu.memory_space<vmem>>, vector<16xf32>,
        %bitcast_convert_type3A = tpu.bitcast %get3A_189 : vector<16xf32> -> vector<16xi32>
        %shift_right_arithmetic3A = arith.constant 31 : i32
        %shift_right_arithmetic3A_190 = vector.broadcast %shift_right_arithmetic3A : i32 to vector<16xi32>
        %shift_right_arithmetic3A_191 = arith.shrsi %bitcast_convert_type3A, %shift_right_arithmetic3A_190 : vector<16xi32>
        %shift_right_logical3A = arith.constant 1 : i32
        %shift_right_logical3A_192 = vector.broadcast %shift_right_logical3A : i32 to vector<16xi32>
        %shift_right_logical3A_193 = arith.shrui %shift_right_arithmetic3A_191, %shift_right_logical3A_192 : vector<16xi32>
        %xor3A = arith.xori %bitcast_convert_type3A, %shift_right_logical3A_193 : vector<16xi32>
        %shift_right_arithmetic3A_194 = arith.constant 24 : i32
        %shift_right_arithmetic3A_195 = vector.broadcast %shift_right_arithmetic3A_194 : i32 to vector<16xi32>
        %shift_right_arithmetic3A_196 = arith.shrsi %xor3A, %shift_right_arithmetic3A_195 : vector<16xi32>
        %and3A = arith.constant 255 : i32
        %and3A_197 = vector.broadcast %and3A : i32 to vector<16xi32>
        %and3A_198 = arith.andi %shift_right_arithmetic3A_196, %and3A_197 : vector<16xi32>
        %xor3A_199 = arith.constant 128 : i32
        %xor3A_200 = vector.broadcast %xor3A_199 : i32 to vector<16xi32>
        %xor3A_201 = arith.xori %and3A_198, %xor3A_200 : vector<16xi32>
        %lt3A_202 = arith.constant 16 : i32
        %lt3A_203 = vector.broadcast %lt3A_202 : i32 to vector<16xi32>
        %lt3A_204 = arith.cmpi slt, %iota3A, %lt3A_203 : vector<16xi32>
        %mul3A_205 = arith.constant 16 : i32
        %mul3A_206 = vector.broadcast %mul3A_205 : i32 to vector<16xi32>
        %mul3A_207 = arith.muli %xor3A_201, %mul3A_206 : vector<16xi32>
        %add3A_208 = arith.addi %mul3A_207, %iota3A : vector<16xi32>
        %gather3A = tpu.vector_load_idx %arg10[%add3A_208] : memref<4096xi32, #tpu.memory_space<vmem>>[vector<16xi32>], vector<16xi32>,
        %add3A_209 = arith.constant 1 : i32
        %add3A_210 = vector.broadcast %add3A_209 : i32 to vector<16xi32>
        %add3A_211 = arith.addi %gather3A, %add3A_210 : vector<16xi32>
        tpu.vector_store_idx %arg10[%add3A_208], %add3A_211 masked %lt3A_204 : memref<4096xi32, #tpu.memory_space<vmem>>[vector<16xi32>], vector<16xi32>, vector<16xi1>
        %mul3A_212 = arith.constant 64 : i32
        %mul3A_213 = arith.muli %scan3A_182, %mul3A_212 : i32
        %add3A_214 = arith.constant 16 : i32
        %add3A_215 = arith.addi %mul3A_213, %add3A_214 : i32
        %get3A_216 = arith.index_cast %add3A_215 : i32 to index
        %get3A_217 = tpu.vector_load %arg9[%get3A_216] {strides = array<i32>} : memref<81920xf32, #tpu.memory_space<vmem>>, vector<16xf32>,
        %bitcast_convert_type3A_218 = tpu.bitcast %get3A_217 : vector<16xf32> -> vector<16xi32>
        %shift_right_arithmetic3A_219 = arith.constant 31 : i32
        %shift_right_arithmetic3A_220 = vector.broadcast %shift_right_arithmetic3A_219 : i32 to vector<16xi32>
        %shift_right_arithmetic3A_221 = arith.shrsi %bitcast_convert_type3A_218, %shift_right_arithmetic3A_220 : vector<16xi32>
        %shift_right_logical3A_222 = arith.constant 1 : i32
        %shift_right_logical3A_223 = vector.broadcast %shift_right_logical3A_222 : i32 to vector<16xi32>
        %shift_right_logical3A_224 = arith.shrui %shift_right_arithmetic3A_221, %shift_right_logical3A_223 : vector<16xi32>
        %xor3A_225 = arith.xori %bitcast_convert_type3A_218, %shift_right_logical3A_224 : vector<16xi32>
        %shift_right_arithmetic3A_226 = arith.constant 24 : i32
        %shift_right_arithmetic3A_227 = vector.broadcast %shift_right_arithmetic3A_226 : i32 to vector<16xi32>
        %shift_right_arithmetic3A_228 = arith.shrsi %xor3A_225, %shift_right_arithmetic3A_227 : vector<16xi32>
        %and3A_229 = arith.constant 255 : i32
        %and3A_230 = vector.broadcast %and3A_229 : i32 to vector<16xi32>
        %and3A_231 = arith.andi %shift_right_arithmetic3A_228, %and3A_230 : vector<16xi32>
        %xor3A_232 = arith.constant 128 : i32
        %xor3A_233 = vector.broadcast %xor3A_232 : i32 to vector<16xi32>
        %xor3A_234 = arith.xori %and3A_231, %xor3A_233 : vector<16xi32>
        %lt3A_235 = arith.constant 16 : i32
        %lt3A_236 = vector.broadcast %lt3A_235 : i32 to vector<16xi32>
        %lt3A_237 = arith.cmpi slt, %iota3A, %lt3A_236 : vector<16xi32>
        %mul3A_238 = arith.constant 16 : i32
        %mul3A_239 = vector.broadcast %mul3A_238 : i32 to vector<16xi32>
        %mul3A_240 = arith.muli %xor3A_234, %mul3A_239 : vector<16xi32>
        %add3A_241 = arith.addi %mul3A_240, %iota3A : vector<16xi32>
        %gather3A_242 = tpu.vector_load_idx %arg11[%add3A_241] : memref<4096xi32, #tpu.memory_space<vmem>>[vector<16xi32>], vector<16xi32>,
        %add3A_243 = arith.constant 1 : i32
        %add3A_244 = vector.broadcast %add3A_243 : i32 to vector<16xi32>
        %add3A_245 = arith.addi %gather3A_242, %add3A_244 : vector<16xi32>
        tpu.vector_store_idx %arg11[%add3A_241], %add3A_245 masked %lt3A_237 : memref<4096xi32, #tpu.memory_space<vmem>>[vector<16xi32>], vector<16xi32>, vector<16xi1>
        %mul3A_246 = arith.constant 64 : i32
        %mul3A_247 = arith.muli %scan3A_182, %mul3A_246 : i32
        %add3A_248 = arith.constant 32 : i32
        %add3A_249 = arith.addi %mul3A_247, %add3A_248 : i32
        %get3A_250 = arith.index_cast %add3A_249 : i32 to index
        %get3A_251 = tpu.vector_load %arg9[%get3A_250] {strides = array<i32>} : memref<81920xf32, #tpu.memory_space<vmem>>, vector<16xf32>,
        %bitcast_convert_type3A_252 = tpu.bitcast %get3A_251 : vector<16xf32> -> vector<16xi32>
        %shift_right_arithmetic3A_253 = arith.constant 31 : i32
        %shift_right_arithmetic3A_254 = vector.broadcast %shift_right_arithmetic3A_253 : i32 to vector<16xi32>
        %shift_right_arithmetic3A_255 = arith.shrsi %bitcast_convert_type3A_252, %shift_right_arithmetic3A_254 : vector<16xi32>
        %shift_right_logical3A_256 = arith.constant 1 : i32
        %shift_right_logical3A_257 = vector.broadcast %shift_right_logical3A_256 : i32 to vector<16xi32>
        %shift_right_logical3A_258 = arith.shrui %shift_right_arithmetic3A_255, %shift_right_logical3A_257 : vector<16xi32>
        %xor3A_259 = arith.xori %bitcast_convert_type3A_252, %shift_right_logical3A_258 : vector<16xi32>
        %shift_right_arithmetic3A_260 = arith.constant 24 : i32
        %shift_right_arithmetic3A_261 = vector.broadcast %shift_right_arithmetic3A_260 : i32 to vector<16xi32>
        %shift_right_arithmetic3A_262 = arith.shrsi %xor3A_259, %shift_right_arithmetic3A_261 : vector<16xi32>
        %and3A_263 = arith.constant 255 : i32
        %and3A_264 = vector.broadcast %and3A_263 : i32 to vector<16xi32>
        %and3A_265 = arith.andi %shift_right_arithmetic3A_262, %and3A_264 : vector<16xi32>
        %xor3A_266 = arith.constant 128 : i32
        %xor3A_267 = vector.broadcast %xor3A_266 : i32 to vector<16xi32>
        %xor3A_268 = arith.xori %and3A_265, %xor3A_267 : vector<16xi32>
        %lt3A_269 = arith.constant 16 : i32
        %lt3A_270 = vector.broadcast %lt3A_269 : i32 to vector<16xi32>
        %lt3A_271 = arith.cmpi slt, %iota3A, %lt3A_270 : vector<16xi32>
        %mul3A_272 = arith.constant 16 : i32
        %mul3A_273 = vector.broadcast %mul3A_272 : i32 to vector<16xi32>
        %mul3A_274 = arith.muli %xor3A_268, %mul3A_273 : vector<16xi32>
        %add3A_275 = arith.addi %mul3A_274, %iota3A : vector<16xi32>
        %gather3A_276 = tpu.vector_load_idx %arg12[%add3A_275] : memref<4096xi32, #tpu.memory_space<vmem>>[vector<16xi32>], vector<16xi32>,
        %add3A_277 = arith.constant 1 : i32
        %add3A_278 = vector.broadcast %add3A_277 : i32 to vector<16xi32>
        %add3A_279 = arith.addi %gather3A_276, %add3A_278 : vector<16xi32>
        tpu.vector_store_idx %arg12[%add3A_275], %add3A_279 masked %lt3A_271 : memref<4096xi32, #tpu.memory_space<vmem>>[vector<16xi32>], vector<16xi32>, vector<16xi1>
        %mul3A_280 = arith.constant 64 : i32
        %mul3A_281 = arith.muli %scan3A_182, %mul3A_280 : i32
        %add3A_282 = arith.constant 48 : i32
        %add3A_283 = arith.addi %mul3A_281, %add3A_282 : i32
        %get3A_284 = arith.index_cast %add3A_283 : i32 to index
        %get3A_285 = tpu.vector_load %arg9[%get3A_284] {strides = array<i32>} : memref<81920xf32, #tpu.memory_space<vmem>>, vector<16xf32>,
        %bitcast_convert_type3A_286 = tpu.bitcast %get3A_285 : vector<16xf32> -> vector<16xi32>
        %shift_right_arithmetic3A_287 = arith.constant 31 : i32
        %shift_right_arithmetic3A_288 = vector.broadcast %shift_right_arithmetic3A_287 : i32 to vector<16xi32>
        %shift_right_arithmetic3A_289 = arith.shrsi %bitcast_convert_type3A_286, %shift_right_arithmetic3A_288 : vector<16xi32>
        %shift_right_logical3A_290 = arith.constant 1 : i32
        %shift_right_logical3A_291 = vector.broadcast %shift_right_logical3A_290 : i32 to vector<16xi32>
        %shift_right_logical3A_292 = arith.shrui %shift_right_arithmetic3A_289, %shift_right_logical3A_291 : vector<16xi32>
        %xor3A_293 = arith.xori %bitcast_convert_type3A_286, %shift_right_logical3A_292 : vector<16xi32>
        %shift_right_arithmetic3A_294 = arith.constant 24 : i32
        %shift_right_arithmetic3A_295 = vector.broadcast %shift_right_arithmetic3A_294 : i32 to vector<16xi32>
        %shift_right_arithmetic3A_296 = arith.shrsi %xor3A_293, %shift_right_arithmetic3A_295 : vector<16xi32>
        %and3A_297 = arith.constant 255 : i32
        %and3A_298 = vector.broadcast %and3A_297 : i32 to vector<16xi32>
        %and3A_299 = arith.andi %shift_right_arithmetic3A_296, %and3A_298 : vector<16xi32>
        %xor3A_300 = arith.constant 128 : i32
        %xor3A_301 = vector.broadcast %xor3A_300 : i32 to vector<16xi32>
        %xor3A_302 = arith.xori %and3A_299, %xor3A_301 : vector<16xi32>
        %lt3A_303 = arith.constant 16 : i32
        %lt3A_304 = vector.broadcast %lt3A_303 : i32 to vector<16xi32>
        %lt3A_305 = arith.cmpi slt, %iota3A, %lt3A_304 : vector<16xi32>
        %mul3A_306 = arith.constant 16 : i32
        %mul3A_307 = vector.broadcast %mul3A_306 : i32 to vector<16xi32>
        %mul3A_308 = arith.muli %xor3A_302, %mul3A_307 : vector<16xi32>
        %add3A_309 = arith.addi %mul3A_308, %iota3A : vector<16xi32>
        %gather3A_310 = tpu.vector_load_idx %arg13[%add3A_309] : memref<4096xi32, #tpu.memory_space<vmem>>[vector<16xi32>], vector<16xi32>,
        %add3A_311 = arith.constant 1 : i32
        %add3A_312 = vector.broadcast %add3A_311 : i32 to vector<16xi32>
        %add3A_313 = arith.addi %gather3A_310, %add3A_312 : vector<16xi32>
        tpu.vector_store_idx %arg13[%add3A_309], %add3A_313 masked %lt3A_305 : memref<4096xi32, #tpu.memory_space<vmem>>[vector<16xi32>], vector<16xi32>, vector<16xi1>
        %scan3A_314 = arith.constant 0 : i32
        scf.yield %scan3A_314 : i32
      }
      %scan3A_24 = arith.constant 1280 : i32
      %scan3A_25 = arith.constant 0 : i32
      %scan3A_26 = arith.constant 0 : i32
      %scan3A_27 = arith.constant 0 : i32
      %scan3A_28 = arith.constant 0 : i32
      %scan3A_29 = arith.constant 0 : i32
      %scan3A_30 = arith.constant false
      %scan3A_31 = arith.constant 0 : i32
      %scan3A_32 = arith.constant 256 : i32
      %scan3A_33 = arith.addi %scan3A_31, %scan3A_32 : i32
      %scan3A_34 = arith.constant 1 : i32
      %scan3A_35:5 = scf.for %scan3A_182 = %scan3A_31 to %scan3A_33 step %scan3A_34 iter_args(%scan3A_183 = %scan3A_26, %scan3A_184 = %scan3A_27, %scan3A_185 = %scan3A_28, %scan3A_186 = %scan3A_29, %scan3A_187 = %scan3A_30) -> (i32, i32, i32, i32, i1)  : i32 {
        %sub3A_188 = arith.constant 255 : i32
        %sub3A_189 = arith.subi %sub3A_188, %scan3A_182 : i32
        %mul3A_190 = arith.constant 16 : i32
        %mul3A_191 = arith.muli %sub3A_189, %mul3A_190 : i32
        %get3A_192 = arith.index_cast %mul3A_191 : i32 to index
        %get3A_193 = tpu.vector_load %arg10[%get3A_192] {strides = array<i32>} : memref<4096xi32, #tpu.memory_space<vmem>>, vector<16xi32>,
        %get3A_194 = arith.index_cast %mul3A_191 : i32 to index
        %get3A_195 = tpu.vector_load %arg11[%get3A_194] {strides = array<i32>} : memref<4096xi32, #tpu.memory_space<vmem>>, vector<16xi32>,
        %add3A_196 = arith.addi %get3A_193, %get3A_195 : vector<16xi32>
        %get3A_197 = arith.index_cast %mul3A_191 : i32 to index
        %get3A_198 = tpu.vector_load %arg12[%get3A_197] {strides = array<i32>} : memref<4096xi32, #tpu.memory_space<vmem>>, vector<16xi32>,
        %add3A_199 = arith.addi %add3A_196, %get3A_198 : vector<16xi32>
        %get3A_200 = arith.index_cast %mul3A_191 : i32 to index
        %get3A_201 = tpu.vector_load %arg13[%get3A_200] {strides = array<i32>} : memref<4096xi32, #tpu.memory_space<vmem>>, vector<16xi32>,
        %add3A_202 = arith.addi %add3A_199, %get3A_201 : vector<16xi32>
        %reduce_sum3A = arith.constant true
        %reduce_sum3A_203 = vector.broadcast %reduce_sum3A : i1 to vector<16xi1>
        %reduce_sum3A_204 = tpu.scan <sum>, %add3A_202 masked %reduce_sum3A_203 : vector<16xi32>, vector<16xi1> -> vector<16xi32>
        %reduce_sum3A_205 = vector.extract %reduce_sum3A_204[15] : i32 from vector<16xi32>
        %add3A_206 = arith.addi %scan3A_183, %reduce_sum3A_205 : i32
        %not3A_207 = arith.constant true
        %not3A_208 = arith.xori %scan3A_187, %not3A_207 : i1
        %add3A_209 = arith.addi %scan3A_25, %add3A_206 : i32
        %ge3A = arith.constant 300 : i32
        %ge3A_210 = arith.cmpi sge, %add3A_209, %ge3A : i32
        %and3A = arith.andi %not3A_208, %ge3A_210 : i1
        %select_n3A = arith.select %and3A, %sub3A_189, %scan3A_184 : i32
        %select_n3A_211 = arith.select %and3A, %scan3A_183, %scan3A_185 : i32
        %select_n3A_212 = arith.select %and3A, %reduce_sum3A_205, %scan3A_186 : i32
        %or3A_213 = arith.ori %scan3A_187, %and3A : i1
        scf.yield %add3A_206, %select_n3A, %select_n3A_211, %select_n3A_212, %or3A_213 : i32, i32, i32, i32, i1
      }
      %scan3A_36 = arith.constant 256 : i32
      %sub3A = arith.constant 128 : i32
      %sub3A_37 = arith.subi %scan3A_35#1, %sub3A : i32
      %add3A_38 = arith.addi %scan3A_35#2, %scan3A_35#3 : i32
      %le3A = arith.constant 4096 : i32
      %le3A_39 = arith.cmpi sle, %add3A_38, %le3A : i32
      %convert_element_type3A_40 = arith.extui %le3A_39 : i1 to i32
      %cond3A_41 = arith.constant 0 : i32
      %cond3A_42 = arith.cmpi ne, %convert_element_type3A_40, %cond3A_41 : i32
      scf.if %cond3A_42 {
        %scan3A_182 = arith.constant 0 : i32
        %scan3A_183 = arith.constant 0 : i32
        %scan3A_184 = arith.constant 1280 : i32
        %scan3A_185 = arith.addi %scan3A_183, %scan3A_184 : i32
        %scan3A_186 = arith.constant 1 : i32
        %scan3A_187 = scf.for %scan3A_189 = %scan3A_183 to %scan3A_185 step %scan3A_186 iter_args(%scan3A_190 = %scan3A_182) -> (i32)  : i32 {
          %mul3A_191 = arith.constant 64 : i32
          %mul3A_192 = arith.muli %scan3A_189, %mul3A_191 : i32
          %add3A_193 = arith.constant 0 : i32
          %add3A_194 = arith.addi %mul3A_192, %add3A_193 : i32
          %get3A_195 = arith.index_cast %add3A_194 : i32 to index
          %get3A_196 = tpu.vector_load %arg9[%get3A_195] {strides = array<i32>} : memref<81920xf32, #tpu.memory_space<vmem>>, vector<16xf32>,
          %bitcast_convert_type3A = tpu.bitcast %get3A_196 : vector<16xf32> -> vector<16xi32>
          %shift_right_arithmetic3A = arith.constant 31 : i32
          %shift_right_arithmetic3A_197 = vector.broadcast %shift_right_arithmetic3A : i32 to vector<16xi32>
          %shift_right_arithmetic3A_198 = arith.shrsi %bitcast_convert_type3A, %shift_right_arithmetic3A_197 : vector<16xi32>
          %shift_right_logical3A = arith.constant 1 : i32
          %shift_right_logical3A_199 = vector.broadcast %shift_right_logical3A : i32 to vector<16xi32>
          %shift_right_logical3A_200 = arith.shrui %shift_right_arithmetic3A_198, %shift_right_logical3A_199 : vector<16xi32>
          %xor3A = arith.xori %bitcast_convert_type3A, %shift_right_logical3A_200 : vector<16xi32>
          %mul3A_201 = arith.constant 64 : i32
          %mul3A_202 = arith.muli %scan3A_189, %mul3A_201 : i32
          %add3A_203 = arith.constant 16 : i32
          %add3A_204 = arith.addi %mul3A_202, %add3A_203 : i32
          %get3A_205 = arith.index_cast %add3A_204 : i32 to index
          %get3A_206 = tpu.vector_load %arg9[%get3A_205] {strides = array<i32>} : memref<81920xf32, #tpu.memory_space<vmem>>, vector<16xf32>,
          %bitcast_convert_type3A_207 = tpu.bitcast %get3A_206 : vector<16xf32> -> vector<16xi32>
          %shift_right_arithmetic3A_208 = arith.constant 31 : i32
          %shift_right_arithmetic3A_209 = vector.broadcast %shift_right_arithmetic3A_208 : i32 to vector<16xi32>
          %shift_right_arithmetic3A_210 = arith.shrsi %bitcast_convert_type3A_207, %shift_right_arithmetic3A_209 : vector<16xi32>
          %shift_right_logical3A_211 = arith.constant 1 : i32
          %shift_right_logical3A_212 = vector.broadcast %shift_right_logical3A_211 : i32 to vector<16xi32>
          %shift_right_logical3A_213 = arith.shrui %shift_right_arithmetic3A_210, %shift_right_logical3A_212 : vector<16xi32>
          %xor3A_214 = arith.xori %bitcast_convert_type3A_207, %shift_right_logical3A_213 : vector<16xi32>
          %mul3A_215 = arith.constant 64 : i32
          %mul3A_216 = arith.muli %scan3A_189, %mul3A_215 : i32
          %add3A_217 = arith.constant 32 : i32
          %add3A_218 = arith.addi %mul3A_216, %add3A_217 : i32
          %get3A_219 = arith.index_cast %add3A_218 : i32 to index
          %get3A_220 = tpu.vector_load %arg9[%get3A_219] {strides = array<i32>} : memref<81920xf32, #tpu.memory_space<vmem>>, vector<16xf32>,
          %bitcast_convert_type3A_221 = tpu.bitcast %get3A_220 : vector<16xf32> -> vector<16xi32>
          %shift_right_arithmetic3A_222 = arith.constant 31 : i32
          %shift_right_arithmetic3A_223 = vector.broadcast %shift_right_arithmetic3A_222 : i32 to vector<16xi32>
          %shift_right_arithmetic3A_224 = arith.shrsi %bitcast_convert_type3A_221, %shift_right_arithmetic3A_223 : vector<16xi32>
          %shift_right_logical3A_225 = arith.constant 1 : i32
          %shift_right_logical3A_226 = vector.broadcast %shift_right_logical3A_225 : i32 to vector<16xi32>
          %shift_right_logical3A_227 = arith.shrui %shift_right_arithmetic3A_224, %shift_right_logical3A_226 : vector<16xi32>
          %xor3A_228 = arith.xori %bitcast_convert_type3A_221, %shift_right_logical3A_227 : vector<16xi32>
          %mul3A_229 = arith.constant 64 : i32
          %mul3A_230 = arith.muli %scan3A_189, %mul3A_229 : i32
          %add3A_231 = arith.constant 48 : i32
          %add3A_232 = arith.addi %mul3A_230, %add3A_231 : i32
          %get3A_233 = arith.index_cast %add3A_232 : i32 to index
          %get3A_234 = tpu.vector_load %arg9[%get3A_233] {strides = array<i32>} : memref<81920xf32, #tpu.memory_space<vmem>>, vector<16xf32>,
          %bitcast_convert_type3A_235 = tpu.bitcast %get3A_234 : vector<16xf32> -> vector<16xi32>
          %shift_right_arithmetic3A_236 = arith.constant 31 : i32
          %shift_right_arithmetic3A_237 = vector.broadcast %shift_right_arithmetic3A_236 : i32 to vector<16xi32>
          %shift_right_arithmetic3A_238 = arith.shrsi %bitcast_convert_type3A_235, %shift_right_arithmetic3A_237 : vector<16xi32>
          %shift_right_logical3A_239 = arith.constant 1 : i32
          %shift_right_logical3A_240 = vector.broadcast %shift_right_logical3A_239 : i32 to vector<16xi32>
          %shift_right_logical3A_241 = arith.shrui %shift_right_arithmetic3A_238, %shift_right_logical3A_240 : vector<16xi32>
          %xor3A_242 = arith.xori %bitcast_convert_type3A_235, %shift_right_logical3A_241 : vector<16xi32>
          %shift_right_arithmetic3A_243 = arith.constant 24 : i32
          %shift_right_arithmetic3A_244 = vector.broadcast %shift_right_arithmetic3A_243 : i32 to vector<16xi32>
          %shift_right_arithmetic3A_245 = arith.shrsi %xor3A, %shift_right_arithmetic3A_244 : vector<16xi32>
          %ge3A = vector.broadcast %sub3A_37 : i32 to vector<16xi32>
          %ge3A_246 = arith.cmpi sge, %shift_right_arithmetic3A_245, %ge3A : vector<16xi32>
          %shift_right_arithmetic3A_247 = arith.constant 24 : i32
          %shift_right_arithmetic3A_248 = vector.broadcast %shift_right_arithmetic3A_247 : i32 to vector<16xi32>
          %shift_right_arithmetic3A_249 = arith.shrsi %xor3A_214, %shift_right_arithmetic3A_248 : vector<16xi32>
          %ge3A_250 = vector.broadcast %sub3A_37 : i32 to vector<16xi32>
          %ge3A_251 = arith.cmpi sge, %shift_right_arithmetic3A_249, %ge3A_250 : vector<16xi32>
          %shift_right_arithmetic3A_252 = arith.constant 24 : i32
          %shift_right_arithmetic3A_253 = vector.broadcast %shift_right_arithmetic3A_252 : i32 to vector<16xi32>
          %shift_right_arithmetic3A_254 = arith.shrsi %xor3A_228, %shift_right_arithmetic3A_253 : vector<16xi32>
          %ge3A_255 = vector.broadcast %sub3A_37 : i32 to vector<16xi32>
          %ge3A_256 = arith.cmpi sge, %shift_right_arithmetic3A_254, %ge3A_255 : vector<16xi32>
          %shift_right_arithmetic3A_257 = arith.constant 24 : i32
          %shift_right_arithmetic3A_258 = vector.broadcast %shift_right_arithmetic3A_257 : i32 to vector<16xi32>
          %shift_right_arithmetic3A_259 = arith.shrsi %xor3A_242, %shift_right_arithmetic3A_258 : vector<16xi32>
          %ge3A_260 = vector.broadcast %sub3A_37 : i32 to vector<16xi32>
          %ge3A_261 = arith.cmpi sge, %shift_right_arithmetic3A_259, %ge3A_260 : vector<16xi32>
          %all_reduce_population_count3A = tpu.all_reduce %ge3A_246 {dim = 0 : i64, kind = #tpu.reduction_kind<sum>} : vector<16xi1> -> vector<16xi32>
          %slice3A_262 = vector.extract_strided_slice %all_reduce_population_count3A {offsets = [0], sizes = [1], strides = [1]} : vector<16xi32> to vector<1xi32>
          %squeeze3A_263 = vector.extract %slice3A_262[0] : i32 from vector<1xi32>
          %all_reduce_population_count3A_264 = tpu.all_reduce %ge3A_251 {dim = 0 : i64, kind = #tpu.reduction_kind<sum>} : vector<16xi1> -> vector<16xi32>
          %slice3A_265 = vector.extract_strided_slice %all_reduce_population_count3A_264 {offsets = [0], sizes = [1], strides = [1]} : vector<16xi32> to vector<1xi32>
          %squeeze3A_266 = vector.extract %slice3A_265[0] : i32 from vector<1xi32>
          %all_reduce_population_count3A_267 = tpu.all_reduce %ge3A_256 {dim = 0 : i64, kind = #tpu.reduction_kind<sum>} : vector<16xi1> -> vector<16xi32>
          %slice3A_268 = vector.extract_strided_slice %all_reduce_population_count3A_267 {offsets = [0], sizes = [1], strides = [1]} : vector<16xi32> to vector<1xi32>
          %squeeze3A_269 = vector.extract %slice3A_268[0] : i32 from vector<1xi32>
          %all_reduce_population_count3A_270 = tpu.all_reduce %ge3A_261 {dim = 0 : i64, kind = #tpu.reduction_kind<sum>} : vector<16xi1> -> vector<16xi32>
          %slice3A_271 = vector.extract_strided_slice %all_reduce_population_count3A_270 {offsets = [0], sizes = [1], strides = [1]} : vector<16xi32> to vector<1xi32>
          %squeeze3A_272 = vector.extract %slice3A_271[0] : i32 from vector<1xi32>
          %add3A_273 = arith.addi %squeeze3A_263, %squeeze3A_266 : i32
          %add3A_274 = arith.addi %add3A_273, %squeeze3A_269 : i32
          %add3A_275 = arith.addi %add3A_274, %squeeze3A_272 : i32
          %gt3A = arith.constant 0 : i32
          %gt3A_276 = arith.cmpi sgt, %add3A_275, %gt3A : i32
          %convert_element_type3A_277 = arith.extui %gt3A_276 : i1 to i32
          %cond3A_278 = arith.constant 0 : i32
          %cond3A_279 = arith.cmpi ne, %convert_element_type3A_277, %cond3A_278 : i32
          scf.if %cond3A_279 {
            %swap3A_281 = arith.index_cast %scan3A_190 : i32 to index
            %swap3A_282 = tpu.vector_load %arg14[%swap3A_281] masked %ge3A_246 {strides = array<i32>} : memref<4112xi32, #tpu.memory_space<vmem>>, vector<16xi32>, vector<16xi1>
            tpu.vector_store %arg14[%swap3A_281], %xor3A masked %ge3A_246 {strides = array<i32>} : memref<4112xi32, #tpu.memory_space<vmem>>, vector<16xi32>, vector<16xi1>
            %mul3A_283 = arith.constant 64 : i32
            %mul3A_284 = arith.muli %scan3A_189, %mul3A_283 : i32
            %add3A_285 = arith.constant 0 : i32
            %add3A_286 = arith.addi %mul3A_284, %add3A_285 : i32
            %add3A_287 = vector.broadcast %add3A_286 : i32 to vector<16xi32>
            %add3A_288 = arith.addi %add3A_287, %iota3A : vector<16xi32>
            %swap3A_289 = arith.index_cast %scan3A_190 : i32 to index
            %swap3A_290 = tpu.vector_load %arg15[%swap3A_289] masked %ge3A_246 {strides = array<i32>} : memref<4112xi32, #tpu.memory_space<vmem>>, vector<16xi32>, vector<16xi1>
            tpu.vector_store %arg15[%swap3A_289], %add3A_288 masked %ge3A_246 {strides = array<i32>} : memref<4112xi32, #tpu.memory_space<vmem>>, vector<16xi32>, vector<16xi1>
            %add3A_291 = arith.addi %scan3A_190, %squeeze3A_263 : i32
            %swap3A_292 = arith.index_cast %add3A_291 : i32 to index
            %swap3A_293 = tpu.vector_load %arg14[%swap3A_292] masked %ge3A_251 {strides = array<i32>} : memref<4112xi32, #tpu.memory_space<vmem>>, vector<16xi32>, vector<16xi1>
            tpu.vector_store %arg14[%swap3A_292], %xor3A_214 masked %ge3A_251 {strides = array<i32>} : memref<4112xi32, #tpu.memory_space<vmem>>, vector<16xi32>, vector<16xi1>
            %mul3A_294 = arith.constant 64 : i32
            %mul3A_295 = arith.muli %scan3A_189, %mul3A_294 : i32
            %add3A_296 = arith.constant 16 : i32
            %add3A_297 = arith.addi %mul3A_295, %add3A_296 : i32
            %add3A_298 = vector.broadcast %add3A_297 : i32 to vector<16xi32>
            %add3A_299 = arith.addi %add3A_298, %iota3A : vector<16xi32>
            %swap3A_300 = arith.index_cast %add3A_291 : i32 to index
            %swap3A_301 = tpu.vector_load %arg15[%swap3A_300] masked %ge3A_251 {strides = array<i32>} : memref<4112xi32, #tpu.memory_space<vmem>>, vector<16xi32>, vector<16xi1>
            tpu.vector_store %arg15[%swap3A_300], %add3A_299 masked %ge3A_251 {strides = array<i32>} : memref<4112xi32, #tpu.memory_space<vmem>>, vector<16xi32>, vector<16xi1>
            %add3A_302 = arith.addi %add3A_291, %squeeze3A_266 : i32
            %swap3A_303 = arith.index_cast %add3A_302 : i32 to index
            %swap3A_304 = tpu.vector_load %arg14[%swap3A_303] masked %ge3A_256 {strides = array<i32>} : memref<4112xi32, #tpu.memory_space<vmem>>, vector<16xi32>, vector<16xi1>
            tpu.vector_store %arg14[%swap3A_303], %xor3A_228 masked %ge3A_256 {strides = array<i32>} : memref<4112xi32, #tpu.memory_space<vmem>>, vector<16xi32>, vector<16xi1>
            %mul3A_305 = arith.constant 64 : i32
            %mul3A_306 = arith.muli %scan3A_189, %mul3A_305 : i32
            %add3A_307 = arith.constant 32 : i32
            %add3A_308 = arith.addi %mul3A_306, %add3A_307 : i32
            %add3A_309 = vector.broadcast %add3A_308 : i32 to vector<16xi32>
            %add3A_310 = arith.addi %add3A_309, %iota3A : vector<16xi32>
            %swap3A_311 = arith.index_cast %add3A_302 : i32 to index
            %swap3A_312 = tpu.vector_load %arg15[%swap3A_311] masked %ge3A_256 {strides = array<i32>} : memref<4112xi32, #tpu.memory_space<vmem>>, vector<16xi32>, vector<16xi1>
            tpu.vector_store %arg15[%swap3A_311], %add3A_310 masked %ge3A_256 {strides = array<i32>} : memref<4112xi32, #tpu.memory_space<vmem>>, vector<16xi32>, vector<16xi1>
            %add3A_313 = arith.addi %add3A_302, %squeeze3A_269 : i32
            %swap3A_314 = arith.index_cast %add3A_313 : i32 to index
            %swap3A_315 = tpu.vector_load %arg14[%swap3A_314] masked %ge3A_261 {strides = array<i32>} : memref<4112xi32, #tpu.memory_space<vmem>>, vector<16xi32>, vector<16xi1>
            tpu.vector_store %arg14[%swap3A_314], %xor3A_242 masked %ge3A_261 {strides = array<i32>} : memref<4112xi32, #tpu.memory_space<vmem>>, vector<16xi32>, vector<16xi1>
            %mul3A_316 = arith.constant 64 : i32
            %mul3A_317 = arith.muli %scan3A_189, %mul3A_316 : i32
            %add3A_318 = arith.constant 48 : i32
            %add3A_319 = arith.addi %mul3A_317, %add3A_318 : i32
            %add3A_320 = vector.broadcast %add3A_319 : i32 to vector<16xi32>
            %add3A_321 = arith.addi %add3A_320, %iota3A : vector<16xi32>
            %swap3A_322 = arith.index_cast %add3A_313 : i32 to index
            %swap3A_323 = tpu.vector_load %arg15[%swap3A_322] masked %ge3A_261 {strides = array<i32>} : memref<4112xi32, #tpu.memory_space<vmem>>, vector<16xi32>, vector<16xi1>
            tpu.vector_store %arg15[%swap3A_322], %add3A_321 masked %ge3A_261 {strides = array<i32>} : memref<4112xi32, #tpu.memory_space<vmem>>, vector<16xi32>, vector<16xi1>
            %add3A_324 = arith.addi %add3A_313, %squeeze3A_272 : i32
          } else {
          }
          %add3A_280 = arith.addi %scan3A_190, %add3A_275 : i32
          scf.yield %add3A_280 : i32
        }
        %scan3A_188 = arith.constant 1280 : i32
      } else {
      }
      %scan3A_43 = arith.constant 0 : i32
      %scan3A_44 = arith.constant 0 : i32
      %scan3A_45 = arith.constant 256 : i32
      %scan3A_46 = arith.addi %scan3A_44, %scan3A_45 : i32
      %scan3A_47 = arith.constant 1 : i32
      %scan3A_48 = scf.for %scan3A_182 = %scan3A_44 to %scan3A_46 step %scan3A_47 iter_args(%scan3A_183 = %scan3A_43) -> (i32)  : i32 {
        %mul3A_184 = arith.constant 16 : i32
        %mul3A_185 = arith.muli %scan3A_182, %mul3A_184 : i32
        %swap3A_186 = arith.index_cast %mul3A_185 : i32 to index
        %swap3A_187 = tpu.vector_load %arg10[%swap3A_186] {strides = array<i32>} : memref<4096xi32, #tpu.memory_space<vmem>>, vector<16xi32>,
        tpu.vector_store %arg10[%swap3A_186], %broadcast_in_dim3A_3 {strides = array<i32>} : memref<4096xi32, #tpu.memory_space<vmem>>, vector<16xi32>,
        %mul3A_188 = arith.constant 16 : i32
        %mul3A_189 = arith.muli %scan3A_182, %mul3A_188 : i32
        %swap3A_190 = arith.index_cast %mul3A_189 : i32 to index
        %swap3A_191 = tpu.vector_load %arg11[%swap3A_190] {strides = array<i32>} : memref<4096xi32, #tpu.memory_space<vmem>>, vector<16xi32>,
        tpu.vector_store %arg11[%swap3A_190], %broadcast_in_dim3A_3 {strides = array<i32>} : memref<4096xi32, #tpu.memory_space<vmem>>, vector<16xi32>,
        %mul3A_192 = arith.constant 16 : i32
        %mul3A_193 = arith.muli %scan3A_182, %mul3A_192 : i32
        %swap3A_194 = arith.index_cast %mul3A_193 : i32 to index
        %swap3A_195 = tpu.vector_load %arg12[%swap3A_194] {strides = array<i32>} : memref<4096xi32, #tpu.memory_space<vmem>>, vector<16xi32>,
        tpu.vector_store %arg12[%swap3A_194], %broadcast_in_dim3A_3 {strides = array<i32>} : memref<4096xi32, #tpu.memory_space<vmem>>, vector<16xi32>,
        %mul3A_196 = arith.constant 16 : i32
        %mul3A_197 = arith.muli %scan3A_182, %mul3A_196 : i32
        %swap3A_198 = arith.index_cast %mul3A_197 : i32 to index
        %swap3A_199 = tpu.vector_load %arg13[%swap3A_198] {strides = array<i32>} : memref<4096xi32, #tpu.memory_space<vmem>>, vector<16xi32>,
        tpu.vector_store %arg13[%swap3A_198], %broadcast_in_dim3A_3 {strides = array<i32>} : memref<4096xi32, #tpu.memory_space<vmem>>, vector<16xi32>,
        %scan3A_200 = arith.constant 0 : i32
        scf.yield %scan3A_200 : i32
      }
      %scan3A_49 = arith.constant 256 : i32
      %convert_element_type3A_50 = arith.extui %le3A_39 : i1 to i32
      %cond3A_51 = arith.constant 0 : i32
      %cond3A_52 = arith.cmpi ne, %convert_element_type3A_50, %cond3A_51 : i32
      scf.if %cond3A_52 {
        %add3A_182 = arith.constant 15 : i32
        %add3A_183 = arith.addi %add3A_38, %add3A_182 : i32
        %shift_right_logical3A = arith.constant 4 : i32
        %shift_right_logical3A_184 = arith.shrui %add3A_183, %shift_right_logical3A : i32
        %while3A = arith.constant 0 : i32
        %while3A_185 = arith.constant 0 : i32
        %while3A_186 = arith.subi %shift_right_logical3A_184, %while3A : i32
        %while3A_187 = arith.addi %while3A, %while3A_186 : i32
        %while3A_188 = arith.constant 1 : i32
        %while3A_189 = arith.divsi %while3A_186, %while3A_188 : i32
        %while3A_190 = arith.muli %while3A_189, %while3A_188 : i32
        %while3A_191 = arith.addi %while3A, %while3A_190 : i32
        %while3A_192 = arith.constant 1 : i32
        %while3A_193 = scf.for %while3A_196 = %while3A to %while3A_191 step %while3A_192 iter_args(%while3A_197 = %while3A_185) -> (i32)  : i32 {
          %mul3A_198 = arith.constant 16 : i32
          %mul3A_199 = arith.muli %while3A_196, %mul3A_198 : i32
          %get3A_200 = arith.index_cast %mul3A_199 : i32 to index
          %get3A_201 = tpu.vector_load %arg14[%get3A_200] {strides = array<i32>} : memref<4112xi32, #tpu.memory_space<vmem>>, vector<16xi32>,
          %mul3A_202 = arith.constant 16 : i32
          %mul3A_203 = arith.muli %while3A_196, %mul3A_202 : i32
          %add3A_204 = vector.broadcast %mul3A_203 : i32 to vector<16xi32>
          %add3A_205 = arith.addi %add3A_204, %iota3A : vector<16xi32>
          %lt3A_206 = vector.broadcast %add3A_38 : i32 to vector<16xi32>
          %lt3A_207 = arith.cmpi slt, %add3A_205, %lt3A_206 : vector<16xi32>
          %shift_right_arithmetic3A = arith.constant 24 : i32
          %shift_right_arithmetic3A_208 = vector.broadcast %shift_right_arithmetic3A : i32 to vector<16xi32>
          %shift_right_arithmetic3A_209 = arith.shrsi %get3A_201, %shift_right_arithmetic3A_208 : vector<16xi32>
          %eq3A = vector.broadcast %sub3A_37 : i32 to vector<16xi32>
          %eq3A_210 = arith.cmpi eq, %shift_right_arithmetic3A_209, %eq3A : vector<16xi32>
          %and3A = arith.andi %lt3A_207, %eq3A_210 : vector<16xi1>
          %shift_right_arithmetic3A_211 = arith.constant 16 : i32
          %shift_right_arithmetic3A_212 = vector.broadcast %shift_right_arithmetic3A_211 : i32 to vector<16xi32>
          %shift_right_arithmetic3A_213 = arith.shrsi %get3A_201, %shift_right_arithmetic3A_212 : vector<16xi32>
          %and3A_214 = arith.constant 255 : i32
          %and3A_215 = vector.broadcast %and3A_214 : i32 to vector<16xi32>
          %and3A_216 = arith.andi %shift_right_arithmetic3A_213, %and3A_215 : vector<16xi32>
          %mul3A_217 = arith.constant 16 : i32
          %mul3A_218 = vector.broadcast %mul3A_217 : i32 to vector<16xi32>
          %mul3A_219 = arith.muli %and3A_216, %mul3A_218 : vector<16xi32>
          %add3A_220 = arith.addi %mul3A_219, %iota3A : vector<16xi32>
          %gather3A = tpu.vector_load_idx %arg10[%add3A_220] : memref<4096xi32, #tpu.memory_space<vmem>>[vector<16xi32>], vector<16xi32>,
          %add3A_221 = arith.constant 1 : i32
          %add3A_222 = vector.broadcast %add3A_221 : i32 to vector<16xi32>
          %add3A_223 = arith.addi %gather3A, %add3A_222 : vector<16xi32>
          tpu.vector_store_idx %arg10[%add3A_220], %add3A_223 masked %and3A : memref<4096xi32, #tpu.memory_space<vmem>>[vector<16xi32>], vector<16xi32>, vector<16xi1>
          %while3A_224 = arith.constant 0 : i32
          scf.yield %while3A_224 : i32
        }
        %while3A_194 = arith.constant 1 : i32
        %while3A_195 = scf.for %while3A_196 = %while3A_191 to %while3A_187 step %while3A_194 iter_args(%while3A_197 = %while3A_193) -> (i32)  : i32 {
          %mul3A_198 = arith.constant 16 : i32
          %mul3A_199 = arith.muli %while3A_196, %mul3A_198 : i32
          %get3A_200 = arith.index_cast %mul3A_199 : i32 to index
          %get3A_201 = tpu.vector_load %arg14[%get3A_200] {strides = array<i32>} : memref<4112xi32, #tpu.memory_space<vmem>>, vector<16xi32>,
          %mul3A_202 = arith.constant 16 : i32
          %mul3A_203 = arith.muli %while3A_196, %mul3A_202 : i32
          %add3A_204 = vector.broadcast %mul3A_203 : i32 to vector<16xi32>
          %add3A_205 = arith.addi %add3A_204, %iota3A : vector<16xi32>
          %lt3A_206 = vector.broadcast %add3A_38 : i32 to vector<16xi32>
          %lt3A_207 = arith.cmpi slt, %add3A_205, %lt3A_206 : vector<16xi32>
          %shift_right_arithmetic3A = arith.constant 24 : i32
          %shift_right_arithmetic3A_208 = vector.broadcast %shift_right_arithmetic3A : i32 to vector<16xi32>
          %shift_right_arithmetic3A_209 = arith.shrsi %get3A_201, %shift_right_arithmetic3A_208 : vector<16xi32>
          %eq3A = vector.broadcast %sub3A_37 : i32 to vector<16xi32>
          %eq3A_210 = arith.cmpi eq, %shift_right_arithmetic3A_209, %eq3A : vector<16xi32>
          %and3A = arith.andi %lt3A_207, %eq3A_210 : vector<16xi1>
          %shift_right_arithmetic3A_211 = arith.constant 16 : i32
          %shift_right_arithmetic3A_212 = vector.broadcast %shift_right_arithmetic3A_211 : i32 to vector<16xi32>
          %shift_right_arithmetic3A_213 = arith.shrsi %get3A_201, %shift_right_arithmetic3A_212 : vector<16xi32>
          %and3A_214 = arith.constant 255 : i32
          %and3A_215 = vector.broadcast %and3A_214 : i32 to vector<16xi32>
          %and3A_216 = arith.andi %shift_right_arithmetic3A_213, %and3A_215 : vector<16xi32>
          %mul3A_217 = arith.constant 16 : i32
          %mul3A_218 = vector.broadcast %mul3A_217 : i32 to vector<16xi32>
          %mul3A_219 = arith.muli %and3A_216, %mul3A_218 : vector<16xi32>
          %add3A_220 = arith.addi %mul3A_219, %iota3A : vector<16xi32>
          %gather3A = tpu.vector_load_idx %arg10[%add3A_220] : memref<4096xi32, #tpu.memory_space<vmem>>[vector<16xi32>], vector<16xi32>,
          %add3A_221 = arith.constant 1 : i32
          %add3A_222 = vector.broadcast %add3A_221 : i32 to vector<16xi32>
          %add3A_223 = arith.addi %gather3A, %add3A_222 : vector<16xi32>
          tpu.vector_store_idx %arg10[%add3A_220], %add3A_223 masked %and3A : memref<4096xi32, #tpu.memory_space<vmem>>[vector<16xi32>], vector<16xi32>, vector<16xi1>
          %while3A_224 = arith.constant 0 : i32
          scf.yield %while3A_224 : i32
        }
      } else {
      }
      %not3A = arith.constant true
      %not3A_53 = arith.xori %le3A_39, %not3A : i1
      %convert_element_type3A_54 = arith.extui %not3A_53 : i1 to i32
      %cond3A_55 = arith.constant 0 : i32
      %cond3A_56 = arith.cmpi ne, %convert_element_type3A_54, %cond3A_55 : i32
      scf.if %cond3A_56 {
        %scan3A_182 = arith.constant 0 : i32
        %scan3A_183 = arith.constant 0 : i32
        %scan3A_184 = arith.constant 1280 : i32
        %scan3A_185 = arith.addi %scan3A_183, %scan3A_184 : i32
        %scan3A_186 = arith.constant 1 : i32
        %scan3A_187 = scf.for %scan3A_189 = %scan3A_183 to %scan3A_185 step %scan3A_186 iter_args(%scan3A_190 = %scan3A_182) -> (i32)  : i32 {
          %mul3A_191 = arith.constant 64 : i32
          %mul3A_192 = arith.muli %scan3A_189, %mul3A_191 : i32
          %add3A_193 = arith.constant 0 : i32
          %add3A_194 = arith.addi %mul3A_192, %add3A_193 : i32
          %get3A_195 = arith.index_cast %add3A_194 : i32 to index
          %get3A_196 = tpu.vector_load %arg9[%get3A_195] {strides = array<i32>} : memref<81920xf32, #tpu.memory_space<vmem>>, vector<16xf32>,
          %bitcast_convert_type3A = tpu.bitcast %get3A_196 : vector<16xf32> -> vector<16xi32>
          %shift_right_arithmetic3A = arith.constant 31 : i32
          %shift_right_arithmetic3A_197 = vector.broadcast %shift_right_arithmetic3A : i32 to vector<16xi32>
          %shift_right_arithmetic3A_198 = arith.shrsi %bitcast_convert_type3A, %shift_right_arithmetic3A_197 : vector<16xi32>
          %shift_right_logical3A = arith.constant 1 : i32
          %shift_right_logical3A_199 = vector.broadcast %shift_right_logical3A : i32 to vector<16xi32>
          %shift_right_logical3A_200 = arith.shrui %shift_right_arithmetic3A_198, %shift_right_logical3A_199 : vector<16xi32>
          %xor3A = arith.xori %bitcast_convert_type3A, %shift_right_logical3A_200 : vector<16xi32>
          %shift_right_arithmetic3A_201 = arith.constant 16 : i32
          %shift_right_arithmetic3A_202 = vector.broadcast %shift_right_arithmetic3A_201 : i32 to vector<16xi32>
          %shift_right_arithmetic3A_203 = arith.shrsi %xor3A, %shift_right_arithmetic3A_202 : vector<16xi32>
          %and3A = arith.constant 255 : i32
          %and3A_204 = vector.broadcast %and3A : i32 to vector<16xi32>
          %and3A_205 = arith.andi %shift_right_arithmetic3A_203, %and3A_204 : vector<16xi32>
          %shift_right_arithmetic3A_206 = arith.constant 24 : i32
          %shift_right_arithmetic3A_207 = vector.broadcast %shift_right_arithmetic3A_206 : i32 to vector<16xi32>
          %shift_right_arithmetic3A_208 = arith.shrsi %xor3A, %shift_right_arithmetic3A_207 : vector<16xi32>
          %eq3A = vector.broadcast %sub3A_37 : i32 to vector<16xi32>
          %eq3A_209 = arith.cmpi eq, %shift_right_arithmetic3A_208, %eq3A : vector<16xi32>
          %mul3A_210 = arith.constant 16 : i32
          %mul3A_211 = vector.broadcast %mul3A_210 : i32 to vector<16xi32>
          %mul3A_212 = arith.muli %and3A_205, %mul3A_211 : vector<16xi32>
          %add3A_213 = arith.addi %mul3A_212, %iota3A : vector<16xi32>
          %gather3A = tpu.vector_load_idx %arg10[%add3A_213] : memref<4096xi32, #tpu.memory_space<vmem>>[vector<16xi32>], vector<16xi32>,
          %add3A_214 = arith.constant 1 : i32
          %add3A_215 = vector.broadcast %add3A_214 : i32 to vector<16xi32>
          %add3A_216 = arith.addi %gather3A, %add3A_215 : vector<16xi32>
          tpu.vector_store_idx %arg10[%add3A_213], %add3A_216 masked %eq3A_209 : memref<4096xi32, #tpu.memory_space<vmem>>[vector<16xi32>], vector<16xi32>, vector<16xi1>
          %mul3A_217 = arith.constant 64 : i32
          %mul3A_218 = arith.muli %scan3A_189, %mul3A_217 : i32
          %add3A_219 = arith.constant 16 : i32
          %add3A_220 = arith.addi %mul3A_218, %add3A_219 : i32
          %get3A_221 = arith.index_cast %add3A_220 : i32 to index
          %get3A_222 = tpu.vector_load %arg9[%get3A_221] {strides = array<i32>} : memref<81920xf32, #tpu.memory_space<vmem>>, vector<16xf32>,
          %bitcast_convert_type3A_223 = tpu.bitcast %get3A_222 : vector<16xf32> -> vector<16xi32>
          %shift_right_arithmetic3A_224 = arith.constant 31 : i32
          %shift_right_arithmetic3A_225 = vector.broadcast %shift_right_arithmetic3A_224 : i32 to vector<16xi32>
          %shift_right_arithmetic3A_226 = arith.shrsi %bitcast_convert_type3A_223, %shift_right_arithmetic3A_225 : vector<16xi32>
          %shift_right_logical3A_227 = arith.constant 1 : i32
          %shift_right_logical3A_228 = vector.broadcast %shift_right_logical3A_227 : i32 to vector<16xi32>
          %shift_right_logical3A_229 = arith.shrui %shift_right_arithmetic3A_226, %shift_right_logical3A_228 : vector<16xi32>
          %xor3A_230 = arith.xori %bitcast_convert_type3A_223, %shift_right_logical3A_229 : vector<16xi32>
          %shift_right_arithmetic3A_231 = arith.constant 16 : i32
          %shift_right_arithmetic3A_232 = vector.broadcast %shift_right_arithmetic3A_231 : i32 to vector<16xi32>
          %shift_right_arithmetic3A_233 = arith.shrsi %xor3A_230, %shift_right_arithmetic3A_232 : vector<16xi32>
          %and3A_234 = arith.constant 255 : i32
          %and3A_235 = vector.broadcast %and3A_234 : i32 to vector<16xi32>
          %and3A_236 = arith.andi %shift_right_arithmetic3A_233, %and3A_235 : vector<16xi32>
          %shift_right_arithmetic3A_237 = arith.constant 24 : i32
          %shift_right_arithmetic3A_238 = vector.broadcast %shift_right_arithmetic3A_237 : i32 to vector<16xi32>
          %shift_right_arithmetic3A_239 = arith.shrsi %xor3A_230, %shift_right_arithmetic3A_238 : vector<16xi32>
          %eq3A_240 = vector.broadcast %sub3A_37 : i32 to vector<16xi32>
          %eq3A_241 = arith.cmpi eq, %shift_right_arithmetic3A_239, %eq3A_240 : vector<16xi32>
          %mul3A_242 = arith.constant 16 : i32
          %mul3A_243 = vector.broadcast %mul3A_242 : i32 to vector<16xi32>
          %mul3A_244 = arith.muli %and3A_236, %mul3A_243 : vector<16xi32>
          %add3A_245 = arith.addi %mul3A_244, %iota3A : vector<16xi32>
          %gather3A_246 = tpu.vector_load_idx %arg11[%add3A_245] : memref<4096xi32, #tpu.memory_space<vmem>>[vector<16xi32>], vector<16xi32>,
          %add3A_247 = arith.constant 1 : i32
          %add3A_248 = vector.broadcast %add3A_247 : i32 to vector<16xi32>
          %add3A_249 = arith.addi %gather3A_246, %add3A_248 : vector<16xi32>
          tpu.vector_store_idx %arg11[%add3A_245], %add3A_249 masked %eq3A_241 : memref<4096xi32, #tpu.memory_space<vmem>>[vector<16xi32>], vector<16xi32>, vector<16xi1>
          %mul3A_250 = arith.constant 64 : i32
          %mul3A_251 = arith.muli %scan3A_189, %mul3A_250 : i32
          %add3A_252 = arith.constant 32 : i32
          %add3A_253 = arith.addi %mul3A_251, %add3A_252 : i32
          %get3A_254 = arith.index_cast %add3A_253 : i32 to index
          %get3A_255 = tpu.vector_load %arg9[%get3A_254] {strides = array<i32>} : memref<81920xf32, #tpu.memory_space<vmem>>, vector<16xf32>,
          %bitcast_convert_type3A_256 = tpu.bitcast %get3A_255 : vector<16xf32> -> vector<16xi32>
          %shift_right_arithmetic3A_257 = arith.constant 31 : i32
          %shift_right_arithmetic3A_258 = vector.broadcast %shift_right_arithmetic3A_257 : i32 to vector<16xi32>
          %shift_right_arithmetic3A_259 = arith.shrsi %bitcast_convert_type3A_256, %shift_right_arithmetic3A_258 : vector<16xi32>
          %shift_right_logical3A_260 = arith.constant 1 : i32
          %shift_right_logical3A_261 = vector.broadcast %shift_right_logical3A_260 : i32 to vector<16xi32>
          %shift_right_logical3A_262 = arith.shrui %shift_right_arithmetic3A_259, %shift_right_logical3A_261 : vector<16xi32>
          %xor3A_263 = arith.xori %bitcast_convert_type3A_256, %shift_right_logical3A_262 : vector<16xi32>
          %shift_right_arithmetic3A_264 = arith.constant 16 : i32
          %shift_right_arithmetic3A_265 = vector.broadcast %shift_right_arithmetic3A_264 : i32 to vector<16xi32>
          %shift_right_arithmetic3A_266 = arith.shrsi %xor3A_263, %shift_right_arithmetic3A_265 : vector<16xi32>
          %and3A_267 = arith.constant 255 : i32
          %and3A_268 = vector.broadcast %and3A_267 : i32 to vector<16xi32>
          %and3A_269 = arith.andi %shift_right_arithmetic3A_266, %and3A_268 : vector<16xi32>
          %shift_right_arithmetic3A_270 = arith.constant 24 : i32
          %shift_right_arithmetic3A_271 = vector.broadcast %shift_right_arithmetic3A_270 : i32 to vector<16xi32>
          %shift_right_arithmetic3A_272 = arith.shrsi %xor3A_263, %shift_right_arithmetic3A_271 : vector<16xi32>
          %eq3A_273 = vector.broadcast %sub3A_37 : i32 to vector<16xi32>
          %eq3A_274 = arith.cmpi eq, %shift_right_arithmetic3A_272, %eq3A_273 : vector<16xi32>
          %mul3A_275 = arith.constant 16 : i32
          %mul3A_276 = vector.broadcast %mul3A_275 : i32 to vector<16xi32>
          %mul3A_277 = arith.muli %and3A_269, %mul3A_276 : vector<16xi32>
          %add3A_278 = arith.addi %mul3A_277, %iota3A : vector<16xi32>
          %gather3A_279 = tpu.vector_load_idx %arg12[%add3A_278] : memref<4096xi32, #tpu.memory_space<vmem>>[vector<16xi32>], vector<16xi32>,
          %add3A_280 = arith.constant 1 : i32
          %add3A_281 = vector.broadcast %add3A_280 : i32 to vector<16xi32>
          %add3A_282 = arith.addi %gather3A_279, %add3A_281 : vector<16xi32>
          tpu.vector_store_idx %arg12[%add3A_278], %add3A_282 masked %eq3A_274 : memref<4096xi32, #tpu.memory_space<vmem>>[vector<16xi32>], vector<16xi32>, vector<16xi1>
          %mul3A_283 = arith.constant 64 : i32
          %mul3A_284 = arith.muli %scan3A_189, %mul3A_283 : i32
          %add3A_285 = arith.constant 48 : i32
          %add3A_286 = arith.addi %mul3A_284, %add3A_285 : i32
          %get3A_287 = arith.index_cast %add3A_286 : i32 to index
          %get3A_288 = tpu.vector_load %arg9[%get3A_287] {strides = array<i32>} : memref<81920xf32, #tpu.memory_space<vmem>>, vector<16xf32>,
          %bitcast_convert_type3A_289 = tpu.bitcast %get3A_288 : vector<16xf32> -> vector<16xi32>
          %shift_right_arithmetic3A_290 = arith.constant 31 : i32
          %shift_right_arithmetic3A_291 = vector.broadcast %shift_right_arithmetic3A_290 : i32 to vector<16xi32>
          %shift_right_arithmetic3A_292 = arith.shrsi %bitcast_convert_type3A_289, %shift_right_arithmetic3A_291 : vector<16xi32>
          %shift_right_logical3A_293 = arith.constant 1 : i32
          %shift_right_logical3A_294 = vector.broadcast %shift_right_logical3A_293 : i32 to vector<16xi32>
          %shift_right_logical3A_295 = arith.shrui %shift_right_arithmetic3A_292, %shift_right_logical3A_294 : vector<16xi32>
          %xor3A_296 = arith.xori %bitcast_convert_type3A_289, %shift_right_logical3A_295 : vector<16xi32>
          %shift_right_arithmetic3A_297 = arith.constant 16 : i32
          %shift_right_arithmetic3A_298 = vector.broadcast %shift_right_arithmetic3A_297 : i32 to vector<16xi32>
          %shift_right_arithmetic3A_299 = arith.shrsi %xor3A_296, %shift_right_arithmetic3A_298 : vector<16xi32>
          %and3A_300 = arith.constant 255 : i32
          %and3A_301 = vector.broadcast %and3A_300 : i32 to vector<16xi32>
          %and3A_302 = arith.andi %shift_right_arithmetic3A_299, %and3A_301 : vector<16xi32>
          %shift_right_arithmetic3A_303 = arith.constant 24 : i32
          %shift_right_arithmetic3A_304 = vector.broadcast %shift_right_arithmetic3A_303 : i32 to vector<16xi32>
          %shift_right_arithmetic3A_305 = arith.shrsi %xor3A_296, %shift_right_arithmetic3A_304 : vector<16xi32>
          %eq3A_306 = vector.broadcast %sub3A_37 : i32 to vector<16xi32>
          %eq3A_307 = arith.cmpi eq, %shift_right_arithmetic3A_305, %eq3A_306 : vector<16xi32>
          %mul3A_308 = arith.constant 16 : i32
          %mul3A_309 = vector.broadcast %mul3A_308 : i32 to vector<16xi32>
          %mul3A_310 = arith.muli %and3A_302, %mul3A_309 : vector<16xi32>
          %add3A_311 = arith.addi %mul3A_310, %iota3A : vector<16xi32>
          %gather3A_312 = tpu.vector_load_idx %arg13[%add3A_311] : memref<4096xi32, #tpu.memory_space<vmem>>[vector<16xi32>], vector<16xi32>,
          %add3A_313 = arith.constant 1 : i32
          %add3A_314 = vector.broadcast %add3A_313 : i32 to vector<16xi32>
          %add3A_315 = arith.addi %gather3A_312, %add3A_314 : vector<16xi32>
          tpu.vector_store_idx %arg13[%add3A_311], %add3A_315 masked %eq3A_307 : memref<4096xi32, #tpu.memory_space<vmem>>[vector<16xi32>], vector<16xi32>, vector<16xi1>
          %scan3A_316 = arith.constant 0 : i32
          scf.yield %scan3A_316 : i32
        }
        %scan3A_188 = arith.constant 1280 : i32
      } else {
      }
      %scan3A_57 = arith.constant 0 : i32
      %scan3A_58 = arith.constant 0 : i32
      %scan3A_59 = arith.constant 0 : i32
      %scan3A_60 = arith.constant 0 : i32
      %scan3A_61 = arith.constant false
      %scan3A_62 = arith.constant 0 : i32
      %scan3A_63 = arith.constant 256 : i32
      %scan3A_64 = arith.addi %scan3A_62, %scan3A_63 : i32
      %scan3A_65 = arith.constant 1 : i32
      %scan3A_66:5 = scf.for %scan3A_182 = %scan3A_62 to %scan3A_64 step %scan3A_65 iter_args(%scan3A_183 = %scan3A_57, %scan3A_184 = %scan3A_58, %scan3A_185 = %scan3A_59, %scan3A_186 = %scan3A_60, %scan3A_187 = %scan3A_61) -> (i32, i32, i32, i32, i1)  : i32 {
        %sub3A_188 = arith.constant 255 : i32
        %sub3A_189 = arith.subi %sub3A_188, %scan3A_182 : i32
        %mul3A_190 = arith.constant 16 : i32
        %mul3A_191 = arith.muli %sub3A_189, %mul3A_190 : i32
        %get3A_192 = arith.index_cast %mul3A_191 : i32 to index
        %get3A_193 = tpu.vector_load %arg10[%get3A_192] {strides = array<i32>} : memref<4096xi32, #tpu.memory_space<vmem>>, vector<16xi32>,
        %get3A_194 = arith.index_cast %mul3A_191 : i32 to index
        %get3A_195 = tpu.vector_load %arg11[%get3A_194] {strides = array<i32>} : memref<4096xi32, #tpu.memory_space<vmem>>, vector<16xi32>,
        %add3A_196 = arith.addi %get3A_193, %get3A_195 : vector<16xi32>
        %get3A_197 = arith.index_cast %mul3A_191 : i32 to index
        %get3A_198 = tpu.vector_load %arg12[%get3A_197] {strides = array<i32>} : memref<4096xi32, #tpu.memory_space<vmem>>, vector<16xi32>,
        %add3A_199 = arith.addi %add3A_196, %get3A_198 : vector<16xi32>
        %get3A_200 = arith.index_cast %mul3A_191 : i32 to index
        %get3A_201 = tpu.vector_load %arg13[%get3A_200] {strides = array<i32>} : memref<4096xi32, #tpu.memory_space<vmem>>, vector<16xi32>,
        %add3A_202 = arith.addi %add3A_199, %get3A_201 : vector<16xi32>
        %reduce_sum3A = arith.constant true
        %reduce_sum3A_203 = vector.broadcast %reduce_sum3A : i1 to vector<16xi1>
        %reduce_sum3A_204 = tpu.scan <sum>, %add3A_202 masked %reduce_sum3A_203 : vector<16xi32>, vector<16xi1> -> vector<16xi32>
        %reduce_sum3A_205 = vector.extract %reduce_sum3A_204[15] : i32 from vector<16xi32>
        %add3A_206 = arith.addi %scan3A_183, %reduce_sum3A_205 : i32
        %not3A_207 = arith.constant true
        %not3A_208 = arith.xori %scan3A_187, %not3A_207 : i1
        %add3A_209 = arith.addi %scan3A_35#2, %add3A_206 : i32
        %ge3A = arith.constant 300 : i32
        %ge3A_210 = arith.cmpi sge, %add3A_209, %ge3A : i32
        %and3A = arith.andi %not3A_208, %ge3A_210 : i1
        %select_n3A = arith.select %and3A, %sub3A_189, %scan3A_184 : i32
        %select_n3A_211 = arith.select %and3A, %scan3A_183, %scan3A_185 : i32
        %select_n3A_212 = arith.select %and3A, %reduce_sum3A_205, %scan3A_186 : i32
        %or3A_213 = arith.ori %scan3A_187, %and3A : i1
        scf.yield %add3A_206, %select_n3A, %select_n3A_211, %select_n3A_212, %or3A_213 : i32, i32, i32, i32, i1
      }
      %scan3A_67 = arith.constant 256 : i32
      %add3A_68 = arith.addi %scan3A_35#2, %scan3A_66#2 : i32
      %shift_left3A = arith.constant 8 : i32
      %shift_left3A_69 = arith.shli %sub3A_37, %shift_left3A : i32
      %or3A = arith.ori %shift_left3A_69, %scan3A_66#1 : i32
      %scan3A_70 = arith.constant 0 : i32
      %scan3A_71 = arith.constant 0 : i32
      %scan3A_72 = arith.constant 256 : i32
      %scan3A_73 = arith.addi %scan3A_71, %scan3A_72 : i32
      %scan3A_74 = arith.constant 1 : i32
      %scan3A_75 = scf.for %scan3A_182 = %scan3A_71 to %scan3A_73 step %scan3A_74 iter_args(%scan3A_183 = %scan3A_70) -> (i32)  : i32 {
        %mul3A_184 = arith.constant 16 : i32
        %mul3A_185 = arith.muli %scan3A_182, %mul3A_184 : i32
        %swap3A_186 = arith.index_cast %mul3A_185 : i32 to index
        %swap3A_187 = tpu.vector_load %arg10[%swap3A_186] {strides = array<i32>} : memref<4096xi32, #tpu.memory_space<vmem>>, vector<16xi32>,
        tpu.vector_store %arg10[%swap3A_186], %broadcast_in_dim3A_3 {strides = array<i32>} : memref<4096xi32, #tpu.memory_space<vmem>>, vector<16xi32>,
        %mul3A_188 = arith.constant 16 : i32
        %mul3A_189 = arith.muli %scan3A_182, %mul3A_188 : i32
        %swap3A_190 = arith.index_cast %mul3A_189 : i32 to index
        %swap3A_191 = tpu.vector_load %arg11[%swap3A_190] {strides = array<i32>} : memref<4096xi32, #tpu.memory_space<vmem>>, vector<16xi32>,
        tpu.vector_store %arg11[%swap3A_190], %broadcast_in_dim3A_3 {strides = array<i32>} : memref<4096xi32, #tpu.memory_space<vmem>>, vector<16xi32>,
        %mul3A_192 = arith.constant 16 : i32
        %mul3A_193 = arith.muli %scan3A_182, %mul3A_192 : i32
        %swap3A_194 = arith.index_cast %mul3A_193 : i32 to index
        %swap3A_195 = tpu.vector_load %arg12[%swap3A_194] {strides = array<i32>} : memref<4096xi32, #tpu.memory_space<vmem>>, vector<16xi32>,
        tpu.vector_store %arg12[%swap3A_194], %broadcast_in_dim3A_3 {strides = array<i32>} : memref<4096xi32, #tpu.memory_space<vmem>>, vector<16xi32>,
        %mul3A_196 = arith.constant 16 : i32
        %mul3A_197 = arith.muli %scan3A_182, %mul3A_196 : i32
        %swap3A_198 = arith.index_cast %mul3A_197 : i32 to index
        %swap3A_199 = tpu.vector_load %arg13[%swap3A_198] {strides = array<i32>} : memref<4096xi32, #tpu.memory_space<vmem>>, vector<16xi32>,
        tpu.vector_store %arg13[%swap3A_198], %broadcast_in_dim3A_3 {strides = array<i32>} : memref<4096xi32, #tpu.memory_space<vmem>>, vector<16xi32>,
        %scan3A_200 = arith.constant 0 : i32
        scf.yield %scan3A_200 : i32
      }
      %scan3A_76 = arith.constant 256 : i32
      %convert_element_type3A_77 = arith.extui %le3A_39 : i1 to i32
      %cond3A_78 = arith.constant 0 : i32
      %cond3A_79 = arith.cmpi ne, %convert_element_type3A_77, %cond3A_78 : i32
      scf.if %cond3A_79 {
        %add3A_182 = arith.constant 15 : i32
        %add3A_183 = arith.addi %add3A_38, %add3A_182 : i32
        %shift_right_logical3A = arith.constant 4 : i32
        %shift_right_logical3A_184 = arith.shrui %add3A_183, %shift_right_logical3A : i32
        %while3A = arith.constant 0 : i32
        %while3A_185 = arith.constant 0 : i32
        %while3A_186 = arith.subi %shift_right_logical3A_184, %while3A : i32
        %while3A_187 = arith.addi %while3A, %while3A_186 : i32
        %while3A_188 = arith.constant 1 : i32
        %while3A_189 = arith.divsi %while3A_186, %while3A_188 : i32
        %while3A_190 = arith.muli %while3A_189, %while3A_188 : i32
        %while3A_191 = arith.addi %while3A, %while3A_190 : i32
        %while3A_192 = arith.constant 1 : i32
        %while3A_193 = scf.for %while3A_196 = %while3A to %while3A_191 step %while3A_192 iter_args(%while3A_197 = %while3A_185) -> (i32)  : i32 {
          %mul3A_198 = arith.constant 16 : i32
          %mul3A_199 = arith.muli %while3A_196, %mul3A_198 : i32
          %get3A_200 = arith.index_cast %mul3A_199 : i32 to index
          %get3A_201 = tpu.vector_load %arg14[%get3A_200] {strides = array<i32>} : memref<4112xi32, #tpu.memory_space<vmem>>, vector<16xi32>,
          %mul3A_202 = arith.constant 16 : i32
          %mul3A_203 = arith.muli %while3A_196, %mul3A_202 : i32
          %add3A_204 = vector.broadcast %mul3A_203 : i32 to vector<16xi32>
          %add3A_205 = arith.addi %add3A_204, %iota3A : vector<16xi32>
          %lt3A_206 = vector.broadcast %add3A_38 : i32 to vector<16xi32>
          %lt3A_207 = arith.cmpi slt, %add3A_205, %lt3A_206 : vector<16xi32>
          %shift_right_arithmetic3A = arith.constant 16 : i32
          %shift_right_arithmetic3A_208 = vector.broadcast %shift_right_arithmetic3A : i32 to vector<16xi32>
          %shift_right_arithmetic3A_209 = arith.shrsi %get3A_201, %shift_right_arithmetic3A_208 : vector<16xi32>
          %eq3A = vector.broadcast %or3A : i32 to vector<16xi32>
          %eq3A_210 = arith.cmpi eq, %shift_right_arithmetic3A_209, %eq3A : vector<16xi32>
          %and3A = arith.andi %lt3A_207, %eq3A_210 : vector<16xi1>
          %shift_right_arithmetic3A_211 = arith.constant 8 : i32
          %shift_right_arithmetic3A_212 = vector.broadcast %shift_right_arithmetic3A_211 : i32 to vector<16xi32>
          %shift_right_arithmetic3A_213 = arith.shrsi %get3A_201, %shift_right_arithmetic3A_212 : vector<16xi32>
          %and3A_214 = arith.constant 255 : i32
          %and3A_215 = vector.broadcast %and3A_214 : i32 to vector<16xi32>
          %and3A_216 = arith.andi %shift_right_arithmetic3A_213, %and3A_215 : vector<16xi32>
          %mul3A_217 = arith.constant 16 : i32
          %mul3A_218 = vector.broadcast %mul3A_217 : i32 to vector<16xi32>
          %mul3A_219 = arith.muli %and3A_216, %mul3A_218 : vector<16xi32>
          %add3A_220 = arith.addi %mul3A_219, %iota3A : vector<16xi32>
          %gather3A = tpu.vector_load_idx %arg10[%add3A_220] : memref<4096xi32, #tpu.memory_space<vmem>>[vector<16xi32>], vector<16xi32>,
          %add3A_221 = arith.constant 1 : i32
          %add3A_222 = vector.broadcast %add3A_221 : i32 to vector<16xi32>
          %add3A_223 = arith.addi %gather3A, %add3A_222 : vector<16xi32>
          tpu.vector_store_idx %arg10[%add3A_220], %add3A_223 masked %and3A : memref<4096xi32, #tpu.memory_space<vmem>>[vector<16xi32>], vector<16xi32>, vector<16xi1>
          %while3A_224 = arith.constant 0 : i32
          scf.yield %while3A_224 : i32
        }
        %while3A_194 = arith.constant 1 : i32
        %while3A_195 = scf.for %while3A_196 = %while3A_191 to %while3A_187 step %while3A_194 iter_args(%while3A_197 = %while3A_193) -> (i32)  : i32 {
          %mul3A_198 = arith.constant 16 : i32
          %mul3A_199 = arith.muli %while3A_196, %mul3A_198 : i32
          %get3A_200 = arith.index_cast %mul3A_199 : i32 to index
          %get3A_201 = tpu.vector_load %arg14[%get3A_200] {strides = array<i32>} : memref<4112xi32, #tpu.memory_space<vmem>>, vector<16xi32>,
          %mul3A_202 = arith.constant 16 : i32
          %mul3A_203 = arith.muli %while3A_196, %mul3A_202 : i32
          %add3A_204 = vector.broadcast %mul3A_203 : i32 to vector<16xi32>
          %add3A_205 = arith.addi %add3A_204, %iota3A : vector<16xi32>
          %lt3A_206 = vector.broadcast %add3A_38 : i32 to vector<16xi32>
          %lt3A_207 = arith.cmpi slt, %add3A_205, %lt3A_206 : vector<16xi32>
          %shift_right_arithmetic3A = arith.constant 16 : i32
          %shift_right_arithmetic3A_208 = vector.broadcast %shift_right_arithmetic3A : i32 to vector<16xi32>
          %shift_right_arithmetic3A_209 = arith.shrsi %get3A_201, %shift_right_arithmetic3A_208 : vector<16xi32>
          %eq3A = vector.broadcast %or3A : i32 to vector<16xi32>
          %eq3A_210 = arith.cmpi eq, %shift_right_arithmetic3A_209, %eq3A : vector<16xi32>
          %and3A = arith.andi %lt3A_207, %eq3A_210 : vector<16xi1>
          %shift_right_arithmetic3A_211 = arith.constant 8 : i32
          %shift_right_arithmetic3A_212 = vector.broadcast %shift_right_arithmetic3A_211 : i32 to vector<16xi32>
          %shift_right_arithmetic3A_213 = arith.shrsi %get3A_201, %shift_right_arithmetic3A_212 : vector<16xi32>
          %and3A_214 = arith.constant 255 : i32
          %and3A_215 = vector.broadcast %and3A_214 : i32 to vector<16xi32>
          %and3A_216 = arith.andi %shift_right_arithmetic3A_213, %and3A_215 : vector<16xi32>
          %mul3A_217 = arith.constant 16 : i32
          %mul3A_218 = vector.broadcast %mul3A_217 : i32 to vector<16xi32>
          %mul3A_219 = arith.muli %and3A_216, %mul3A_218 : vector<16xi32>
          %add3A_220 = arith.addi %mul3A_219, %iota3A : vector<16xi32>
          %gather3A = tpu.vector_load_idx %arg10[%add3A_220] : memref<4096xi32, #tpu.memory_space<vmem>>[vector<16xi32>], vector<16xi32>,
          %add3A_221 = arith.constant 1 : i32
          %add3A_222 = vector.broadcast %add3A_221 : i32 to vector<16xi32>
          %add3A_223 = arith.addi %gather3A, %add3A_222 : vector<16xi32>
          tpu.vector_store_idx %arg10[%add3A_220], %add3A_223 masked %and3A : memref<4096xi32, #tpu.memory_space<vmem>>[vector<16xi32>], vector<16xi32>, vector<16xi1>
          %while3A_224 = arith.constant 0 : i32
          scf.yield %while3A_224 : i32
        }
      } else {
      }
      %not3A_80 = arith.constant true
      %not3A_81 = arith.xori %le3A_39, %not3A_80 : i1
      %convert_element_type3A_82 = arith.extui %not3A_81 : i1 to i32
      %cond3A_83 = arith.constant 0 : i32
      %cond3A_84 = arith.cmpi ne, %convert_element_type3A_82, %cond3A_83 : i32
      scf.if %cond3A_84 {
        %scan3A_182 = arith.constant 0 : i32
        %scan3A_183 = arith.constant 0 : i32
        %scan3A_184 = arith.constant 1280 : i32
        %scan3A_185 = arith.addi %scan3A_183, %scan3A_184 : i32
        %scan3A_186 = arith.constant 1 : i32
        %scan3A_187 = scf.for %scan3A_189 = %scan3A_183 to %scan3A_185 step %scan3A_186 iter_args(%scan3A_190 = %scan3A_182) -> (i32)  : i32 {
          %mul3A_191 = arith.constant 64 : i32
          %mul3A_192 = arith.muli %scan3A_189, %mul3A_191 : i32
          %add3A_193 = arith.constant 0 : i32
          %add3A_194 = arith.addi %mul3A_192, %add3A_193 : i32
          %get3A_195 = arith.index_cast %add3A_194 : i32 to index
          %get3A_196 = tpu.vector_load %arg9[%get3A_195] {strides = array<i32>} : memref<81920xf32, #tpu.memory_space<vmem>>, vector<16xf32>,
          %bitcast_convert_type3A = tpu.bitcast %get3A_196 : vector<16xf32> -> vector<16xi32>
          %shift_right_arithmetic3A = arith.constant 31 : i32
          %shift_right_arithmetic3A_197 = vector.broadcast %shift_right_arithmetic3A : i32 to vector<16xi32>
          %shift_right_arithmetic3A_198 = arith.shrsi %bitcast_convert_type3A, %shift_right_arithmetic3A_197 : vector<16xi32>
          %shift_right_logical3A = arith.constant 1 : i32
          %shift_right_logical3A_199 = vector.broadcast %shift_right_logical3A : i32 to vector<16xi32>
          %shift_right_logical3A_200 = arith.shrui %shift_right_arithmetic3A_198, %shift_right_logical3A_199 : vector<16xi32>
          %xor3A = arith.xori %bitcast_convert_type3A, %shift_right_logical3A_200 : vector<16xi32>
          %shift_right_arithmetic3A_201 = arith.constant 8 : i32
          %shift_right_arithmetic3A_202 = vector.broadcast %shift_right_arithmetic3A_201 : i32 to vector<16xi32>
          %shift_right_arithmetic3A_203 = arith.shrsi %xor3A, %shift_right_arithmetic3A_202 : vector<16xi32>
          %and3A = arith.constant 255 : i32
          %and3A_204 = vector.broadcast %and3A : i32 to vector<16xi32>
          %and3A_205 = arith.andi %shift_right_arithmetic3A_203, %and3A_204 : vector<16xi32>
          %shift_right_arithmetic3A_206 = arith.constant 16 : i32
          %shift_right_arithmetic3A_207 = vector.broadcast %shift_right_arithmetic3A_206 : i32 to vector<16xi32>
          %shift_right_arithmetic3A_208 = arith.shrsi %xor3A, %shift_right_arithmetic3A_207 : vector<16xi32>
          %eq3A = vector.broadcast %or3A : i32 to vector<16xi32>
          %eq3A_209 = arith.cmpi eq, %shift_right_arithmetic3A_208, %eq3A : vector<16xi32>
          %mul3A_210 = arith.constant 16 : i32
          %mul3A_211 = vector.broadcast %mul3A_210 : i32 to vector<16xi32>
          %mul3A_212 = arith.muli %and3A_205, %mul3A_211 : vector<16xi32>
          %add3A_213 = arith.addi %mul3A_212, %iota3A : vector<16xi32>
          %gather3A = tpu.vector_load_idx %arg10[%add3A_213] : memref<4096xi32, #tpu.memory_space<vmem>>[vector<16xi32>], vector<16xi32>,
          %add3A_214 = arith.constant 1 : i32
          %add3A_215 = vector.broadcast %add3A_214 : i32 to vector<16xi32>
          %add3A_216 = arith.addi %gather3A, %add3A_215 : vector<16xi32>
          tpu.vector_store_idx %arg10[%add3A_213], %add3A_216 masked %eq3A_209 : memref<4096xi32, #tpu.memory_space<vmem>>[vector<16xi32>], vector<16xi32>, vector<16xi1>
          %mul3A_217 = arith.constant 64 : i32
          %mul3A_218 = arith.muli %scan3A_189, %mul3A_217 : i32
          %add3A_219 = arith.constant 16 : i32
          %add3A_220 = arith.addi %mul3A_218, %add3A_219 : i32
          %get3A_221 = arith.index_cast %add3A_220 : i32 to index
          %get3A_222 = tpu.vector_load %arg9[%get3A_221] {strides = array<i32>} : memref<81920xf32, #tpu.memory_space<vmem>>, vector<16xf32>,
          %bitcast_convert_type3A_223 = tpu.bitcast %get3A_222 : vector<16xf32> -> vector<16xi32>
          %shift_right_arithmetic3A_224 = arith.constant 31 : i32
          %shift_right_arithmetic3A_225 = vector.broadcast %shift_right_arithmetic3A_224 : i32 to vector<16xi32>
          %shift_right_arithmetic3A_226 = arith.shrsi %bitcast_convert_type3A_223, %shift_right_arithmetic3A_225 : vector<16xi32>
          %shift_right_logical3A_227 = arith.constant 1 : i32
          %shift_right_logical3A_228 = vector.broadcast %shift_right_logical3A_227 : i32 to vector<16xi32>
          %shift_right_logical3A_229 = arith.shrui %shift_right_arithmetic3A_226, %shift_right_logical3A_228 : vector<16xi32>
          %xor3A_230 = arith.xori %bitcast_convert_type3A_223, %shift_right_logical3A_229 : vector<16xi32>
          %shift_right_arithmetic3A_231 = arith.constant 8 : i32
          %shift_right_arithmetic3A_232 = vector.broadcast %shift_right_arithmetic3A_231 : i32 to vector<16xi32>
          %shift_right_arithmetic3A_233 = arith.shrsi %xor3A_230, %shift_right_arithmetic3A_232 : vector<16xi32>
          %and3A_234 = arith.constant 255 : i32
          %and3A_235 = vector.broadcast %and3A_234 : i32 to vector<16xi32>
          %and3A_236 = arith.andi %shift_right_arithmetic3A_233, %and3A_235 : vector<16xi32>
          %shift_right_arithmetic3A_237 = arith.constant 16 : i32
          %shift_right_arithmetic3A_238 = vector.broadcast %shift_right_arithmetic3A_237 : i32 to vector<16xi32>
          %shift_right_arithmetic3A_239 = arith.shrsi %xor3A_230, %shift_right_arithmetic3A_238 : vector<16xi32>
          %eq3A_240 = vector.broadcast %or3A : i32 to vector<16xi32>
          %eq3A_241 = arith.cmpi eq, %shift_right_arithmetic3A_239, %eq3A_240 : vector<16xi32>
          %mul3A_242 = arith.constant 16 : i32
          %mul3A_243 = vector.broadcast %mul3A_242 : i32 to vector<16xi32>
          %mul3A_244 = arith.muli %and3A_236, %mul3A_243 : vector<16xi32>
          %add3A_245 = arith.addi %mul3A_244, %iota3A : vector<16xi32>
          %gather3A_246 = tpu.vector_load_idx %arg11[%add3A_245] : memref<4096xi32, #tpu.memory_space<vmem>>[vector<16xi32>], vector<16xi32>,
          %add3A_247 = arith.constant 1 : i32
          %add3A_248 = vector.broadcast %add3A_247 : i32 to vector<16xi32>
          %add3A_249 = arith.addi %gather3A_246, %add3A_248 : vector<16xi32>
          tpu.vector_store_idx %arg11[%add3A_245], %add3A_249 masked %eq3A_241 : memref<4096xi32, #tpu.memory_space<vmem>>[vector<16xi32>], vector<16xi32>, vector<16xi1>
          %mul3A_250 = arith.constant 64 : i32
          %mul3A_251 = arith.muli %scan3A_189, %mul3A_250 : i32
          %add3A_252 = arith.constant 32 : i32
          %add3A_253 = arith.addi %mul3A_251, %add3A_252 : i32
          %get3A_254 = arith.index_cast %add3A_253 : i32 to index
          %get3A_255 = tpu.vector_load %arg9[%get3A_254] {strides = array<i32>} : memref<81920xf32, #tpu.memory_space<vmem>>, vector<16xf32>,
          %bitcast_convert_type3A_256 = tpu.bitcast %get3A_255 : vector<16xf32> -> vector<16xi32>
          %shift_right_arithmetic3A_257 = arith.constant 31 : i32
          %shift_right_arithmetic3A_258 = vector.broadcast %shift_right_arithmetic3A_257 : i32 to vector<16xi32>
          %shift_right_arithmetic3A_259 = arith.shrsi %bitcast_convert_type3A_256, %shift_right_arithmetic3A_258 : vector<16xi32>
          %shift_right_logical3A_260 = arith.constant 1 : i32
          %shift_right_logical3A_261 = vector.broadcast %shift_right_logical3A_260 : i32 to vector<16xi32>
          %shift_right_logical3A_262 = arith.shrui %shift_right_arithmetic3A_259, %shift_right_logical3A_261 : vector<16xi32>
          %xor3A_263 = arith.xori %bitcast_convert_type3A_256, %shift_right_logical3A_262 : vector<16xi32>
          %shift_right_arithmetic3A_264 = arith.constant 8 : i32
          %shift_right_arithmetic3A_265 = vector.broadcast %shift_right_arithmetic3A_264 : i32 to vector<16xi32>
          %shift_right_arithmetic3A_266 = arith.shrsi %xor3A_263, %shift_right_arithmetic3A_265 : vector<16xi32>
          %and3A_267 = arith.constant 255 : i32
          %and3A_268 = vector.broadcast %and3A_267 : i32 to vector<16xi32>
          %and3A_269 = arith.andi %shift_right_arithmetic3A_266, %and3A_268 : vector<16xi32>
          %shift_right_arithmetic3A_270 = arith.constant 16 : i32
          %shift_right_arithmetic3A_271 = vector.broadcast %shift_right_arithmetic3A_270 : i32 to vector<16xi32>
          %shift_right_arithmetic3A_272 = arith.shrsi %xor3A_263, %shift_right_arithmetic3A_271 : vector<16xi32>
          %eq3A_273 = vector.broadcast %or3A : i32 to vector<16xi32>
          %eq3A_274 = arith.cmpi eq, %shift_right_arithmetic3A_272, %eq3A_273 : vector<16xi32>
          %mul3A_275 = arith.constant 16 : i32
          %mul3A_276 = vector.broadcast %mul3A_275 : i32 to vector<16xi32>
          %mul3A_277 = arith.muli %and3A_269, %mul3A_276 : vector<16xi32>
          %add3A_278 = arith.addi %mul3A_277, %iota3A : vector<16xi32>
          %gather3A_279 = tpu.vector_load_idx %arg12[%add3A_278] : memref<4096xi32, #tpu.memory_space<vmem>>[vector<16xi32>], vector<16xi32>,
          %add3A_280 = arith.constant 1 : i32
          %add3A_281 = vector.broadcast %add3A_280 : i32 to vector<16xi32>
          %add3A_282 = arith.addi %gather3A_279, %add3A_281 : vector<16xi32>
          tpu.vector_store_idx %arg12[%add3A_278], %add3A_282 masked %eq3A_274 : memref<4096xi32, #tpu.memory_space<vmem>>[vector<16xi32>], vector<16xi32>, vector<16xi1>
          %mul3A_283 = arith.constant 64 : i32
          %mul3A_284 = arith.muli %scan3A_189, %mul3A_283 : i32
          %add3A_285 = arith.constant 48 : i32
          %add3A_286 = arith.addi %mul3A_284, %add3A_285 : i32
          %get3A_287 = arith.index_cast %add3A_286 : i32 to index
          %get3A_288 = tpu.vector_load %arg9[%get3A_287] {strides = array<i32>} : memref<81920xf32, #tpu.memory_space<vmem>>, vector<16xf32>,
          %bitcast_convert_type3A_289 = tpu.bitcast %get3A_288 : vector<16xf32> -> vector<16xi32>
          %shift_right_arithmetic3A_290 = arith.constant 31 : i32
          %shift_right_arithmetic3A_291 = vector.broadcast %shift_right_arithmetic3A_290 : i32 to vector<16xi32>
          %shift_right_arithmetic3A_292 = arith.shrsi %bitcast_convert_type3A_289, %shift_right_arithmetic3A_291 : vector<16xi32>
          %shift_right_logical3A_293 = arith.constant 1 : i32
          %shift_right_logical3A_294 = vector.broadcast %shift_right_logical3A_293 : i32 to vector<16xi32>
          %shift_right_logical3A_295 = arith.shrui %shift_right_arithmetic3A_292, %shift_right_logical3A_294 : vector<16xi32>
          %xor3A_296 = arith.xori %bitcast_convert_type3A_289, %shift_right_logical3A_295 : vector<16xi32>
          %shift_right_arithmetic3A_297 = arith.constant 8 : i32
          %shift_right_arithmetic3A_298 = vector.broadcast %shift_right_arithmetic3A_297 : i32 to vector<16xi32>
          %shift_right_arithmetic3A_299 = arith.shrsi %xor3A_296, %shift_right_arithmetic3A_298 : vector<16xi32>
          %and3A_300 = arith.constant 255 : i32
          %and3A_301 = vector.broadcast %and3A_300 : i32 to vector<16xi32>
          %and3A_302 = arith.andi %shift_right_arithmetic3A_299, %and3A_301 : vector<16xi32>
          %shift_right_arithmetic3A_303 = arith.constant 16 : i32
          %shift_right_arithmetic3A_304 = vector.broadcast %shift_right_arithmetic3A_303 : i32 to vector<16xi32>
          %shift_right_arithmetic3A_305 = arith.shrsi %xor3A_296, %shift_right_arithmetic3A_304 : vector<16xi32>
          %eq3A_306 = vector.broadcast %or3A : i32 to vector<16xi32>
          %eq3A_307 = arith.cmpi eq, %shift_right_arithmetic3A_305, %eq3A_306 : vector<16xi32>
          %mul3A_308 = arith.constant 16 : i32
          %mul3A_309 = vector.broadcast %mul3A_308 : i32 to vector<16xi32>
          %mul3A_310 = arith.muli %and3A_302, %mul3A_309 : vector<16xi32>
          %add3A_311 = arith.addi %mul3A_310, %iota3A : vector<16xi32>
          %gather3A_312 = tpu.vector_load_idx %arg13[%add3A_311] : memref<4096xi32, #tpu.memory_space<vmem>>[vector<16xi32>], vector<16xi32>,
          %add3A_313 = arith.constant 1 : i32
          %add3A_314 = vector.broadcast %add3A_313 : i32 to vector<16xi32>
          %add3A_315 = arith.addi %gather3A_312, %add3A_314 : vector<16xi32>
          tpu.vector_store_idx %arg13[%add3A_311], %add3A_315 masked %eq3A_307 : memref<4096xi32, #tpu.memory_space<vmem>>[vector<16xi32>], vector<16xi32>, vector<16xi1>
          %scan3A_316 = arith.constant 0 : i32
          scf.yield %scan3A_316 : i32
        }
        %scan3A_188 = arith.constant 1280 : i32
      } else {
      }
      %scan3A_85 = arith.constant 0 : i32
      %scan3A_86 = arith.constant 0 : i32
      %scan3A_87 = arith.constant 0 : i32
      %scan3A_88 = arith.constant 0 : i32
      %scan3A_89 = arith.constant false
      %scan3A_90 = arith.constant 0 : i32
      %scan3A_91 = arith.constant 256 : i32
      %scan3A_92 = arith.addi %scan3A_90, %scan3A_91 : i32
      %scan3A_93 = arith.constant 1 : i32
      %scan3A_94:5 = scf.for %scan3A_182 = %scan3A_90 to %scan3A_92 step %scan3A_93 iter_args(%scan3A_183 = %scan3A_85, %scan3A_184 = %scan3A_86, %scan3A_185 = %scan3A_87, %scan3A_186 = %scan3A_88, %scan3A_187 = %scan3A_89) -> (i32, i32, i32, i32, i1)  : i32 {
        %sub3A_188 = arith.constant 255 : i32
        %sub3A_189 = arith.subi %sub3A_188, %scan3A_182 : i32
        %mul3A_190 = arith.constant 16 : i32
        %mul3A_191 = arith.muli %sub3A_189, %mul3A_190 : i32
        %get3A_192 = arith.index_cast %mul3A_191 : i32 to index
        %get3A_193 = tpu.vector_load %arg10[%get3A_192] {strides = array<i32>} : memref<4096xi32, #tpu.memory_space<vmem>>, vector<16xi32>,
        %get3A_194 = arith.index_cast %mul3A_191 : i32 to index
        %get3A_195 = tpu.vector_load %arg11[%get3A_194] {strides = array<i32>} : memref<4096xi32, #tpu.memory_space<vmem>>, vector<16xi32>,
        %add3A_196 = arith.addi %get3A_193, %get3A_195 : vector<16xi32>
        %get3A_197 = arith.index_cast %mul3A_191 : i32 to index
        %get3A_198 = tpu.vector_load %arg12[%get3A_197] {strides = array<i32>} : memref<4096xi32, #tpu.memory_space<vmem>>, vector<16xi32>,
        %add3A_199 = arith.addi %add3A_196, %get3A_198 : vector<16xi32>
        %get3A_200 = arith.index_cast %mul3A_191 : i32 to index
        %get3A_201 = tpu.vector_load %arg13[%get3A_200] {strides = array<i32>} : memref<4096xi32, #tpu.memory_space<vmem>>, vector<16xi32>,
        %add3A_202 = arith.addi %add3A_199, %get3A_201 : vector<16xi32>
        %reduce_sum3A = arith.constant true
        %reduce_sum3A_203 = vector.broadcast %reduce_sum3A : i1 to vector<16xi1>
        %reduce_sum3A_204 = tpu.scan <sum>, %add3A_202 masked %reduce_sum3A_203 : vector<16xi32>, vector<16xi1> -> vector<16xi32>
        %reduce_sum3A_205 = vector.extract %reduce_sum3A_204[15] : i32 from vector<16xi32>
        %add3A_206 = arith.addi %scan3A_183, %reduce_sum3A_205 : i32
        %not3A_207 = arith.constant true
        %not3A_208 = arith.xori %scan3A_187, %not3A_207 : i1
        %add3A_209 = arith.addi %add3A_68, %add3A_206 : i32
        %ge3A = arith.constant 300 : i32
        %ge3A_210 = arith.cmpi sge, %add3A_209, %ge3A : i32
        %and3A = arith.andi %not3A_208, %ge3A_210 : i1
        %select_n3A = arith.select %and3A, %sub3A_189, %scan3A_184 : i32
        %select_n3A_211 = arith.select %and3A, %scan3A_183, %scan3A_185 : i32
        %select_n3A_212 = arith.select %and3A, %reduce_sum3A_205, %scan3A_186 : i32
        %or3A_213 = arith.ori %scan3A_187, %and3A : i1
        scf.yield %add3A_206, %select_n3A, %select_n3A_211, %select_n3A_212, %or3A_213 : i32, i32, i32, i32, i1
      }
      %scan3A_95 = arith.constant 256 : i32
      %add3A_96 = arith.addi %add3A_68, %scan3A_94#2 : i32
      %shift_left3A_97 = arith.constant 8 : i32
      %shift_left3A_98 = arith.shli %or3A, %shift_left3A_97 : i32
      %or3A_99 = arith.ori %shift_left3A_98, %scan3A_94#1 : i32
      %scan3A_100 = arith.constant 0 : i32
      %scan3A_101 = arith.constant 0 : i32
      %scan3A_102 = arith.constant 256 : i32
      %scan3A_103 = arith.addi %scan3A_101, %scan3A_102 : i32
      %scan3A_104 = arith.constant 1 : i32
      %scan3A_105 = scf.for %scan3A_182 = %scan3A_101 to %scan3A_103 step %scan3A_104 iter_args(%scan3A_183 = %scan3A_100) -> (i32)  : i32 {
        %mul3A_184 = arith.constant 16 : i32
        %mul3A_185 = arith.muli %scan3A_182, %mul3A_184 : i32
        %swap3A_186 = arith.index_cast %mul3A_185 : i32 to index
        %swap3A_187 = tpu.vector_load %arg10[%swap3A_186] {strides = array<i32>} : memref<4096xi32, #tpu.memory_space<vmem>>, vector<16xi32>,
        tpu.vector_store %arg10[%swap3A_186], %broadcast_in_dim3A_3 {strides = array<i32>} : memref<4096xi32, #tpu.memory_space<vmem>>, vector<16xi32>,
        %mul3A_188 = arith.constant 16 : i32
        %mul3A_189 = arith.muli %scan3A_182, %mul3A_188 : i32
        %swap3A_190 = arith.index_cast %mul3A_189 : i32 to index
        %swap3A_191 = tpu.vector_load %arg11[%swap3A_190] {strides = array<i32>} : memref<4096xi32, #tpu.memory_space<vmem>>, vector<16xi32>,
        tpu.vector_store %arg11[%swap3A_190], %broadcast_in_dim3A_3 {strides = array<i32>} : memref<4096xi32, #tpu.memory_space<vmem>>, vector<16xi32>,
        %mul3A_192 = arith.constant 16 : i32
        %mul3A_193 = arith.muli %scan3A_182, %mul3A_192 : i32
        %swap3A_194 = arith.index_cast %mul3A_193 : i32 to index
        %swap3A_195 = tpu.vector_load %arg12[%swap3A_194] {strides = array<i32>} : memref<4096xi32, #tpu.memory_space<vmem>>, vector<16xi32>,
        tpu.vector_store %arg12[%swap3A_194], %broadcast_in_dim3A_3 {strides = array<i32>} : memref<4096xi32, #tpu.memory_space<vmem>>, vector<16xi32>,
        %mul3A_196 = arith.constant 16 : i32
        %mul3A_197 = arith.muli %scan3A_182, %mul3A_196 : i32
        %swap3A_198 = arith.index_cast %mul3A_197 : i32 to index
        %swap3A_199 = tpu.vector_load %arg13[%swap3A_198] {strides = array<i32>} : memref<4096xi32, #tpu.memory_space<vmem>>, vector<16xi32>,
        tpu.vector_store %arg13[%swap3A_198], %broadcast_in_dim3A_3 {strides = array<i32>} : memref<4096xi32, #tpu.memory_space<vmem>>, vector<16xi32>,
        %scan3A_200 = arith.constant 0 : i32
        scf.yield %scan3A_200 : i32
      }
      %scan3A_106 = arith.constant 256 : i32
      %convert_element_type3A_107 = arith.extui %le3A_39 : i1 to i32
      %cond3A_108 = arith.constant 0 : i32
      %cond3A_109 = arith.cmpi ne, %convert_element_type3A_107, %cond3A_108 : i32
      scf.if %cond3A_109 {
        %add3A_182 = arith.constant 15 : i32
        %add3A_183 = arith.addi %add3A_38, %add3A_182 : i32
        %shift_right_logical3A = arith.constant 4 : i32
        %shift_right_logical3A_184 = arith.shrui %add3A_183, %shift_right_logical3A : i32
        %while3A = arith.constant 0 : i32
        %while3A_185 = arith.constant 0 : i32
        %while3A_186 = arith.subi %shift_right_logical3A_184, %while3A : i32
        %while3A_187 = arith.addi %while3A, %while3A_186 : i32
        %while3A_188 = arith.constant 1 : i32
        %while3A_189 = arith.divsi %while3A_186, %while3A_188 : i32
        %while3A_190 = arith.muli %while3A_189, %while3A_188 : i32
        %while3A_191 = arith.addi %while3A, %while3A_190 : i32
        %while3A_192 = arith.constant 1 : i32
        %while3A_193 = scf.for %while3A_196 = %while3A to %while3A_191 step %while3A_192 iter_args(%while3A_197 = %while3A_185) -> (i32)  : i32 {
          %mul3A_198 = arith.constant 16 : i32
          %mul3A_199 = arith.muli %while3A_196, %mul3A_198 : i32
          %get3A_200 = arith.index_cast %mul3A_199 : i32 to index
          %get3A_201 = tpu.vector_load %arg14[%get3A_200] {strides = array<i32>} : memref<4112xi32, #tpu.memory_space<vmem>>, vector<16xi32>,
          %mul3A_202 = arith.constant 16 : i32
          %mul3A_203 = arith.muli %while3A_196, %mul3A_202 : i32
          %add3A_204 = vector.broadcast %mul3A_203 : i32 to vector<16xi32>
          %add3A_205 = arith.addi %add3A_204, %iota3A : vector<16xi32>
          %lt3A_206 = vector.broadcast %add3A_38 : i32 to vector<16xi32>
          %lt3A_207 = arith.cmpi slt, %add3A_205, %lt3A_206 : vector<16xi32>
          %shift_right_arithmetic3A = arith.constant 8 : i32
          %shift_right_arithmetic3A_208 = vector.broadcast %shift_right_arithmetic3A : i32 to vector<16xi32>
          %shift_right_arithmetic3A_209 = arith.shrsi %get3A_201, %shift_right_arithmetic3A_208 : vector<16xi32>
          %eq3A = vector.broadcast %or3A_99 : i32 to vector<16xi32>
          %eq3A_210 = arith.cmpi eq, %shift_right_arithmetic3A_209, %eq3A : vector<16xi32>
          %and3A = arith.andi %lt3A_207, %eq3A_210 : vector<16xi1>
          %shift_right_arithmetic3A_211 = arith.constant 0 : i32
          %shift_right_arithmetic3A_212 = vector.broadcast %shift_right_arithmetic3A_211 : i32 to vector<16xi32>
          %shift_right_arithmetic3A_213 = arith.shrsi %get3A_201, %shift_right_arithmetic3A_212 : vector<16xi32>
          %and3A_214 = arith.constant 255 : i32
          %and3A_215 = vector.broadcast %and3A_214 : i32 to vector<16xi32>
          %and3A_216 = arith.andi %shift_right_arithmetic3A_213, %and3A_215 : vector<16xi32>
          %mul3A_217 = arith.constant 16 : i32
          %mul3A_218 = vector.broadcast %mul3A_217 : i32 to vector<16xi32>
          %mul3A_219 = arith.muli %and3A_216, %mul3A_218 : vector<16xi32>
          %add3A_220 = arith.addi %mul3A_219, %iota3A : vector<16xi32>
          %gather3A = tpu.vector_load_idx %arg10[%add3A_220] : memref<4096xi32, #tpu.memory_space<vmem>>[vector<16xi32>], vector<16xi32>,
          %add3A_221 = arith.constant 1 : i32
          %add3A_222 = vector.broadcast %add3A_221 : i32 to vector<16xi32>
          %add3A_223 = arith.addi %gather3A, %add3A_222 : vector<16xi32>
          tpu.vector_store_idx %arg10[%add3A_220], %add3A_223 masked %and3A : memref<4096xi32, #tpu.memory_space<vmem>>[vector<16xi32>], vector<16xi32>, vector<16xi1>
          %while3A_224 = arith.constant 0 : i32
          scf.yield %while3A_224 : i32
        }
        %while3A_194 = arith.constant 1 : i32
        %while3A_195 = scf.for %while3A_196 = %while3A_191 to %while3A_187 step %while3A_194 iter_args(%while3A_197 = %while3A_193) -> (i32)  : i32 {
          %mul3A_198 = arith.constant 16 : i32
          %mul3A_199 = arith.muli %while3A_196, %mul3A_198 : i32
          %get3A_200 = arith.index_cast %mul3A_199 : i32 to index
          %get3A_201 = tpu.vector_load %arg14[%get3A_200] {strides = array<i32>} : memref<4112xi32, #tpu.memory_space<vmem>>, vector<16xi32>,
          %mul3A_202 = arith.constant 16 : i32
          %mul3A_203 = arith.muli %while3A_196, %mul3A_202 : i32
          %add3A_204 = vector.broadcast %mul3A_203 : i32 to vector<16xi32>
          %add3A_205 = arith.addi %add3A_204, %iota3A : vector<16xi32>
          %lt3A_206 = vector.broadcast %add3A_38 : i32 to vector<16xi32>
          %lt3A_207 = arith.cmpi slt, %add3A_205, %lt3A_206 : vector<16xi32>
          %shift_right_arithmetic3A = arith.constant 8 : i32
          %shift_right_arithmetic3A_208 = vector.broadcast %shift_right_arithmetic3A : i32 to vector<16xi32>
          %shift_right_arithmetic3A_209 = arith.shrsi %get3A_201, %shift_right_arithmetic3A_208 : vector<16xi32>
          %eq3A = vector.broadcast %or3A_99 : i32 to vector<16xi32>
          %eq3A_210 = arith.cmpi eq, %shift_right_arithmetic3A_209, %eq3A : vector<16xi32>
          %and3A = arith.andi %lt3A_207, %eq3A_210 : vector<16xi1>
          %shift_right_arithmetic3A_211 = arith.constant 0 : i32
          %shift_right_arithmetic3A_212 = vector.broadcast %shift_right_arithmetic3A_211 : i32 to vector<16xi32>
          %shift_right_arithmetic3A_213 = arith.shrsi %get3A_201, %shift_right_arithmetic3A_212 : vector<16xi32>
          %and3A_214 = arith.constant 255 : i32
          %and3A_215 = vector.broadcast %and3A_214 : i32 to vector<16xi32>
          %and3A_216 = arith.andi %shift_right_arithmetic3A_213, %and3A_215 : vector<16xi32>
          %mul3A_217 = arith.constant 16 : i32
          %mul3A_218 = vector.broadcast %mul3A_217 : i32 to vector<16xi32>
          %mul3A_219 = arith.muli %and3A_216, %mul3A_218 : vector<16xi32>
          %add3A_220 = arith.addi %mul3A_219, %iota3A : vector<16xi32>
          %gather3A = tpu.vector_load_idx %arg10[%add3A_220] : memref<4096xi32, #tpu.memory_space<vmem>>[vector<16xi32>], vector<16xi32>,
          %add3A_221 = arith.constant 1 : i32
          %add3A_222 = vector.broadcast %add3A_221 : i32 to vector<16xi32>
          %add3A_223 = arith.addi %gather3A, %add3A_222 : vector<16xi32>
          tpu.vector_store_idx %arg10[%add3A_220], %add3A_223 masked %and3A : memref<4096xi32, #tpu.memory_space<vmem>>[vector<16xi32>], vector<16xi32>, vector<16xi1>
          %while3A_224 = arith.constant 0 : i32
          scf.yield %while3A_224 : i32
        }
      } else {
      }
      %not3A_110 = arith.constant true
      %not3A_111 = arith.xori %le3A_39, %not3A_110 : i1
      %convert_element_type3A_112 = arith.extui %not3A_111 : i1 to i32
      %cond3A_113 = arith.constant 0 : i32
      %cond3A_114 = arith.cmpi ne, %convert_element_type3A_112, %cond3A_113 : i32
      scf.if %cond3A_114 {
        %scan3A_182 = arith.constant 0 : i32
        %scan3A_183 = arith.constant 0 : i32
        %scan3A_184 = arith.constant 1280 : i32
        %scan3A_185 = arith.addi %scan3A_183, %scan3A_184 : i32
        %scan3A_186 = arith.constant 1 : i32
        %scan3A_187 = scf.for %scan3A_189 = %scan3A_183 to %scan3A_185 step %scan3A_186 iter_args(%scan3A_190 = %scan3A_182) -> (i32)  : i32 {
          %mul3A_191 = arith.constant 64 : i32
          %mul3A_192 = arith.muli %scan3A_189, %mul3A_191 : i32
          %add3A_193 = arith.constant 0 : i32
          %add3A_194 = arith.addi %mul3A_192, %add3A_193 : i32
          %get3A_195 = arith.index_cast %add3A_194 : i32 to index
          %get3A_196 = tpu.vector_load %arg9[%get3A_195] {strides = array<i32>} : memref<81920xf32, #tpu.memory_space<vmem>>, vector<16xf32>,
          %bitcast_convert_type3A = tpu.bitcast %get3A_196 : vector<16xf32> -> vector<16xi32>
          %shift_right_arithmetic3A = arith.constant 31 : i32
          %shift_right_arithmetic3A_197 = vector.broadcast %shift_right_arithmetic3A : i32 to vector<16xi32>
          %shift_right_arithmetic3A_198 = arith.shrsi %bitcast_convert_type3A, %shift_right_arithmetic3A_197 : vector<16xi32>
          %shift_right_logical3A = arith.constant 1 : i32
          %shift_right_logical3A_199 = vector.broadcast %shift_right_logical3A : i32 to vector<16xi32>
          %shift_right_logical3A_200 = arith.shrui %shift_right_arithmetic3A_198, %shift_right_logical3A_199 : vector<16xi32>
          %xor3A = arith.xori %bitcast_convert_type3A, %shift_right_logical3A_200 : vector<16xi32>
          %shift_right_arithmetic3A_201 = arith.constant 0 : i32
          %shift_right_arithmetic3A_202 = vector.broadcast %shift_right_arithmetic3A_201 : i32 to vector<16xi32>
          %shift_right_arithmetic3A_203 = arith.shrsi %xor3A, %shift_right_arithmetic3A_202 : vector<16xi32>
          %and3A = arith.constant 255 : i32
          %and3A_204 = vector.broadcast %and3A : i32 to vector<16xi32>
          %and3A_205 = arith.andi %shift_right_arithmetic3A_203, %and3A_204 : vector<16xi32>
          %shift_right_arithmetic3A_206 = arith.constant 8 : i32
          %shift_right_arithmetic3A_207 = vector.broadcast %shift_right_arithmetic3A_206 : i32 to vector<16xi32>
          %shift_right_arithmetic3A_208 = arith.shrsi %xor3A, %shift_right_arithmetic3A_207 : vector<16xi32>
          %eq3A = vector.broadcast %or3A_99 : i32 to vector<16xi32>
          %eq3A_209 = arith.cmpi eq, %shift_right_arithmetic3A_208, %eq3A : vector<16xi32>
          %mul3A_210 = arith.constant 16 : i32
          %mul3A_211 = vector.broadcast %mul3A_210 : i32 to vector<16xi32>
          %mul3A_212 = arith.muli %and3A_205, %mul3A_211 : vector<16xi32>
          %add3A_213 = arith.addi %mul3A_212, %iota3A : vector<16xi32>
          %gather3A = tpu.vector_load_idx %arg10[%add3A_213] : memref<4096xi32, #tpu.memory_space<vmem>>[vector<16xi32>], vector<16xi32>,
          %add3A_214 = arith.constant 1 : i32
          %add3A_215 = vector.broadcast %add3A_214 : i32 to vector<16xi32>
          %add3A_216 = arith.addi %gather3A, %add3A_215 : vector<16xi32>
          tpu.vector_store_idx %arg10[%add3A_213], %add3A_216 masked %eq3A_209 : memref<4096xi32, #tpu.memory_space<vmem>>[vector<16xi32>], vector<16xi32>, vector<16xi1>
          %mul3A_217 = arith.constant 64 : i32
          %mul3A_218 = arith.muli %scan3A_189, %mul3A_217 : i32
          %add3A_219 = arith.constant 16 : i32
          %add3A_220 = arith.addi %mul3A_218, %add3A_219 : i32
          %get3A_221 = arith.index_cast %add3A_220 : i32 to index
          %get3A_222 = tpu.vector_load %arg9[%get3A_221] {strides = array<i32>} : memref<81920xf32, #tpu.memory_space<vmem>>, vector<16xf32>,
          %bitcast_convert_type3A_223 = tpu.bitcast %get3A_222 : vector<16xf32> -> vector<16xi32>
          %shift_right_arithmetic3A_224 = arith.constant 31 : i32
          %shift_right_arithmetic3A_225 = vector.broadcast %shift_right_arithmetic3A_224 : i32 to vector<16xi32>
          %shift_right_arithmetic3A_226 = arith.shrsi %bitcast_convert_type3A_223, %shift_right_arithmetic3A_225 : vector<16xi32>
          %shift_right_logical3A_227 = arith.constant 1 : i32
          %shift_right_logical3A_228 = vector.broadcast %shift_right_logical3A_227 : i32 to vector<16xi32>
          %shift_right_logical3A_229 = arith.shrui %shift_right_arithmetic3A_226, %shift_right_logical3A_228 : vector<16xi32>
          %xor3A_230 = arith.xori %bitcast_convert_type3A_223, %shift_right_logical3A_229 : vector<16xi32>
          %shift_right_arithmetic3A_231 = arith.constant 0 : i32
          %shift_right_arithmetic3A_232 = vector.broadcast %shift_right_arithmetic3A_231 : i32 to vector<16xi32>
          %shift_right_arithmetic3A_233 = arith.shrsi %xor3A_230, %shift_right_arithmetic3A_232 : vector<16xi32>
          %and3A_234 = arith.constant 255 : i32
          %and3A_235 = vector.broadcast %and3A_234 : i32 to vector<16xi32>
          %and3A_236 = arith.andi %shift_right_arithmetic3A_233, %and3A_235 : vector<16xi32>
          %shift_right_arithmetic3A_237 = arith.constant 8 : i32
          %shift_right_arithmetic3A_238 = vector.broadcast %shift_right_arithmetic3A_237 : i32 to vector<16xi32>
          %shift_right_arithmetic3A_239 = arith.shrsi %xor3A_230, %shift_right_arithmetic3A_238 : vector<16xi32>
          %eq3A_240 = vector.broadcast %or3A_99 : i32 to vector<16xi32>
          %eq3A_241 = arith.cmpi eq, %shift_right_arithmetic3A_239, %eq3A_240 : vector<16xi32>
          %mul3A_242 = arith.constant 16 : i32
          %mul3A_243 = vector.broadcast %mul3A_242 : i32 to vector<16xi32>
          %mul3A_244 = arith.muli %and3A_236, %mul3A_243 : vector<16xi32>
          %add3A_245 = arith.addi %mul3A_244, %iota3A : vector<16xi32>
          %gather3A_246 = tpu.vector_load_idx %arg11[%add3A_245] : memref<4096xi32, #tpu.memory_space<vmem>>[vector<16xi32>], vector<16xi32>,
          %add3A_247 = arith.constant 1 : i32
          %add3A_248 = vector.broadcast %add3A_247 : i32 to vector<16xi32>
          %add3A_249 = arith.addi %gather3A_246, %add3A_248 : vector<16xi32>
          tpu.vector_store_idx %arg11[%add3A_245], %add3A_249 masked %eq3A_241 : memref<4096xi32, #tpu.memory_space<vmem>>[vector<16xi32>], vector<16xi32>, vector<16xi1>
          %mul3A_250 = arith.constant 64 : i32
          %mul3A_251 = arith.muli %scan3A_189, %mul3A_250 : i32
          %add3A_252 = arith.constant 32 : i32
          %add3A_253 = arith.addi %mul3A_251, %add3A_252 : i32
          %get3A_254 = arith.index_cast %add3A_253 : i32 to index
          %get3A_255 = tpu.vector_load %arg9[%get3A_254] {strides = array<i32>} : memref<81920xf32, #tpu.memory_space<vmem>>, vector<16xf32>,
          %bitcast_convert_type3A_256 = tpu.bitcast %get3A_255 : vector<16xf32> -> vector<16xi32>
          %shift_right_arithmetic3A_257 = arith.constant 31 : i32
          %shift_right_arithmetic3A_258 = vector.broadcast %shift_right_arithmetic3A_257 : i32 to vector<16xi32>
          %shift_right_arithmetic3A_259 = arith.shrsi %bitcast_convert_type3A_256, %shift_right_arithmetic3A_258 : vector<16xi32>
          %shift_right_logical3A_260 = arith.constant 1 : i32
          %shift_right_logical3A_261 = vector.broadcast %shift_right_logical3A_260 : i32 to vector<16xi32>
          %shift_right_logical3A_262 = arith.shrui %shift_right_arithmetic3A_259, %shift_right_logical3A_261 : vector<16xi32>
          %xor3A_263 = arith.xori %bitcast_convert_type3A_256, %shift_right_logical3A_262 : vector<16xi32>
          %shift_right_arithmetic3A_264 = arith.constant 0 : i32
          %shift_right_arithmetic3A_265 = vector.broadcast %shift_right_arithmetic3A_264 : i32 to vector<16xi32>
          %shift_right_arithmetic3A_266 = arith.shrsi %xor3A_263, %shift_right_arithmetic3A_265 : vector<16xi32>
          %and3A_267 = arith.constant 255 : i32
          %and3A_268 = vector.broadcast %and3A_267 : i32 to vector<16xi32>
          %and3A_269 = arith.andi %shift_right_arithmetic3A_266, %and3A_268 : vector<16xi32>
          %shift_right_arithmetic3A_270 = arith.constant 8 : i32
          %shift_right_arithmetic3A_271 = vector.broadcast %shift_right_arithmetic3A_270 : i32 to vector<16xi32>
          %shift_right_arithmetic3A_272 = arith.shrsi %xor3A_263, %shift_right_arithmetic3A_271 : vector<16xi32>
          %eq3A_273 = vector.broadcast %or3A_99 : i32 to vector<16xi32>
          %eq3A_274 = arith.cmpi eq, %shift_right_arithmetic3A_272, %eq3A_273 : vector<16xi32>
          %mul3A_275 = arith.constant 16 : i32
          %mul3A_276 = vector.broadcast %mul3A_275 : i32 to vector<16xi32>
          %mul3A_277 = arith.muli %and3A_269, %mul3A_276 : vector<16xi32>
          %add3A_278 = arith.addi %mul3A_277, %iota3A : vector<16xi32>
          %gather3A_279 = tpu.vector_load_idx %arg12[%add3A_278] : memref<4096xi32, #tpu.memory_space<vmem>>[vector<16xi32>], vector<16xi32>,
          %add3A_280 = arith.constant 1 : i32
          %add3A_281 = vector.broadcast %add3A_280 : i32 to vector<16xi32>
          %add3A_282 = arith.addi %gather3A_279, %add3A_281 : vector<16xi32>
          tpu.vector_store_idx %arg12[%add3A_278], %add3A_282 masked %eq3A_274 : memref<4096xi32, #tpu.memory_space<vmem>>[vector<16xi32>], vector<16xi32>, vector<16xi1>
          %mul3A_283 = arith.constant 64 : i32
          %mul3A_284 = arith.muli %scan3A_189, %mul3A_283 : i32
          %add3A_285 = arith.constant 48 : i32
          %add3A_286 = arith.addi %mul3A_284, %add3A_285 : i32
          %get3A_287 = arith.index_cast %add3A_286 : i32 to index
          %get3A_288 = tpu.vector_load %arg9[%get3A_287] {strides = array<i32>} : memref<81920xf32, #tpu.memory_space<vmem>>, vector<16xf32>,
          %bitcast_convert_type3A_289 = tpu.bitcast %get3A_288 : vector<16xf32> -> vector<16xi32>
          %shift_right_arithmetic3A_290 = arith.constant 31 : i32
          %shift_right_arithmetic3A_291 = vector.broadcast %shift_right_arithmetic3A_290 : i32 to vector<16xi32>
          %shift_right_arithmetic3A_292 = arith.shrsi %bitcast_convert_type3A_289, %shift_right_arithmetic3A_291 : vector<16xi32>
          %shift_right_logical3A_293 = arith.constant 1 : i32
          %shift_right_logical3A_294 = vector.broadcast %shift_right_logical3A_293 : i32 to vector<16xi32>
          %shift_right_logical3A_295 = arith.shrui %shift_right_arithmetic3A_292, %shift_right_logical3A_294 : vector<16xi32>
          %xor3A_296 = arith.xori %bitcast_convert_type3A_289, %shift_right_logical3A_295 : vector<16xi32>
          %shift_right_arithmetic3A_297 = arith.constant 0 : i32
          %shift_right_arithmetic3A_298 = vector.broadcast %shift_right_arithmetic3A_297 : i32 to vector<16xi32>
          %shift_right_arithmetic3A_299 = arith.shrsi %xor3A_296, %shift_right_arithmetic3A_298 : vector<16xi32>
          %and3A_300 = arith.constant 255 : i32
          %and3A_301 = vector.broadcast %and3A_300 : i32 to vector<16xi32>
          %and3A_302 = arith.andi %shift_right_arithmetic3A_299, %and3A_301 : vector<16xi32>
          %shift_right_arithmetic3A_303 = arith.constant 8 : i32
          %shift_right_arithmetic3A_304 = vector.broadcast %shift_right_arithmetic3A_303 : i32 to vector<16xi32>
          %shift_right_arithmetic3A_305 = arith.shrsi %xor3A_296, %shift_right_arithmetic3A_304 : vector<16xi32>
          %eq3A_306 = vector.broadcast %or3A_99 : i32 to vector<16xi32>
          %eq3A_307 = arith.cmpi eq, %shift_right_arithmetic3A_305, %eq3A_306 : vector<16xi32>
          %mul3A_308 = arith.constant 16 : i32
          %mul3A_309 = vector.broadcast %mul3A_308 : i32 to vector<16xi32>
          %mul3A_310 = arith.muli %and3A_302, %mul3A_309 : vector<16xi32>
          %add3A_311 = arith.addi %mul3A_310, %iota3A : vector<16xi32>
          %gather3A_312 = tpu.vector_load_idx %arg13[%add3A_311] : memref<4096xi32, #tpu.memory_space<vmem>>[vector<16xi32>], vector<16xi32>,
          %add3A_313 = arith.constant 1 : i32
          %add3A_314 = vector.broadcast %add3A_313 : i32 to vector<16xi32>
          %add3A_315 = arith.addi %gather3A_312, %add3A_314 : vector<16xi32>
          tpu.vector_store_idx %arg13[%add3A_311], %add3A_315 masked %eq3A_307 : memref<4096xi32, #tpu.memory_space<vmem>>[vector<16xi32>], vector<16xi32>, vector<16xi1>
          %scan3A_316 = arith.constant 0 : i32
          scf.yield %scan3A_316 : i32
        }
        %scan3A_188 = arith.constant 1280 : i32
      } else {
      }
      %scan3A_115 = arith.constant 0 : i32
      %scan3A_116 = arith.constant 0 : i32
      %scan3A_117 = arith.constant 0 : i32
      %scan3A_118 = arith.constant 0 : i32
      %scan3A_119 = arith.constant false
      %scan3A_120 = arith.constant 0 : i32
      %scan3A_121 = arith.constant 256 : i32
      %scan3A_122 = arith.addi %scan3A_120, %scan3A_121 : i32
      %scan3A_123 = arith.constant 1 : i32
      %scan3A_124:5 = scf.for %scan3A_182 = %scan3A_120 to %scan3A_122 step %scan3A_123 iter_args(%scan3A_183 = %scan3A_115, %scan3A_184 = %scan3A_116, %scan3A_185 = %scan3A_117, %scan3A_186 = %scan3A_118, %scan3A_187 = %scan3A_119) -> (i32, i32, i32, i32, i1)  : i32 {
        %sub3A_188 = arith.constant 255 : i32
        %sub3A_189 = arith.subi %sub3A_188, %scan3A_182 : i32
        %mul3A_190 = arith.constant 16 : i32
        %mul3A_191 = arith.muli %sub3A_189, %mul3A_190 : i32
        %get3A_192 = arith.index_cast %mul3A_191 : i32 to index
        %get3A_193 = tpu.vector_load %arg10[%get3A_192] {strides = array<i32>} : memref<4096xi32, #tpu.memory_space<vmem>>, vector<16xi32>,
        %get3A_194 = arith.index_cast %mul3A_191 : i32 to index
        %get3A_195 = tpu.vector_load %arg11[%get3A_194] {strides = array<i32>} : memref<4096xi32, #tpu.memory_space<vmem>>, vector<16xi32>,
        %add3A_196 = arith.addi %get3A_193, %get3A_195 : vector<16xi32>
        %get3A_197 = arith.index_cast %mul3A_191 : i32 to index
        %get3A_198 = tpu.vector_load %arg12[%get3A_197] {strides = array<i32>} : memref<4096xi32, #tpu.memory_space<vmem>>, vector<16xi32>,
        %add3A_199 = arith.addi %add3A_196, %get3A_198 : vector<16xi32>
        %get3A_200 = arith.index_cast %mul3A_191 : i32 to index
        %get3A_201 = tpu.vector_load %arg13[%get3A_200] {strides = array<i32>} : memref<4096xi32, #tpu.memory_space<vmem>>, vector<16xi32>,
        %add3A_202 = arith.addi %add3A_199, %get3A_201 : vector<16xi32>
        %reduce_sum3A = arith.constant true
        %reduce_sum3A_203 = vector.broadcast %reduce_sum3A : i1 to vector<16xi1>
        %reduce_sum3A_204 = tpu.scan <sum>, %add3A_202 masked %reduce_sum3A_203 : vector<16xi32>, vector<16xi1> -> vector<16xi32>
        %reduce_sum3A_205 = vector.extract %reduce_sum3A_204[15] : i32 from vector<16xi32>
        %add3A_206 = arith.addi %scan3A_183, %reduce_sum3A_205 : i32
        %not3A_207 = arith.constant true
        %not3A_208 = arith.xori %scan3A_187, %not3A_207 : i1
        %add3A_209 = arith.addi %add3A_96, %add3A_206 : i32
        %ge3A = arith.constant 300 : i32
        %ge3A_210 = arith.cmpi sge, %add3A_209, %ge3A : i32
        %and3A = arith.andi %not3A_208, %ge3A_210 : i1
        %select_n3A = arith.select %and3A, %sub3A_189, %scan3A_184 : i32
        %select_n3A_211 = arith.select %and3A, %scan3A_183, %scan3A_185 : i32
        %select_n3A_212 = arith.select %and3A, %reduce_sum3A_205, %scan3A_186 : i32
        %or3A_213 = arith.ori %scan3A_187, %and3A : i1
        scf.yield %add3A_206, %select_n3A, %select_n3A_211, %select_n3A_212, %or3A_213 : i32, i32, i32, i32, i1
      }
      %scan3A_125 = arith.constant 256 : i32
      %add3A_126 = arith.addi %add3A_96, %scan3A_124#2 : i32
      %shift_left3A_127 = arith.constant 8 : i32
      %shift_left3A_128 = arith.shli %or3A_99, %shift_left3A_127 : i32
      %or3A_129 = arith.ori %shift_left3A_128, %scan3A_124#1 : i32
      %scan3A_130 = arith.constant 0 : i32
      %scan3A_131 = arith.constant 0 : i32
      %scan3A_132 = arith.constant 20 : i32
      %scan3A_133 = arith.addi %scan3A_131, %scan3A_132 : i32
      %scan3A_134 = arith.constant 1 : i32
      %scan3A_135 = scf.for %scan3A_182 = %scan3A_131 to %scan3A_133 step %scan3A_134 iter_args(%scan3A_183 = %scan3A_130) -> (i32)  : i32 {
        %broadcast_in_dim3A_184 = arith.constant -2147483648 : i32
        %broadcast_in_dim3A_185 = vector.broadcast %broadcast_in_dim3A_184 : i32 to vector<16xi32>
        %mul3A_186 = arith.constant 16 : i32
        %mul3A_187 = arith.muli %scan3A_182, %mul3A_186 : i32
        %swap3A_188 = arith.index_cast %mul3A_187 : i32 to index
        %swap3A_189 = tpu.vector_load %arg16[%swap3A_188] {strides = array<i32>} : memref<320xi32, #tpu.memory_space<vmem>>, vector<16xi32>,
        tpu.vector_store %arg16[%swap3A_188], %broadcast_in_dim3A_185 {strides = array<i32>} : memref<320xi32, #tpu.memory_space<vmem>>, vector<16xi32>,
        %scan3A_190 = arith.constant 0 : i32
        scf.yield %scan3A_190 : i32
      }
      %scan3A_136 = arith.constant 20 : i32
      %convert_element_type3A_137 = arith.extui %le3A_39 : i1 to i32
      %cond3A_138 = arith.constant 0 : i32
      %cond3A_139 = arith.cmpi ne, %convert_element_type3A_137, %cond3A_138 : i32
      scf.if %cond3A_139 {
        %add3A_182 = arith.constant 15 : i32
        %add3A_183 = arith.addi %add3A_38, %add3A_182 : i32
        %shift_right_logical3A = arith.constant 4 : i32
        %shift_right_logical3A_184 = arith.shrui %add3A_183, %shift_right_logical3A : i32
        %while3A = arith.constant 0 : i32
        %while3A_185 = arith.constant 0 : i32
        %while3A_186 = arith.constant 0 : i32
        %while3A_187 = arith.subi %shift_right_logical3A_184, %while3A : i32
        %while3A_188 = arith.addi %while3A, %while3A_187 : i32
        %while3A_189 = arith.constant 1 : i32
        %while3A_190 = arith.divsi %while3A_187, %while3A_189 : i32
        %while3A_191 = arith.muli %while3A_190, %while3A_189 : i32
        %while3A_192 = arith.addi %while3A, %while3A_191 : i32
        %while3A_193 = arith.constant 1 : i32
        %while3A_194:2 = scf.for %while3A_197 = %while3A to %while3A_192 step %while3A_193 iter_args(%while3A_198 = %while3A_185, %while3A_199 = %while3A_186) -> (i32, i32)  : i32 {
          %mul3A_200 = arith.constant 16 : i32
          %mul3A_201 = arith.muli %while3A_197, %mul3A_200 : i32
          %get3A_202 = arith.index_cast %mul3A_201 : i32 to index
          %get3A_203 = tpu.vector_load %arg14[%get3A_202] {strides = array<i32>} : memref<4112xi32, #tpu.memory_space<vmem>>, vector<16xi32>,
          %mul3A_204 = arith.constant 16 : i32
          %mul3A_205 = arith.muli %while3A_197, %mul3A_204 : i32
          %get3A_206 = arith.index_cast %mul3A_205 : i32 to index
          %get3A_207 = tpu.vector_load %arg15[%get3A_206] {strides = array<i32>} : memref<4112xi32, #tpu.memory_space<vmem>>, vector<16xi32>,
          %mul3A_208 = arith.constant 16 : i32
          %mul3A_209 = arith.muli %while3A_197, %mul3A_208 : i32
          %add3A_210 = vector.broadcast %mul3A_209 : i32 to vector<16xi32>
          %add3A_211 = arith.addi %add3A_210, %iota3A : vector<16xi32>
          %lt3A_212 = vector.broadcast %add3A_38 : i32 to vector<16xi32>
          %lt3A_213 = arith.cmpi slt, %add3A_211, %lt3A_212 : vector<16xi32>
          %gt3A = vector.broadcast %or3A_129 : i32 to vector<16xi32>
          %gt3A_214 = arith.cmpi sgt, %get3A_203, %gt3A : vector<16xi32>
          %and3A = arith.andi %lt3A_213, %gt3A_214 : vector<16xi1>
          %eq3A = vector.broadcast %or3A_129 : i32 to vector<16xi32>
          %eq3A_215 = arith.cmpi eq, %get3A_203, %eq3A : vector<16xi32>
          %and3A_216 = arith.andi %lt3A_213, %eq3A_215 : vector<16xi1>
          %all_reduce_population_count3A = tpu.all_reduce %and3A {dim = 0 : i64, kind = #tpu.reduction_kind<sum>} : vector<16xi1> -> vector<16xi32>
          %slice3A_217 = vector.extract_strided_slice %all_reduce_population_count3A {offsets = [0], sizes = [1], strides = [1]} : vector<16xi32> to vector<1xi32>
          %squeeze3A_218 = vector.extract %slice3A_217[0] : i32 from vector<1xi32>
          %gt3A_219 = arith.constant 0 : i32
          %gt3A_220 = arith.cmpi sgt, %squeeze3A_218, %gt3A_219 : i32
          %convert_element_type3A_221 = arith.extui %gt3A_220 : i1 to i32
          %cond3A_222 = arith.constant 0 : i32
          %cond3A_223 = arith.cmpi ne, %convert_element_type3A_221, %cond3A_222 : i32
          scf.if %cond3A_223 {
            %swap3A_239 = arith.index_cast %while3A_198 : i32 to index
            %swap3A_240 = tpu.vector_load %arg16[%swap3A_239] masked %and3A {strides = array<i32>} : memref<320xi32, #tpu.memory_space<vmem>>, vector<16xi32>, vector<16xi1>
            tpu.vector_store %arg16[%swap3A_239], %get3A_203 masked %and3A {strides = array<i32>} : memref<320xi32, #tpu.memory_space<vmem>>, vector<16xi32>, vector<16xi1>
            %swap3A_241 = arith.index_cast %while3A_198 : i32 to index
            %swap3A_242 = tpu.vector_load %arg17[%swap3A_241] masked %and3A {strides = array<i32>} : memref<320xi32, #tpu.memory_space<vmem>>, vector<16xi32>, vector<16xi1>
            tpu.vector_store %arg17[%swap3A_241], %get3A_207 masked %and3A {strides = array<i32>} : memref<320xi32, #tpu.memory_space<vmem>>, vector<16xi32>, vector<16xi1>
          } else {
          }
          %all_reduce_population_count3A_224 = tpu.all_reduce %and3A_216 {dim = 0 : i64, kind = #tpu.reduction_kind<sum>} : vector<16xi1> -> vector<16xi32>
          %slice3A_225 = vector.extract_strided_slice %all_reduce_population_count3A_224 {offsets = [0], sizes = [1], strides = [1]} : vector<16xi32> to vector<1xi32>
          %squeeze3A_226 = vector.extract %slice3A_225[0] : i32 from vector<1xi32>
          %gt3A_227 = arith.constant 0 : i32
          %gt3A_228 = arith.cmpi sgt, %squeeze3A_226, %gt3A_227 : i32
          %lt3A_229 = arith.constant 300 : i32
          %lt3A_230 = arith.cmpi slt, %while3A_199, %lt3A_229 : i32
          %and3A_231 = arith.andi %gt3A_228, %lt3A_230 : i1
          %convert_element_type3A_232 = arith.extui %and3A_231 : i1 to i32
          %cond3A_233 = arith.constant 0 : i32
          %cond3A_234 = arith.cmpi ne, %convert_element_type3A_232, %cond3A_233 : i32
          scf.if %cond3A_234 {
            %swap3A_239 = arith.index_cast %while3A_199 : i32 to index
            %swap3A_240 = tpu.vector_load %arg18[%swap3A_239] masked %and3A_216 {strides = array<i32>} : memref<320xi32, #tpu.memory_space<vmem>>, vector<16xi32>, vector<16xi1>
            tpu.vector_store %arg18[%swap3A_239], %get3A_207 masked %and3A_216 {strides = array<i32>} : memref<320xi32, #tpu.memory_space<vmem>>, vector<16xi32>, vector<16xi1>
          } else {
          }
          %add3A_235 = arith.addi %while3A_198, %squeeze3A_218 : i32
          %lt3A_236 = arith.constant 300 : i32
          %lt3A_237 = arith.cmpi slt, %while3A_199, %lt3A_236 : i32
          %add3A_238 = arith.addi %while3A_199, %squeeze3A_226 : i32
          %select_n3A = arith.select %lt3A_237, %add3A_238, %while3A_199 : i32
          scf.yield %add3A_235, %select_n3A : i32, i32
        }
        %while3A_195 = arith.constant 1 : i32
        %while3A_196:2 = scf.for %while3A_197 = %while3A_192 to %while3A_188 step %while3A_195 iter_args(%while3A_198 = %while3A_194#0, %while3A_199 = %while3A_194#1) -> (i32, i32)  : i32 {
          %mul3A_200 = arith.constant 16 : i32
          %mul3A_201 = arith.muli %while3A_197, %mul3A_200 : i32
          %get3A_202 = arith.index_cast %mul3A_201 : i32 to index
          %get3A_203 = tpu.vector_load %arg14[%get3A_202] {strides = array<i32>} : memref<4112xi32, #tpu.memory_space<vmem>>, vector<16xi32>,
          %mul3A_204 = arith.constant 16 : i32
          %mul3A_205 = arith.muli %while3A_197, %mul3A_204 : i32
          %get3A_206 = arith.index_cast %mul3A_205 : i32 to index
          %get3A_207 = tpu.vector_load %arg15[%get3A_206] {strides = array<i32>} : memref<4112xi32, #tpu.memory_space<vmem>>, vector<16xi32>,
          %mul3A_208 = arith.constant 16 : i32
          %mul3A_209 = arith.muli %while3A_197, %mul3A_208 : i32
          %add3A_210 = vector.broadcast %mul3A_209 : i32 to vector<16xi32>
          %add3A_211 = arith.addi %add3A_210, %iota3A : vector<16xi32>
          %lt3A_212 = vector.broadcast %add3A_38 : i32 to vector<16xi32>
          %lt3A_213 = arith.cmpi slt, %add3A_211, %lt3A_212 : vector<16xi32>
          %gt3A = vector.broadcast %or3A_129 : i32 to vector<16xi32>
          %gt3A_214 = arith.cmpi sgt, %get3A_203, %gt3A : vector<16xi32>
          %and3A = arith.andi %lt3A_213, %gt3A_214 : vector<16xi1>
          %eq3A = vector.broadcast %or3A_129 : i32 to vector<16xi32>
          %eq3A_215 = arith.cmpi eq, %get3A_203, %eq3A : vector<16xi32>
          %and3A_216 = arith.andi %lt3A_213, %eq3A_215 : vector<16xi1>
          %all_reduce_population_count3A = tpu.all_reduce %and3A {dim = 0 : i64, kind = #tpu.reduction_kind<sum>} : vector<16xi1> -> vector<16xi32>
          %slice3A_217 = vector.extract_strided_slice %all_reduce_population_count3A {offsets = [0], sizes = [1], strides = [1]} : vector<16xi32> to vector<1xi32>
          %squeeze3A_218 = vector.extract %slice3A_217[0] : i32 from vector<1xi32>
          %gt3A_219 = arith.constant 0 : i32
          %gt3A_220 = arith.cmpi sgt, %squeeze3A_218, %gt3A_219 : i32
          %convert_element_type3A_221 = arith.extui %gt3A_220 : i1 to i32
          %cond3A_222 = arith.constant 0 : i32
          %cond3A_223 = arith.cmpi ne, %convert_element_type3A_221, %cond3A_222 : i32
          scf.if %cond3A_223 {
            %swap3A_239 = arith.index_cast %while3A_198 : i32 to index
            %swap3A_240 = tpu.vector_load %arg16[%swap3A_239] masked %and3A {strides = array<i32>} : memref<320xi32, #tpu.memory_space<vmem>>, vector<16xi32>, vector<16xi1>
            tpu.vector_store %arg16[%swap3A_239], %get3A_203 masked %and3A {strides = array<i32>} : memref<320xi32, #tpu.memory_space<vmem>>, vector<16xi32>, vector<16xi1>
            %swap3A_241 = arith.index_cast %while3A_198 : i32 to index
            %swap3A_242 = tpu.vector_load %arg17[%swap3A_241] masked %and3A {strides = array<i32>} : memref<320xi32, #tpu.memory_space<vmem>>, vector<16xi32>, vector<16xi1>
            tpu.vector_store %arg17[%swap3A_241], %get3A_207 masked %and3A {strides = array<i32>} : memref<320xi32, #tpu.memory_space<vmem>>, vector<16xi32>, vector<16xi1>
          } else {
          }
          %all_reduce_population_count3A_224 = tpu.all_reduce %and3A_216 {dim = 0 : i64, kind = #tpu.reduction_kind<sum>} : vector<16xi1> -> vector<16xi32>
          %slice3A_225 = vector.extract_strided_slice %all_reduce_population_count3A_224 {offsets = [0], sizes = [1], strides = [1]} : vector<16xi32> to vector<1xi32>
          %squeeze3A_226 = vector.extract %slice3A_225[0] : i32 from vector<1xi32>
          %gt3A_227 = arith.constant 0 : i32
          %gt3A_228 = arith.cmpi sgt, %squeeze3A_226, %gt3A_227 : i32
          %lt3A_229 = arith.constant 300 : i32
          %lt3A_230 = arith.cmpi slt, %while3A_199, %lt3A_229 : i32
          %and3A_231 = arith.andi %gt3A_228, %lt3A_230 : i1
          %convert_element_type3A_232 = arith.extui %and3A_231 : i1 to i32
          %cond3A_233 = arith.constant 0 : i32
          %cond3A_234 = arith.cmpi ne, %convert_element_type3A_232, %cond3A_233 : i32
          scf.if %cond3A_234 {
            %swap3A_239 = arith.index_cast %while3A_199 : i32 to index
            %swap3A_240 = tpu.vector_load %arg18[%swap3A_239] masked %and3A_216 {strides = array<i32>} : memref<320xi32, #tpu.memory_space<vmem>>, vector<16xi32>, vector<16xi1>
            tpu.vector_store %arg18[%swap3A_239], %get3A_207 masked %and3A_216 {strides = array<i32>} : memref<320xi32, #tpu.memory_space<vmem>>, vector<16xi32>, vector<16xi1>
          } else {
          }
          %add3A_235 = arith.addi %while3A_198, %squeeze3A_218 : i32
          %lt3A_236 = arith.constant 300 : i32
          %lt3A_237 = arith.cmpi slt, %while3A_199, %lt3A_236 : i32
          %add3A_238 = arith.addi %while3A_199, %squeeze3A_226 : i32
          %select_n3A = arith.select %lt3A_237, %add3A_238, %while3A_199 : i32
          scf.yield %add3A_235, %select_n3A : i32, i32
        }
      } else {
      }
      %not3A_140 = arith.constant true
      %not3A_141 = arith.xori %le3A_39, %not3A_140 : i1
      %convert_element_type3A_142 = arith.extui %not3A_141 : i1 to i32
      %cond3A_143 = arith.constant 0 : i32
      %cond3A_144 = arith.cmpi ne, %convert_element_type3A_142, %cond3A_143 : i32
      scf.if %cond3A_144 {
        %scan3A_182 = arith.constant 0 : i32
        %scan3A_183 = arith.constant 0 : i32
        %scan3A_184 = arith.constant 0 : i32
        %scan3A_185 = arith.constant 5120 : i32
        %scan3A_186 = arith.addi %scan3A_184, %scan3A_185 : i32
        %scan3A_187 = arith.constant 1 : i32
        %scan3A_188:2 = scf.for %scan3A_190 = %scan3A_184 to %scan3A_186 step %scan3A_187 iter_args(%scan3A_191 = %scan3A_182, %scan3A_192 = %scan3A_183) -> (i32, i32)  : i32 {
          %mul3A_193 = arith.constant 16 : i32
          %mul3A_194 = arith.muli %scan3A_190, %mul3A_193 : i32
          %get3A_195 = arith.index_cast %mul3A_194 : i32 to index
          %get3A_196 = tpu.vector_load %arg9[%get3A_195] {strides = array<i32>} : memref<81920xf32, #tpu.memory_space<vmem>>, vector<16xf32>,
          %bitcast_convert_type3A = tpu.bitcast %get3A_196 : vector<16xf32> -> vector<16xi32>
          %shift_right_arithmetic3A = arith.constant 31 : i32
          %shift_right_arithmetic3A_197 = vector.broadcast %shift_right_arithmetic3A : i32 to vector<16xi32>
          %shift_right_arithmetic3A_198 = arith.shrsi %bitcast_convert_type3A, %shift_right_arithmetic3A_197 : vector<16xi32>
          %shift_right_logical3A = arith.constant 1 : i32
          %shift_right_logical3A_199 = vector.broadcast %shift_right_logical3A : i32 to vector<16xi32>
          %shift_right_logical3A_200 = arith.shrui %shift_right_arithmetic3A_198, %shift_right_logical3A_199 : vector<16xi32>
          %xor3A = arith.xori %bitcast_convert_type3A, %shift_right_logical3A_200 : vector<16xi32>
          %mul3A_201 = arith.constant 16 : i32
          %mul3A_202 = arith.muli %scan3A_190, %mul3A_201 : i32
          %add3A_203 = vector.broadcast %mul3A_202 : i32 to vector<16xi32>
          %add3A_204 = arith.addi %add3A_203, %iota3A : vector<16xi32>
          %gt3A = vector.broadcast %or3A_129 : i32 to vector<16xi32>
          %gt3A_205 = arith.cmpi sgt, %xor3A, %gt3A : vector<16xi32>
          %eq3A = vector.broadcast %or3A_129 : i32 to vector<16xi32>
          %eq3A_206 = arith.cmpi eq, %xor3A, %eq3A : vector<16xi32>
          %all_reduce_population_count3A = tpu.all_reduce %gt3A_205 {dim = 0 : i64, kind = #tpu.reduction_kind<sum>} : vector<16xi1> -> vector<16xi32>
          %slice3A_207 = vector.extract_strided_slice %all_reduce_population_count3A {offsets = [0], sizes = [1], strides = [1]} : vector<16xi32> to vector<1xi32>
          %squeeze3A_208 = vector.extract %slice3A_207[0] : i32 from vector<1xi32>
          %gt3A_209 = arith.constant 0 : i32
          %gt3A_210 = arith.cmpi sgt, %squeeze3A_208, %gt3A_209 : i32
          %convert_element_type3A_211 = arith.extui %gt3A_210 : i1 to i32
          %cond3A_212 = arith.constant 0 : i32
          %cond3A_213 = arith.cmpi ne, %convert_element_type3A_211, %cond3A_212 : i32
          scf.if %cond3A_213 {
            %swap3A_228 = arith.index_cast %scan3A_191 : i32 to index
            %swap3A_229 = tpu.vector_load %arg16[%swap3A_228] masked %gt3A_205 {strides = array<i32>} : memref<320xi32, #tpu.memory_space<vmem>>, vector<16xi32>, vector<16xi1>
            tpu.vector_store %arg16[%swap3A_228], %xor3A masked %gt3A_205 {strides = array<i32>} : memref<320xi32, #tpu.memory_space<vmem>>, vector<16xi32>, vector<16xi1>
            %swap3A_230 = arith.index_cast %scan3A_191 : i32 to index
            %swap3A_231 = tpu.vector_load %arg17[%swap3A_230] masked %gt3A_205 {strides = array<i32>} : memref<320xi32, #tpu.memory_space<vmem>>, vector<16xi32>, vector<16xi1>
            tpu.vector_store %arg17[%swap3A_230], %add3A_204 masked %gt3A_205 {strides = array<i32>} : memref<320xi32, #tpu.memory_space<vmem>>, vector<16xi32>, vector<16xi1>
          } else {
          }
          %all_reduce_population_count3A_214 = tpu.all_reduce %eq3A_206 {dim = 0 : i64, kind = #tpu.reduction_kind<sum>} : vector<16xi1> -> vector<16xi32>
          %slice3A_215 = vector.extract_strided_slice %all_reduce_population_count3A_214 {offsets = [0], sizes = [1], strides = [1]} : vector<16xi32> to vector<1xi32>
          %squeeze3A_216 = vector.extract %slice3A_215[0] : i32 from vector<1xi32>
          %gt3A_217 = arith.constant 0 : i32
          %gt3A_218 = arith.cmpi sgt, %squeeze3A_216, %gt3A_217 : i32
          %lt3A_219 = arith.constant 300 : i32
          %lt3A_220 = arith.cmpi slt, %scan3A_192, %lt3A_219 : i32
          %and3A = arith.andi %gt3A_218, %lt3A_220 : i1
          %convert_element_type3A_221 = arith.extui %and3A : i1 to i32
          %cond3A_222 = arith.constant 0 : i32
          %cond3A_223 = arith.cmpi ne, %convert_element_type3A_221, %cond3A_222 : i32
          scf.if %cond3A_223 {
            %swap3A_228 = arith.index_cast %scan3A_192 : i32 to index
            %swap3A_229 = tpu.vector_load %arg18[%swap3A_228] masked %eq3A_206 {strides = array<i32>} : memref<320xi32, #tpu.memory_space<vmem>>, vector<16xi32>, vector<16xi1>
            tpu.vector_store %arg18[%swap3A_228], %add3A_204 masked %eq3A_206 {strides = array<i32>} : memref<320xi32, #tpu.memory_space<vmem>>, vector<16xi32>, vector<16xi1>
          } else {
          }
          %add3A_224 = arith.addi %scan3A_191, %squeeze3A_208 : i32
          %lt3A_225 = arith.constant 300 : i32
          %lt3A_226 = arith.cmpi slt, %scan3A_192, %lt3A_225 : i32
          %add3A_227 = arith.addi %scan3A_192, %squeeze3A_216 : i32
          %select_n3A = arith.select %lt3A_226, %add3A_227, %scan3A_192 : i32
          scf.yield %add3A_224, %select_n3A : i32, i32
        }
        %scan3A_189 = arith.constant 5120 : i32
      } else {
      }
      %swap3A = arith.constant 288 : index
      %swap3A_145 = tpu.vector_load %arg21[%swap3A] {strides = array<i32>} : memref<304xi32, #tpu.memory_space<vmem>>, vector<16xi32>,
      tpu.vector_store %arg21[%swap3A], %broadcast_in_dim3A_3 {strides = array<i32>} : memref<304xi32, #tpu.memory_space<vmem>>, vector<16xi32>,
      %swap3A_146 = arith.constant 288 : index
      %swap3A_147 = tpu.vector_load %arg20[%swap3A_146] {strides = array<i32>} : memref<304xi32, #tpu.memory_space<vmem>>, vector<16xi32>,
      tpu.vector_store %arg20[%swap3A_146], %broadcast_in_dim3A_3 {strides = array<i32>} : memref<304xi32, #tpu.memory_space<vmem>>, vector<16xi32>,
      %scan3A_148 = arith.constant 0 : i32
      %scan3A_149 = arith.constant 0 : i32
      %scan3A_150 = arith.constant 300 : i32
      %scan3A_151 = arith.addi %scan3A_149, %scan3A_150 : i32
      %scan3A_152 = arith.constant 1 : i32
      %scan3A_153 = scf.for %scan3A_182 = %scan3A_149 to %scan3A_151 step %scan3A_152 iter_args(%scan3A_183 = %scan3A_148) -> (i32)  : i32 {
        %lt3A_184 = arith.cmpi slt, %scan3A_182, %add3A_126 : i32
        %convert_element_type3A_185 = arith.extui %lt3A_184 : i1 to i32
        %cond3A_186 = arith.constant 0 : i32
        %cond3A_187 = arith.cmpi ne, %convert_element_type3A_185, %cond3A_186 : i32
        scf.if %cond3A_187 {
          %get3A_194 = arith.constant 0 : index
          %get3A_195 = tpu.vector_load %arg16[%get3A_194] {strides = array<i32>} : memref<320xi32, #tpu.memory_space<vmem>>, vector<16xi32>,
          %get3A_196 = arith.constant 16 : index
          %get3A_197 = tpu.vector_load %arg16[%get3A_196] {strides = array<i32>} : memref<320xi32, #tpu.memory_space<vmem>>, vector<16xi32>,
          %max3A = arith.maxsi %get3A_195, %get3A_197 : vector<16xi32>
          %get3A_198 = arith.constant 32 : index
          %get3A_199 = tpu.vector_load %arg16[%get3A_198] {strides = array<i32>} : memref<320xi32, #tpu.memory_space<vmem>>, vector<16xi32>,
          %max3A_200 = arith.maxsi %max3A, %get3A_199 : vector<16xi32>
          %get3A_201 = arith.constant 48 : index
          %get3A_202 = tpu.vector_load %arg16[%get3A_201] {strides = array<i32>} : memref<320xi32, #tpu.memory_space<vmem>>, vector<16xi32>,
          %max3A_203 = arith.maxsi %max3A_200, %get3A_202 : vector<16xi32>
          %get3A_204 = arith.constant 64 : index
          %get3A_205 = tpu.vector_load %arg16[%get3A_204] {strides = array<i32>} : memref<320xi32, #tpu.memory_space<vmem>>, vector<16xi32>,
          %max3A_206 = arith.maxsi %max3A_203, %get3A_205 : vector<16xi32>
          %get3A_207 = arith.constant 80 : index
          %get3A_208 = tpu.vector_load %arg16[%get3A_207] {strides = array<i32>} : memref<320xi32, #tpu.memory_space<vmem>>, vector<16xi32>,
          %max3A_209 = arith.maxsi %max3A_206, %get3A_208 : vector<16xi32>
          %get3A_210 = arith.constant 96 : index
          %get3A_211 = tpu.vector_load %arg16[%get3A_210] {strides = array<i32>} : memref<320xi32, #tpu.memory_space<vmem>>, vector<16xi32>,
          %max3A_212 = arith.maxsi %max3A_209, %get3A_211 : vector<16xi32>
          %get3A_213 = arith.constant 112 : index
          %get3A_214 = tpu.vector_load %arg16[%get3A_213] {strides = array<i32>} : memref<320xi32, #tpu.memory_space<vmem>>, vector<16xi32>,
          %max3A_215 = arith.maxsi %max3A_212, %get3A_214 : vector<16xi32>
          %get3A_216 = arith.constant 128 : index
          %get3A_217 = tpu.vector_load %arg16[%get3A_216] {strides = array<i32>} : memref<320xi32, #tpu.memory_space<vmem>>, vector<16xi32>,
          %max3A_218 = arith.maxsi %max3A_215, %get3A_217 : vector<16xi32>
          %get3A_219 = arith.constant 144 : index
          %get3A_220 = tpu.vector_load %arg16[%get3A_219] {strides = array<i32>} : memref<320xi32, #tpu.memory_space<vmem>>, vector<16xi32>,
          %max3A_221 = arith.maxsi %max3A_218, %get3A_220 : vector<16xi32>
          %get3A_222 = arith.constant 160 : index
          %get3A_223 = tpu.vector_load %arg16[%get3A_222] {strides = array<i32>} : memref<320xi32, #tpu.memory_space<vmem>>, vector<16xi32>,
          %max3A_224 = arith.maxsi %max3A_221, %get3A_223 : vector<16xi32>
          %get3A_225 = arith.constant 176 : index
          %get3A_226 = tpu.vector_load %arg16[%get3A_225] {strides = array<i32>} : memref<320xi32, #tpu.memory_space<vmem>>, vector<16xi32>,
          %max3A_227 = arith.maxsi %max3A_224, %get3A_226 : vector<16xi32>
          %get3A_228 = arith.constant 192 : index
          %get3A_229 = tpu.vector_load %arg16[%get3A_228] {strides = array<i32>} : memref<320xi32, #tpu.memory_space<vmem>>, vector<16xi32>,
          %max3A_230 = arith.maxsi %max3A_227, %get3A_229 : vector<16xi32>
          %get3A_231 = arith.constant 208 : index
          %get3A_232 = tpu.vector_load %arg16[%get3A_231] {strides = array<i32>} : memref<320xi32, #tpu.memory_space<vmem>>, vector<16xi32>,
          %max3A_233 = arith.maxsi %max3A_230, %get3A_232 : vector<16xi32>
          %get3A_234 = arith.constant 224 : index
          %get3A_235 = tpu.vector_load %arg16[%get3A_234] {strides = array<i32>} : memref<320xi32, #tpu.memory_space<vmem>>, vector<16xi32>,
          %max3A_236 = arith.maxsi %max3A_233, %get3A_235 : vector<16xi32>
          %get3A_237 = arith.constant 240 : index
          %get3A_238 = tpu.vector_load %arg16[%get3A_237] {strides = array<i32>} : memref<320xi32, #tpu.memory_space<vmem>>, vector<16xi32>,
          %max3A_239 = arith.maxsi %max3A_236, %get3A_238 : vector<16xi32>
          %get3A_240 = arith.constant 256 : index
          %get3A_241 = tpu.vector_load %arg16[%get3A_240] {strides = array<i32>} : memref<320xi32, #tpu.memory_space<vmem>>, vector<16xi32>,
          %max3A_242 = arith.maxsi %max3A_239, %get3A_241 : vector<16xi32>
          %get3A_243 = arith.constant 272 : index
          %get3A_244 = tpu.vector_load %arg16[%get3A_243] {strides = array<i32>} : memref<320xi32, #tpu.memory_space<vmem>>, vector<16xi32>,
          %max3A_245 = arith.maxsi %max3A_242, %get3A_244 : vector<16xi32>
          %get3A_246 = arith.constant 288 : index
          %get3A_247 = tpu.vector_load %arg16[%get3A_246] {strides = array<i32>} : memref<320xi32, #tpu.memory_space<vmem>>, vector<16xi32>,
          %max3A_248 = arith.maxsi %max3A_245, %get3A_247 : vector<16xi32>
          %get3A_249 = arith.constant 304 : index
          %get3A_250 = tpu.vector_load %arg16[%get3A_249] {strides = array<i32>} : memref<320xi32, #tpu.memory_space<vmem>>, vector<16xi32>,
          %max3A_251 = arith.maxsi %max3A_248, %get3A_250 : vector<16xi32>
          %reduce_max3A = arith.constant true
          %reduce_max3A_252 = vector.broadcast %reduce_max3A : i1 to vector<16xi1>
          %reduce_max3A_253 = arith.constant -2147483648 : i32
          %reduce_max3A_254 = vector.broadcast %reduce_max3A_253 : i32 to vector<16xi32>
          %reduce_max3A_255 = arith.xori %max3A_251, %reduce_max3A_254 : vector<16xi32>
          %reduce_max3A_256 = tpu.scan <max>, %reduce_max3A_255 masked %reduce_max3A_252 : vector<16xi32>, vector<16xi1> -> vector<16xi32>
          %reduce_max3A_257 = arith.xori %reduce_max3A_256, %reduce_max3A_254 : vector<16xi32>
          %reduce_max3A_258 = vector.extract %reduce_max3A_257[15] : i32 from vector<16xi32>
          %broadcast_in_dim3A_259 = arith.constant 2147483647 : i32
          %broadcast_in_dim3A_260 = vector.broadcast %broadcast_in_dim3A_259 : i32 to vector<16xi32>
          %get3A_261 = arith.constant 0 : index
          %get3A_262 = tpu.vector_load %arg16[%get3A_261] {strides = array<i32>} : memref<320xi32, #tpu.memory_space<vmem>>, vector<16xi32>,
          %get3A_263 = arith.constant 0 : index
          %get3A_264 = tpu.vector_load %arg17[%get3A_263] {strides = array<i32>} : memref<320xi32, #tpu.memory_space<vmem>>, vector<16xi32>,
          %eq3A = vector.broadcast %reduce_max3A_258 : i32 to vector<16xi32>
          %eq3A_265 = arith.cmpi eq, %get3A_262, %eq3A : vector<16xi32>
          %jit3A = arith.constant 2147483647 : i32
          %broadcast_in_dim3A_266 = vector.broadcast %jit3A : i32 to vector<16xi32>
          %select_n3A = arith.select %eq3A_265, %get3A_264, %broadcast_in_dim3A_266 : vector<16xi1>, vector<16xi32>
          %min3A = arith.minsi %broadcast_in_dim3A_260, %select_n3A : vector<16xi32>
          %get3A_267 = arith.constant 16 : index
          %get3A_268 = tpu.vector_load %arg16[%get3A_267] {strides = array<i32>} : memref<320xi32, #tpu.memory_space<vmem>>, vector<16xi32>,
          %get3A_269 = arith.constant 16 : index
          %get3A_270 = tpu.vector_load %arg17[%get3A_269] {strides = array<i32>} : memref<320xi32, #tpu.memory_space<vmem>>, vector<16xi32>,
          %eq3A_271 = vector.broadcast %reduce_max3A_258 : i32 to vector<16xi32>
          %eq3A_272 = arith.cmpi eq, %get3A_268, %eq3A_271 : vector<16xi32>
          %jit3A_273 = arith.constant 2147483647 : i32
          %broadcast_in_dim3A_274 = vector.broadcast %jit3A_273 : i32 to vector<16xi32>
          %select_n3A_275 = arith.select %eq3A_272, %get3A_270, %broadcast_in_dim3A_274 : vector<16xi1>, vector<16xi32>
          %min3A_276 = arith.minsi %min3A, %select_n3A_275 : vector<16xi32>
          %get3A_277 = arith.constant 32 : index
          %get3A_278 = tpu.vector_load %arg16[%get3A_277] {strides = array<i32>} : memref<320xi32, #tpu.memory_space<vmem>>, vector<16xi32>,
          %get3A_279 = arith.constant 32 : index
          %get3A_280 = tpu.vector_load %arg17[%get3A_279] {strides = array<i32>} : memref<320xi32, #tpu.memory_space<vmem>>, vector<16xi32>,
          %eq3A_281 = vector.broadcast %reduce_max3A_258 : i32 to vector<16xi32>
          %eq3A_282 = arith.cmpi eq, %get3A_278, %eq3A_281 : vector<16xi32>
          %jit3A_283 = arith.constant 2147483647 : i32
          %broadcast_in_dim3A_284 = vector.broadcast %jit3A_283 : i32 to vector<16xi32>
          %select_n3A_285 = arith.select %eq3A_282, %get3A_280, %broadcast_in_dim3A_284 : vector<16xi1>, vector<16xi32>
          %min3A_286 = arith.minsi %min3A_276, %select_n3A_285 : vector<16xi32>
          %get3A_287 = arith.constant 48 : index
          %get3A_288 = tpu.vector_load %arg16[%get3A_287] {strides = array<i32>} : memref<320xi32, #tpu.memory_space<vmem>>, vector<16xi32>,
          %get3A_289 = arith.constant 48 : index
          %get3A_290 = tpu.vector_load %arg17[%get3A_289] {strides = array<i32>} : memref<320xi32, #tpu.memory_space<vmem>>, vector<16xi32>,
          %eq3A_291 = vector.broadcast %reduce_max3A_258 : i32 to vector<16xi32>
          %eq3A_292 = arith.cmpi eq, %get3A_288, %eq3A_291 : vector<16xi32>
          %jit3A_293 = arith.constant 2147483647 : i32
          %broadcast_in_dim3A_294 = vector.broadcast %jit3A_293 : i32 to vector<16xi32>
          %select_n3A_295 = arith.select %eq3A_292, %get3A_290, %broadcast_in_dim3A_294 : vector<16xi1>, vector<16xi32>
          %min3A_296 = arith.minsi %min3A_286, %select_n3A_295 : vector<16xi32>
          %get3A_297 = arith.constant 64 : index
          %get3A_298 = tpu.vector_load %arg16[%get3A_297] {strides = array<i32>} : memref<320xi32, #tpu.memory_space<vmem>>, vector<16xi32>,
          %get3A_299 = arith.constant 64 : index
          %get3A_300 = tpu.vector_load %arg17[%get3A_299] {strides = array<i32>} : memref<320xi32, #tpu.memory_space<vmem>>, vector<16xi32>,
          %eq3A_301 = vector.broadcast %reduce_max3A_258 : i32 to vector<16xi32>
          %eq3A_302 = arith.cmpi eq, %get3A_298, %eq3A_301 : vector<16xi32>
          %jit3A_303 = arith.constant 2147483647 : i32
          %broadcast_in_dim3A_304 = vector.broadcast %jit3A_303 : i32 to vector<16xi32>
          %select_n3A_305 = arith.select %eq3A_302, %get3A_300, %broadcast_in_dim3A_304 : vector<16xi1>, vector<16xi32>
          %min3A_306 = arith.minsi %min3A_296, %select_n3A_305 : vector<16xi32>
          %get3A_307 = arith.constant 80 : index
          %get3A_308 = tpu.vector_load %arg16[%get3A_307] {strides = array<i32>} : memref<320xi32, #tpu.memory_space<vmem>>, vector<16xi32>,
          %get3A_309 = arith.constant 80 : index
          %get3A_310 = tpu.vector_load %arg17[%get3A_309] {strides = array<i32>} : memref<320xi32, #tpu.memory_space<vmem>>, vector<16xi32>,
          %eq3A_311 = vector.broadcast %reduce_max3A_258 : i32 to vector<16xi32>
          %eq3A_312 = arith.cmpi eq, %get3A_308, %eq3A_311 : vector<16xi32>
          %jit3A_313 = arith.constant 2147483647 : i32
          %broadcast_in_dim3A_314 = vector.broadcast %jit3A_313 : i32 to vector<16xi32>
          %select_n3A_315 = arith.select %eq3A_312, %get3A_310, %broadcast_in_dim3A_314 : vector<16xi1>, vector<16xi32>
          %min3A_316 = arith.minsi %min3A_306, %select_n3A_315 : vector<16xi32>
          %get3A_317 = arith.constant 96 : index
          %get3A_318 = tpu.vector_load %arg16[%get3A_317] {strides = array<i32>} : memref<320xi32, #tpu.memory_space<vmem>>, vector<16xi32>,
          %get3A_319 = arith.constant 96 : index
          %get3A_320 = tpu.vector_load %arg17[%get3A_319] {strides = array<i32>} : memref<320xi32, #tpu.memory_space<vmem>>, vector<16xi32>,
          %eq3A_321 = vector.broadcast %reduce_max3A_258 : i32 to vector<16xi32>
          %eq3A_322 = arith.cmpi eq, %get3A_318, %eq3A_321 : vector<16xi32>
          %jit3A_323 = arith.constant 2147483647 : i32
          %broadcast_in_dim3A_324 = vector.broadcast %jit3A_323 : i32 to vector<16xi32>
          %select_n3A_325 = arith.select %eq3A_322, %get3A_320, %broadcast_in_dim3A_324 : vector<16xi1>, vector<16xi32>
          %min3A_326 = arith.minsi %min3A_316, %select_n3A_325 : vector<16xi32>
          %get3A_327 = arith.constant 112 : index
          %get3A_328 = tpu.vector_load %arg16[%get3A_327] {strides = array<i32>} : memref<320xi32, #tpu.memory_space<vmem>>, vector<16xi32>,
          %get3A_329 = arith.constant 112 : index
          %get3A_330 = tpu.vector_load %arg17[%get3A_329] {strides = array<i32>} : memref<320xi32, #tpu.memory_space<vmem>>, vector<16xi32>,
          %eq3A_331 = vector.broadcast %reduce_max3A_258 : i32 to vector<16xi32>
          %eq3A_332 = arith.cmpi eq, %get3A_328, %eq3A_331 : vector<16xi32>
          %jit3A_333 = arith.constant 2147483647 : i32
          %broadcast_in_dim3A_334 = vector.broadcast %jit3A_333 : i32 to vector<16xi32>
          %select_n3A_335 = arith.select %eq3A_332, %get3A_330, %broadcast_in_dim3A_334 : vector<16xi1>, vector<16xi32>
          %min3A_336 = arith.minsi %min3A_326, %select_n3A_335 : vector<16xi32>
          %get3A_337 = arith.constant 128 : index
          %get3A_338 = tpu.vector_load %arg16[%get3A_337] {strides = array<i32>} : memref<320xi32, #tpu.memory_space<vmem>>, vector<16xi32>,
          %get3A_339 = arith.constant 128 : index
          %get3A_340 = tpu.vector_load %arg17[%get3A_339] {strides = array<i32>} : memref<320xi32, #tpu.memory_space<vmem>>, vector<16xi32>,
          %eq3A_341 = vector.broadcast %reduce_max3A_258 : i32 to vector<16xi32>
          %eq3A_342 = arith.cmpi eq, %get3A_338, %eq3A_341 : vector<16xi32>
          %jit3A_343 = arith.constant 2147483647 : i32
          %broadcast_in_dim3A_344 = vector.broadcast %jit3A_343 : i32 to vector<16xi32>
          %select_n3A_345 = arith.select %eq3A_342, %get3A_340, %broadcast_in_dim3A_344 : vector<16xi1>, vector<16xi32>
          %min3A_346 = arith.minsi %min3A_336, %select_n3A_345 : vector<16xi32>
          %get3A_347 = arith.constant 144 : index
          %get3A_348 = tpu.vector_load %arg16[%get3A_347] {strides = array<i32>} : memref<320xi32, #tpu.memory_space<vmem>>, vector<16xi32>,
          %get3A_349 = arith.constant 144 : index
          %get3A_350 = tpu.vector_load %arg17[%get3A_349] {strides = array<i32>} : memref<320xi32, #tpu.memory_space<vmem>>, vector<16xi32>,
          %eq3A_351 = vector.broadcast %reduce_max3A_258 : i32 to vector<16xi32>
          %eq3A_352 = arith.cmpi eq, %get3A_348, %eq3A_351 : vector<16xi32>
          %jit3A_353 = arith.constant 2147483647 : i32
          %broadcast_in_dim3A_354 = vector.broadcast %jit3A_353 : i32 to vector<16xi32>
          %select_n3A_355 = arith.select %eq3A_352, %get3A_350, %broadcast_in_dim3A_354 : vector<16xi1>, vector<16xi32>
          %min3A_356 = arith.minsi %min3A_346, %select_n3A_355 : vector<16xi32>
          %get3A_357 = arith.constant 160 : index
          %get3A_358 = tpu.vector_load %arg16[%get3A_357] {strides = array<i32>} : memref<320xi32, #tpu.memory_space<vmem>>, vector<16xi32>,
          %get3A_359 = arith.constant 160 : index
          %get3A_360 = tpu.vector_load %arg17[%get3A_359] {strides = array<i32>} : memref<320xi32, #tpu.memory_space<vmem>>, vector<16xi32>,
          %eq3A_361 = vector.broadcast %reduce_max3A_258 : i32 to vector<16xi32>
          %eq3A_362 = arith.cmpi eq, %get3A_358, %eq3A_361 : vector<16xi32>
          %jit3A_363 = arith.constant 2147483647 : i32
          %broadcast_in_dim3A_364 = vector.broadcast %jit3A_363 : i32 to vector<16xi32>
          %select_n3A_365 = arith.select %eq3A_362, %get3A_360, %broadcast_in_dim3A_364 : vector<16xi1>, vector<16xi32>
          %min3A_366 = arith.minsi %min3A_356, %select_n3A_365 : vector<16xi32>
          %get3A_367 = arith.constant 176 : index
          %get3A_368 = tpu.vector_load %arg16[%get3A_367] {strides = array<i32>} : memref<320xi32, #tpu.memory_space<vmem>>, vector<16xi32>,
          %get3A_369 = arith.constant 176 : index
          %get3A_370 = tpu.vector_load %arg17[%get3A_369] {strides = array<i32>} : memref<320xi32, #tpu.memory_space<vmem>>, vector<16xi32>,
          %eq3A_371 = vector.broadcast %reduce_max3A_258 : i32 to vector<16xi32>
          %eq3A_372 = arith.cmpi eq, %get3A_368, %eq3A_371 : vector<16xi32>
          %jit3A_373 = arith.constant 2147483647 : i32
          %broadcast_in_dim3A_374 = vector.broadcast %jit3A_373 : i32 to vector<16xi32>
          %select_n3A_375 = arith.select %eq3A_372, %get3A_370, %broadcast_in_dim3A_374 : vector<16xi1>, vector<16xi32>
          %min3A_376 = arith.minsi %min3A_366, %select_n3A_375 : vector<16xi32>
          %get3A_377 = arith.constant 192 : index
          %get3A_378 = tpu.vector_load %arg16[%get3A_377] {strides = array<i32>} : memref<320xi32, #tpu.memory_space<vmem>>, vector<16xi32>,
          %get3A_379 = arith.constant 192 : index
          %get3A_380 = tpu.vector_load %arg17[%get3A_379] {strides = array<i32>} : memref<320xi32, #tpu.memory_space<vmem>>, vector<16xi32>,
          %eq3A_381 = vector.broadcast %reduce_max3A_258 : i32 to vector<16xi32>
          %eq3A_382 = arith.cmpi eq, %get3A_378, %eq3A_381 : vector<16xi32>
          %jit3A_383 = arith.constant 2147483647 : i32
          %broadcast_in_dim3A_384 = vector.broadcast %jit3A_383 : i32 to vector<16xi32>
          %select_n3A_385 = arith.select %eq3A_382, %get3A_380, %broadcast_in_dim3A_384 : vector<16xi1>, vector<16xi32>
          %min3A_386 = arith.minsi %min3A_376, %select_n3A_385 : vector<16xi32>
          %get3A_387 = arith.constant 208 : index
          %get3A_388 = tpu.vector_load %arg16[%get3A_387] {strides = array<i32>} : memref<320xi32, #tpu.memory_space<vmem>>, vector<16xi32>,
          %get3A_389 = arith.constant 208 : index
          %get3A_390 = tpu.vector_load %arg17[%get3A_389] {strides = array<i32>} : memref<320xi32, #tpu.memory_space<vmem>>, vector<16xi32>,
          %eq3A_391 = vector.broadcast %reduce_max3A_258 : i32 to vector<16xi32>
          %eq3A_392 = arith.cmpi eq, %get3A_388, %eq3A_391 : vector<16xi32>
          %jit3A_393 = arith.constant 2147483647 : i32
          %broadcast_in_dim3A_394 = vector.broadcast %jit3A_393 : i32 to vector<16xi32>
          %select_n3A_395 = arith.select %eq3A_392, %get3A_390, %broadcast_in_dim3A_394 : vector<16xi1>, vector<16xi32>
          %min3A_396 = arith.minsi %min3A_386, %select_n3A_395 : vector<16xi32>
          %get3A_397 = arith.constant 224 : index
          %get3A_398 = tpu.vector_load %arg16[%get3A_397] {strides = array<i32>} : memref<320xi32, #tpu.memory_space<vmem>>, vector<16xi32>,
          %get3A_399 = arith.constant 224 : index
          %get3A_400 = tpu.vector_load %arg17[%get3A_399] {strides = array<i32>} : memref<320xi32, #tpu.memory_space<vmem>>, vector<16xi32>,
          %eq3A_401 = vector.broadcast %reduce_max3A_258 : i32 to vector<16xi32>
          %eq3A_402 = arith.cmpi eq, %get3A_398, %eq3A_401 : vector<16xi32>
          %jit3A_403 = arith.constant 2147483647 : i32
          %broadcast_in_dim3A_404 = vector.broadcast %jit3A_403 : i32 to vector<16xi32>
          %select_n3A_405 = arith.select %eq3A_402, %get3A_400, %broadcast_in_dim3A_404 : vector<16xi1>, vector<16xi32>
          %min3A_406 = arith.minsi %min3A_396, %select_n3A_405 : vector<16xi32>
          %get3A_407 = arith.constant 240 : index
          %get3A_408 = tpu.vector_load %arg16[%get3A_407] {strides = array<i32>} : memref<320xi32, #tpu.memory_space<vmem>>, vector<16xi32>,
          %get3A_409 = arith.constant 240 : index
          %get3A_410 = tpu.vector_load %arg17[%get3A_409] {strides = array<i32>} : memref<320xi32, #tpu.memory_space<vmem>>, vector<16xi32>,
          %eq3A_411 = vector.broadcast %reduce_max3A_258 : i32 to vector<16xi32>
          %eq3A_412 = arith.cmpi eq, %get3A_408, %eq3A_411 : vector<16xi32>
          %jit3A_413 = arith.constant 2147483647 : i32
          %broadcast_in_dim3A_414 = vector.broadcast %jit3A_413 : i32 to vector<16xi32>
          %select_n3A_415 = arith.select %eq3A_412, %get3A_410, %broadcast_in_dim3A_414 : vector<16xi1>, vector<16xi32>
          %min3A_416 = arith.minsi %min3A_406, %select_n3A_415 : vector<16xi32>
          %get3A_417 = arith.constant 256 : index
          %get3A_418 = tpu.vector_load %arg16[%get3A_417] {strides = array<i32>} : memref<320xi32, #tpu.memory_space<vmem>>, vector<16xi32>,
          %get3A_419 = arith.constant 256 : index
          %get3A_420 = tpu.vector_load %arg17[%get3A_419] {strides = array<i32>} : memref<320xi32, #tpu.memory_space<vmem>>, vector<16xi32>,
          %eq3A_421 = vector.broadcast %reduce_max3A_258 : i32 to vector<16xi32>
          %eq3A_422 = arith.cmpi eq, %get3A_418, %eq3A_421 : vector<16xi32>
          %jit3A_423 = arith.constant 2147483647 : i32
          %broadcast_in_dim3A_424 = vector.broadcast %jit3A_423 : i32 to vector<16xi32>
          %select_n3A_425 = arith.select %eq3A_422, %get3A_420, %broadcast_in_dim3A_424 : vector<16xi1>, vector<16xi32>
          %min3A_426 = arith.minsi %min3A_416, %select_n3A_425 : vector<16xi32>
          %get3A_427 = arith.constant 272 : index
          %get3A_428 = tpu.vector_load %arg16[%get3A_427] {strides = array<i32>} : memref<320xi32, #tpu.memory_space<vmem>>, vector<16xi32>,
          %get3A_429 = arith.constant 272 : index
          %get3A_430 = tpu.vector_load %arg17[%get3A_429] {strides = array<i32>} : memref<320xi32, #tpu.memory_space<vmem>>, vector<16xi32>,
          %eq3A_431 = vector.broadcast %reduce_max3A_258 : i32 to vector<16xi32>
          %eq3A_432 = arith.cmpi eq, %get3A_428, %eq3A_431 : vector<16xi32>
          %jit3A_433 = arith.constant 2147483647 : i32
          %broadcast_in_dim3A_434 = vector.broadcast %jit3A_433 : i32 to vector<16xi32>
          %select_n3A_435 = arith.select %eq3A_432, %get3A_430, %broadcast_in_dim3A_434 : vector<16xi1>, vector<16xi32>
          %min3A_436 = arith.minsi %min3A_426, %select_n3A_435 : vector<16xi32>
          %get3A_437 = arith.constant 288 : index
          %get3A_438 = tpu.vector_load %arg16[%get3A_437] {strides = array<i32>} : memref<320xi32, #tpu.memory_space<vmem>>, vector<16xi32>,
          %get3A_439 = arith.constant 288 : index
          %get3A_440 = tpu.vector_load %arg17[%get3A_439] {strides = array<i32>} : memref<320xi32, #tpu.memory_space<vmem>>, vector<16xi32>,
          %eq3A_441 = vector.broadcast %reduce_max3A_258 : i32 to vector<16xi32>
          %eq3A_442 = arith.cmpi eq, %get3A_438, %eq3A_441 : vector<16xi32>
          %jit3A_443 = arith.constant 2147483647 : i32
          %broadcast_in_dim3A_444 = vector.broadcast %jit3A_443 : i32 to vector<16xi32>
          %select_n3A_445 = arith.select %eq3A_442, %get3A_440, %broadcast_in_dim3A_444 : vector<16xi1>, vector<16xi32>
          %min3A_446 = arith.minsi %min3A_436, %select_n3A_445 : vector<16xi32>
          %get3A_447 = arith.constant 304 : index
          %get3A_448 = tpu.vector_load %arg16[%get3A_447] {strides = array<i32>} : memref<320xi32, #tpu.memory_space<vmem>>, vector<16xi32>,
          %get3A_449 = arith.constant 304 : index
          %get3A_450 = tpu.vector_load %arg17[%get3A_449] {strides = array<i32>} : memref<320xi32, #tpu.memory_space<vmem>>, vector<16xi32>,
          %eq3A_451 = vector.broadcast %reduce_max3A_258 : i32 to vector<16xi32>
          %eq3A_452 = arith.cmpi eq, %get3A_448, %eq3A_451 : vector<16xi32>
          %jit3A_453 = arith.constant 2147483647 : i32
          %broadcast_in_dim3A_454 = vector.broadcast %jit3A_453 : i32 to vector<16xi32>
          %select_n3A_455 = arith.select %eq3A_452, %get3A_450, %broadcast_in_dim3A_454 : vector<16xi1>, vector<16xi32>
          %min3A_456 = arith.minsi %min3A_446, %select_n3A_455 : vector<16xi32>
          %reduce_min3A = arith.constant true
          %reduce_min3A_457 = vector.broadcast %reduce_min3A : i1 to vector<16xi1>
          %reduce_min3A_458 = arith.constant -2147483648 : i32
          %reduce_min3A_459 = vector.broadcast %reduce_min3A_458 : i32 to vector<16xi32>
          %reduce_min3A_460 = arith.xori %min3A_456, %reduce_min3A_459 : vector<16xi32>
          %reduce_min3A_461 = tpu.scan <min>, %reduce_min3A_460 masked %reduce_min3A_457 : vector<16xi32>, vector<16xi1> -> vector<16xi32>
          %reduce_min3A_462 = arith.xori %reduce_min3A_461, %reduce_min3A_459 : vector<16xi32>
          %reduce_min3A_463 = vector.extract %reduce_min3A_462[15] : i32 from vector<16xi32>
          %get3A_464 = arith.constant 0 : index
          %get3A_465 = tpu.vector_load %arg16[%get3A_464] {strides = array<i32>} : memref<320xi32, #tpu.memory_space<vmem>>, vector<16xi32>,
          %get3A_466 = arith.constant 0 : index
          %get3A_467 = tpu.vector_load %arg17[%get3A_466] {strides = array<i32>} : memref<320xi32, #tpu.memory_space<vmem>>, vector<16xi32>,
          %eq3A_468 = vector.broadcast %reduce_max3A_258 : i32 to vector<16xi32>
          %eq3A_469 = arith.cmpi eq, %get3A_465, %eq3A_468 : vector<16xi32>
          %eq3A_470 = vector.broadcast %reduce_min3A_463 : i32 to vector<16xi32>
          %eq3A_471 = arith.cmpi eq, %get3A_467, %eq3A_470 : vector<16xi32>
          %and3A = arith.andi %eq3A_469, %eq3A_471 : vector<16xi1>
          %jit3A_472 = arith.constant -2147483648 : i32
          %broadcast_in_dim3A_473 = vector.broadcast %jit3A_472 : i32 to vector<16xi32>
          %select_n3A_474 = arith.select %and3A, %broadcast_in_dim3A_473, %get3A_465 : vector<16xi1>, vector<16xi32>
          %swap3A_475 = arith.constant 0 : index
          %swap3A_476 = tpu.vector_load %arg16[%swap3A_475] {strides = array<i32>} : memref<320xi32, #tpu.memory_space<vmem>>, vector<16xi32>,
          tpu.vector_store %arg16[%swap3A_475], %select_n3A_474 {strides = array<i32>} : memref<320xi32, #tpu.memory_space<vmem>>, vector<16xi32>,
          %get3A_477 = arith.constant 16 : index
          %get3A_478 = tpu.vector_load %arg16[%get3A_477] {strides = array<i32>} : memref<320xi32, #tpu.memory_space<vmem>>, vector<16xi32>,
          %get3A_479 = arith.constant 16 : index
          %get3A_480 = tpu.vector_load %arg17[%get3A_479] {strides = array<i32>} : memref<320xi32, #tpu.memory_space<vmem>>, vector<16xi32>,
          %eq3A_481 = vector.broadcast %reduce_max3A_258 : i32 to vector<16xi32>
          %eq3A_482 = arith.cmpi eq, %get3A_478, %eq3A_481 : vector<16xi32>
          %eq3A_483 = vector.broadcast %reduce_min3A_463 : i32 to vector<16xi32>
          %eq3A_484 = arith.cmpi eq, %get3A_480, %eq3A_483 : vector<16xi32>
          %and3A_485 = arith.andi %eq3A_482, %eq3A_484 : vector<16xi1>
          %jit3A_486 = arith.constant -2147483648 : i32
          %broadcast_in_dim3A_487 = vector.broadcast %jit3A_486 : i32 to vector<16xi32>
          %select_n3A_488 = arith.select %and3A_485, %broadcast_in_dim3A_487, %get3A_478 : vector<16xi1>, vector<16xi32>
          %swap3A_489 = arith.constant 16 : index
          %swap3A_490 = tpu.vector_load %arg16[%swap3A_489] {strides = array<i32>} : memref<320xi32, #tpu.memory_space<vmem>>, vector<16xi32>,
          tpu.vector_store %arg16[%swap3A_489], %select_n3A_488 {strides = array<i32>} : memref<320xi32, #tpu.memory_space<vmem>>, vector<16xi32>,
          %get3A_491 = arith.constant 32 : index
          %get3A_492 = tpu.vector_load %arg16[%get3A_491] {strides = array<i32>} : memref<320xi32, #tpu.memory_space<vmem>>, vector<16xi32>,
          %get3A_493 = arith.constant 32 : index
          %get3A_494 = tpu.vector_load %arg17[%get3A_493] {strides = array<i32>} : memref<320xi32, #tpu.memory_space<vmem>>, vector<16xi32>,
          %eq3A_495 = vector.broadcast %reduce_max3A_258 : i32 to vector<16xi32>
          %eq3A_496 = arith.cmpi eq, %get3A_492, %eq3A_495 : vector<16xi32>
          %eq3A_497 = vector.broadcast %reduce_min3A_463 : i32 to vector<16xi32>
          %eq3A_498 = arith.cmpi eq, %get3A_494, %eq3A_497 : vector<16xi32>
          %and3A_499 = arith.andi %eq3A_496, %eq3A_498 : vector<16xi1>
          %jit3A_500 = arith.constant -2147483648 : i32
          %broadcast_in_dim3A_501 = vector.broadcast %jit3A_500 : i32 to vector<16xi32>
          %select_n3A_502 = arith.select %and3A_499, %broadcast_in_dim3A_501, %get3A_492 : vector<16xi1>, vector<16xi32>
          %swap3A_503 = arith.constant 32 : index
          %swap3A_504 = tpu.vector_load %arg16[%swap3A_503] {strides = array<i32>} : memref<320xi32, #tpu.memory_space<vmem>>, vector<16xi32>,
          tpu.vector_store %arg16[%swap3A_503], %select_n3A_502 {strides = array<i32>} : memref<320xi32, #tpu.memory_space<vmem>>, vector<16xi32>,
          %get3A_505 = arith.constant 48 : index
          %get3A_506 = tpu.vector_load %arg16[%get3A_505] {strides = array<i32>} : memref<320xi32, #tpu.memory_space<vmem>>, vector<16xi32>,
          %get3A_507 = arith.constant 48 : index
          %get3A_508 = tpu.vector_load %arg17[%get3A_507] {strides = array<i32>} : memref<320xi32, #tpu.memory_space<vmem>>, vector<16xi32>,
          %eq3A_509 = vector.broadcast %reduce_max3A_258 : i32 to vector<16xi32>
          %eq3A_510 = arith.cmpi eq, %get3A_506, %eq3A_509 : vector<16xi32>
          %eq3A_511 = vector.broadcast %reduce_min3A_463 : i32 to vector<16xi32>
          %eq3A_512 = arith.cmpi eq, %get3A_508, %eq3A_511 : vector<16xi32>
          %and3A_513 = arith.andi %eq3A_510, %eq3A_512 : vector<16xi1>
          %jit3A_514 = arith.constant -2147483648 : i32
          %broadcast_in_dim3A_515 = vector.broadcast %jit3A_514 : i32 to vector<16xi32>
          %select_n3A_516 = arith.select %and3A_513, %broadcast_in_dim3A_515, %get3A_506 : vector<16xi1>, vector<16xi32>
          %swap3A_517 = arith.constant 48 : index
          %swap3A_518 = tpu.vector_load %arg16[%swap3A_517] {strides = array<i32>} : memref<320xi32, #tpu.memory_space<vmem>>, vector<16xi32>,
          tpu.vector_store %arg16[%swap3A_517], %select_n3A_516 {strides = array<i32>} : memref<320xi32, #tpu.memory_space<vmem>>, vector<16xi32>,
          %get3A_519 = arith.constant 64 : index
          %get3A_520 = tpu.vector_load %arg16[%get3A_519] {strides = array<i32>} : memref<320xi32, #tpu.memory_space<vmem>>, vector<16xi32>,
          %get3A_521 = arith.constant 64 : index
          %get3A_522 = tpu.vector_load %arg17[%get3A_521] {strides = array<i32>} : memref<320xi32, #tpu.memory_space<vmem>>, vector<16xi32>,
          %eq3A_523 = vector.broadcast %reduce_max3A_258 : i32 to vector<16xi32>
          %eq3A_524 = arith.cmpi eq, %get3A_520, %eq3A_523 : vector<16xi32>
          %eq3A_525 = vector.broadcast %reduce_min3A_463 : i32 to vector<16xi32>
          %eq3A_526 = arith.cmpi eq, %get3A_522, %eq3A_525 : vector<16xi32>
          %and3A_527 = arith.andi %eq3A_524, %eq3A_526 : vector<16xi1>
          %jit3A_528 = arith.constant -2147483648 : i32
          %broadcast_in_dim3A_529 = vector.broadcast %jit3A_528 : i32 to vector<16xi32>
          %select_n3A_530 = arith.select %and3A_527, %broadcast_in_dim3A_529, %get3A_520 : vector<16xi1>, vector<16xi32>
          %swap3A_531 = arith.constant 64 : index
          %swap3A_532 = tpu.vector_load %arg16[%swap3A_531] {strides = array<i32>} : memref<320xi32, #tpu.memory_space<vmem>>, vector<16xi32>,
          tpu.vector_store %arg16[%swap3A_531], %select_n3A_530 {strides = array<i32>} : memref<320xi32, #tpu.memory_space<vmem>>, vector<16xi32>,
          %get3A_533 = arith.constant 80 : index
          %get3A_534 = tpu.vector_load %arg16[%get3A_533] {strides = array<i32>} : memref<320xi32, #tpu.memory_space<vmem>>, vector<16xi32>,
          %get3A_535 = arith.constant 80 : index
          %get3A_536 = tpu.vector_load %arg17[%get3A_535] {strides = array<i32>} : memref<320xi32, #tpu.memory_space<vmem>>, vector<16xi32>,
          %eq3A_537 = vector.broadcast %reduce_max3A_258 : i32 to vector<16xi32>
          %eq3A_538 = arith.cmpi eq, %get3A_534, %eq3A_537 : vector<16xi32>
          %eq3A_539 = vector.broadcast %reduce_min3A_463 : i32 to vector<16xi32>
          %eq3A_540 = arith.cmpi eq, %get3A_536, %eq3A_539 : vector<16xi32>
          %and3A_541 = arith.andi %eq3A_538, %eq3A_540 : vector<16xi1>
          %jit3A_542 = arith.constant -2147483648 : i32
          %broadcast_in_dim3A_543 = vector.broadcast %jit3A_542 : i32 to vector<16xi32>
          %select_n3A_544 = arith.select %and3A_541, %broadcast_in_dim3A_543, %get3A_534 : vector<16xi1>, vector<16xi32>
          %swap3A_545 = arith.constant 80 : index
          %swap3A_546 = tpu.vector_load %arg16[%swap3A_545] {strides = array<i32>} : memref<320xi32, #tpu.memory_space<vmem>>, vector<16xi32>,
          tpu.vector_store %arg16[%swap3A_545], %select_n3A_544 {strides = array<i32>} : memref<320xi32, #tpu.memory_space<vmem>>, vector<16xi32>,
          %get3A_547 = arith.constant 96 : index
          %get3A_548 = tpu.vector_load %arg16[%get3A_547] {strides = array<i32>} : memref<320xi32, #tpu.memory_space<vmem>>, vector<16xi32>,
          %get3A_549 = arith.constant 96 : index
          %get3A_550 = tpu.vector_load %arg17[%get3A_549] {strides = array<i32>} : memref<320xi32, #tpu.memory_space<vmem>>, vector<16xi32>,
          %eq3A_551 = vector.broadcast %reduce_max3A_258 : i32 to vector<16xi32>
          %eq3A_552 = arith.cmpi eq, %get3A_548, %eq3A_551 : vector<16xi32>
          %eq3A_553 = vector.broadcast %reduce_min3A_463 : i32 to vector<16xi32>
          %eq3A_554 = arith.cmpi eq, %get3A_550, %eq3A_553 : vector<16xi32>
          %and3A_555 = arith.andi %eq3A_552, %eq3A_554 : vector<16xi1>
          %jit3A_556 = arith.constant -2147483648 : i32
          %broadcast_in_dim3A_557 = vector.broadcast %jit3A_556 : i32 to vector<16xi32>
          %select_n3A_558 = arith.select %and3A_555, %broadcast_in_dim3A_557, %get3A_548 : vector<16xi1>, vector<16xi32>
          %swap3A_559 = arith.constant 96 : index
          %swap3A_560 = tpu.vector_load %arg16[%swap3A_559] {strides = array<i32>} : memref<320xi32, #tpu.memory_space<vmem>>, vector<16xi32>,
          tpu.vector_store %arg16[%swap3A_559], %select_n3A_558 {strides = array<i32>} : memref<320xi32, #tpu.memory_space<vmem>>, vector<16xi32>,
          %get3A_561 = arith.constant 112 : index
          %get3A_562 = tpu.vector_load %arg16[%get3A_561] {strides = array<i32>} : memref<320xi32, #tpu.memory_space<vmem>>, vector<16xi32>,
          %get3A_563 = arith.constant 112 : index
          %get3A_564 = tpu.vector_load %arg17[%get3A_563] {strides = array<i32>} : memref<320xi32, #tpu.memory_space<vmem>>, vector<16xi32>,
          %eq3A_565 = vector.broadcast %reduce_max3A_258 : i32 to vector<16xi32>
          %eq3A_566 = arith.cmpi eq, %get3A_562, %eq3A_565 : vector<16xi32>
          %eq3A_567 = vector.broadcast %reduce_min3A_463 : i32 to vector<16xi32>
          %eq3A_568 = arith.cmpi eq, %get3A_564, %eq3A_567 : vector<16xi32>
          %and3A_569 = arith.andi %eq3A_566, %eq3A_568 : vector<16xi1>
          %jit3A_570 = arith.constant -2147483648 : i32
          %broadcast_in_dim3A_571 = vector.broadcast %jit3A_570 : i32 to vector<16xi32>
          %select_n3A_572 = arith.select %and3A_569, %broadcast_in_dim3A_571, %get3A_562 : vector<16xi1>, vector<16xi32>
          %swap3A_573 = arith.constant 112 : index
          %swap3A_574 = tpu.vector_load %arg16[%swap3A_573] {strides = array<i32>} : memref<320xi32, #tpu.memory_space<vmem>>, vector<16xi32>,
          tpu.vector_store %arg16[%swap3A_573], %select_n3A_572 {strides = array<i32>} : memref<320xi32, #tpu.memory_space<vmem>>, vector<16xi32>,
          %get3A_575 = arith.constant 128 : index
          %get3A_576 = tpu.vector_load %arg16[%get3A_575] {strides = array<i32>} : memref<320xi32, #tpu.memory_space<vmem>>, vector<16xi32>,
          %get3A_577 = arith.constant 128 : index
          %get3A_578 = tpu.vector_load %arg17[%get3A_577] {strides = array<i32>} : memref<320xi32, #tpu.memory_space<vmem>>, vector<16xi32>,
          %eq3A_579 = vector.broadcast %reduce_max3A_258 : i32 to vector<16xi32>
          %eq3A_580 = arith.cmpi eq, %get3A_576, %eq3A_579 : vector<16xi32>
          %eq3A_581 = vector.broadcast %reduce_min3A_463 : i32 to vector<16xi32>
          %eq3A_582 = arith.cmpi eq, %get3A_578, %eq3A_581 : vector<16xi32>
          %and3A_583 = arith.andi %eq3A_580, %eq3A_582 : vector<16xi1>
          %jit3A_584 = arith.constant -2147483648 : i32
          %broadcast_in_dim3A_585 = vector.broadcast %jit3A_584 : i32 to vector<16xi32>
          %select_n3A_586 = arith.select %and3A_583, %broadcast_in_dim3A_585, %get3A_576 : vector<16xi1>, vector<16xi32>
          %swap3A_587 = arith.constant 128 : index
          %swap3A_588 = tpu.vector_load %arg16[%swap3A_587] {strides = array<i32>} : memref<320xi32, #tpu.memory_space<vmem>>, vector<16xi32>,
          tpu.vector_store %arg16[%swap3A_587], %select_n3A_586 {strides = array<i32>} : memref<320xi32, #tpu.memory_space<vmem>>, vector<16xi32>,
          %get3A_589 = arith.constant 144 : index
          %get3A_590 = tpu.vector_load %arg16[%get3A_589] {strides = array<i32>} : memref<320xi32, #tpu.memory_space<vmem>>, vector<16xi32>,
          %get3A_591 = arith.constant 144 : index
          %get3A_592 = tpu.vector_load %arg17[%get3A_591] {strides = array<i32>} : memref<320xi32, #tpu.memory_space<vmem>>, vector<16xi32>,
          %eq3A_593 = vector.broadcast %reduce_max3A_258 : i32 to vector<16xi32>
          %eq3A_594 = arith.cmpi eq, %get3A_590, %eq3A_593 : vector<16xi32>
          %eq3A_595 = vector.broadcast %reduce_min3A_463 : i32 to vector<16xi32>
          %eq3A_596 = arith.cmpi eq, %get3A_592, %eq3A_595 : vector<16xi32>
          %and3A_597 = arith.andi %eq3A_594, %eq3A_596 : vector<16xi1>
          %jit3A_598 = arith.constant -2147483648 : i32
          %broadcast_in_dim3A_599 = vector.broadcast %jit3A_598 : i32 to vector<16xi32>
          %select_n3A_600 = arith.select %and3A_597, %broadcast_in_dim3A_599, %get3A_590 : vector<16xi1>, vector<16xi32>
          %swap3A_601 = arith.constant 144 : index
          %swap3A_602 = tpu.vector_load %arg16[%swap3A_601] {strides = array<i32>} : memref<320xi32, #tpu.memory_space<vmem>>, vector<16xi32>,
          tpu.vector_store %arg16[%swap3A_601], %select_n3A_600 {strides = array<i32>} : memref<320xi32, #tpu.memory_space<vmem>>, vector<16xi32>,
          %get3A_603 = arith.constant 160 : index
          %get3A_604 = tpu.vector_load %arg16[%get3A_603] {strides = array<i32>} : memref<320xi32, #tpu.memory_space<vmem>>, vector<16xi32>,
          %get3A_605 = arith.constant 160 : index
          %get3A_606 = tpu.vector_load %arg17[%get3A_605] {strides = array<i32>} : memref<320xi32, #tpu.memory_space<vmem>>, vector<16xi32>,
          %eq3A_607 = vector.broadcast %reduce_max3A_258 : i32 to vector<16xi32>
          %eq3A_608 = arith.cmpi eq, %get3A_604, %eq3A_607 : vector<16xi32>
          %eq3A_609 = vector.broadcast %reduce_min3A_463 : i32 to vector<16xi32>
          %eq3A_610 = arith.cmpi eq, %get3A_606, %eq3A_609 : vector<16xi32>
          %and3A_611 = arith.andi %eq3A_608, %eq3A_610 : vector<16xi1>
          %jit3A_612 = arith.constant -2147483648 : i32
          %broadcast_in_dim3A_613 = vector.broadcast %jit3A_612 : i32 to vector<16xi32>
          %select_n3A_614 = arith.select %and3A_611, %broadcast_in_dim3A_613, %get3A_604 : vector<16xi1>, vector<16xi32>
          %swap3A_615 = arith.constant 160 : index
          %swap3A_616 = tpu.vector_load %arg16[%swap3A_615] {strides = array<i32>} : memref<320xi32, #tpu.memory_space<vmem>>, vector<16xi32>,
          tpu.vector_store %arg16[%swap3A_615], %select_n3A_614 {strides = array<i32>} : memref<320xi32, #tpu.memory_space<vmem>>, vector<16xi32>,
          %get3A_617 = arith.constant 176 : index
          %get3A_618 = tpu.vector_load %arg16[%get3A_617] {strides = array<i32>} : memref<320xi32, #tpu.memory_space<vmem>>, vector<16xi32>,
          %get3A_619 = arith.constant 176 : index
          %get3A_620 = tpu.vector_load %arg17[%get3A_619] {strides = array<i32>} : memref<320xi32, #tpu.memory_space<vmem>>, vector<16xi32>,
          %eq3A_621 = vector.broadcast %reduce_max3A_258 : i32 to vector<16xi32>
          %eq3A_622 = arith.cmpi eq, %get3A_618, %eq3A_621 : vector<16xi32>
          %eq3A_623 = vector.broadcast %reduce_min3A_463 : i32 to vector<16xi32>
          %eq3A_624 = arith.cmpi eq, %get3A_620, %eq3A_623 : vector<16xi32>
          %and3A_625 = arith.andi %eq3A_622, %eq3A_624 : vector<16xi1>
          %jit3A_626 = arith.constant -2147483648 : i32
          %broadcast_in_dim3A_627 = vector.broadcast %jit3A_626 : i32 to vector<16xi32>
          %select_n3A_628 = arith.select %and3A_625, %broadcast_in_dim3A_627, %get3A_618 : vector<16xi1>, vector<16xi32>
          %swap3A_629 = arith.constant 176 : index
          %swap3A_630 = tpu.vector_load %arg16[%swap3A_629] {strides = array<i32>} : memref<320xi32, #tpu.memory_space<vmem>>, vector<16xi32>,
          tpu.vector_store %arg16[%swap3A_629], %select_n3A_628 {strides = array<i32>} : memref<320xi32, #tpu.memory_space<vmem>>, vector<16xi32>,
          %get3A_631 = arith.constant 192 : index
          %get3A_632 = tpu.vector_load %arg16[%get3A_631] {strides = array<i32>} : memref<320xi32, #tpu.memory_space<vmem>>, vector<16xi32>,
          %get3A_633 = arith.constant 192 : index
          %get3A_634 = tpu.vector_load %arg17[%get3A_633] {strides = array<i32>} : memref<320xi32, #tpu.memory_space<vmem>>, vector<16xi32>,
          %eq3A_635 = vector.broadcast %reduce_max3A_258 : i32 to vector<16xi32>
          %eq3A_636 = arith.cmpi eq, %get3A_632, %eq3A_635 : vector<16xi32>
          %eq3A_637 = vector.broadcast %reduce_min3A_463 : i32 to vector<16xi32>
          %eq3A_638 = arith.cmpi eq, %get3A_634, %eq3A_637 : vector<16xi32>
          %and3A_639 = arith.andi %eq3A_636, %eq3A_638 : vector<16xi1>
          %jit3A_640 = arith.constant -2147483648 : i32
          %broadcast_in_dim3A_641 = vector.broadcast %jit3A_640 : i32 to vector<16xi32>
          %select_n3A_642 = arith.select %and3A_639, %broadcast_in_dim3A_641, %get3A_632 : vector<16xi1>, vector<16xi32>
          %swap3A_643 = arith.constant 192 : index
          %swap3A_644 = tpu.vector_load %arg16[%swap3A_643] {strides = array<i32>} : memref<320xi32, #tpu.memory_space<vmem>>, vector<16xi32>,
          tpu.vector_store %arg16[%swap3A_643], %select_n3A_642 {strides = array<i32>} : memref<320xi32, #tpu.memory_space<vmem>>, vector<16xi32>,
          %get3A_645 = arith.constant 208 : index
          %get3A_646 = tpu.vector_load %arg16[%get3A_645] {strides = array<i32>} : memref<320xi32, #tpu.memory_space<vmem>>, vector<16xi32>,
          %get3A_647 = arith.constant 208 : index
          %get3A_648 = tpu.vector_load %arg17[%get3A_647] {strides = array<i32>} : memref<320xi32, #tpu.memory_space<vmem>>, vector<16xi32>,
          %eq3A_649 = vector.broadcast %reduce_max3A_258 : i32 to vector<16xi32>
          %eq3A_650 = arith.cmpi eq, %get3A_646, %eq3A_649 : vector<16xi32>
          %eq3A_651 = vector.broadcast %reduce_min3A_463 : i32 to vector<16xi32>
          %eq3A_652 = arith.cmpi eq, %get3A_648, %eq3A_651 : vector<16xi32>
          %and3A_653 = arith.andi %eq3A_650, %eq3A_652 : vector<16xi1>
          %jit3A_654 = arith.constant -2147483648 : i32
          %broadcast_in_dim3A_655 = vector.broadcast %jit3A_654 : i32 to vector<16xi32>
          %select_n3A_656 = arith.select %and3A_653, %broadcast_in_dim3A_655, %get3A_646 : vector<16xi1>, vector<16xi32>
          %swap3A_657 = arith.constant 208 : index
          %swap3A_658 = tpu.vector_load %arg16[%swap3A_657] {strides = array<i32>} : memref<320xi32, #tpu.memory_space<vmem>>, vector<16xi32>,
          tpu.vector_store %arg16[%swap3A_657], %select_n3A_656 {strides = array<i32>} : memref<320xi32, #tpu.memory_space<vmem>>, vector<16xi32>,
          %get3A_659 = arith.constant 224 : index
          %get3A_660 = tpu.vector_load %arg16[%get3A_659] {strides = array<i32>} : memref<320xi32, #tpu.memory_space<vmem>>, vector<16xi32>,
          %get3A_661 = arith.constant 224 : index
          %get3A_662 = tpu.vector_load %arg17[%get3A_661] {strides = array<i32>} : memref<320xi32, #tpu.memory_space<vmem>>, vector<16xi32>,
          %eq3A_663 = vector.broadcast %reduce_max3A_258 : i32 to vector<16xi32>
          %eq3A_664 = arith.cmpi eq, %get3A_660, %eq3A_663 : vector<16xi32>
          %eq3A_665 = vector.broadcast %reduce_min3A_463 : i32 to vector<16xi32>
          %eq3A_666 = arith.cmpi eq, %get3A_662, %eq3A_665 : vector<16xi32>
          %and3A_667 = arith.andi %eq3A_664, %eq3A_666 : vector<16xi1>
          %jit3A_668 = arith.constant -2147483648 : i32
          %broadcast_in_dim3A_669 = vector.broadcast %jit3A_668 : i32 to vector<16xi32>
          %select_n3A_670 = arith.select %and3A_667, %broadcast_in_dim3A_669, %get3A_660 : vector<16xi1>, vector<16xi32>
          %swap3A_671 = arith.constant 224 : index
          %swap3A_672 = tpu.vector_load %arg16[%swap3A_671] {strides = array<i32>} : memref<320xi32, #tpu.memory_space<vmem>>, vector<16xi32>,
          tpu.vector_store %arg16[%swap3A_671], %select_n3A_670 {strides = array<i32>} : memref<320xi32, #tpu.memory_space<vmem>>, vector<16xi32>,
          %get3A_673 = arith.constant 240 : index
          %get3A_674 = tpu.vector_load %arg16[%get3A_673] {strides = array<i32>} : memref<320xi32, #tpu.memory_space<vmem>>, vector<16xi32>,
          %get3A_675 = arith.constant 240 : index
          %get3A_676 = tpu.vector_load %arg17[%get3A_675] {strides = array<i32>} : memref<320xi32, #tpu.memory_space<vmem>>, vector<16xi32>,
          %eq3A_677 = vector.broadcast %reduce_max3A_258 : i32 to vector<16xi32>
          %eq3A_678 = arith.cmpi eq, %get3A_674, %eq3A_677 : vector<16xi32>
          %eq3A_679 = vector.broadcast %reduce_min3A_463 : i32 to vector<16xi32>
          %eq3A_680 = arith.cmpi eq, %get3A_676, %eq3A_679 : vector<16xi32>
          %and3A_681 = arith.andi %eq3A_678, %eq3A_680 : vector<16xi1>
          %jit3A_682 = arith.constant -2147483648 : i32
          %broadcast_in_dim3A_683 = vector.broadcast %jit3A_682 : i32 to vector<16xi32>
          %select_n3A_684 = arith.select %and3A_681, %broadcast_in_dim3A_683, %get3A_674 : vector<16xi1>, vector<16xi32>
          %swap3A_685 = arith.constant 240 : index
          %swap3A_686 = tpu.vector_load %arg16[%swap3A_685] {strides = array<i32>} : memref<320xi32, #tpu.memory_space<vmem>>, vector<16xi32>,
          tpu.vector_store %arg16[%swap3A_685], %select_n3A_684 {strides = array<i32>} : memref<320xi32, #tpu.memory_space<vmem>>, vector<16xi32>,
          %get3A_687 = arith.constant 256 : index
          %get3A_688 = tpu.vector_load %arg16[%get3A_687] {strides = array<i32>} : memref<320xi32, #tpu.memory_space<vmem>>, vector<16xi32>,
          %get3A_689 = arith.constant 256 : index
          %get3A_690 = tpu.vector_load %arg17[%get3A_689] {strides = array<i32>} : memref<320xi32, #tpu.memory_space<vmem>>, vector<16xi32>,
          %eq3A_691 = vector.broadcast %reduce_max3A_258 : i32 to vector<16xi32>
          %eq3A_692 = arith.cmpi eq, %get3A_688, %eq3A_691 : vector<16xi32>
          %eq3A_693 = vector.broadcast %reduce_min3A_463 : i32 to vector<16xi32>
          %eq3A_694 = arith.cmpi eq, %get3A_690, %eq3A_693 : vector<16xi32>
          %and3A_695 = arith.andi %eq3A_692, %eq3A_694 : vector<16xi1>
          %jit3A_696 = arith.constant -2147483648 : i32
          %broadcast_in_dim3A_697 = vector.broadcast %jit3A_696 : i32 to vector<16xi32>
          %select_n3A_698 = arith.select %and3A_695, %broadcast_in_dim3A_697, %get3A_688 : vector<16xi1>, vector<16xi32>
          %swap3A_699 = arith.constant 256 : index
          %swap3A_700 = tpu.vector_load %arg16[%swap3A_699] {strides = array<i32>} : memref<320xi32, #tpu.memory_space<vmem>>, vector<16xi32>,
          tpu.vector_store %arg16[%swap3A_699], %select_n3A_698 {strides = array<i32>} : memref<320xi32, #tpu.memory_space<vmem>>, vector<16xi32>,
          %get3A_701 = arith.constant 272 : index
          %get3A_702 = tpu.vector_load %arg16[%get3A_701] {strides = array<i32>} : memref<320xi32, #tpu.memory_space<vmem>>, vector<16xi32>,
          %get3A_703 = arith.constant 272 : index
          %get3A_704 = tpu.vector_load %arg17[%get3A_703] {strides = array<i32>} : memref<320xi32, #tpu.memory_space<vmem>>, vector<16xi32>,
          %eq3A_705 = vector.broadcast %reduce_max3A_258 : i32 to vector<16xi32>
          %eq3A_706 = arith.cmpi eq, %get3A_702, %eq3A_705 : vector<16xi32>
          %eq3A_707 = vector.broadcast %reduce_min3A_463 : i32 to vector<16xi32>
          %eq3A_708 = arith.cmpi eq, %get3A_704, %eq3A_707 : vector<16xi32>
          %and3A_709 = arith.andi %eq3A_706, %eq3A_708 : vector<16xi1>
          %jit3A_710 = arith.constant -2147483648 : i32
          %broadcast_in_dim3A_711 = vector.broadcast %jit3A_710 : i32 to vector<16xi32>
          %select_n3A_712 = arith.select %and3A_709, %broadcast_in_dim3A_711, %get3A_702 : vector<16xi1>, vector<16xi32>
          %swap3A_713 = arith.constant 272 : index
          %swap3A_714 = tpu.vector_load %arg16[%swap3A_713] {strides = array<i32>} : memref<320xi32, #tpu.memory_space<vmem>>, vector<16xi32>,
          tpu.vector_store %arg16[%swap3A_713], %select_n3A_712 {strides = array<i32>} : memref<320xi32, #tpu.memory_space<vmem>>, vector<16xi32>,
          %get3A_715 = arith.constant 288 : index
          %get3A_716 = tpu.vector_load %arg16[%get3A_715] {strides = array<i32>} : memref<320xi32, #tpu.memory_space<vmem>>, vector<16xi32>,
          %get3A_717 = arith.constant 288 : index
          %get3A_718 = tpu.vector_load %arg17[%get3A_717] {strides = array<i32>} : memref<320xi32, #tpu.memory_space<vmem>>, vector<16xi32>,
          %eq3A_719 = vector.broadcast %reduce_max3A_258 : i32 to vector<16xi32>
          %eq3A_720 = arith.cmpi eq, %get3A_716, %eq3A_719 : vector<16xi32>
          %eq3A_721 = vector.broadcast %reduce_min3A_463 : i32 to vector<16xi32>
          %eq3A_722 = arith.cmpi eq, %get3A_718, %eq3A_721 : vector<16xi32>
          %and3A_723 = arith.andi %eq3A_720, %eq3A_722 : vector<16xi1>
          %jit3A_724 = arith.constant -2147483648 : i32
          %broadcast_in_dim3A_725 = vector.broadcast %jit3A_724 : i32 to vector<16xi32>
          %select_n3A_726 = arith.select %and3A_723, %broadcast_in_dim3A_725, %get3A_716 : vector<16xi1>, vector<16xi32>
          %swap3A_727 = arith.constant 288 : index
          %swap3A_728 = tpu.vector_load %arg16[%swap3A_727] {strides = array<i32>} : memref<320xi32, #tpu.memory_space<vmem>>, vector<16xi32>,
          tpu.vector_store %arg16[%swap3A_727], %select_n3A_726 {strides = array<i32>} : memref<320xi32, #tpu.memory_space<vmem>>, vector<16xi32>,
          %get3A_729 = arith.constant 304 : index
          %get3A_730 = tpu.vector_load %arg16[%get3A_729] {strides = array<i32>} : memref<320xi32, #tpu.memory_space<vmem>>, vector<16xi32>,
          %get3A_731 = arith.constant 304 : index
          %get3A_732 = tpu.vector_load %arg17[%get3A_731] {strides = array<i32>} : memref<320xi32, #tpu.memory_space<vmem>>, vector<16xi32>,
          %eq3A_733 = vector.broadcast %reduce_max3A_258 : i32 to vector<16xi32>
          %eq3A_734 = arith.cmpi eq, %get3A_730, %eq3A_733 : vector<16xi32>
          %eq3A_735 = vector.broadcast %reduce_min3A_463 : i32 to vector<16xi32>
          %eq3A_736 = arith.cmpi eq, %get3A_732, %eq3A_735 : vector<16xi32>
          %and3A_737 = arith.andi %eq3A_734, %eq3A_736 : vector<16xi1>
          %jit3A_738 = arith.constant -2147483648 : i32
          %broadcast_in_dim3A_739 = vector.broadcast %jit3A_738 : i32 to vector<16xi32>
          %select_n3A_740 = arith.select %and3A_737, %broadcast_in_dim3A_739, %get3A_730 : vector<16xi1>, vector<16xi32>
          %swap3A_741 = arith.constant 304 : index
          %swap3A_742 = tpu.vector_load %arg16[%swap3A_741] {strides = array<i32>} : memref<320xi32, #tpu.memory_space<vmem>>, vector<16xi32>,
          tpu.vector_store %arg16[%swap3A_741], %select_n3A_740 {strides = array<i32>} : memref<320xi32, #tpu.memory_space<vmem>>, vector<16xi32>,
          %broadcast_in_dim3A_743 = vector.broadcast %scan3A_182 : i32 to vector<16xi32>
          %broadcast_in_dim3A_744 = vector.broadcast %reduce_max3A_258 : i32 to vector<16xi32>
          %eq3A_745 = arith.constant 0 : i32
          %eq3A_746 = vector.broadcast %eq3A_745 : i32 to vector<16xi32>
          %eq3A_747 = arith.cmpi eq, %iota3A, %eq3A_746 : vector<16xi32>
          tpu.vector_store_idx %arg20[%broadcast_in_dim3A_743], %broadcast_in_dim3A_744 masked %eq3A_747 : memref<304xi32, #tpu.memory_space<vmem>>[vector<16xi32>], vector<16xi32>, vector<16xi1>
          %broadcast_in_dim3A_748 = vector.broadcast %scan3A_182 : i32 to vector<16xi32>
          %broadcast_in_dim3A_749 = vector.broadcast %reduce_min3A_463 : i32 to vector<16xi32>
          %eq3A_750 = arith.constant 0 : i32
          %eq3A_751 = vector.broadcast %eq3A_750 : i32 to vector<16xi32>
          %eq3A_752 = arith.cmpi eq, %iota3A, %eq3A_751 : vector<16xi32>
          tpu.vector_store_idx %arg21[%broadcast_in_dim3A_748], %broadcast_in_dim3A_749 masked %eq3A_752 : memref<304xi32, #tpu.memory_space<vmem>>[vector<16xi32>], vector<16xi32>, vector<16xi1>
        } else {
        }
        %not3A_188 = arith.constant true
        %not3A_189 = arith.xori %lt3A_184, %not3A_188 : i1
        %convert_element_type3A_190 = arith.extui %not3A_189 : i1 to i32
        %cond3A_191 = arith.constant 0 : i32
        %cond3A_192 = arith.cmpi ne, %convert_element_type3A_190, %cond3A_191 : i32
        scf.if %cond3A_192 {
          %broadcast_in_dim3A_194 = vector.broadcast %scan3A_182 : i32 to vector<16xi32>
          %broadcast_in_dim3A_195 = vector.broadcast %or3A_129 : i32 to vector<16xi32>
          %eq3A = arith.constant 0 : i32
          %eq3A_196 = vector.broadcast %eq3A : i32 to vector<16xi32>
          %eq3A_197 = arith.cmpi eq, %iota3A, %eq3A_196 : vector<16xi32>
          tpu.vector_store_idx %arg20[%broadcast_in_dim3A_194], %broadcast_in_dim3A_195 masked %eq3A_197 : memref<304xi32, #tpu.memory_space<vmem>>[vector<16xi32>], vector<16xi32>, vector<16xi1>
          %sub3A_198 = arith.subi %scan3A_182, %add3A_126 : i32
          %get3A_199 = arith.index_cast %sub3A_198 : i32 to index
          %get3A_200 = tpu.vector_load %arg18[%get3A_199] {strides = array<i32>} : memref<320xi32, #tpu.memory_space<vmem>>, vector<16xi32>,
          %slice3A_201 = vector.extract_strided_slice %get3A_200 {offsets = [0], sizes = [1], strides = [1]} : vector<16xi32> to vector<1xi32>
          %squeeze3A_202 = vector.extract %slice3A_201[0] : i32 from vector<1xi32>
          %broadcast_in_dim3A_203 = vector.broadcast %scan3A_182 : i32 to vector<16xi32>
          %broadcast_in_dim3A_204 = vector.broadcast %squeeze3A_202 : i32 to vector<16xi32>
          %eq3A_205 = arith.constant 0 : i32
          %eq3A_206 = vector.broadcast %eq3A_205 : i32 to vector<16xi32>
          %eq3A_207 = arith.cmpi eq, %iota3A, %eq3A_206 : vector<16xi32>
          tpu.vector_store_idx %arg21[%broadcast_in_dim3A_203], %broadcast_in_dim3A_204 masked %eq3A_207 : memref<304xi32, #tpu.memory_space<vmem>>[vector<16xi32>], vector<16xi32>, vector<16xi1>
        } else {
        }
        %scan3A_193 = arith.constant 0 : i32
        scf.yield %scan3A_193 : i32
      }
      %scan3A_154 = arith.constant 300 : i32
      %get3A = arith.constant 0 : index
      %get3A_155 = tpu.vector_load %arg31[%get3A] {strides = array<i32>} : memref<16xf32, #tpu.memory_space<vmem>>, vector<16xf32>,
      %slice3A = vector.extract_strided_slice %get3A_155 {offsets = [0], sizes = [1], strides = [1]} : vector<16xf32> to vector<1xf32>
      %squeeze3A = vector.extract %slice3A[0] : f32 from vector<1xf32>
      %slice3A_156 = vector.extract_strided_slice %get3A_155 {offsets = [1], sizes = [1], strides = [1]} : vector<16xf32> to vector<1xf32>
      %squeeze3A_157 = vector.extract %slice3A_156[0] : f32 from vector<1xf32>
      %scan3A_158 = arith.constant 0 : i32
      %scan3A_159 = arith.constant 0 : i32
      %scan3A_160 = arith.constant 19 : i32
      %scan3A_161 = arith.addi %scan3A_159, %scan3A_160 : i32
      %scan3A_162 = arith.constant 1 : i32
      %scan3A_163 = scf.for %scan3A_182 = %scan3A_159 to %scan3A_161 step %scan3A_162 iter_args(%scan3A_183 = %scan3A_158) -> (i32)  : i32 {
        %mul3A_184 = arith.constant 16 : i32
        %mul3A_185 = arith.muli %scan3A_182, %mul3A_184 : i32
        %get3A_186 = arith.index_cast %mul3A_185 : i32 to index
        %get3A_187 = tpu.vector_load %arg20[%get3A_186] {strides = array<i32>} : memref<304xi32, #tpu.memory_space<vmem>>, vector<16xi32>,
        %get3A_188 = arith.index_cast %mul3A_185 : i32 to index
        %get3A_189 = tpu.vector_load %arg21[%get3A_188] {strides = array<i32>} : memref<304xi32, #tpu.memory_space<vmem>>, vector<16xi32>,
        %shift_right_arithmetic3A = arith.constant 31 : i32
        %shift_right_arithmetic3A_190 = vector.broadcast %shift_right_arithmetic3A : i32 to vector<16xi32>
        %shift_right_arithmetic3A_191 = arith.shrsi %get3A_187, %shift_right_arithmetic3A_190 : vector<16xi32>
        %shift_right_logical3A = arith.constant 1 : i32
        %shift_right_logical3A_192 = vector.broadcast %shift_right_logical3A : i32 to vector<16xi32>
        %shift_right_logical3A_193 = arith.shrui %shift_right_arithmetic3A_191, %shift_right_logical3A_192 : vector<16xi32>
        %xor3A = arith.xori %get3A_187, %shift_right_logical3A_193 : vector<16xi32>
        %bitcast_convert_type3A = tpu.bitcast %xor3A : vector<16xi32> -> vector<16xf32>
        %neg3A = arith.constant 0.000000e+00 : f32
        %neg3A_194 = vector.broadcast %neg3A : f32 to vector<16xf32>
        %neg3A_195 = arith.subf %neg3A_194, %bitcast_convert_type3A : vector<16xf32>
        %exp3A = math.exp %neg3A_195 : vector<16xf32>
        %add3A_196 = arith.constant 1.000000e+00 : f32
        %add3A_197 = vector.broadcast %add3A_196 : f32 to vector<16xf32>
        %add3A_198 = arith.addf %add3A_197, %exp3A : vector<16xf32>
        %div3A = arith.constant 1.000000e+00 : f32
        %div3A_199 = vector.broadcast %div3A : f32 to vector<16xf32>
        %div3A_200 = arith.divf %div3A_199, %add3A_198 : vector<16xf32>
        %swap3A_201 = arith.index_cast %mul3A_185 : i32 to index
        %swap3A_202 = tpu.vector_load %arg29[%swap3A_201] {strides = array<i32>} : memref<304xf32, #tpu.memory_space<vmem>>, vector<16xf32>,
        tpu.vector_store %arg29[%swap3A_201], %div3A_200 {strides = array<i32>} : memref<304xf32, #tpu.memory_space<vmem>>, vector<16xf32>,
        %convert_element_type3A_203 = arith.sitofp %get3A_189 : vector<16xi32> to vector<16xf32>
        %mul3A_204 = arith.constant 0.0109890113 : f32
        %mul3A_205 = vector.broadcast %mul3A_204 : f32 to vector<16xf32>
        %mul3A_206 = arith.mulf %convert_element_type3A_203, %mul3A_205 : vector<16xf32>
        %convert_element_type3A_207 = arith.fptosi %mul3A_206 : vector<16xf32> to vector<16xi32>
        %mul3A_208 = arith.constant 91 : i32
        %mul3A_209 = vector.broadcast %mul3A_208 : i32 to vector<16xi32>
        %mul3A_210 = arith.muli %convert_element_type3A_207, %mul3A_209 : vector<16xi32>
        %sub3A_211 = arith.subi %get3A_189, %mul3A_210 : vector<16xi32>
        %ge3A = arith.constant 91 : i32
        %ge3A_212 = vector.broadcast %ge3A : i32 to vector<16xi32>
        %ge3A_213 = arith.cmpi sge, %sub3A_211, %ge3A_212 : vector<16xi32>
        %convert_element_type3A_214 = arith.extui %ge3A_213 : vector<16xi1> to vector<16xi32>
        %add3A_215 = arith.addi %convert_element_type3A_207, %convert_element_type3A_214 : vector<16xi32>
        %lt3A_216 = arith.constant 0 : i32
        %lt3A_217 = vector.broadcast %lt3A_216 : i32 to vector<16xi32>
        %lt3A_218 = arith.cmpi slt, %sub3A_211, %lt3A_217 : vector<16xi32>
        %convert_element_type3A_219 = arith.extui %lt3A_218 : vector<16xi1> to vector<16xi32>
        %sub3A_220 = arith.subi %add3A_215, %convert_element_type3A_219 : vector<16xi32>
        %mul3A_221 = arith.constant 91 : i32
        %mul3A_222 = vector.broadcast %mul3A_221 : i32 to vector<16xi32>
        %mul3A_223 = arith.muli %sub3A_220, %mul3A_222 : vector<16xi32>
        %sub3A_224 = arith.subi %get3A_189, %mul3A_223 : vector<16xi32>
        %swap3A_225 = arith.index_cast %mul3A_185 : i32 to index
        %swap3A_226 = tpu.vector_load %arg30[%swap3A_225] {strides = array<i32>} : memref<304xi32, #tpu.memory_space<vmem>>, vector<16xi32>,
        tpu.vector_store %arg30[%swap3A_225], %sub3A_224 {strides = array<i32>} : memref<304xi32, #tpu.memory_space<vmem>>, vector<16xi32>,
        %mul3A_227 = arith.constant 4 : i32
        %mul3A_228 = vector.broadcast %mul3A_227 : i32 to vector<16xi32>
        %mul3A_229 = arith.muli %sub3A_220, %mul3A_228 : vector<16xi32>
        %gather3A = tpu.vector_load_idx %arg19[%mul3A_229] : memref<3600xf32, #tpu.memory_space<vmem>>[vector<16xi32>], vector<16xf32>,
        %add3A_230 = arith.constant 1 : i32
        %add3A_231 = vector.broadcast %add3A_230 : i32 to vector<16xi32>
        %add3A_232 = arith.addi %mul3A_229, %add3A_231 : vector<16xi32>
        %gather3A_233 = tpu.vector_load_idx %arg19[%add3A_232] : memref<3600xf32, #tpu.memory_space<vmem>>[vector<16xi32>], vector<16xf32>,
        %add3A_234 = arith.constant 2 : i32
        %add3A_235 = vector.broadcast %add3A_234 : i32 to vector<16xi32>
        %add3A_236 = arith.addi %mul3A_229, %add3A_235 : vector<16xi32>
        %gather3A_237 = tpu.vector_load_idx %arg19[%add3A_236] : memref<3600xf32, #tpu.memory_space<vmem>>[vector<16xi32>], vector<16xf32>,
        %add3A_238 = arith.constant 3 : i32
        %add3A_239 = vector.broadcast %add3A_238 : i32 to vector<16xi32>
        %add3A_240 = arith.addi %mul3A_229, %add3A_239 : vector<16xi32>
        %gather3A_241 = tpu.vector_load_idx %arg19[%add3A_240] : memref<3600xf32, #tpu.memory_space<vmem>>[vector<16xi32>], vector<16xf32>,
        %mul3A_242 = arith.constant 5.000000e-01 : f32
        %mul3A_243 = vector.broadcast %mul3A_242 : f32 to vector<16xf32>
        %mul3A_244 = arith.mulf %mul3A_243, %gather3A_237 : vector<16xf32>
        %sub3A_245 = arith.subf %gather3A, %mul3A_244 : vector<16xf32>
        %mul3A_246 = vector.broadcast %squeeze3A : f32 to vector<16xf32>
        %mul3A_247 = arith.mulf %sub3A_245, %mul3A_246 : vector<16xf32>
        %mul3A_248 = arith.constant 5.000000e-01 : f32
        %mul3A_249 = vector.broadcast %mul3A_248 : f32 to vector<16xf32>
        %mul3A_250 = arith.mulf %mul3A_249, %gather3A_241 : vector<16xf32>
        %sub3A_251 = arith.subf %gather3A_233, %mul3A_250 : vector<16xf32>
        %mul3A_252 = vector.broadcast %squeeze3A_157 : f32 to vector<16xf32>
        %mul3A_253 = arith.mulf %sub3A_251, %mul3A_252 : vector<16xf32>
        %mul3A_254 = arith.constant 5.000000e-01 : f32
        %mul3A_255 = vector.broadcast %mul3A_254 : f32 to vector<16xf32>
        %mul3A_256 = arith.mulf %mul3A_255, %gather3A_237 : vector<16xf32>
        %add3A_257 = arith.addf %gather3A, %mul3A_256 : vector<16xf32>
        %mul3A_258 = vector.broadcast %squeeze3A : f32 to vector<16xf32>
        %mul3A_259 = arith.mulf %add3A_257, %mul3A_258 : vector<16xf32>
        %mul3A_260 = arith.constant 5.000000e-01 : f32
        %mul3A_261 = vector.broadcast %mul3A_260 : f32 to vector<16xf32>
        %mul3A_262 = arith.mulf %mul3A_261, %gather3A_241 : vector<16xf32>
        %add3A_263 = arith.addf %gather3A_233, %mul3A_262 : vector<16xf32>
        %mul3A_264 = vector.broadcast %squeeze3A_157 : f32 to vector<16xf32>
        %mul3A_265 = arith.mulf %add3A_263, %mul3A_264 : vector<16xf32>
        %swap3A_266 = arith.index_cast %mul3A_185 : i32 to index
        %swap3A_267 = tpu.vector_load %arg22[%swap3A_266] {strides = array<i32>} : memref<320xf32, #tpu.memory_space<vmem>>, vector<16xf32>,
        tpu.vector_store %arg22[%swap3A_266], %mul3A_247 {strides = array<i32>} : memref<320xf32, #tpu.memory_space<vmem>>, vector<16xf32>,
        %swap3A_268 = arith.index_cast %mul3A_185 : i32 to index
        %swap3A_269 = tpu.vector_load %arg23[%swap3A_268] {strides = array<i32>} : memref<320xf32, #tpu.memory_space<vmem>>, vector<16xf32>,
        tpu.vector_store %arg23[%swap3A_268], %mul3A_253 {strides = array<i32>} : memref<320xf32, #tpu.memory_space<vmem>>, vector<16xf32>,
        %swap3A_270 = arith.index_cast %mul3A_185 : i32 to index
        %swap3A_271 = tpu.vector_load %arg24[%swap3A_270] {strides = array<i32>} : memref<320xf32, #tpu.memory_space<vmem>>, vector<16xf32>,
        tpu.vector_store %arg24[%swap3A_270], %mul3A_259 {strides = array<i32>} : memref<320xf32, #tpu.memory_space<vmem>>, vector<16xf32>,
        %swap3A_272 = arith.index_cast %mul3A_185 : i32 to index
        %swap3A_273 = tpu.vector_load %arg25[%swap3A_272] {strides = array<i32>} : memref<320xf32, #tpu.memory_space<vmem>>, vector<16xf32>,
        tpu.vector_store %arg25[%swap3A_272], %mul3A_265 {strides = array<i32>} : memref<320xf32, #tpu.memory_space<vmem>>, vector<16xf32>,
        %sub3A_274 = arith.subf %mul3A_259, %mul3A_247 : vector<16xf32>
        %sub3A_275 = arith.subf %mul3A_265, %mul3A_253 : vector<16xf32>
        %mul3A_276 = arith.mulf %sub3A_274, %sub3A_275 : vector<16xf32>
        %swap3A_277 = arith.index_cast %mul3A_185 : i32 to index
        %swap3A_278 = tpu.vector_load %arg26[%swap3A_277] {strides = array<i32>} : memref<320xf32, #tpu.memory_space<vmem>>, vector<16xf32>,
        tpu.vector_store %arg26[%swap3A_277], %mul3A_276 {strides = array<i32>} : memref<320xf32, #tpu.memory_space<vmem>>, vector<16xf32>,
        %swap3A_279 = arith.index_cast %mul3A_185 : i32 to index
        %swap3A_280 = tpu.vector_load %arg27[%swap3A_279] {strides = array<i32>} : memref<320xi32, #tpu.memory_space<vmem>>, vector<16xi32>,
        tpu.vector_store %arg27[%swap3A_279], %broadcast_in_dim3A_1 {strides = array<i32>} : memref<320xi32, #tpu.memory_space<vmem>>, vector<16xi32>,
        %mul3A_281 = arith.constant 16 : i32
        %mul3A_282 = arith.muli %scan3A_182, %mul3A_281 : i32
        %add3A_283 = vector.broadcast %mul3A_282 : i32 to vector<16xi32>
        %add3A_284 = arith.addi %add3A_283, %iota3A : vector<16xi32>
        %mul3A_285 = arith.constant 4 : i32
        %mul3A_286 = vector.broadcast %mul3A_285 : i32 to vector<16xi32>
        %mul3A_287 = arith.muli %add3A_284, %mul3A_286 : vector<16xi32>
        tpu.vector_store_idx %arg28[%mul3A_287], %mul3A_247 : memref<1216xf32, #tpu.memory_space<vmem>>[vector<16xi32>], vector<16xf32>,
        %add3A_288 = arith.constant 1 : i32
        %add3A_289 = vector.broadcast %add3A_288 : i32 to vector<16xi32>
        %add3A_290 = arith.addi %mul3A_287, %add3A_289 : vector<16xi32>
        tpu.vector_store_idx %arg28[%add3A_290], %mul3A_253 : memref<1216xf32, #tpu.memory_space<vmem>>[vector<16xi32>], vector<16xf32>,
        %add3A_291 = arith.constant 2 : i32
        %add3A_292 = vector.broadcast %add3A_291 : i32 to vector<16xi32>
        %add3A_293 = arith.addi %mul3A_287, %add3A_292 : vector<16xi32>
        tpu.vector_store_idx %arg28[%add3A_293], %mul3A_259 : memref<1216xf32, #tpu.memory_space<vmem>>[vector<16xi32>], vector<16xf32>,
        %add3A_294 = arith.constant 3 : i32
        %add3A_295 = vector.broadcast %add3A_294 : i32 to vector<16xi32>
        %add3A_296 = arith.addi %mul3A_287, %add3A_295 : vector<16xi32>
        tpu.vector_store_idx %arg28[%add3A_296], %mul3A_265 : memref<1216xf32, #tpu.memory_space<vmem>>[vector<16xi32>], vector<16xf32>,
        %scan3A_297 = arith.constant 0 : i32
        scf.yield %scan3A_297 : i32
      }
      %scan3A_164 = arith.constant 19 : i32
      %scan3A_165 = arith.constant 0 : i32
      %scan3A_166 = arith.constant 0 : i32
      %scan3A_167 = arith.constant 300 : i32
      %scan3A_168 = arith.addi %scan3A_166, %scan3A_167 : i32
      %scan3A_169 = arith.constant 1 : i32
      %scan3A_170 = scf.for %scan3A_182 = %scan3A_166 to %scan3A_168 step %scan3A_169 iter_args(%scan3A_183 = %scan3A_165) -> (i32)  : i32 {
        %get3A_184 = arith.index_cast %scan3A_182 : i32 to index
        %get3A_185 = tpu.vector_load %arg27[%get3A_184] {strides = array<i32>} : memref<320xi32, #tpu.memory_space<vmem>>, vector<16xi32>,
        %slice3A_186 = vector.extract_strided_slice %get3A_185 {offsets = [0], sizes = [1], strides = [1]} : vector<16xi32> to vector<1xi32>
        %squeeze3A_187 = vector.extract %slice3A_186[0] : i32 from vector<1xi32>
        %ne3A = arith.constant 0 : i32
        %ne3A_188 = arith.cmpi ne, %squeeze3A_187, %ne3A : i32
        %convert_element_type3A_189 = arith.extui %ne3A_188 : i1 to i32
        %cond3A_190 = arith.constant 0 : i32
        %cond3A_191 = arith.cmpi ne, %convert_element_type3A_189, %cond3A_190 : i32
        scf.if %cond3A_191 {
          %get3A_193 = arith.index_cast %scan3A_182 : i32 to index
          %get3A_194 = tpu.vector_load %arg22[%get3A_193] {strides = array<i32>} : memref<320xf32, #tpu.memory_space<vmem>>, vector<16xf32>,
          %slice3A_195 = vector.extract_strided_slice %get3A_194 {offsets = [0], sizes = [1], strides = [1]} : vector<16xf32> to vector<1xf32>
          %squeeze3A_196 = vector.extract %slice3A_195[0] : f32 from vector<1xf32>
          %get3A_197 = arith.index_cast %scan3A_182 : i32 to index
          %get3A_198 = tpu.vector_load %arg23[%get3A_197] {strides = array<i32>} : memref<320xf32, #tpu.memory_space<vmem>>, vector<16xf32>,
          %slice3A_199 = vector.extract_strided_slice %get3A_198 {offsets = [0], sizes = [1], strides = [1]} : vector<16xf32> to vector<1xf32>
          %squeeze3A_200 = vector.extract %slice3A_199[0] : f32 from vector<1xf32>
          %get3A_201 = arith.index_cast %scan3A_182 : i32 to index
          %get3A_202 = tpu.vector_load %arg24[%get3A_201] {strides = array<i32>} : memref<320xf32, #tpu.memory_space<vmem>>, vector<16xf32>,
          %slice3A_203 = vector.extract_strided_slice %get3A_202 {offsets = [0], sizes = [1], strides = [1]} : vector<16xf32> to vector<1xf32>
          %squeeze3A_204 = vector.extract %slice3A_203[0] : f32 from vector<1xf32>
          %get3A_205 = arith.index_cast %scan3A_182 : i32 to index
          %get3A_206 = tpu.vector_load %arg25[%get3A_205] {strides = array<i32>} : memref<320xf32, #tpu.memory_space<vmem>>, vector<16xf32>,
          %slice3A_207 = vector.extract_strided_slice %get3A_206 {offsets = [0], sizes = [1], strides = [1]} : vector<16xf32> to vector<1xf32>
          %squeeze3A_208 = vector.extract %slice3A_207[0] : f32 from vector<1xf32>
          %get3A_209 = arith.index_cast %scan3A_182 : i32 to index
          %get3A_210 = tpu.vector_load %arg26[%get3A_209] {strides = array<i32>} : memref<320xf32, #tpu.memory_space<vmem>>, vector<16xf32>,
          %slice3A_211 = vector.extract_strided_slice %get3A_210 {offsets = [0], sizes = [1], strides = [1]} : vector<16xf32> to vector<1xf32>
          %squeeze3A_212 = vector.extract %slice3A_211[0] : f32 from vector<1xf32>
          %shift_right_logical3A = arith.constant 4 : i32
          %shift_right_logical3A_213 = arith.shrui %scan3A_182, %shift_right_logical3A : i32
          %while3A = arith.constant 19 : i32
          %while3A_214 = arith.constant 0 : i32
          %while3A_215 = arith.subi %while3A, %shift_right_logical3A_213 : i32
          %while3A_216 = arith.addi %shift_right_logical3A_213, %while3A_215 : i32
          %while3A_217 = arith.constant 1 : i32
          %while3A_218 = arith.divsi %while3A_215, %while3A_217 : i32
          %while3A_219 = arith.muli %while3A_218, %while3A_217 : i32
          %while3A_220 = arith.addi %shift_right_logical3A_213, %while3A_219 : i32
          %while3A_221 = arith.constant 1 : i32
          %while3A_222 = scf.for %while3A_225 = %shift_right_logical3A_213 to %while3A_220 step %while3A_221 iter_args(%while3A_226 = %while3A_214) -> (i32)  : i32 {
            %mul3A_227 = arith.constant 16 : i32
            %mul3A_228 = arith.muli %while3A_225, %mul3A_227 : i32
            %get3A_229 = arith.index_cast %mul3A_228 : i32 to index
            %get3A_230 = tpu.vector_load %arg24[%get3A_229] {strides = array<i32>} : memref<320xf32, #tpu.memory_space<vmem>>, vector<16xf32>,
            %min3A = vector.broadcast %squeeze3A_204 : f32 to vector<16xf32>
            %min3A_231 = arith.minimumf %min3A, %get3A_230 : vector<16xf32>
            %get3A_232 = arith.index_cast %mul3A_228 : i32 to index
            %get3A_233 = tpu.vector_load %arg22[%get3A_232] {strides = array<i32>} : memref<320xf32, #tpu.memory_space<vmem>>, vector<16xf32>,
            %max3A = vector.broadcast %squeeze3A_196 : f32 to vector<16xf32>
            %max3A_234 = arith.maximumf %max3A, %get3A_233 : vector<16xf32>
            %sub3A_235 = arith.subf %min3A_231, %max3A_234 : vector<16xf32>
            %max3A_236 = arith.constant 0.000000e+00 : f32
            %max3A_237 = vector.broadcast %max3A_236 : f32 to vector<16xf32>
            %max3A_238 = arith.maximumf %sub3A_235, %max3A_237 : vector<16xf32>
            %get3A_239 = arith.index_cast %mul3A_228 : i32 to index
            %get3A_240 = tpu.vector_load %arg25[%get3A_239] {strides = array<i32>} : memref<320xf32, #tpu.memory_space<vmem>>, vector<16xf32>,
            %min3A_241 = vector.broadcast %squeeze3A_208 : f32 to vector<16xf32>
            %min3A_242 = arith.minimumf %min3A_241, %get3A_240 : vector<16xf32>
            %get3A_243 = arith.index_cast %mul3A_228 : i32 to index
            %get3A_244 = tpu.vector_load %arg23[%get3A_243] {strides = array<i32>} : memref<320xf32, #tpu.memory_space<vmem>>, vector<16xf32>,
            %max3A_245 = vector.broadcast %squeeze3A_200 : f32 to vector<16xf32>
            %max3A_246 = arith.maximumf %max3A_245, %get3A_244 : vector<16xf32>
            %sub3A_247 = arith.subf %min3A_242, %max3A_246 : vector<16xf32>
            %max3A_248 = arith.constant 0.000000e+00 : f32
            %max3A_249 = vector.broadcast %max3A_248 : f32 to vector<16xf32>
            %max3A_250 = arith.maximumf %sub3A_247, %max3A_249 : vector<16xf32>
            %mul3A_251 = arith.mulf %max3A_238, %max3A_250 : vector<16xf32>
            %get3A_252 = arith.index_cast %mul3A_228 : i32 to index
            %get3A_253 = tpu.vector_load %arg26[%get3A_252] {strides = array<i32>} : memref<320xf32, #tpu.memory_space<vmem>>, vector<16xf32>,
            %add3A_254 = vector.broadcast %squeeze3A_212 : f32 to vector<16xf32>
            %add3A_255 = arith.addf %add3A_254, %get3A_253 : vector<16xf32>
            %sub3A_256 = arith.subf %add3A_255, %mul3A_251 : vector<16xf32>
            %max3A_257 = arith.constant 9.99999971E-10 : f32
            %max3A_258 = vector.broadcast %max3A_257 : f32 to vector<16xf32>
            %max3A_259 = arith.maximumf %sub3A_256, %max3A_258 : vector<16xf32>
            %div3A = arith.divf %mul3A_251, %max3A_259 : vector<16xf32>
            %mul3A_260 = arith.constant 16 : i32
            %mul3A_261 = arith.muli %while3A_225, %mul3A_260 : i32
            %add3A_262 = vector.broadcast %mul3A_261 : i32 to vector<16xi32>
            %add3A_263 = arith.addi %add3A_262, %iota3A : vector<16xi32>
            %gt3A = arith.constant 5.000000e-01 : f32
            %gt3A_264 = vector.broadcast %gt3A : f32 to vector<16xf32>
            %gt3A_265 = arith.cmpf ogt, %div3A, %gt3A_264 : vector<16xf32>
            %gt3A_266 = vector.broadcast %scan3A_182 : i32 to vector<16xi32>
            %gt3A_267 = arith.cmpi sgt, %add3A_263, %gt3A_266 : vector<16xi32>
            %and3A = arith.andi %gt3A_265, %gt3A_267 : vector<16xi1>
            %get3A_268 = arith.index_cast %mul3A_228 : i32 to index
            %get3A_269 = tpu.vector_load %arg27[%get3A_268] {strides = array<i32>} : memref<320xi32, #tpu.memory_space<vmem>>, vector<16xi32>,
            %jit3A = arith.constant 0 : i32
            %broadcast_in_dim3A_270 = vector.broadcast %jit3A : i32 to vector<16xi32>
            %select_n3A = arith.select %and3A, %broadcast_in_dim3A_270, %get3A_269 : vector<16xi1>, vector<16xi32>
            %swap3A_271 = arith.index_cast %mul3A_228 : i32 to index
            %swap3A_272 = tpu.vector_load %arg27[%swap3A_271] {strides = array<i32>} : memref<320xi32, #tpu.memory_space<vmem>>, vector<16xi32>,
            tpu.vector_store %arg27[%swap3A_271], %select_n3A {strides = array<i32>} : memref<320xi32, #tpu.memory_space<vmem>>, vector<16xi32>,
            %while3A_273 = arith.constant 0 : i32
            scf.yield %while3A_273 : i32
          }
          %while3A_223 = arith.constant 1 : i32
          %while3A_224 = scf.for %while3A_225 = %while3A_220 to %while3A_216 step %while3A_223 iter_args(%while3A_226 = %while3A_222) -> (i32)  : i32 {
            %mul3A_227 = arith.constant 16 : i32
            %mul3A_228 = arith.muli %while3A_225, %mul3A_227 : i32
            %get3A_229 = arith.index_cast %mul3A_228 : i32 to index
            %get3A_230 = tpu.vector_load %arg24[%get3A_229] {strides = array<i32>} : memref<320xf32, #tpu.memory_space<vmem>>, vector<16xf32>,
            %min3A = vector.broadcast %squeeze3A_204 : f32 to vector<16xf32>
            %min3A_231 = arith.minimumf %min3A, %get3A_230 : vector<16xf32>
            %get3A_232 = arith.index_cast %mul3A_228 : i32 to index
            %get3A_233 = tpu.vector_load %arg22[%get3A_232] {strides = array<i32>} : memref<320xf32, #tpu.memory_space<vmem>>, vector<16xf32>,
            %max3A = vector.broadcast %squeeze3A_196 : f32 to vector<16xf32>
            %max3A_234 = arith.maximumf %max3A, %get3A_233 : vector<16xf32>
            %sub3A_235 = arith.subf %min3A_231, %max3A_234 : vector<16xf32>
            %max3A_236 = arith.constant 0.000000e+00 : f32
            %max3A_237 = vector.broadcast %max3A_236 : f32 to vector<16xf32>
            %max3A_238 = arith.maximumf %sub3A_235, %max3A_237 : vector<16xf32>
            %get3A_239 = arith.index_cast %mul3A_228 : i32 to index
            %get3A_240 = tpu.vector_load %arg25[%get3A_239] {strides = array<i32>} : memref<320xf32, #tpu.memory_space<vmem>>, vector<16xf32>,
            %min3A_241 = vector.broadcast %squeeze3A_208 : f32 to vector<16xf32>
            %min3A_242 = arith.minimumf %min3A_241, %get3A_240 : vector<16xf32>
            %get3A_243 = arith.index_cast %mul3A_228 : i32 to index
            %get3A_244 = tpu.vector_load %arg23[%get3A_243] {strides = array<i32>} : memref<320xf32, #tpu.memory_space<vmem>>, vector<16xf32>,
            %max3A_245 = vector.broadcast %squeeze3A_200 : f32 to vector<16xf32>
            %max3A_246 = arith.maximumf %max3A_245, %get3A_244 : vector<16xf32>
            %sub3A_247 = arith.subf %min3A_242, %max3A_246 : vector<16xf32>
            %max3A_248 = arith.constant 0.000000e+00 : f32
            %max3A_249 = vector.broadcast %max3A_248 : f32 to vector<16xf32>
            %max3A_250 = arith.maximumf %sub3A_247, %max3A_249 : vector<16xf32>
            %mul3A_251 = arith.mulf %max3A_238, %max3A_250 : vector<16xf32>
            %get3A_252 = arith.index_cast %mul3A_228 : i32 to index
            %get3A_253 = tpu.vector_load %arg26[%get3A_252] {strides = array<i32>} : memref<320xf32, #tpu.memory_space<vmem>>, vector<16xf32>,
            %add3A_254 = vector.broadcast %squeeze3A_212 : f32 to vector<16xf32>
            %add3A_255 = arith.addf %add3A_254, %get3A_253 : vector<16xf32>
            %sub3A_256 = arith.subf %add3A_255, %mul3A_251 : vector<16xf32>
            %max3A_257 = arith.constant 9.99999971E-10 : f32
            %max3A_258 = vector.broadcast %max3A_257 : f32 to vector<16xf32>
            %max3A_259 = arith.maximumf %sub3A_256, %max3A_258 : vector<16xf32>
            %div3A = arith.divf %mul3A_251, %max3A_259 : vector<16xf32>
            %mul3A_260 = arith.constant 16 : i32
            %mul3A_261 = arith.muli %while3A_225, %mul3A_260 : i32
            %add3A_262 = vector.broadcast %mul3A_261 : i32 to vector<16xi32>
            %add3A_263 = arith.addi %add3A_262, %iota3A : vector<16xi32>
            %gt3A = arith.constant 5.000000e-01 : f32
            %gt3A_264 = vector.broadcast %gt3A : f32 to vector<16xf32>
            %gt3A_265 = arith.cmpf ogt, %div3A, %gt3A_264 : vector<16xf32>
            %gt3A_266 = vector.broadcast %scan3A_182 : i32 to vector<16xi32>
            %gt3A_267 = arith.cmpi sgt, %add3A_263, %gt3A_266 : vector<16xi32>
            %and3A = arith.andi %gt3A_265, %gt3A_267 : vector<16xi1>
            %get3A_268 = arith.index_cast %mul3A_228 : i32 to index
            %get3A_269 = tpu.vector_load %arg27[%get3A_268] {strides = array<i32>} : memref<320xi32, #tpu.memory_space<vmem>>, vector<16xi32>,
            %jit3A = arith.constant 0 : i32
            %broadcast_in_dim3A_270 = vector.broadcast %jit3A : i32 to vector<16xi32>
            %select_n3A = arith.select %and3A, %broadcast_in_dim3A_270, %get3A_269 : vector<16xi1>, vector<16xi32>
            %swap3A_271 = arith.index_cast %mul3A_228 : i32 to index
            %swap3A_272 = tpu.vector_load %arg27[%swap3A_271] {strides = array<i32>} : memref<320xi32, #tpu.memory_space<vmem>>, vector<16xi32>,
            tpu.vector_store %arg27[%swap3A_271], %select_n3A {strides = array<i32>} : memref<320xi32, #tpu.memory_space<vmem>>, vector<16xi32>,
            %while3A_273 = arith.constant 0 : i32
            scf.yield %while3A_273 : i32
          }
        } else {
        }
        %scan3A_192 = arith.constant 0 : i32
        scf.yield %scan3A_192 : i32
      }
      %scan3A_171 = arith.constant 300 : i32
      %mul3A_172 = arith.constant 304 : i32
      %mul3A_173 = arith.muli %add3A, %mul3A_172 : i32
      "tpu.region"() ({
        %run_scoped3A = tpu.sem_alloc : memref<!tpu.dma_semaphore, #tpu.memory_space<semaphore_mem>>
        %dma_start3A = tpu.memref_slice %arg5[%mul3A_173] : memref<4864xf32, #tpu.memory_space<hbm>> -> memref<304xf32, #tpu.memory_space<hbm>>
        %dma_start3A_182 = tpu.memref_slice %arg5[%mul3A_173] : memref<4864xf32, #tpu.memory_space<hbm>> -> memref<304xf32, #tpu.memory_space<hbm>>
        tpu.enqueue_dma source(%arg29 : memref<304xf32, #tpu.memory_space<vmem>>) target(%dma_start3A_182 : memref<304xf32, #tpu.memory_space<hbm>>) target_semaphore(%run_scoped3A : memref<!tpu.dma_semaphore, #tpu.memory_space<semaphore_mem>>)
        %dma_wait3A = tpu.memref_slice %arg5[%mul3A_173] : memref<4864xf32, #tpu.memory_space<hbm>> -> memref<304xf32, #tpu.memory_space<hbm>>
        %dma_wait3A_183 = tpu.memref_slice %arg5[%mul3A_173] : memref<4864xf32, #tpu.memory_space<hbm>> -> memref<304xf32, #tpu.memory_space<hbm>>
        tpu.wait_dma2 semaphore(%run_scoped3A : memref<!tpu.dma_semaphore, #tpu.memory_space<semaphore_mem>>) src(%arg29 : memref<304xf32, #tpu.memory_space<vmem>>) dst(%dma_wait3A_183 : memref<304xf32, #tpu.memory_space<hbm>>)
        tpu.yield
      }) : () -> ()
      %mul3A_174 = arith.constant 304 : i32
      %mul3A_175 = arith.muli %add3A, %mul3A_174 : i32
      "tpu.region"() ({
        %run_scoped3A = tpu.sem_alloc : memref<!tpu.dma_semaphore, #tpu.memory_space<semaphore_mem>>
        %dma_start3A = tpu.memref_slice %arg6[%mul3A_175] : memref<4864xi32, #tpu.memory_space<hbm>> -> memref<304xi32, #tpu.memory_space<hbm>>
        %dma_start3A_182 = tpu.memref_slice %arg6[%mul3A_175] : memref<4864xi32, #tpu.memory_space<hbm>> -> memref<304xi32, #tpu.memory_space<hbm>>
        tpu.enqueue_dma source(%arg30 : memref<304xi32, #tpu.memory_space<vmem>>) target(%dma_start3A_182 : memref<304xi32, #tpu.memory_space<hbm>>) target_semaphore(%run_scoped3A : memref<!tpu.dma_semaphore, #tpu.memory_space<semaphore_mem>>)
        %dma_wait3A = tpu.memref_slice %arg6[%mul3A_175] : memref<4864xi32, #tpu.memory_space<hbm>> -> memref<304xi32, #tpu.memory_space<hbm>>
        %dma_wait3A_183 = tpu.memref_slice %arg6[%mul3A_175] : memref<4864xi32, #tpu.memory_space<hbm>> -> memref<304xi32, #tpu.memory_space<hbm>>
        tpu.wait_dma2 semaphore(%run_scoped3A : memref<!tpu.dma_semaphore, #tpu.memory_space<semaphore_mem>>) src(%arg30 : memref<304xi32, #tpu.memory_space<vmem>>) dst(%dma_wait3A_183 : memref<304xi32, #tpu.memory_space<hbm>>)
        tpu.yield
      }) : () -> ()
      %mul3A_176 = arith.constant 304 : i32
      %mul3A_177 = arith.muli %add3A, %mul3A_176 : i32
      "tpu.region"() ({
        %run_scoped3A = tpu.sem_alloc : memref<!tpu.dma_semaphore, #tpu.memory_space<semaphore_mem>>
        %dma_start3A = arith.constant 0 : i32
        %dma_start3A_182 = tpu.memref_slice %arg27[%dma_start3A] : memref<320xi32, #tpu.memory_space<vmem>> -> memref<304xi32, #tpu.memory_space<vmem>>
        %dma_start3A_183 = tpu.memref_slice %arg8[%mul3A_177] : memref<4864xi32, #tpu.memory_space<hbm>> -> memref<304xi32, #tpu.memory_space<hbm>>
        %dma_start3A_184 = tpu.memref_slice %arg8[%mul3A_177] : memref<4864xi32, #tpu.memory_space<hbm>> -> memref<304xi32, #tpu.memory_space<hbm>>
        %dma_start3A_185 = arith.constant 0 : i32
        %dma_start3A_186 = tpu.memref_slice %arg27[%dma_start3A_185] : memref<320xi32, #tpu.memory_space<vmem>> -> memref<304xi32, #tpu.memory_space<vmem>>
        tpu.enqueue_dma source(%dma_start3A_186 : memref<304xi32, #tpu.memory_space<vmem>>) target(%dma_start3A_184 : memref<304xi32, #tpu.memory_space<hbm>>) target_semaphore(%run_scoped3A : memref<!tpu.dma_semaphore, #tpu.memory_space<semaphore_mem>>)
        %dma_wait3A = arith.constant 0 : i32
        %dma_wait3A_187 = tpu.memref_slice %arg27[%dma_wait3A] : memref<320xi32, #tpu.memory_space<vmem>> -> memref<304xi32, #tpu.memory_space<vmem>>
        %dma_wait3A_188 = tpu.memref_slice %arg8[%mul3A_177] : memref<4864xi32, #tpu.memory_space<hbm>> -> memref<304xi32, #tpu.memory_space<hbm>>
        %dma_wait3A_189 = tpu.memref_slice %arg8[%mul3A_177] : memref<4864xi32, #tpu.memory_space<hbm>> -> memref<304xi32, #tpu.memory_space<hbm>>
        %dma_wait3A_190 = arith.constant 0 : i32
        %dma_wait3A_191 = tpu.memref_slice %arg27[%dma_wait3A_190] : memref<320xi32, #tpu.memory_space<vmem>> -> memref<304xi32, #tpu.memory_space<vmem>>
        tpu.wait_dma2 semaphore(%run_scoped3A : memref<!tpu.dma_semaphore, #tpu.memory_space<semaphore_mem>>) src(%dma_wait3A_191 : memref<304xi32, #tpu.memory_space<vmem>>) dst(%dma_wait3A_189 : memref<304xi32, #tpu.memory_space<hbm>>)
        tpu.yield
      }) : () -> ()
      %mul3A_178 = arith.constant 304 : i32
      %mul3A_179 = arith.muli %add3A, %mul3A_178 : i32
      %mul3A_180 = arith.constant 4 : i32
      %mul3A_181 = arith.muli %mul3A_179, %mul3A_180 : i32
      "tpu.region"() ({
        %run_scoped3A = tpu.sem_alloc : memref<!tpu.dma_semaphore, #tpu.memory_space<semaphore_mem>>
        %dma_start3A = tpu.memref_slice %arg7[%mul3A_181] : memref<19456xf32, #tpu.memory_space<hbm>> -> memref<1216xf32, #tpu.memory_space<hbm>>
        %dma_start3A_182 = tpu.memref_slice %arg7[%mul3A_181] : memref<19456xf32, #tpu.memory_space<hbm>> -> memref<1216xf32, #tpu.memory_space<hbm>>
        tpu.enqueue_dma source(%arg28 : memref<1216xf32, #tpu.memory_space<vmem>>) target(%dma_start3A_182 : memref<1216xf32, #tpu.memory_space<hbm>>) target_semaphore(%run_scoped3A : memref<!tpu.dma_semaphore, #tpu.memory_space<semaphore_mem>>)
        %dma_wait3A = tpu.memref_slice %arg7[%mul3A_181] : memref<19456xf32, #tpu.memory_space<hbm>> -> memref<1216xf32, #tpu.memory_space<hbm>>
        %dma_wait3A_183 = tpu.memref_slice %arg7[%mul3A_181] : memref<19456xf32, #tpu.memory_space<hbm>> -> memref<1216xf32, #tpu.memory_space<hbm>>
        tpu.wait_dma2 semaphore(%run_scoped3A : memref<!tpu.dma_semaphore, #tpu.memory_space<semaphore_mem>>) src(%arg28 : memref<1216xf32, #tpu.memory_space<vmem>>) dst(%dma_wait3A_183 : memref<1216xf32, #tpu.memory_space<hbm>>)
        tpu.yield
      }) : () -> ()
    } else {
    }
    return
  }
}

</mosaic_0001>

<sc_bundles>
// kernel: kernel.3.cloned.1.call-start
scs
__scs_entry_jumppad:
0x0: {  	(pc) =	sbr.rel $0x88, $3  }
0x1: {  	(tag) =	ssettag $0x0;
	lr =	simm.s32 $0x1  }
0x2: {  	[smem:$0x3F9E] =	sst lr;
	_ =	strace $0xD0000000  }
0x3: {  	_ = 	snop  }
0x4: {  	_ = 	snop  }
0x5: {  	_ = 	snop  }
0x6: {  	_ = 	snop  }
0x7: {  	_ = 	snop  }
__scs_overlays_trampoline_lowered:
0x8: {  	[smem:$0x3FAD] =	sst s0  }
0x9: {  	[smem:$0x3FAE] =	sst s1  }
0xa: {  	[smem:$0x3FAF] =	sst s2  }
0xb: {  	[smem:$0x3FB0] =	sst s3  }
0xc: {  	[smem:$0x3FB1] =	sst s4  }
0xd: {  	[smem:$0x3FB2] =	sst s5  }
0xe: {  	[smem:$0x3FB3] =	sst s6  }
0xf: {  	[smem:$0x3FB4] =	sst s7  }
0x10: {  	[smem:$0x3FB5] =	sst s8  }
0x11: {  	[smem:$0x3FB6] =	sst s9;
	s0 =	simm.s32 @!p0 $0x0  }
0x12: {  	s1 =	sld [smem:$0x3F9C];
	s0 =	simm.s32 @p0 $0x1  }
0x13: {  	[smem:$0x3FB7] =	sst s0;
	s0 =	simm.s32 @!p1 $0x0  }
0x14: {  	s2 =	sld [smem:$0x3F9B];
	s0 =	simm.s32 @p1 $0x1  }
0x15: {  	[smem:$0x3FB8] =	sst s0;
	s0 =	simm.s32 @!p2 $0x0  }
0x16: {  	s3 =	sld [smem:$0x3FDB];
	s0 =	simm.s32 @p2 $0x1  }
0x17: {  	s4 =	simm.s32 $0x1BF5;
	[smem:$0x3FBA] =	sst s0  }
0x18: {  	s0 =	sld [smem:$0x3F9D];
	_ =	swait.ge [sflag:s4], $0x0  }
0x19: {  	s7 =	sld [smem:$0x3F9E]  }
0x1a: {  	s8 =	sadd.s32 $0xFFFFE003, lr  }
0x1b: {  	s9 =	sadd.s32 $0xFFFFFEF7, lr;
	s5 =	simm.s32 $0xFFFFFFFF;
	p2 =	slt.u32 s8, $0xFFFFF086  }
0x1c: {  	p1 =	slt.u32 s9, $0xF7A;
	s5 =	simm.s32 @!p2 $0x0  }
0x1d: {  	s5 =	simm.s32 @p1 $0x1;
	p0 =	seq.s32 s7, s2  }
0x1e: {  	s7 =	smul.u32 @!p0 $0xF7A, s2;
	p2 =	seq.s32 @!p0 s5, $0x0  }
0x1f: {  	s9 =	smul.u32 $0xF7A, s1;
	s8 =	simm.s32 @!p0 $0x1BF5;
	p2 =	por !p2, p0  }
0x20: {  	[sflag:s8] =	ssyncset.s32 @!p0 $0xFFFFF086;
	s6 =	sadd.s32 @!p0 s3, s7;
	s7 =	simm.s32 @!p0 $0x108  }
0x21: {  	s3 =	sadd.s32 s3, s9;
	s6 =	sadd.s32 @!p0 $0x88, s6;
	s7 =	simm.s32 @p2 $0x1082  }
0x22: {  	[simem:s7], [sflag:s8] =	dma.local @!p0 [hbm:s6], $0xF7A  }
0x23: {  	s9 =	sor.u32 $0xD0000000, s2;
	s6 =	simm.s32 $0x108;
	_ =	swait.ge @!p0 [sflag:s8], $0x0  }
0x24: {  	s3 =	sadd.s32 $0x88, s3;
	s6 =	simm.s32 @!p1 $0x1082;
	[sflag:s4] =	ssyncset.s32 $0xFFFFF086  }
0x25: {  	[simem:s6], [sflag:s4] =	dma.local [hbm:s3], $0xF7A  }
0x26: {  	[smem:$0x3F9E] =	sst s1;
	(tag) =	ssettag s2;
	_ =	strace s9  }
0x27: {  	s1 =	sld [smem:$0x3FAE]  }
0x28: {  	s2 =	sld [smem:$0x3FAF]  }
0x29: {  	s4 =	sld [smem:$0x3FB1]  }
0x2a: {  	p0 =	seq.s32 s5, $0x0;
	s5 =	sld [smem:$0x3FB2]  }
0x2b: {  	s6 =	sld [smem:$0x3FB3]  }
0x2c: {  	s7 =	sld [smem:$0x3FB4]  }
0x2d: {  	s3 =	simm.s32 $0x108;
	s8 =	sld [smem:$0x3FB5]  }
0x2e: {  	s3 =	simm.s32 @!p0 $0x1082;
	s9 =	sld [smem:$0x3FB6]  }
0x2f: {  	lr =	sadd.s32 s0, s3;
	s0 =	sld [smem:$0x3FAD]  }
0x30: {  	s3 =	sld [smem:$0x3FB0]  }
0x31: {  	[smem:$0x3FB9] =	sst s10  }
0x32: {  	s10 =	sld [smem:$0x3FB7];
	_ =	sdelay $0x3  }
0x33: {  	p0 =	seq.s32 s10, $0x1;
	s10 =	sld [smem:$0x3FB9];
	_ =	sdelay $0x3  }
0x34: {  	[smem:$0x3FB9] =	sst s10  }
0x35: {  	s10 =	sld [smem:$0x3FB8];
	_ =	sdelay $0x3  }
0x36: {  	p1 =	seq.s32 s10, $0x1;
	s10 =	sld [smem:$0x3FB9];
	_ =	sdelay $0x3  }
0x37: {  	[smem:$0x3FB9] =	sst s10  }
0x38: {  	s10 =	sld [smem:$0x3FBA]  }
0x39: {  	_ = 	snop;
	(pc) =	sbr.ind lr, $3  }
0x3a: {  	_ = 	snop  }
0x3b: {  	_ = 	snop  }
0x3c: {  	p2 =	seq.s32 s10, $0x1;
	s10 =	sld [smem:$0x3FB9]  }
0x3d: {  	_ =	shalt  }
0x3e: {  	_ =	shalt  }
0x3f: {  	_ =	shalt  }
0x40: {  	_ =	shalt  }
0x41: {  	_ =	shalt  }
0x42: {  	_ =	shalt  }
0x43: {  	_ =	shalt  }
0x44: {  	_ =	shalt  }
0x45: {  	_ =	shalt  }
0x46: {  	_ =	shalt  }
0x47: {  	_ =	shalt  }
0x48: {  	_ =	shalt  }
0x49: {  	_ =	shalt  }
0x4a: {  	_ =	shalt  }
0x4b: {  	_ =	shalt  }
0x4c: {  	_ =	shalt  }
0x4d: {  	_ =	shalt  }
0x4e: {  	_ =	shalt  }
0x4f: {  	_ =	shalt  }
0x50: {  	_ =	shalt  }
0x51: {  	_ =	shalt  }
0x52: {  	_ =	shalt  }
0x53: {  	_ =	shalt  }
0x54: {  	_ =	shalt  }
0x55: {  	_ =	shalt  }
0x56: {  	_ =	shalt  }
0x57: {  	_ =	shalt  }
0x58: {  	_ =	shalt  }
0x59: {  	_ =	shalt  }
0x5a: {  	_ =	shalt  }
0x5b: {  	_ =	shalt  }
0x5c: {  	_ =	shalt  }
0x5d: {  	_ =	shalt  }
0x5e: {  	_ =	shalt  }
0x5f: {  	_ =	shalt  }
0x60: {  	_ =	shalt  }
0x61: {  	_ =	shalt  }
0x62: {  	_ =	shalt  }
0x63: {  	_ =	shalt  }
0x64: {  	_ =	shalt  }
0x65: {  	_ =	shalt  }
0x66: {  	_ =	shalt  }
0x67: {  	_ =	shalt  }
0x68: {  	_ =	shalt  }
0x69: {  	_ =	shalt  }
0x6a: {  	_ =	shalt  }
0x6b: {  	_ =	shalt  }
0x6c: {  	_ =	shalt  }
0x6d: {  	_ =	shalt  }
0x6e: {  	_ =	shalt  }
0x6f: {  	_ =	shalt  }
0x70: {  	_ =	shalt  }
0x71: {  	_ =	shalt  }
0x72: {  	_ =	shalt  }
0x73: {  	_ =	shalt  }
0x74: {  	_ =	shalt  }
0x75: {  	_ =	shalt  }
0x76: {  	_ =	shalt  }
0x77: {  	_ =	shalt  }
0x78: {  	_ =	shalt  }
0x79: {  	_ =	shalt  }
0x7a: {  	_ =	shalt  }
0x7b: {  	_ =	shalt  }
0x7c: {  	_ =	shalt  }
0x7d: {  	_ =	shalt  }
0x7e: {  	_ =	shalt  }
0x7f: {  	_ =	shalt  }
0x80: {  	_ =	shalt  }
0x81: {  	_ =	shalt  }
0x82: {  	_ =	shalt  }
0x83: {  	_ =	shalt  }
0x84: {  	_ =	shalt  }
0x85: {  	_ =	shalt  }
0x86: {  	_ =	shalt  }
0x87: {  	_ =	shalt  }
.Lfunc_end0:
.L_simem_size_0:
called_computation_lowered:
.L_overlay_start_0:
0x88: {  	s2 =	sld [smem:$0x3FD9]  }
0x89: {  	s3 =	sld [smem:$0x3FFE];
	_ =	sdelay $0x1  }
0x8a: {  	s1 =	srdreg.scid  }
0x8b: {  	s0 =	sand.u32 $0x1, s1  }
0x8c: {  	s14 =	sshll.u32 s0, $0xA;
	s2 =	sadd.s32 s3, s2  }
0x8d: {  	s2 =	sadd.s32 s2, s14  }
0x8e: {  	[smem:$0x3FC5] =	sst s2  }
0x8f: {  	_ = 	snop  }
0x90: {  	s2 =	sld [smem:$0x3FD0];
	_ =	sdelay $0x2  }
0x91: {  	s15 =	simm.s32 $0xA;
	s4 =	simm.s32 $0x10  }
0x92: {  	[smem:s4], [sflag:s15] =	dma.local [hbm:s2], $0x1  }
0x93: {  	_ =	swait.eq [sflag:s15], $0x1  }
0x94: {  	s16 =	sld [smem:$0x11];
	[sflag:s15] =	ssyncset.done $0x0  }
0x95: {  	s17 =	sld [smem:$0x12];
	[sflag:s15] =	ssyncadd.s32 $0xFFFFFFFF  }
0x96: {  	s18 =	sld [smem:$0x13];
	(tm) =	ssettm $0x1  }
0x97: {  	s5 =	sld [smem:$0x3FFB];
	_ =	sdelay $0x3  }
0x98: {  	_ =	strace s5  }
0x99: {  	s5 =	sld [smem:$0x3FFC];
	_ =	sdelay $0x3  }
0x9a: {  	_ =	strace s5  }
0x9b: {  	s5 =	sld [smem:$0x3FFD];
	_ =	sdelay $0x3  }
0x9c: {  	_ =	strace s5  }
0x9d: {  	_ =	strace $0x8FFFFFFF  }
0x9e: {  	s19 =	sld [smem:$0x3FDB];
	_ =	sdelay $0x1  }
0x9f: {  	s6 =	simm.s32 $_scs_section_size  }
0xa0: {  	s7 =	simm.s32 $_size__tile_overlayer_lowered;
	s8 =	simm.s32 $_tile_overlayer_lowered  }
0xa1: {  	s22 =	simm.s32 $0x1BFF;
	s21 =	sshll.u32 s8, $0x1;
	s5 =	sadd.s32 s6, s19  }
0xa2: {  	s9 =	simm.s32 $0x0;
	s20 =	sshll.u32 s7, $0x1;
	s7 =	sadd.s32 s21, s5  }
0xa3: {  	[timem:s9], [sflag:s22] =	dma.local [hbm:s7], s20  }
0xa4: {  	_ =	swait.ge [sflag:s22], s20  }
0xa5: {  	s6 =	ssub.s32 $0x0, s20;
	[sflag:s22] =	ssyncset.done $0x0  }
0xa6: {  	[sflag:s22] =	ssyncadd.s32 s6;
	_ =	sdelay $0x1  }
0xa7: {  	s23 =	simm.s32 $0x1B8B  }
0xa8: {  	_ =	swait.ge [sflag:s23], $0x1  }
0xa9: {  	[sflag:s23] =	ssyncset.done $0x0  }
0xaa: {  	s25 =	simm.s32 $0x1B8E;
	s24 =	sld [smem:$0x3FFE];
	[sflag:s23] =	ssyncadd.s32 $0xFFFFFFFF  }
0xab: {  	s26 =	simm.s32 $execute0_lowered;
	[smem:$0x3FD2] =	sst s25  }
0xac: {  	s7 =	sshll.u32 s26, $0x1;
	_ =	strace $0x80000046;
	[dreg:$0x1] =	wrdreg $0xFFFFFFFF  }
0xad: {  	s28 =	simm.s32 $_size_execute0_lowered;
	s5 =	sadd.s32 s5, s7;
	[dreg:$0x0] =	wrdreg $0x0  }
0xae: {  	s7 =	sshll.u32 s28, $0x1;
	[dreg:$0x2] =	wrdreg s5  }
0xaf: {  	[dreg:$0x3] =	wrdreg s7  }
0xb0: {  	[dreg:$0x4] =	wrdreg $0xC0  }
0xb1: {  	_ =	task [dreg:s9], $0x5FFFF  }
0xb2: {  	[dreg:$0x1] =	wrdreg $0xFFFFFFFF  }
0xb3: {  	[dreg:$0x0] =	wrdreg $0x60  }
0xb4: {  	[dreg:$0x2] =	wrdreg s24  }
0xb5: {  	[dreg:$0x3] =	wrdreg s18  }
0xb6: {  	[dreg:$0x4] =	wrdreg s16  }
0xb7: {  	[dreg:$0x5] =	wrdreg s17  }
0xb8: {  	[dreg:$0x6] =	wrdreg $0x9  }
0xb9: {  	_ =	task.clear_ibuf [dreg:s9], $0x7FFFF;
	_ =	strace $0x90000046  }
0xba: {  	s29 =	simm.s32 $0x9;
	_ =	strace $0x80000048  }
0xbb: {  	_ =	swait.ge [sflag:s29], $0x1  }
0xbc: {  	[sflag:s29] =	ssyncadd.s32 $0xFFFFFFFF  }
0xbd: {  	_ =	strace $0x90000048  }
0xbe: {  	_ =	sfence  }
0xbf: {  	s30 =	sld [smem:$0x0];
	_ =	sdelay $0x2  }
0xc0: {  	s31 =	sshll.u32 s1, $0xD;
	s1 =	sshrl.u32 s1, $0x2  }
0xc1: {  	s3 =	sand.u32 $0x4000, s31;
	s1 =	sadd.s32 s1, s30  }
0xc2: {  	s0 =	sor.u32 s3, s0;
	s1 =	sshll.u32 s1, $0x11  }
0xc3: {  	s0 =	sor.u32 s1, s0  }
0xc4: {  	s0 =	sadd.s32 $0x8F2B, s0  }
0xc5: {  	[sflag:s0] =	ssyncadd.remote.s32 $0x1  }
0xc6: {  	_ =	sfence.sel $0xFFFF  }
0xc7: {  	[dreg:$0x0] =	wrdreg $0xFFFFFFFF;
	(pc) =	sbr.abs _section_cstart, $3  }
0xc8: {  	[dreg:$0x1] =	wrdreg $0xFFFFFFFF  }
0xc9: {  	_ =	task.clear_ibuf [dreg:s9], $0x2FFFF;
	_ =	strace $0x9FFFFFFF  }
0xca: {  	(tm) =	ssettm $0x7FFFFFFF  }
0xcb: {  	_ =	shalt  }
tec
execute0_lowered:
.L_overlay_start_1:
0x0: {  	(tag) =	ssettag $0x1  }
0x1: {  	s5 =	stileid.u32  }
0x2: {  	p0 =	sgt.u32 s5, $0x7  }
.Ltmp0:
0x3: {  	s4 =	rddreg [dreg:$0x0];
	(pc) =	sbr.rel @p0 .LBB2_75-.Ltmp0, $4  }
0x4: {  	s3 =	rddreg [dreg:$0x1]  }
0x5: {  	s1 =	rddreg [dreg:$0x2];
	s2 =	simm.s32 $0x0  }
0x6: {  	[smem:$0x7FF] =	sst s2  }
0x7: {  	s0 =	rddreg [dreg:$0x3];
	_ =	strace $0x80000047  }
0x8: {  	s5 =	srdreg.scid;
	s6 =	stileid.u32  }
0x9: {  	s9 =	sadd.s32 $0x1000, s4;
	s11 =	simm.s32 $0x1;
	s12 =	simm.s32 $0x1A580  }
0xa: {  	s14 =	simm.s32 $0x14000;
	s5 =	sand.u32 $0x1, s5;
	s6 =	sshll.u32 s6, $0x1  }
0xb: {  	s15 =	simm.s32 $0x15000;
	s16 =	simm.s32 $0x16000;
	s6 =	sor.u32 s5, s6  }
0xc: {  	s17 =	simm.s32 $0x17000;
	s18 =	simm.s32 $0x1B400;
	s7 =	smul.u32 $0x1C2, s6  }
0xd: {  	s19 =	simm.s32 $0x1B580;
	s20 =	simm.s32 $0x1C000;
	s8 =	smul.u32 $0x26, s6  }
0xe: {  	s26 =	ssub.s32 $0x2, s5;
	s10 =	sshll.u32 s6, $0x1;
	s25 =	smul.u32 $0x98, s6  }
0xf: {  	s28 =	smul.u32 $0x2800, s6;
	s30 =	sshrl.u32 s26, $0x1;
	s3 =	sadd.s32 s3, s10  }
0x10: {  	s7 =	sadd.s32 s7, s4;
	[dreg:$0x6] =	wrdreg s3;
	s1 =	sadd.s32 s1, s8  }
.Ltmp1:
0x11: {  	s0 =	sadd.s32 s0, s25;
	[dreg:$0x7] =	wrdreg s1;
	(pc) =	sbr.rel .LBB2_2-.Ltmp1, $4  }
0x12: {  	s24 =	sadd.s32 s8, s4;
	s7 =	sadd.s32 $0x29000, s7;
	[dreg:$0xa] =	wrdreg s0  }
0x13: {  	s31 =	ssub.s32 s26, s30;
	s29 =	sadd.s32 $0x2AE00, s24;
	[dreg:$0x5] =	wrdreg s7  }
0x14: {  	v0 =	vimm.s32 $0x0;
	v1 =	vlaneseq.u32;
	s9 =	sadd.s32 s9, s28;
	s4 =	sadd.s32 $0x2B200, s24;
	[dreg:$0x8] =	wrdreg s29  }
0x15: {  	v3 =	vimm.s32 $0x80000000;
	v4 =	vimm.s32 $0x1;
	v2 =	vor.u32 $0x800, v1;
	s10 =	smax.u32 s31, $0x1;
	s24 =	simm.s32 $0x0;
	[dreg:$0x9] =	wrdreg s4  }
.LBB2_74:
0x16: {  	s0 =	rddreg [dreg:$0x7];
	s1 =	simm.s32 $0x1C500  }
0x17: {  	[hbm4b:s0+s2] =	stream.linear.scatter [tilespmem:s1], [sflag:$0x1], $0x130, $0x38;
	[tilespmem:$0x1C880] =	vst v63  }
0x18: {  	_ =	swait.ge [sflag:s11], $0x130  }
0x19: {  	[sflag:s11] =	ssyncset.done $0x0  }
0x1a: {  	s28 =	simm.s32 $0x1C680;
	s26 =	rddreg [dreg:$0x8];
	[sflag:s11] =	ssyncadd.s32 $0xFFFFFED0  }
0x1b: {  	[hbm4b:s26+s2] =	stream.linear.scatter [tilespmem:s28], [sflag:$0x1], $0x130, $0x38;
	[tilespmem:$0x1C880] =	vst v63  }
0x1c: {  	_ =	swait.ge [sflag:s11], $0x130  }
0x1d: {  	[sflag:s11] =	ssyncset.done $0x0  }
0x1e: {  	s30 =	simm.s32 $0x1BE80;
	s29 =	rddreg [dreg:$0x9];
	[sflag:s11] =	ssyncadd.s32 $0xFFFFFED0  }
0x1f: {  	[hbm4b:s29+s2] =	stream.linear.scatter [tilespmem:s30], [sflag:$0x1], $0x130, $0x38;
	[tilespmem:$0x1C880] =	vst v63  }
0x20: {  	s24 =	sadd.s32 $0x1, s24;
	_ =	swait.ge [sflag:s11], $0x130  }
0x21: {  	p0 =	sne.s32 s24, s10;
	[sflag:s11] =	ssyncset.done $0x0  }
.Ltmp2:
0x22: {  	s31 =	rddreg [dreg:$0xa];
	[sflag:s11] =	ssyncadd.s32 $0xFFFFFED0;
	(pc) =	sbr.rel @!p0 .LBB2_75-.Ltmp2, $4  }
0x23: {  	[hbm4b:s31+s2] =	stream.linear.scatter [tilespmem:s20], [sflag:$0x1], $0x4C0, $0x38;
	[tilespmem:$0x1C880] =	vst v63  }
0x24: {  	_ =	swait.ge [sflag:s11], $0x4C0  }
0x25: {  	[sflag:s11] =	ssyncset.done $0x0  }
0x26: {  	[sflag:s11] =	ssyncadd.s32 $0xFFFFFB40  }
.LBB2_2:
0x27: {  	s0 =	simm.s32 $0x0  }
0x28: {  	[tilespmem:s0], [sflag:$0x1] =	stream.linear.gather [hbm4b:s9+s0], $0x14000, $0x38;
	[tilespmem:$0x1C880] =	vst v63  }
0x29: {  	_ =	swait.ge [sflag:s11], $0x14000  }
0x2a: {  	[sflag:s11] =	ssyncset.done $0x0  }
0x2b: {  	s1 =	rddreg [dreg:$0x5];
	[sflag:s11] =	ssyncadd.s32 $0xFFFEC000  }
0x2c: {  	[tilespmem:s12], [sflag:$0x1] =	stream.linear.gather [hbm4b:s1+s0], $0xE10, $0x38;
	[tilespmem:$0x1C880] =	vst v63  }
0x2d: {  	_ =	swait.ge [sflag:s11], $0xE10  }
0x2e: {  	[sflag:s11] =	ssyncset.done $0x0  }
0x2f: {  	s3 =	simm.s32 $0x1C800;
	s31 =	rddreg [dreg:$0x6];
	[sflag:s11] =	ssyncadd.s32 $0xFFFFF1F0  }
0x30: {  	[tilespmem:s3], [sflag:$0x1] =	stream.linear.gather [hbm4b:s31+s0], $0x10, $0x38;
	[tilespmem:$0x1C880] =	vst v63  }
0x31: {  	_ =	swait.ge [sflag:s11], $0x10  }
0x32: {  	[sflag:s11] =	ssyncset.done $0x0  }
0x33: {  	s1 =	simm.s32 $0x0;
	s3 =	simm.s32 $0x40;
	[sflag:s11] =	ssyncadd.s32 $0xFFFFFFF0  }
.LBB2_3:
0x34: {  	p0 =	sne.s32 s3, $0x3FC0;
	[tilespmem:s1+$0x17000] =	vst v0;
	s4 =	smov.u32 s3;
	s3 =	sadd.s32 $0x40, s3  }
.Ltmp3:
0x35: {  	[tilespmem:s1+$0x16000] =	vst v0;
	(pc) =	sbr.rel @p0 .LBB2_3-.Ltmp3, $3  }
0x36: {  	[tilespmem:s1+$0x14000] =	vst v0  }
0x37: {  	[tilespmem:s1+$0x15000] =	vst v0;
	_ =	sdelay $0x1  }
0x38: {  	s1 =	sshra.s32 s4, $0x2  }
0x39: {  	[tilespmem:s1+$0x17000] =	vst v0  }
0x3a: {  	[tilespmem:s1+$0x16000] =	vst v0  }
0x3b: {  	[tilespmem:s1+$0x14000] =	vst v0  }
0x3c: {  	[tilespmem:s1+$0x15000] =	vst v0  }
.LBB2_5:
0x3d: {  	s1 =	sshra.s32 s0, $0x2  }
0x3e: {  	v5 =	vld [tilespmem:s1+$0x0];
	_ =	sdelay $0x4  }
0x3f: {  	v6 =	vshra.s32 v5, $0x1F  }
0x40: {  	v5 =	vshrl.u32 v5, $0x18;
	v6 =	vshrl.u32 v6, $0x19  }
0x41: {  	v5 =	vxor.u32 v5, v6  }
0x42: {  	v5 =	vshll.u32 v5, $0x4  }
0x43: {  	v5 =	vxor.u32 v2, v5;
	_ =	sdelay $0x4  }
0x44: {  	v6 =	vld.idx.msk [tilespmem:v5+s14+$0x0], $0xffff;
	_ =	sdelay $0x4  }
0x45: {  	v6 =	vadd.s32 $0x1, v6  }
0x46: {  	[tilespmem:v5+s14+$0x0] =	vst.idx.msk $0xffff, v6  }
0x47: {  	v5 =	vld [tilespmem:s1+$0x10];
	_ =	sdelay $0x4  }
0x48: {  	v6 =	vshra.s32 v5, $0x1F  }
0x49: {  	v5 =	vshrl.u32 v5, $0x18;
	v6 =	vshrl.u32 v6, $0x19  }
0x4a: {  	v5 =	vxor.u32 v5, v6  }
0x4b: {  	v5 =	vshll.u32 v5, $0x4  }
0x4c: {  	v5 =	vxor.u32 v2, v5;
	_ =	sdelay $0x4  }
0x4d: {  	v6 =	vld.idx.msk [tilespmem:v5+s15+$0x0], $0xffff;
	_ =	sdelay $0x4  }
0x4e: {  	v6 =	vadd.s32 $0x1, v6  }
0x4f: {  	[tilespmem:v5+s15+$0x0] =	vst.idx.msk $0xffff, v6  }
0x50: {  	v5 =	vld [tilespmem:s1+$0x20];
	_ =	sdelay $0x4  }
0x51: {  	v6 =	vshra.s32 v5, $0x1F  }
0x52: {  	v5 =	vshrl.u32 v5, $0x18;
	v6 =	vshrl.u32 v6, $0x19  }
0x53: {  	v5 =	vxor.u32 v5, v6  }
0x54: {  	v5 =	vshll.u32 v5, $0x4  }
0x55: {  	v5 =	vxor.u32 v2, v5;
	_ =	sdelay $0x4  }
0x56: {  	v6 =	vld.idx.msk [tilespmem:v5+s16+$0x0], $0xffff;
	_ =	sdelay $0x4  }
0x57: {  	v6 =	vadd.s32 $0x1, v6  }
0x58: {  	[tilespmem:v5+s16+$0x0] =	vst.idx.msk $0xffff, v6  }
0x59: {  	v5 =	vld [tilespmem:s1+$0x30];
	_ =	sdelay $0x4  }
0x5a: {  	v6 =	vshra.s32 v5, $0x1F  }
0x5b: {  	v5 =	vshrl.u32 v5, $0x18;
	v6 =	vshrl.u32 v6, $0x19  }
0x5c: {  	v5 =	vxor.u32 v5, v6  }
0x5d: {  	v5 =	vshll.u32 v5, $0x4  }
0x5e: {  	v5 =	vxor.u32 v2, v5;
	_ =	sdelay $0x4  }
0x5f: {  	v6 =	vld.idx.msk [tilespmem:v5+s17+$0x0], $0xffff  }
0x60: {  	p0 =	sne.s32 s0, $0x4FF00  }
.Ltmp4:
0x61: {  	_ = 	snop;
	(pc) =	sbr.rel @p0 .LBB2_5-.Ltmp4, $3  }
0x62: {  	_ =	sdelay $0x1  }
0x63: {  	v6 =	vadd.s32 $0x1, v6  }
0x64: {  	s0 =	sadd.s32 $0x100, s0;
	[tilespmem:v5+s17+$0x0] =	vst.idx.msk $0xffff, v6  }
0x65: {  	s0 =	simm.s32 $0x14FF0  }
0x66: {  	s1 =	simm.s32 $0x15FF0;
	v5 =	vld [tilespmem:s0+$0x0]  }
0x67: {  	s22 =	simm.s32 $0x16FF0;
	v6 =	vld [tilespmem:s1+$0x0]  }
0x68: {  	s23 =	simm.s32 $0x17FF0;
	v7 =	vld [tilespmem:s22+$0x0]  }
0x69: {  	v8 =	vld [tilespmem:s23+$0x0];
	_ =	sdelay $0x2  }
0x6a: {  	v5 =	vadd.s32 v5, v6  }
0x6b: {  	v5 =	vadd.s32 v7, v5  }
0x6c: {  	v5 =	vadd.s32 v8, v5  }
0x6d: {  	(xrf0) =	vadd.scan.msk.s32 $0xffff, v5;
	_ =	sdelay $0x4  }
0x6e: {  	s26 =	simm.s32 $0x15FE0  }
0x6f: {  	s25 =	simm.s32 $0x14FE0;
	v6 =	vld [tilespmem:s26+$0x0];
	v7, _, _ =	vpop (xrf0)  }
0x70: {  	s1 =	simm.s32 $0x16FE0;
	v5 =	vld [tilespmem:s25+$0x0];
	(v2sf) =	vpush v7, $0xF  }
0x71: {  	s3 =	simm.s32 $0x17FE0;
	v8 =	vld [tilespmem:s1+$0x0]  }
0x72: {  	v7 =	vld [tilespmem:s3+$0x0]  }
0x73: {  	s4 =	simm.s32 $0x14FD0  }
0x74: {  	s5 =	simm.s32 $0x15FD0;
	v9 =	vld [tilespmem:s4+$0x0]  }
0x75: {  	s6 =	simm.s32 $0x16FD0;
	v10 =	vld [tilespmem:s5+$0x0];
	v5 =	vadd.s32 v5, v6  }
0x76: {  	s7 =	simm.s32 $0x17FD0;
	v11 =	vld [tilespmem:s6+$0x0];
	v5 =	vadd.s32 v8, v5  }
0x77: {  	v12 =	vld [tilespmem:s7+$0x0];
	v5 =	vadd.s32 v7, v5  }
0x78: {  	(xrf0) =	vadd.scan.msk.s32 $0xffff, v5;
	_ =	sdelay $0x1  }
0x79: {  	v6 =	vadd.s32 v9, v10  }
0x7a: {  	s8 =	simm.s32 $0x14FC0;
	v6 =	vadd.s32 v11, v6  }
0x7b: {  	s13 =	simm.s32 $0x15FC0;
	v13 =	vld [tilespmem:s8+$0x0];
	v5 =	vadd.s32 v12, v6  }
0x7c: {  	s21 =	simm.s32 $0x16FC0;
	v14 =	vld [tilespmem:s13+$0x0];
	(xrf0) =	vadd.scan.msk.s32 $0xffff, v5  }
0x7d: {  	v15 =	vld [tilespmem:s21+$0x0];
	s22 =	simm.s32 $0x17FC0;
	v9, _, _ =	vpop (xrf0)  }
0x7e: {  	v16 =	vld [tilespmem:s22+$0x0];
	s7 =	spop (v2sf);
	(v2sf) =	vpush v9, $0xF;
	_ =	sdelay $0x2  }
0x7f: {  	s23 =	simm.s32 $0x14FB0;
	v7 =	vadd.s32 v13, v14  }
0x80: {  	s25 =	simm.s32 $0x15FB0;
	v6 =	vld [tilespmem:s23+$0x0];
	v7 =	vadd.s32 v15, v7;
	v10, _, _ =	vpop (xrf0)  }
0x81: {  	s28 =	simm.s32 $0x0;
	s26 =	simm.s32 $0x16FB0;
	v5 =	vld [tilespmem:s25+$0x0];
	v7 =	vadd.s32 v16, v7;
	(v2sf) =	vpush v10, $0xF  }
0x82: {  	p0 =	por $0x0, $0x0;
	s30 =	simm.s32 $0xFE;
	s22 =	simm.s32 $0x17FB0;
	v8 =	vld [tilespmem:s26+$0x0];
	(xrf0) =	vadd.scan.msk.s32 $0xffff, v7  }
0x83: {  	s29 =	simm.s32 $0xFA;
	s21 =	simm.s32 $0xFF;
	s13 =	simm.s32 $0xFC;
	v7 =	vld [tilespmem:s22+$0x0]  }
0x84: {  	p2 =	por !p0, !p0;
	s0 =	simm.s32 $0xFB;
	s31 =	sadd.s32 $0x0, s7  }
0x85: {  	s4 =	simm.s32 $0x15FA0;
	s6 =	simm.s32 $0xF9;
	p1 =	sgt.s32 s31, $0x12B  }
0x86: {  	s5 =	simm.s32 $0x16FA0;
	s3 =	simm.s32 $0x14FA0;
	v6 =	vadd.s32 v6, v5;
	p2 =	por !p1, !p2  }
0x87: {  	s1 =	simm.s32 $0xFD;
	s25 =	simm.s32 $0x0;
	v5 =	vld [tilespmem:s3+$0x0];
	v8 =	vadd.s32 v8, v6;
	p2 =	por !p2, !p2  }
0x88: {  	s26 =	simm.s32 $0x0;
	s23 =	simm.s32 $0x0;
	v6 =	vld [tilespmem:s4+$0x0];
	v8 =	vadd.s32 v7, v8;
	v7, _, _ =	vpop (xrf0);
	s25 =	smov.u32 @p2 s7  }
.LBB2_7:
0x89: {  	p3 =	sne.s32 s6, $0x0;
	s22 =	sadd.s32 $0xFFFFFFF0, s22;
	s28 =	smov.u32 @p2 s21  }
0x8a: {  	v9 =	vld [tilespmem:s5+$0x0];
	(xrf0) =	vadd.scan.msk.s32 $0xffff, v8;
	(v2sf) =	vpush v7, $0xF;
	s21 =	smov.u32 s30;
	s30 =	smov.u32 s1;
	s1 =	smov.u32 s13  }
0x8b: {  	s26 =	smov.u32 @p2 s23;
	s23 =	smov.u32 s31;
	v7 =	vld [tilespmem:s22+$0x0];
	s7 =	spop (v2sf)  }
.Ltmp5:
0x8c: {  	p0 =	por p0, p1;
	s31 =	sadd.s32 s31, s7;
	(pc) =	sbr.rel @p3 .LBB2_7-.Ltmp5, $4  }
0x8d: {  	s13 =	smov.u32 s0;
	p2 =	por !p0, !p0;
	p1 =	sgt.s32 s31, $0x12B  }
0x8e: {  	s3 =	sadd.s32 $0xFFFFFFF0, s3;
	s0 =	smov.u32 s29;
	v6 =	vadd.s32 v5, v6;
	p2 =	por !p1, !p2  }
0x8f: {  	s4 =	sadd.s32 $0xFFFFFFF0, s4;
	s29 =	smov.u32 s6;
	v5 =	vld [tilespmem:s3+$0x0];
	v8 =	vadd.s32 v9, v6;
	p2 =	por !p2, !p2  }
0x90: {  	s6 =	sadd.s32 $0xFFFFFFFF, s6;
	s5 =	sadd.s32 $0xFFFFFFF0, s5;
	v6 =	vld [tilespmem:s4+$0x0];
	v8 =	vadd.s32 v7, v8;
	v7, _, _ =	vpop (xrf0);
	s25 =	smov.u32 @p2 s7  }
0x91: {  	v9 =	vld [tilespmem:s5+$0x0];
	s3 =	sadd.s32 $0xFFFFFFF0, s22  }
0x92: {  	v10 =	vld [tilespmem:s3+$0x0];
	_ =	sdelay $0x2  }
0x93: {  	v5 =	vadd.s32 v5, v6  }
0x94: {  	(xrf0) =	vadd.scan.msk.s32 $0xffff, v8;
	v5 =	vadd.s32 v9, v5  }
0x95: {  	v5 =	vadd.s32 v10, v5  }
0x96: {  	(xrf0) =	vadd.scan.msk.s32 $0xffff, v5;
	_ =	sdelay $0x1  }
0x97: {  	(v2sf) =	vpush v7, $0xF;
	_ =	sdelay $0x1  }
0x98: {  	v5, _, _ =	vpop (xrf0)  }
0x99: {  	(v2sf) =	vpush v5, $0xF  }
0x9a: {  	v5, _, _ =	vpop (xrf0)  }
0x9b: {  	(v2sf) =	vpush v5, $0xF;
	_ =	sdelay $0x1  }
0x9c: {  	s3 =	spop (v2sf)  }
0x9d: {  	p0 =	por p0, p1;
	s4 =	sadd.s32 s31, s3  }
0x9e: {  	p1 =	por !p0, !p0;
	p3 =	sgt.s32 s4, $0x12B  }
0x9f: {  	p1 =	por !p3, !p1  }
0xa0: {  	s28 =	smov.u32 @p2 s21;
	p1 =	por !p1, !p1;
	s5 =	spop (v2sf)  }
0xa1: {  	p0 =	por p0, p3;
	s25 =	smov.u32 @p1 s3;
	s3 =	sadd.s32 s4, s5  }
0xa2: {  	s26 =	smov.u32 @p2 s23;
	p2 =	por !p0, !p0;
	p3 =	sgt.s32 s3, $0x12B  }
0xa3: {  	s28 =	smov.u32 @p1 s30;
	s26 =	smov.u32 @p1 s31;
	p1 =	por !p3, !p2  }
0xa4: {  	p0 =	por p0, p3;
	p1 =	por !p1, !p1;
	s6 =	spop (v2sf)  }
0xa5: {  	p2 =	por !p0, !p0;
	s25 =	smov.u32 @p1 s5;
	s7 =	sadd.s32 s3, s6  }
0xa6: {  	s28 =	smov.u32 @p1 s1;
	s26 =	smov.u32 @p1 s4;
	p4 =	sgt.s32 s7, $0x12B  }
0xa7: {  	p2 =	por !p4, !p2;
	p0 =	por p0, p4;
	s1 =	spop (v2sf)  }
0xa8: {  	p1 =	por !p2, !p2;
	p3 =	por !p0, !p0;
	s4 =	sadd.s32 s7, s1  }
0xa9: {  	s25 =	smov.u32 @p1 s6;
	p5 =	sgt.s32 s4, $0x12B;
	s5 =	spop (v2sf)  }
0xaa: {  	s28 =	smov.u32 @p1 s13;
	p0 =	por p0, p5;
	s31 =	sadd.s32 s4, s5  }
0xab: {  	p2 =	por !p5, !p3;
	p0 =	por !p0, !p0;
	p6 =	sgt.s32 s31, $0x12B  }
0xac: {  	s26 =	smov.u32 @p1 s3;
	p1 =	por !p2, !p2;
	p0 =	por !p6, !p0  }
0xad: {  	s25 =	smov.u32 @p1 s1;
	s26 =	smov.u32 @p1 s7;
	p0 =	por !p0, !p0  }
0xae: {  	s25 =	smov.u32 @p0 s5;
	s26 =	smov.u32 @p0 s4  }
0xaf: {  	s28 =	smov.u32 @p1 s0;
	s25 =	sadd.s32 s26, s25  }
0xb0: {  	s28 =	smov.u32 @p0 s29;
	p0 =	sgt.s32 s25, $0x1000  }
.Ltmp6:
0xb1: {  	_ = 	snop;
	(pc) =	sbr.rel @p0 .LBB2_12-.Ltmp6, $2  }
0xb2: {  	_ =	sdelay $0x2  }
0xb3: {  	s28 =	sadd.s32 $0xFFFFFF80, s28  }
0xb4: {  	s29 =	simm.s32 $0x20  }
0xb5: {  	v6 =	vld [tilespmem:s29+$0xFFFFFFE0]  }
0xb6: {  	v7 =	vld [tilespmem:s29+$0xFFFFFFF0]  }
0xb7: {  	v8 =	vld [tilespmem:s29+$0x0];
	_ =	sdelay $0x1  }
0xb8: {  	v10 =	vld [tilespmem:s29+$0x10]  }
0xb9: {  	v9 =	vshra.s32 v6, $0x1F  }
0xba: {  	v5 =	vmov s28;
	v11 =	vshra.s32 v7, $0x1F;
	v9 =	vshrl.u32 v9, $0x1  }
0xbb: {  	v9 =	vxor.u32 v6, v9;
	v6 =	vshrl.u32 v11, $0x1;
	v11 =	vshra.s32 v8, $0x1F  }
0xbc: {  	v7 =	vxor.u32 v7, v6;
	v6 =	vshrl.u32 v11, $0x1;
	v13 =	vshra.s32 v9, $0x18  }
0xbd: {  	v11 =	vshra.s32 v10, $0x1F;
	vm0 =	vge.s32 v13, v5;
	v12 =	vshra.s32 v7, $0x18  }
0xbe: {  	v8 =	vxor.u32 v8, v6;
	v6 =	vshrl.u32 v11, $0x1;
	vm1 =	vge.s32 v12, v5  }
0xbf: {  	v6 =	vxor.u32 v10, v6;
	v11 =	vshra.s32 v8, $0x18;
	v14 =	vmpcnt.ones.xlane vm1  }
0xc0: {  	v15 =	vmpcnt.ones.xlane vm0;
	vm14 =	vge.s32 v11, v5;
	v10 =	vshra.s32 v6, $0x18  }
0xc1: {  	vm15 =	vge.s32 v10, v5;
	v16 =	vmpcnt.ones.xlane vm14;
	(v2sf) =	vpush v14, $0x0  }
0xc2: {  	v14 =	vmpcnt.ones.xlane vm15;
	(v2sf) =	vpush v15, $0x0  }
0xc3: {  	s1 =	simm.s32 $0x0;
	(v2sf) =	vpush v16, $0x0  }
0xc4: {  	s30 =	simm.s32 $0x30;
	s13 =	simm.s32 $0x70;
	s0 =	simm.s32 $0x0;
	(v2sf) =	vpush v14, $0x0  }
.LBB2_10:
0xc5: {  	_ =	sdelay $0x9  }
0xc6: {  	s29 =	sadd.s32 $0x40, s29  }
0xc7: {  	s4 =	smov.u32 s13;
	s13 =	sadd.s32 $0x40, s13;
	s3 =	spop (v2sf)  }
0xc8: {  	p1 =	sne.s32 s13, $0x14030;
	s5 =	spop (v2sf)  }
0xc9: {  	s6 =	sadd.s32 s5, s3;
	s7 =	spop (v2sf)  }
0xca: {  	s6 =	sadd.s32 s7, s6;
	s8 =	spop (v2sf)  }
0xcb: {  	s6 =	sadd.s32 s8, s6  }
0xcc: {  	p2 =	slt.s32 s6, $0x1;
	s1 =	sadd.s32 s1, s6  }
0xcd: {  	s21 =	sadd.s32 $0xFFFFFFF0, s30;
	s8 =	sadd.s32 $0xFFFFFFE0, s30;
	s6 =	sadd.s32 $0xFFFFFFD0, s30;
	vm0 =	vge.s32 @!p2 v13, v5;
	v13 =	vlaneseq.u32 @!p2  }
0xce: {  	[tilespmem:s0+$0x18000] =	vst.msk @!p2 vm0, v9;
	v9 =	vor.u32 @!p2 s6, v13;
	v14 =	vor.u32 @!p2 s8, v13;
	v15 =	vor.u32 @!p2 s21, v13  }
0xcf: {  	vm1 =	vge.s32 @!p2 v12, v5;
	s5 =	sadd.s32 @!p2 s0, s5;
	[tilespmem:s0+$0x19080] =	vst.msk @!p2 vm0, v9;
	v9 =	vor.u32 @!p2 s30, v13;
	s30 =	smov.u32 s4;
	s0 =	smov.u32 s1  }
0xd0: {  	s3 =	sadd.s32 @!p2 s3, s5;
	[tilespmem:s5+$0x18000] =	vst.msk @!p2 vm1, v7  }
0xd1: {  	vm0 =	vge.s32 @!p2 v11, v5;
	s4 =	sadd.s32 @!p2 s7, s3;
	[tilespmem:s5+$0x19080] =	vst.msk @!p2 vm1, v14  }
0xd2: {  	[tilespmem:s3+$0x18000] =	vst.msk @!p2 vm0, v8  }
0xd3: {  	vm1 =	vge.s32 @!p2 v10, v5;
	[tilespmem:s3+$0x19080] =	vst.msk @!p2 vm0, v15  }
0xd4: {  	[tilespmem:s4+$0x18000] =	vst.msk @!p2 vm1, v6  }
0xd5: {  	[tilespmem:s4+$0x19080] =	vst.msk @!p2 vm1, v9  }
0xd6: {  	v6 =	vld [tilespmem:s29+$0xFFFFFFE0]  }
0xd7: {  	v7 =	vld [tilespmem:s29+$0xFFFFFFF0]  }
0xd8: {  	v8 =	vld [tilespmem:s29+$0x0]  }
0xd9: {  	v10 =	vld [tilespmem:s29+$0x10];
	_ =	sdelay $0x1  }
0xda: {  	v9 =	vshra.s32 v6, $0x1F  }
0xdb: {  	v9 =	vshrl.u32 v9, $0x1;
	v11 =	vshra.s32 v7, $0x1F  }
0xdc: {  	v9 =	vxor.u32 v6, v9;
	v6 =	vshrl.u32 v11, $0x1;
	v11 =	vshra.s32 v8, $0x1F  }
0xdd: {  	v7 =	vxor.u32 v7, v6;
	v6 =	vshrl.u32 v11, $0x1;
	v13 =	vshra.s32 v9, $0x18  }
0xde: {  	v11 =	vshra.s32 v10, $0x1F;
	vm0 =	vge.s32 v13, v5;
	v12 =	vshra.s32 v7, $0x18  }
0xdf: {  	v8 =	vxor.u32 v8, v6;
	v6 =	vshrl.u32 v11, $0x1;
	vm1 =	vge.s32 v12, v5  }
0xe0: {  	v6 =	vxor.u32 v10, v6;
	v11 =	vshra.s32 v8, $0x18;
	v14 =	vmpcnt.ones.xlane vm1  }
.Ltmp7:
0xe1: {  	v15 =	vmpcnt.ones.xlane vm0;
	vm1 =	vge.s32 v11, v5;
	v10 =	vshra.s32 v6, $0x18;
	(pc) =	sbr.rel @p1 .LBB2_10-.Ltmp7, $4  }
0xe2: {  	vm0 =	vge.s32 v10, v5;
	v16 =	vmpcnt.ones.xlane vm1;
	(v2sf) =	vpush v14, $0x0  }
0xe3: {  	v14 =	vmpcnt.ones.xlane vm0;
	(v2sf) =	vpush v15, $0x0  }
0xe4: {  	(v2sf) =	vpush v16, $0x0  }
0xe5: {  	(v2sf) =	vpush v14, $0x0  }
0xe6: {  	_ =	sdelay $0xa  }
0xe7: {  	s1 =	spop (v2sf)  }
0xe8: {  	s3 =	spop (v2sf)  }
0xe9: {  	s4 =	sadd.s32 s3, s1;
	s5 =	spop (v2sf)  }
0xea: {  	s4 =	sadd.s32 s5, s4;
	s6 =	spop (v2sf)  }
0xeb: {  	s4 =	sadd.s32 s6, s4  }
0xec: {  	p1 =	slt.s32 s4, $0x1  }
0xed: {  	s4 =	sadd.s32 $0xFFFFFFD0, s30;
	vm0 =	vge.s32 @!p1 v13, v5;
	v13 =	vlaneseq.u32 @!p1  }
0xee: {  	[tilespmem:s0+$0x18000] =	vst.msk @!p1 vm0, v9;
	v9 =	vor.u32 @!p1 s4, v13  }
0xef: {  	vm1 =	vge.s32 @!p1 v12, v5;
	s4 =	sadd.s32 $0xFFFFFFE0, s30;
	[tilespmem:s0+$0x19080] =	vst.msk @!p1 vm0, v9;
	s0 =	sadd.s32 @!p1 s0, s3  }
0xf0: {  	v9 =	vor.u32 @!p1 s4, v13;
	[tilespmem:s0+$0x18000] =	vst.msk @!p1 vm1, v7  }
0xf1: {  	s3 =	sadd.s32 $0xFFFFFFF0, s30;
	vm0 =	vge.s32 @!p1 v11, v5;
	s1 =	sadd.s32 @!p1 s1, s0;
	[tilespmem:s0+$0x19080] =	vst.msk @!p1 vm1, v9  }
0xf2: {  	v7 =	vor.u32 @!p1 s3, v13;
	[tilespmem:s1+$0x18000] =	vst.msk @!p1 vm0, v8  }
0xf3: {  	s0 =	sadd.s32 @!p1 s5, s1;
	vm1 =	vge.s32 @!p1 v10, v5;
	[tilespmem:s1+$0x19080] =	vst.msk @!p1 vm0, v7  }
0xf4: {  	v5 =	vor.u32 @!p1 s30, v13;
	[tilespmem:s0+$0x18000] =	vst.msk @!p1 vm1, v6  }
0xf5: {  	[tilespmem:s0+$0x19080] =	vst.msk @!p1 vm1, v5  }
.LBB2_12:
0xf6: {  	s1 =	simm.s32 $0x40;
	s0 =	simm.s32 $0x0  }
.LBB2_13:
0xf7: {  	p1 =	sne.s32 s1, $0x3FC0;
	[tilespmem:s0+$0x17000] =	vst v0;
	s3 =	smov.u32 s1;
	s1 =	sadd.s32 $0x40, s1  }
.Ltmp8:
0xf8: {  	[tilespmem:s0+$0x16000] =	vst v0;
	(pc) =	sbr.rel @p1 .LBB2_13-.Ltmp8, $3  }
0xf9: {  	[tilespmem:s0+$0x14000] =	vst v0  }
0xfa: {  	[tilespmem:s0+$0x15000] =	vst v0;
	_ =	sdelay $0x1  }
0xfb: {  	s0 =	sshra.s32 s3, $0x2  }
.Ltmp9:
0xfc: {  	(pc) =	sbr.rel @!p0 .LBB2_15-.Ltmp9, $4  }
0xfd: {  	[tilespmem:s0+$0x17000] =	vst v0  }
0xfe: {  	[tilespmem:s0+$0x16000] =	vst v0  }
0xff: {  	[tilespmem:s0+$0x14000] =	vst v0  }
0x100: {  	[tilespmem:s0+$0x15000] =	vst v0  }
0x101: {  	v5 =	vmov s28;
	s0 =	simm.s32 $0x0  }
.LBB2_23:
0x102: {  	s1 =	sshra.s32 s0, $0x2  }
0x103: {  	v6 =	vld [tilespmem:s1+$0x0];
	_ =	sdelay $0x4  }
0x104: {  	v7 =	vshra.s32 v6, $0x1F  }
0x105: {  	v7 =	vshrl.u32 v7, $0x1  }
0x106: {  	v6 =	vxor.u32 v6, v7  }
0x107: {  	v7 =	vshrl.u32 v6, $0xC  }
0x108: {  	v7 =	vand.u32 $0xFF0, v7  }
0x109: {  	v7 =	vor.u32 v1, v7;
	_ =	sdelay $0x3  }
0x10a: {  	v6 =	vshra.s32 v6, $0x18  }
0x10b: {  	vm0 =	veq.s32 v6, v5;
	v6 =	vld.idx.msk [tilespmem:v7+s14+$0x0], $0xffff;
	_ =	sdelay $0x4  }
0x10c: {  	v6 =	vadd.s32 $0x1, v6  }
0x10d: {  	[tilespmem:v7+s14+$0x0] =	vst.idx.msk vm0, v6  }
0x10e: {  	v6 =	vld [tilespmem:s1+$0x10];
	_ =	sdelay $0x4  }
0x10f: {  	v7 =	vshra.s32 v6, $0x1F  }
0x110: {  	v7 =	vshrl.u32 v7, $0x1  }
0x111: {  	v6 =	vxor.u32 v6, v7  }
0x112: {  	v7 =	vshrl.u32 v6, $0xC  }
0x113: {  	v7 =	vand.u32 $0xFF0, v7  }
0x114: {  	v7 =	vor.u32 v1, v7;
	_ =	sdelay $0x3  }
0x115: {  	v6 =	vshra.s32 v6, $0x18  }
0x116: {  	vm13 =	veq.s32 v6, v5;
	v6 =	vld.idx.msk [tilespmem:v7+s15+$0x0], $0xffff;
	_ =	sdelay $0x4  }
0x117: {  	v6 =	vadd.s32 $0x1, v6  }
0x118: {  	[tilespmem:v7+s15+$0x0] =	vst.idx.msk vm13, v6  }
0x119: {  	v6 =	vld [tilespmem:s1+$0x20];
	_ =	sdelay $0x4  }
0x11a: {  	v7 =	vshra.s32 v6, $0x1F  }
0x11b: {  	v7 =	vshrl.u32 v7, $0x1  }
0x11c: {  	v6 =	vxor.u32 v6, v7  }
0x11d: {  	v7 =	vshrl.u32 v6, $0xC  }
0x11e: {  	v7 =	vand.u32 $0xFF0, v7  }
0x11f: {  	v7 =	vor.u32 v1, v7;
	_ =	sdelay $0x3  }
0x120: {  	v6 =	vshra.s32 v6, $0x18  }
0x121: {  	vm14 =	veq.s32 v6, v5;
	v6 =	vld.idx.msk [tilespmem:v7+s16+$0x0], $0xffff;
	_ =	sdelay $0x4  }
0x122: {  	v6 =	vadd.s32 $0x1, v6  }
0x123: {  	[tilespmem:v7+s16+$0x0] =	vst.idx.msk vm14, v6  }
0x124: {  	v6 =	vld [tilespmem:s1+$0x30];
	_ =	sdelay $0x4  }
0x125: {  	v7 =	vshra.s32 v6, $0x1F  }
0x126: {  	v7 =	vshrl.u32 v7, $0x1  }
0x127: {  	v6 =	vxor.u32 v6, v7  }
0x128: {  	v7 =	vshrl.u32 v6, $0xC  }
0x129: {  	v7 =	vand.u32 $0xFF0, v7  }
0x12a: {  	v7 =	vor.u32 v1, v7;
	_ =	sdelay $0x3  }
0x12b: {  	v6 =	vshra.s32 v6, $0x18  }
0x12c: {  	vm15 =	veq.s32 v6, v5;
	v6 =	vld.idx.msk [tilespmem:v7+s17+$0x0], $0xffff  }
0x12d: {  	p1 =	sne.s32 s0, $0x4FF00  }
.Ltmp10:
0x12e: {  	_ = 	snop;
	(pc) =	sbr.rel @p1 .LBB2_23-.Ltmp10, $3  }
0x12f: {  	_ =	sdelay $0x1  }
0x130: {  	v6 =	vadd.s32 $0x1, v6  }
0x131: {  	s0 =	sadd.s32 $0x100, s0;
	[tilespmem:v7+s17+$0x0] =	vst.idx.msk vm15, v6  }
.Ltmp11:
0x132: {  	_ = 	snop;
	(pc) =	sbr.rel .LBB2_24-.Ltmp11, $1  }
0x133: {  	_ =	sdelay $0x3  }
.LBB2_15:
0x134: {  	s0 =	sadd.s32 $0xF, s25  }
0x135: {  	s1 =	sshrl.u32 s0, $0x4  }
0x136: {  	p1 =	seq.s32 s1, $0x0  }
.Ltmp12:
0x137: {  	_ = 	snop;
	(pc) =	sbr.rel @p1 .LBB2_24-.Ltmp12, $1  }
0x138: {  	_ =	sdelay $0x3  }
0x139: {  	p2 =	seq.s32 s1, $0x1  }
.Ltmp13:
0x13a: {  	_ = 	snop;
	(pc) =	sbr.rel @p2 .LBB2_17-.Ltmp13, $3  }
0x13b: {  	_ =	sdelay $0x1  }
0x13c: {  	s3 =	simm.s32 $0x18000  }
0x13d: {  	v5 =	vmov s25;
	v6 =	vmov s28;
	s0 =	simm.s32 $0x0;
	s1 =	sadd.s32 $0xFFFFFFFF, s1;
	p1 =	por $0x0, $0x0;
	v7 =	vld [tilespmem:s3+$0x0]  }
0x13e: {  	_ =	sdelay $0x3  }
0x13f: {  	v8 =	vshrl.u32 v7, $0xC  }
0x140: {  	v8 =	vand.u32 $0xFF0, v8  }
0x141: {  	v8 =	vor.u32 v1, v8;
	_ =	sdelay $0x2  }
0x142: {  	v9 =	vor.u32 s0, v1;
	v7 =	vshra.s32 v7, $0x18  }
0x143: {  	vm0 =	vlt.s32 v9, v5;
	vm1 =	veq.s32 v7, v6  }
0x144: {  	vm0 =	vmand vm0, vm1;
	v7 =	vld.idx.msk [tilespmem:v8+s14+$0x0], $0xffff;
	_ =	sdelay $0x1  }
0x145: {  	p2 =	seq.s32 s1, $0x1  }
.Ltmp14:
0x146: {  	_ = 	snop;
	(pc) =	sbr.rel @p2 .LBB2_19-.Ltmp14, $4  }
0x147: {  	_ = 	snop  }
0x148: {  	v7 =	vadd.s32 $0x1, v7  }
0x149: {  	s3 =	simm.s32 $0x18010;
	[tilespmem:v8+s14+$0x0] =	vst.idx.msk vm0, v7  }
0x14a: {  	s4 =	sadd.s32 $0xFFFFFFFF, s1;
	p1 =	por $0x1, $0x1;
	s1 =	simm.s32 $0x0;
	v7 =	vld [tilespmem:s3+$0x0]  }
.LBB2_20:
0x14b: {  	p2 =	seq.s32 s4, $0x1;
	_ =	sdelay $0x3  }
0x14c: {  	v8 =	vshrl.u32 v7, $0xC  }
0x14d: {  	v8 =	vand.u32 $0xFF0, v8  }
0x14e: {  	v8 =	vor.u32 v1, v8;
	_ =	sdelay $0x2  }
0x14f: {  	s1 =	sadd.s32 $0x10, s1  }
0x150: {  	v9 =	vor.u32 s1, v1;
	v7 =	vshra.s32 v7, $0x18  }
0x151: {  	vm0 =	vlt.s32 v9, v5;
	vm1 =	veq.s32 v7, v6;
	v7 =	vld.idx.msk [tilespmem:v8+s14+$0x0], $0xffff  }
0x152: {  	vm0 =	vmand vm0, vm1;
	_ =	sdelay $0x2  }
.Ltmp15:
0x153: {  	(pc) =	sbr.rel @!p2 .LBB2_20-.Ltmp15, $4  }
0x154: {  	_ = 	snop  }
0x155: {  	v7 =	vadd.s32 $0x1, v7  }
0x156: {  	s3 =	sadd.s32 $0x10, s3;
	[tilespmem:v8+s14+$0x0] =	vst.idx.msk vm0, v7  }
0x157: {  	s4 =	sadd.s32 $0xFFFFFFFF, s4;
	v7 =	vld [tilespmem:s3+$0x0]  }
.LBB2_21:
0x158: {  	_ =	sdelay $0x3  }
0x159: {  	v8 =	vshrl.u32 v7, $0xC  }
0x15a: {  	v8 =	vand.u32 $0xFF0, v8  }
0x15b: {  	v8 =	vor.u32 v1, v8  }
0x15c: {  	s1 =	sadd.s32 @p1 $0x10, s1  }
0x15d: {  	s0 =	smov.u32 @p1 s1  }
0x15e: {  	v9 =	vor.u32 s0, v1;
	v7 =	vshra.s32 v7, $0x18  }
0x15f: {  	vm0 =	vlt.s32 v9, v5;
	vm1 =	veq.s32 v7, v6  }
0x160: {  	vm0 =	vmand vm0, vm1;
	v5 =	vld.idx.msk [tilespmem:v8+s14+$0x0], $0xffff;
	_ =	sdelay $0x4  }
0x161: {  	v5 =	vadd.s32 $0x1, v5  }
0x162: {  	[tilespmem:v8+s14+$0x0] =	vst.idx.msk vm0, v5  }
.LBB2_24:
0x163: {  	s0 =	simm.s32 $0x14FF0  }
0x164: {  	s1 =	simm.s32 $0x15FF0;
	v5 =	vld [tilespmem:s0+$0x0]  }
0x165: {  	s13 =	simm.s32 $0x16FF0;
	v6 =	vld [tilespmem:s1+$0x0]  }
0x166: {  	s21 =	simm.s32 $0x17FF0;
	v7 =	vld [tilespmem:s13+$0x0]  }
0x167: {  	v8 =	vld [tilespmem:s21+$0x0];
	_ =	sdelay $0x2  }
0x168: {  	v5 =	vadd.s32 v5, v6  }
0x169: {  	v5 =	vadd.s32 v7, v5  }
0x16a: {  	v5 =	vadd.s32 v8, v5  }
0x16b: {  	(xrf0) =	vadd.scan.msk.s32 $0xffff, v5;
	_ =	sdelay $0x2  }
0x16c: {  	s4 =	simm.s32 $0x17FE0  }
0x16d: {  	s6 =	simm.s32 $0x15FD0;
	v9 =	vld [tilespmem:s4+$0x0]  }
0x16e: {  	s23 =	simm.s32 $0x15FE0;
	v10 =	vld [tilespmem:s6+$0x0]  }
0x16f: {  	s22 =	simm.s32 $0x14FE0;
	v6 =	vld [tilespmem:s23+$0x0];
	v8, _, _ =	vpop (xrf0)  }
0x170: {  	s3 =	simm.s32 $0x16FE0;
	v5 =	vld [tilespmem:s22+$0x0];
	(v2sf) =	vpush v8, $0xF  }
0x171: {  	s5 =	simm.s32 $0x14FD0;
	v7 =	vld [tilespmem:s3+$0x0]  }
0x172: {  	s7 =	simm.s32 $0x16FD0;
	v8 =	vld [tilespmem:s5+$0x0]  }
0x173: {  	s8 =	simm.s32 $0x17FD0;
	v11 =	vld [tilespmem:s7+$0x0]  }
0x174: {  	v12 =	vld [tilespmem:s8+$0x0]  }
0x175: {  	v5 =	vadd.s32 v5, v6  }
0x176: {  	v5 =	vadd.s32 v7, v5  }
0x177: {  	s13 =	simm.s32 $0x14FC0;
	v5 =	vadd.s32 v9, v5;
	v6 =	vadd.s32 v8, v10  }
0x178: {  	s21 =	simm.s32 $0x15FC0;
	v7 =	vld [tilespmem:s13+$0x0];
	(xrf0) =	vadd.scan.msk.s32 $0xffff, v5;
	v6 =	vadd.s32 v11, v6  }
0x179: {  	v5 =	vadd.s32 v12, v6;
	v6 =	vld [tilespmem:s21+$0x0]  }
0x17a: {  	(xrf0) =	vadd.scan.msk.s32 $0xffff, v5;
	_ =	sdelay $0x3  }
0x17b: {  	v6 =	vadd.s32 v7, v6;
	v7, _, _ =	vpop (xrf0)  }
0x17c: {  	s7 =	spop (v2sf);
	(v2sf) =	vpush v7, $0xF  }
0x17d: {  	s22 =	simm.s32 $0x16FC0;
	v7, _, _ =	vpop (xrf0)  }
0x17e: {  	s23 =	simm.s32 $0x17FC0;
	v5 =	vld [tilespmem:s22+$0x0];
	(v2sf) =	vpush v7, $0xF  }
0x17f: {  	v8 =	vld [tilespmem:s23+$0x0]  }
0x180: {  	s30 =	simm.s32 $0x0  }
0x181: {  	p1 =	por $0x0, $0x0;
	s31 =	simm.s32 $0xFD;
	s29 =	simm.s32 $0x0  }
0x182: {  	s1 =	simm.s32 $0xFC;
	s0 =	simm.s32 $0xFB;
	s4 =	simm.s32 $0x15FB0  }
0x183: {  	s6 =	simm.s32 $0x17FB0;
	s3 =	simm.s32 $0x14FB0;
	s13 =	simm.s32 $0xFE;
	v6 =	vadd.s32 v5, v6  }
0x184: {  	s5 =	simm.s32 $0x16FB0;
	s23 =	simm.s32 $0x0;
	v5 =	vld [tilespmem:s3+$0x0];
	v8 =	vadd.s32 v8, v6;
	s22 =	sadd.s32 $0x0, s7  }
0x185: {  	s21 =	simm.s32 $0xFF;
	v6 =	vld [tilespmem:s4+$0x0];
	(xrf0) =	vadd.scan.msk.s32 $0xffff, v8;
	s7 =	simm.s32 $0xFA;
	s8 =	sadd.s32 s26, s22  }
.LBB2_25:
0x186: {  	p2 =	sne.s32 s7, $0x0;
	v7 =	vld [tilespmem:s5+$0x0];
	p4 =	por !p1, !p1;
	p3 =	sgt.s32 s8, $0x12B  }
0x187: {  	s8 =	smov.u32 s31;
	s31 =	smov.u32 s1;
	v8 =	vld [tilespmem:s6+$0x0];
	p4 =	por !p3, !p4  }
0x188: {  	s1 =	smov.u32 s0;
	s0 =	smov.u32 s7;
	p4 =	por !p4, !p4  }
.Ltmp16:
0x189: {  	s30 =	smov.u32 @p4 s21;
	s29 =	smov.u32 @p4 s23;
	(pc) =	sbr.rel @p2 .LBB2_25-.Ltmp16, $4  }
0x18a: {  	s23 =	smov.u32 s22;
	s21 =	smov.u32 s13;
	s13 =	smov.u32 s8;
	v5 =	vadd.s32 v5, v6  }
0x18b: {  	s3 =	sadd.s32 $0xFFFFFFF0, s3;
	s4 =	sadd.s32 $0xFFFFFFF0, s4;
	v6 =	vadd.s32 v7, v5;
	v7, _, _ =	vpop (xrf0);
	s8 =	spop (v2sf)  }
0x18c: {  	s5 =	sadd.s32 $0xFFFFFFF0, s5;
	s6 =	sadd.s32 $0xFFFFFFF0, s6;
	v5 =	vld [tilespmem:s3+$0x0];
	v8 =	vadd.s32 v8, v6;
	(v2sf) =	vpush v7, $0xF;
	s22 =	sadd.s32 s22, s8  }
0x18d: {  	s7 =	sadd.s32 $0xFFFFFFFF, s7;
	p1 =	por p1, p3;
	v6 =	vld [tilespmem:s4+$0x0];
	(xrf0) =	vadd.scan.msk.s32 $0xffff, v8;
	s8 =	sadd.s32 s26, s22  }
0x18e: {  	v7 =	vld [tilespmem:s5+$0x0]  }
0x18f: {  	v8 =	vld [tilespmem:s6+$0x0];
	_ =	sdelay $0x2  }
0x190: {  	v5 =	vadd.s32 v5, v6  }
0x191: {  	v5 =	vadd.s32 v7, v5  }
0x192: {  	v5 =	vadd.s32 v8, v5  }
0x193: {  	(xrf0) =	vadd.scan.msk.s32 $0xffff, v5;
	_ =	sdelay $0x3  }
0x194: {  	v5, _, _ =	vpop (xrf0)  }
0x195: {  	(v2sf) =	vpush v5, $0xF  }
0x196: {  	v5, _, _ =	vpop (xrf0)  }
0x197: {  	(v2sf) =	vpush v5, $0xF;
	_ =	sdelay $0x4  }
0x198: {  	s3 =	spop (v2sf)  }
0x199: {  	p2 =	por !p1, !p1;
	p3 =	sgt.s32 s8, $0x12B;
	s3 =	sadd.s32 s22, s3  }
0x19a: {  	p2 =	por !p3, !p2;
	p6 =	por p1, p3;
	s4 =	sadd.s32 s26, s3  }
0x19b: {  	p2 =	por !p2, !p2;
	p3 =	por !p6, !p6;
	p4 =	sgt.s32 s4, $0x12B  }
0x19c: {  	s30 =	smov.u32 @p2 s21;
	p3 =	por !p4, !p3;
	s8 =	spop (v2sf)  }
0x19d: {  	s29 =	smov.u32 @p2 s23;
	p2 =	por !p3, !p3;
	s4 =	sadd.s32 s3, s8  }
0x19e: {  	p5 =	por p6, p4;
	s30 =	smov.u32 @p2 s13;
	s13 =	sadd.s32 s26, s4  }
0x19f: {  	p1 =	por !p5, !p5;
	p6 =	sgt.s32 s13, $0x12B  }
0x1a0: {  	s29 =	smov.u32 @p2 s22;
	p1 =	por !p6, !p1;
	s21 =	spop (v2sf)  }
0x1a1: {  	p3 =	por p5, p6;
	p1 =	por !p1, !p1;
	s5 =	sadd.s32 s4, s21  }
0x1a2: {  	p4 =	por !p3, !p3;
	s22 =	sadd.s32 s26, s5;
	s7 =	spop (v2sf)  }
0x1a3: {  	s30 =	smov.u32 @p1 s31;
	p5 =	sgt.s32 s22, $0x12B;
	s23 =	sadd.s32 s5, s7  }
0x1a4: {  	p2 =	por p3, p5;
	p3 =	por !p5, !p4;
	s6 =	sadd.s32 s26, s23  }
0x1a5: {  	p2 =	por !p2, !p2;
	p3 =	por !p3, !p3;
	p6 =	sgt.s32 s6, $0x12B  }
0x1a6: {  	s29 =	smov.u32 @p1 s3;
	s30 =	smov.u32 @p3 s1;
	p2 =	por !p6, !p2  }
0x1a7: {  	s29 =	smov.u32 @p3 s4;
	s1 =	simm.s32 $0x40;
	p1 =	por !p2, !p2  }
0x1a8: {  	s30 =	smov.u32 @p1 s0;
	s29 =	smov.u32 @p1 s5;
	s0 =	simm.s32 $0x0  }
.LBB2_27:
0x1a9: {  	p1 =	sne.s32 s1, $0x3FC0;
	[tilespmem:s0+$0x17000] =	vst v0;
	s3 =	smov.u32 s1;
	s1 =	sadd.s32 $0x40, s1  }
.Ltmp17:
0x1aa: {  	[tilespmem:s0+$0x16000] =	vst v0;
	(pc) =	sbr.rel @p1 .LBB2_27-.Ltmp17, $3  }
0x1ab: {  	[tilespmem:s0+$0x14000] =	vst v0  }
0x1ac: {  	[tilespmem:s0+$0x15000] =	vst v0;
	_ =	sdelay $0x1  }
0x1ad: {  	s0 =	sshra.s32 s3, $0x2  }
.Ltmp18:
0x1ae: {  	(pc) =	sbr.rel @!p0 .LBB2_29-.Ltmp18, $4  }
0x1af: {  	[tilespmem:s0+$0x17000] =	vst v0  }
0x1b0: {  	[tilespmem:s0+$0x16000] =	vst v0  }
0x1b1: {  	[tilespmem:s0+$0x14000] =	vst v0;
	s1 =	sshll.u32 s28, $0x8  }
0x1b2: {  	[tilespmem:s0+$0x15000] =	vst v0;
	s28 =	sor.u32 s1, s30  }
0x1b3: {  	v5 =	vmov s28;
	s0 =	simm.s32 $0x0  }
.LBB2_37:
0x1b4: {  	s1 =	sshra.s32 s0, $0x2  }
0x1b5: {  	v6 =	vld [tilespmem:s1+$0x0];
	_ =	sdelay $0x4  }
0x1b6: {  	v7 =	vshra.s32 v6, $0x1F  }
0x1b7: {  	v7 =	vshrl.u32 v7, $0x1  }
0x1b8: {  	v6 =	vxor.u32 v6, v7  }
0x1b9: {  	v7 =	vshrl.u32 v6, $0x4  }
0x1ba: {  	v7 =	vand.u32 $0xFF0, v7  }
0x1bb: {  	v7 =	vor.u32 v1, v7;
	_ =	sdelay $0x3  }
0x1bc: {  	v6 =	vshra.s32 v6, $0x10  }
0x1bd: {  	vm0 =	veq.s32 v6, v5;
	v6 =	vld.idx.msk [tilespmem:v7+s14+$0x0], $0xffff;
	_ =	sdelay $0x4  }
0x1be: {  	v6 =	vadd.s32 $0x1, v6  }
0x1bf: {  	[tilespmem:v7+s14+$0x0] =	vst.idx.msk vm0, v6  }
0x1c0: {  	v6 =	vld [tilespmem:s1+$0x10];
	_ =	sdelay $0x4  }
0x1c1: {  	v7 =	vshra.s32 v6, $0x1F  }
0x1c2: {  	v7 =	vshrl.u32 v7, $0x1  }
0x1c3: {  	v6 =	vxor.u32 v6, v7  }
0x1c4: {  	v7 =	vshrl.u32 v6, $0x4  }
0x1c5: {  	v7 =	vand.u32 $0xFF0, v7  }
0x1c6: {  	v7 =	vor.u32 v1, v7;
	_ =	sdelay $0x3  }
0x1c7: {  	v6 =	vshra.s32 v6, $0x10  }
0x1c8: {  	vm13 =	veq.s32 v6, v5;
	v6 =	vld.idx.msk [tilespmem:v7+s15+$0x0], $0xffff;
	_ =	sdelay $0x4  }
0x1c9: {  	v6 =	vadd.s32 $0x1, v6  }
0x1ca: {  	[tilespmem:v7+s15+$0x0] =	vst.idx.msk vm13, v6  }
0x1cb: {  	v6 =	vld [tilespmem:s1+$0x20];
	_ =	sdelay $0x4  }
0x1cc: {  	v7 =	vshra.s32 v6, $0x1F  }
0x1cd: {  	v7 =	vshrl.u32 v7, $0x1  }
0x1ce: {  	v6 =	vxor.u32 v6, v7  }
0x1cf: {  	v7 =	vshrl.u32 v6, $0x4  }
0x1d0: {  	v7 =	vand.u32 $0xFF0, v7  }
0x1d1: {  	v7 =	vor.u32 v1, v7;
	_ =	sdelay $0x3  }
0x1d2: {  	v6 =	vshra.s32 v6, $0x10  }
0x1d3: {  	vm14 =	veq.s32 v6, v5;
	v6 =	vld.idx.msk [tilespmem:v7+s16+$0x0], $0xffff;
	_ =	sdelay $0x4  }
0x1d4: {  	v6 =	vadd.s32 $0x1, v6  }
0x1d5: {  	[tilespmem:v7+s16+$0x0] =	vst.idx.msk vm14, v6  }
0x1d6: {  	v6 =	vld [tilespmem:s1+$0x30];
	_ =	sdelay $0x4  }
0x1d7: {  	v7 =	vshra.s32 v6, $0x1F  }
0x1d8: {  	v7 =	vshrl.u32 v7, $0x1  }
0x1d9: {  	v6 =	vxor.u32 v6, v7  }
0x1da: {  	v7 =	vshrl.u32 v6, $0x4  }
0x1db: {  	v7 =	vand.u32 $0xFF0, v7  }
0x1dc: {  	v7 =	vor.u32 v1, v7;
	_ =	sdelay $0x3  }
0x1dd: {  	v6 =	vshra.s32 v6, $0x10  }
0x1de: {  	vm15 =	veq.s32 v6, v5;
	v6 =	vld.idx.msk [tilespmem:v7+s17+$0x0], $0xffff  }
0x1df: {  	p1 =	sne.s32 s0, $0x4FF00  }
.Ltmp19:
0x1e0: {  	_ = 	snop;
	(pc) =	sbr.rel @p1 .LBB2_37-.Ltmp19, $3  }
0x1e1: {  	_ =	sdelay $0x1  }
0x1e2: {  	v6 =	vadd.s32 $0x1, v6  }
0x1e3: {  	s0 =	sadd.s32 $0x100, s0;
	[tilespmem:v7+s17+$0x0] =	vst.idx.msk vm15, v6  }
.Ltmp20:
0x1e4: {  	_ = 	snop;
	(pc) =	sbr.rel .LBB2_38-.Ltmp20, $1  }
0x1e5: {  	_ =	sdelay $0x3  }
.LBB2_29:
0x1e6: {  	s0 =	sadd.s32 $0xF, s25  }
0x1e7: {  	s1 =	sshrl.u32 s0, $0x4  }
0x1e8: {  	p1 =	seq.s32 s1, $0x0  }
.Ltmp21:
0x1e9: {  	_ = 	snop;
	(pc) =	sbr.rel @p1 .LBB2_38-.Ltmp21, $1  }
0x1ea: {  	_ =	sdelay $0x3  }
0x1eb: {  	p2 =	seq.s32 s1, $0x1  }
.Ltmp22:
0x1ec: {  	_ = 	snop;
	(pc) =	sbr.rel @p2 .LBB2_31-.Ltmp22, $3  }
0x1ed: {  	_ =	sdelay $0x1  }
0x1ee: {  	s3 =	simm.s32 $0x18000  }
0x1ef: {  	v5 =	vmov s25;
	v6 =	vmov s28;
	s0 =	simm.s32 $0x0;
	s1 =	sadd.s32 $0xFFFFFFFF, s1;
	p1 =	por $0x0, $0x0;
	v7 =	vld [tilespmem:s3+$0x0]  }
0x1f0: {  	_ =	sdelay $0x3  }
0x1f1: {  	v8 =	vshrl.u32 v7, $0x4  }
0x1f2: {  	v8 =	vand.u32 $0xFF0, v8  }
0x1f3: {  	v8 =	vor.u32 v1, v8;
	_ =	sdelay $0x2  }
0x1f4: {  	v9 =	vor.u32 s0, v1;
	v7 =	vshra.s32 v7, $0x10  }
0x1f5: {  	vm0 =	vlt.s32 v9, v5;
	vm1 =	veq.s32 v7, v6  }
0x1f6: {  	vm0 =	vmand vm0, vm1;
	v7 =	vld.idx.msk [tilespmem:v8+s14+$0x0], $0xffff;
	_ =	sdelay $0x1  }
0x1f7: {  	p2 =	seq.s32 s1, $0x1  }
.Ltmp23:
0x1f8: {  	_ = 	snop;
	(pc) =	sbr.rel @p2 .LBB2_33-.Ltmp23, $4  }
0x1f9: {  	_ = 	snop  }
0x1fa: {  	v7 =	vadd.s32 $0x1, v7  }
0x1fb: {  	s3 =	simm.s32 $0x18010;
	[tilespmem:v8+s14+$0x0] =	vst.idx.msk vm0, v7  }
0x1fc: {  	s4 =	sadd.s32 $0xFFFFFFFF, s1;
	p1 =	por $0x1, $0x1;
	s1 =	simm.s32 $0x0;
	v7 =	vld [tilespmem:s3+$0x0]  }
.LBB2_34:
0x1fd: {  	p2 =	seq.s32 s4, $0x1;
	_ =	sdelay $0x3  }
0x1fe: {  	v8 =	vshrl.u32 v7, $0x4  }
0x1ff: {  	v8 =	vand.u32 $0xFF0, v8  }
0x200: {  	v8 =	vor.u32 v1, v8;
	_ =	sdelay $0x2  }
0x201: {  	s1 =	sadd.s32 $0x10, s1  }
0x202: {  	v9 =	vor.u32 s1, v1;
	v7 =	vshra.s32 v7, $0x10  }
0x203: {  	vm0 =	vlt.s32 v9, v5;
	vm1 =	veq.s32 v7, v6;
	v7 =	vld.idx.msk [tilespmem:v8+s14+$0x0], $0xffff  }
0x204: {  	vm0 =	vmand vm0, vm1;
	_ =	sdelay $0x2  }
.Ltmp24:
0x205: {  	(pc) =	sbr.rel @!p2 .LBB2_34-.Ltmp24, $4  }
0x206: {  	_ = 	snop  }
0x207: {  	v7 =	vadd.s32 $0x1, v7  }
0x208: {  	s3 =	sadd.s32 $0x10, s3;
	[tilespmem:v8+s14+$0x0] =	vst.idx.msk vm0, v7  }
0x209: {  	s4 =	sadd.s32 $0xFFFFFFFF, s4;
	v7 =	vld [tilespmem:s3+$0x0]  }
.LBB2_35:
0x20a: {  	_ =	sdelay $0x3  }
0x20b: {  	v8 =	vshrl.u32 v7, $0x4  }
0x20c: {  	v8 =	vand.u32 $0xFF0, v8  }
0x20d: {  	v8 =	vor.u32 v1, v8  }
0x20e: {  	s1 =	sadd.s32 @p1 $0x10, s1  }
0x20f: {  	s0 =	smov.u32 @p1 s1  }
0x210: {  	v9 =	vor.u32 s0, v1;
	v7 =	vshra.s32 v7, $0x10  }
0x211: {  	vm0 =	vlt.s32 v9, v5;
	vm1 =	veq.s32 v7, v6  }
0x212: {  	vm0 =	vmand vm0, vm1;
	v5 =	vld.idx.msk [tilespmem:v8+s14+$0x0], $0xffff;
	_ =	sdelay $0x4  }
0x213: {  	v5 =	vadd.s32 $0x1, v5  }
0x214: {  	[tilespmem:v8+s14+$0x0] =	vst.idx.msk vm0, v5  }
.LBB2_38:
0x215: {  	s0 =	simm.s32 $0x14FF0  }
0x216: {  	s1 =	simm.s32 $0x15FF0;
	v5 =	vld [tilespmem:s0+$0x0]  }
0x217: {  	s13 =	simm.s32 $0x16FF0;
	v6 =	vld [tilespmem:s1+$0x0]  }
0x218: {  	s21 =	simm.s32 $0x17FF0;
	v7 =	vld [tilespmem:s13+$0x0]  }
0x219: {  	v8 =	vld [tilespmem:s21+$0x0];
	_ =	sdelay $0x2  }
0x21a: {  	v5 =	vadd.s32 v5, v6  }
0x21b: {  	v5 =	vadd.s32 v7, v5  }
0x21c: {  	v5 =	vadd.s32 v8, v5  }
0x21d: {  	(xrf0) =	vadd.scan.msk.s32 $0xffff, v5;
	_ =	sdelay $0x2  }
0x21e: {  	s4 =	simm.s32 $0x17FE0  }
0x21f: {  	s6 =	simm.s32 $0x15FD0;
	v9 =	vld [tilespmem:s4+$0x0]  }
0x220: {  	s23 =	simm.s32 $0x15FE0;
	v10 =	vld [tilespmem:s6+$0x0]  }
0x221: {  	s22 =	simm.s32 $0x14FE0;
	v6 =	vld [tilespmem:s23+$0x0];
	v8, _, _ =	vpop (xrf0)  }
0x222: {  	s3 =	simm.s32 $0x16FE0;
	v5 =	vld [tilespmem:s22+$0x0];
	(v2sf) =	vpush v8, $0xF  }
0x223: {  	s5 =	simm.s32 $0x14FD0;
	v7 =	vld [tilespmem:s3+$0x0]  }
0x224: {  	s7 =	simm.s32 $0x16FD0;
	v8 =	vld [tilespmem:s5+$0x0]  }
0x225: {  	s8 =	simm.s32 $0x17FD0;
	v11 =	vld [tilespmem:s7+$0x0]  }
0x226: {  	v12 =	vld [tilespmem:s8+$0x0]  }
0x227: {  	v5 =	vadd.s32 v5, v6  }
0x228: {  	v5 =	vadd.s32 v7, v5  }
0x229: {  	s13 =	simm.s32 $0x14FC0;
	v5 =	vadd.s32 v9, v5;
	v6 =	vadd.s32 v8, v10  }
0x22a: {  	s21 =	simm.s32 $0x15FC0;
	v7 =	vld [tilespmem:s13+$0x0];
	(xrf0) =	vadd.scan.msk.s32 $0xffff, v5;
	v6 =	vadd.s32 v11, v6  }
0x22b: {  	v5 =	vadd.s32 v12, v6;
	v6 =	vld [tilespmem:s21+$0x0]  }
0x22c: {  	(xrf0) =	vadd.scan.msk.s32 $0xffff, v5;
	_ =	sdelay $0x3  }
0x22d: {  	v6 =	vadd.s32 v7, v6;
	v7, _, _ =	vpop (xrf0)  }
0x22e: {  	s7 =	spop (v2sf);
	(v2sf) =	vpush v7, $0xF  }
0x22f: {  	s22 =	simm.s32 $0x16FC0;
	v7, _, _ =	vpop (xrf0)  }
0x230: {  	s23 =	simm.s32 $0x17FC0;
	v5 =	vld [tilespmem:s22+$0x0];
	(v2sf) =	vpush v7, $0xF  }
0x231: {  	v8 =	vld [tilespmem:s23+$0x0]  }
0x232: {  	s26 =	sadd.s32 s26, s29;
	s30 =	simm.s32 $0x0  }
0x233: {  	p1 =	por $0x0, $0x0;
	s31 =	simm.s32 $0xFC;
	s29 =	simm.s32 $0x0  }
0x234: {  	s1 =	simm.s32 $0xFD;
	s0 =	simm.s32 $0xFB;
	s4 =	simm.s32 $0x15FB0  }
0x235: {  	s6 =	simm.s32 $0x17FB0;
	s3 =	simm.s32 $0x14FB0;
	s13 =	simm.s32 $0xFE;
	v6 =	vadd.s32 v5, v6  }
0x236: {  	s5 =	simm.s32 $0x16FB0;
	s23 =	simm.s32 $0x0;
	v5 =	vld [tilespmem:s3+$0x0];
	v8 =	vadd.s32 v8, v6;
	s22 =	sadd.s32 $0x0, s7  }
0x237: {  	s21 =	simm.s32 $0xFF;
	v6 =	vld [tilespmem:s4+$0x0];
	(xrf0) =	vadd.scan.msk.s32 $0xffff, v8;
	s7 =	simm.s32 $0xFA;
	s8 =	sadd.s32 s26, s22  }
.LBB2_39:
0x238: {  	p2 =	sne.s32 s7, $0x0;
	v7 =	vld [tilespmem:s5+$0x0];
	p4 =	por !p1, !p1;
	p3 =	sgt.s32 s8, $0x12B  }
0x239: {  	s8 =	smov.u32 s1;
	s1 =	smov.u32 s31;
	v8 =	vld [tilespmem:s6+$0x0];
	p4 =	por !p3, !p4  }
0x23a: {  	s31 =	smov.u32 s0;
	s0 =	smov.u32 s7;
	p4 =	por !p4, !p4  }
.Ltmp25:
0x23b: {  	s30 =	smov.u32 @p4 s21;
	s29 =	smov.u32 @p4 s23;
	(pc) =	sbr.rel @p2 .LBB2_39-.Ltmp25, $4  }
0x23c: {  	s23 =	smov.u32 s22;
	s21 =	smov.u32 s13;
	s13 =	smov.u32 s8;
	v5 =	vadd.s32 v5, v6  }
0x23d: {  	s3 =	sadd.s32 $0xFFFFFFF0, s3;
	s4 =	sadd.s32 $0xFFFFFFF0, s4;
	v6 =	vadd.s32 v7, v5;
	v7, _, _ =	vpop (xrf0);
	s8 =	spop (v2sf)  }
0x23e: {  	s5 =	sadd.s32 $0xFFFFFFF0, s5;
	s6 =	sadd.s32 $0xFFFFFFF0, s6;
	v5 =	vld [tilespmem:s3+$0x0];
	v8 =	vadd.s32 v8, v6;
	(v2sf) =	vpush v7, $0xF;
	s22 =	sadd.s32 s22, s8  }
0x23f: {  	s7 =	sadd.s32 $0xFFFFFFFF, s7;
	p1 =	por p1, p3;
	v6 =	vld [tilespmem:s4+$0x0];
	(xrf0) =	vadd.scan.msk.s32 $0xffff, v8;
	s8 =	sadd.s32 s26, s22  }
0x240: {  	v7 =	vld [tilespmem:s5+$0x0]  }
0x241: {  	v8 =	vld [tilespmem:s6+$0x0];
	_ =	sdelay $0x2  }
0x242: {  	v5 =	vadd.s32 v5, v6  }
0x243: {  	v5 =	vadd.s32 v7, v5  }
0x244: {  	v5 =	vadd.s32 v8, v5  }
0x245: {  	(xrf0) =	vadd.scan.msk.s32 $0xffff, v5;
	_ =	sdelay $0x3  }
0x246: {  	v5, _, _ =	vpop (xrf0)  }
0x247: {  	(v2sf) =	vpush v5, $0xF  }
0x248: {  	v5, _, _ =	vpop (xrf0)  }
0x249: {  	(v2sf) =	vpush v5, $0xF;
	_ =	sdelay $0x4  }
0x24a: {  	s3 =	spop (v2sf)  }
0x24b: {  	p2 =	por !p1, !p1;
	p3 =	sgt.s32 s8, $0x12B;
	s3 =	sadd.s32 s22, s3  }
0x24c: {  	p2 =	por !p3, !p2;
	p6 =	por p1, p3;
	s4 =	sadd.s32 s26, s3  }
0x24d: {  	p2 =	por !p2, !p2;
	p3 =	por !p6, !p6;
	p4 =	sgt.s32 s4, $0x12B  }
0x24e: {  	s30 =	smov.u32 @p2 s21;
	p3 =	por !p4, !p3;
	s8 =	spop (v2sf)  }
0x24f: {  	s29 =	smov.u32 @p2 s23;
	p2 =	por !p3, !p3;
	s4 =	sadd.s32 s3, s8  }
0x250: {  	p5 =	por p6, p4;
	s30 =	smov.u32 @p2 s13;
	s13 =	sadd.s32 s26, s4  }
0x251: {  	p1 =	por !p5, !p5;
	p6 =	sgt.s32 s13, $0x12B  }
0x252: {  	s29 =	smov.u32 @p2 s22;
	p1 =	por !p6, !p1;
	s21 =	spop (v2sf)  }
0x253: {  	p3 =	por p5, p6;
	p1 =	por !p1, !p1;
	s5 =	sadd.s32 s4, s21  }
0x254: {  	p4 =	por !p3, !p3;
	s22 =	sadd.s32 s26, s5;
	s7 =	spop (v2sf)  }
0x255: {  	s30 =	smov.u32 @p1 s1;
	p5 =	sgt.s32 s22, $0x12B;
	s23 =	sadd.s32 s5, s7  }
0x256: {  	s29 =	smov.u32 @p1 s3;
	p2 =	por p3, p5;
	s6 =	sadd.s32 s26, s23  }
0x257: {  	p3 =	por !p5, !p4;
	p2 =	por !p2, !p2;
	p6 =	sgt.s32 s6, $0x12B  }
0x258: {  	s1 =	simm.s32 $0x40;
	p3 =	por !p3, !p3;
	p2 =	por !p6, !p2  }
0x259: {  	s30 =	smov.u32 @p3 s31;
	s29 =	smov.u32 @p3 s4;
	p1 =	por !p2, !p2  }
0x25a: {  	s30 =	smov.u32 @p1 s0;
	s29 =	smov.u32 @p1 s5;
	s0 =	simm.s32 $0x0  }
.LBB2_41:
0x25b: {  	p1 =	sne.s32 s1, $0x3FC0;
	[tilespmem:s0+$0x17000] =	vst v0;
	s3 =	smov.u32 s1;
	s1 =	sadd.s32 $0x40, s1  }
.Ltmp26:
0x25c: {  	[tilespmem:s0+$0x16000] =	vst v0;
	(pc) =	sbr.rel @p1 .LBB2_41-.Ltmp26, $3  }
0x25d: {  	[tilespmem:s0+$0x14000] =	vst v0  }
0x25e: {  	[tilespmem:s0+$0x15000] =	vst v0;
	_ =	sdelay $0x1  }
0x25f: {  	s0 =	sshra.s32 s3, $0x2  }
.Ltmp27:
0x260: {  	(pc) =	sbr.rel @!p0 .LBB2_43-.Ltmp27, $4  }
0x261: {  	[tilespmem:s0+$0x17000] =	vst v0  }
0x262: {  	[tilespmem:s0+$0x16000] =	vst v0  }
0x263: {  	[tilespmem:s0+$0x14000] =	vst v0;
	s1 =	sshll.u32 s28, $0x8  }
0x264: {  	[tilespmem:s0+$0x15000] =	vst v0;
	s28 =	sor.u32 s1, s30  }
0x265: {  	v5 =	vmov s28;
	s0 =	simm.s32 $0x0  }
.LBB2_51:
0x266: {  	s1 =	sshra.s32 s0, $0x2  }
0x267: {  	v6 =	vld [tilespmem:s1+$0x0];
	_ =	sdelay $0x4  }
0x268: {  	v7 =	vshra.s32 v6, $0x1F  }
0x269: {  	v7 =	vshrl.u32 v7, $0x1  }
0x26a: {  	v6 =	vxor.u32 v6, v7  }
0x26b: {  	v7 =	vshll.u32 v6, $0x4  }
0x26c: {  	v7 =	vor.u32 v1, v7  }
0x26d: {  	v7 =	vand.u32 $0xFFF, v7;
	_ =	sdelay $0x3  }
0x26e: {  	v6 =	vshra.s32 v6, $0x8  }
0x26f: {  	vm0 =	veq.s32 v6, v5;
	v6 =	vld.idx.msk [tilespmem:v7+s14+$0x0], $0xffff;
	_ =	sdelay $0x4  }
0x270: {  	v6 =	vadd.s32 $0x1, v6  }
0x271: {  	[tilespmem:v7+s14+$0x0] =	vst.idx.msk vm0, v6  }
0x272: {  	v6 =	vld [tilespmem:s1+$0x10];
	_ =	sdelay $0x4  }
0x273: {  	v7 =	vshra.s32 v6, $0x1F  }
0x274: {  	v7 =	vshrl.u32 v7, $0x1  }
0x275: {  	v6 =	vxor.u32 v6, v7  }
0x276: {  	v7 =	vshll.u32 v6, $0x4  }
0x277: {  	v7 =	vor.u32 v1, v7  }
0x278: {  	v7 =	vand.u32 $0xFFF, v7;
	_ =	sdelay $0x3  }
0x279: {  	v6 =	vshra.s32 v6, $0x8  }
0x27a: {  	vm13 =	veq.s32 v6, v5;
	v6 =	vld.idx.msk [tilespmem:v7+s15+$0x0], $0xffff;
	_ =	sdelay $0x4  }
0x27b: {  	v6 =	vadd.s32 $0x1, v6  }
0x27c: {  	[tilespmem:v7+s15+$0x0] =	vst.idx.msk vm13, v6  }
0x27d: {  	v6 =	vld [tilespmem:s1+$0x20];
	_ =	sdelay $0x4  }
0x27e: {  	v7 =	vshra.s32 v6, $0x1F  }
0x27f: {  	v7 =	vshrl.u32 v7, $0x1  }
0x280: {  	v6 =	vxor.u32 v6, v7  }
0x281: {  	v7 =	vshll.u32 v6, $0x4  }
0x282: {  	v7 =	vor.u32 v1, v7  }
0x283: {  	v7 =	vand.u32 $0xFFF, v7;
	_ =	sdelay $0x3  }
0x284: {  	v6 =	vshra.s32 v6, $0x8  }
0x285: {  	vm14 =	veq.s32 v6, v5;
	v6 =	vld.idx.msk [tilespmem:v7+s16+$0x0], $0xffff;
	_ =	sdelay $0x4  }
0x286: {  	v6 =	vadd.s32 $0x1, v6  }
0x287: {  	[tilespmem:v7+s16+$0x0] =	vst.idx.msk vm14, v6  }
0x288: {  	v6 =	vld [tilespmem:s1+$0x30];
	_ =	sdelay $0x4  }
0x289: {  	v7 =	vshra.s32 v6, $0x1F  }
0x28a: {  	v7 =	vshrl.u32 v7, $0x1  }
0x28b: {  	v6 =	vxor.u32 v6, v7  }
0x28c: {  	v7 =	vshll.u32 v6, $0x4  }
0x28d: {  	v7 =	vor.u32 v1, v7  }
0x28e: {  	v7 =	vand.u32 $0xFFF, v7;
	_ =	sdelay $0x3  }
0x28f: {  	v6 =	vshra.s32 v6, $0x8  }
0x290: {  	vm15 =	veq.s32 v6, v5;
	v6 =	vld.idx.msk [tilespmem:v7+s17+$0x0], $0xffff  }
0x291: {  	p1 =	sne.s32 s0, $0x4FF00  }
.Ltmp28:
0x292: {  	_ = 	snop;
	(pc) =	sbr.rel @p1 .LBB2_51-.Ltmp28, $3  }
0x293: {  	_ =	sdelay $0x1  }
0x294: {  	v6 =	vadd.s32 $0x1, v6  }
0x295: {  	s0 =	sadd.s32 $0x100, s0;
	[tilespmem:v7+s17+$0x0] =	vst.idx.msk vm15, v6  }
.Ltmp29:
0x296: {  	_ = 	snop;
	(pc) =	sbr.rel .LBB2_52-.Ltmp29, $1  }
0x297: {  	_ =	sdelay $0x3  }
.LBB2_43:
0x298: {  	s0 =	sadd.s32 $0xF, s25  }
0x299: {  	s1 =	sshrl.u32 s0, $0x4  }
0x29a: {  	p1 =	seq.s32 s1, $0x0  }
.Ltmp30:
0x29b: {  	_ = 	snop;
	(pc) =	sbr.rel @p1 .LBB2_52-.Ltmp30, $1  }
0x29c: {  	_ =	sdelay $0x3  }
0x29d: {  	p2 =	seq.s32 s1, $0x1  }
.Ltmp31:
0x29e: {  	_ = 	snop;
	(pc) =	sbr.rel @p2 .LBB2_45-.Ltmp31, $3  }
0x29f: {  	_ =	sdelay $0x1  }
0x2a0: {  	s3 =	simm.s32 $0x18000  }
0x2a1: {  	v5 =	vmov s25;
	v6 =	vmov s28;
	s0 =	simm.s32 $0x0;
	s1 =	sadd.s32 $0xFFFFFFFF, s1;
	p1 =	por $0x0, $0x0;
	v7 =	vld [tilespmem:s3+$0x0]  }
0x2a2: {  	_ =	sdelay $0x3  }
0x2a3: {  	v8 =	vshll.u32 v7, $0x4  }
0x2a4: {  	v8 =	vor.u32 v1, v8  }
0x2a5: {  	v8 =	vand.u32 $0xFFF, v8;
	_ =	sdelay $0x2  }
0x2a6: {  	v9 =	vor.u32 s0, v1;
	v7 =	vshra.s32 v7, $0x8  }
0x2a7: {  	vm0 =	vlt.s32 v9, v5;
	vm1 =	veq.s32 v7, v6  }
0x2a8: {  	vm0 =	vmand vm0, vm1;
	v7 =	vld.idx.msk [tilespmem:v8+s14+$0x0], $0xffff;
	_ =	sdelay $0x1  }
0x2a9: {  	p2 =	seq.s32 s1, $0x1  }
.Ltmp32:
0x2aa: {  	_ = 	snop;
	(pc) =	sbr.rel @p2 .LBB2_47-.Ltmp32, $4  }
0x2ab: {  	_ = 	snop  }
0x2ac: {  	v7 =	vadd.s32 $0x1, v7  }
0x2ad: {  	s3 =	simm.s32 $0x18010;
	[tilespmem:v8+s14+$0x0] =	vst.idx.msk vm0, v7  }
0x2ae: {  	s4 =	sadd.s32 $0xFFFFFFFF, s1;
	p1 =	por $0x1, $0x1;
	s1 =	simm.s32 $0x0;
	v7 =	vld [tilespmem:s3+$0x0]  }
.LBB2_48:
0x2af: {  	p2 =	seq.s32 s4, $0x1;
	_ =	sdelay $0x3  }
0x2b0: {  	v8 =	vshll.u32 v7, $0x4  }
0x2b1: {  	v8 =	vor.u32 v1, v8  }
0x2b2: {  	v8 =	vand.u32 $0xFFF, v8;
	_ =	sdelay $0x2  }
0x2b3: {  	s1 =	sadd.s32 $0x10, s1  }
0x2b4: {  	v9 =	vor.u32 s1, v1;
	v7 =	vshra.s32 v7, $0x8  }
0x2b5: {  	vm0 =	vlt.s32 v9, v5;
	vm1 =	veq.s32 v7, v6;
	v7 =	vld.idx.msk [tilespmem:v8+s14+$0x0], $0xffff  }
0x2b6: {  	vm0 =	vmand vm0, vm1;
	_ =	sdelay $0x2  }
.Ltmp33:
0x2b7: {  	(pc) =	sbr.rel @!p2 .LBB2_48-.Ltmp33, $4  }
0x2b8: {  	_ = 	snop  }
0x2b9: {  	v7 =	vadd.s32 $0x1, v7  }
0x2ba: {  	s3 =	sadd.s32 $0x10, s3;
	[tilespmem:v8+s14+$0x0] =	vst.idx.msk vm0, v7  }
0x2bb: {  	s4 =	sadd.s32 $0xFFFFFFFF, s4;
	v7 =	vld [tilespmem:s3+$0x0]  }
.LBB2_49:
0x2bc: {  	_ =	sdelay $0x3  }
0x2bd: {  	v8 =	vshll.u32 v7, $0x4  }
0x2be: {  	v8 =	vor.u32 v1, v8  }
0x2bf: {  	v8 =	vand.u32 $0xFFF, v8  }
0x2c0: {  	s1 =	sadd.s32 @p1 $0x10, s1  }
0x2c1: {  	s0 =	smov.u32 @p1 s1  }
0x2c2: {  	v9 =	vor.u32 s0, v1;
	v7 =	vshra.s32 v7, $0x8  }
0x2c3: {  	vm0 =	vlt.s32 v9, v5;
	vm1 =	veq.s32 v7, v6  }
0x2c4: {  	vm0 =	vmand vm0, vm1;
	v5 =	vld.idx.msk [tilespmem:v8+s14+$0x0], $0xffff;
	_ =	sdelay $0x4  }
0x2c5: {  	v5 =	vadd.s32 $0x1, v5  }
0x2c6: {  	[tilespmem:v8+s14+$0x0] =	vst.idx.msk vm0, v5  }
.LBB2_52:
0x2c7: {  	s0 =	simm.s32 $0x14FF0  }
0x2c8: {  	s1 =	simm.s32 $0x15FF0;
	v5 =	vld [tilespmem:s0+$0x0]  }
0x2c9: {  	s13 =	simm.s32 $0x16FF0;
	v6 =	vld [tilespmem:s1+$0x0]  }
0x2ca: {  	s21 =	simm.s32 $0x17FF0;
	v7 =	vld [tilespmem:s13+$0x0]  }
0x2cb: {  	v8 =	vld [tilespmem:s21+$0x0];
	_ =	sdelay $0x2  }
0x2cc: {  	v5 =	vadd.s32 v5, v6  }
0x2cd: {  	v5 =	vadd.s32 v7, v5  }
0x2ce: {  	v5 =	vadd.s32 v8, v5  }
0x2cf: {  	(xrf0) =	vadd.scan.msk.s32 $0xffff, v5;
	_ =	sdelay $0x2  }
0x2d0: {  	s4 =	simm.s32 $0x17FE0  }
0x2d1: {  	s6 =	simm.s32 $0x15FD0;
	v9 =	vld [tilespmem:s4+$0x0]  }
0x2d2: {  	s23 =	simm.s32 $0x15FE0;
	v10 =	vld [tilespmem:s6+$0x0]  }
0x2d3: {  	s22 =	simm.s32 $0x14FE0;
	v6 =	vld [tilespmem:s23+$0x0];
	v8, _, _ =	vpop (xrf0)  }
0x2d4: {  	s3 =	simm.s32 $0x16FE0;
	v5 =	vld [tilespmem:s22+$0x0];
	(v2sf) =	vpush v8, $0xF  }
0x2d5: {  	s5 =	simm.s32 $0x14FD0;
	v7 =	vld [tilespmem:s3+$0x0]  }
0x2d6: {  	s7 =	simm.s32 $0x16FD0;
	v8 =	vld [tilespmem:s5+$0x0]  }
0x2d7: {  	s8 =	simm.s32 $0x17FD0;
	v11 =	vld [tilespmem:s7+$0x0]  }
0x2d8: {  	v12 =	vld [tilespmem:s8+$0x0]  }
0x2d9: {  	v5 =	vadd.s32 v5, v6  }
0x2da: {  	v5 =	vadd.s32 v7, v5  }
0x2db: {  	s13 =	simm.s32 $0x14FC0;
	v5 =	vadd.s32 v9, v5;
	v6 =	vadd.s32 v8, v10  }
0x2dc: {  	s21 =	simm.s32 $0x15FC0;
	v7 =	vld [tilespmem:s13+$0x0];
	(xrf0) =	vadd.scan.msk.s32 $0xffff, v5;
	v6 =	vadd.s32 v11, v6  }
0x2dd: {  	v5 =	vadd.s32 v12, v6;
	v6 =	vld [tilespmem:s21+$0x0]  }
0x2de: {  	(xrf0) =	vadd.scan.msk.s32 $0xffff, v5;
	_ =	sdelay $0x3  }
0x2df: {  	v6 =	vadd.s32 v7, v6;
	v7, _, _ =	vpop (xrf0)  }
0x2e0: {  	s7 =	spop (v2sf);
	(v2sf) =	vpush v7, $0xF  }
0x2e1: {  	s22 =	simm.s32 $0x16FC0;
	v7, _, _ =	vpop (xrf0)  }
0x2e2: {  	s23 =	simm.s32 $0x17FC0;
	v5 =	vld [tilespmem:s22+$0x0];
	(v2sf) =	vpush v7, $0xF  }
0x2e3: {  	v8 =	vld [tilespmem:s23+$0x0]  }
0x2e4: {  	s26 =	sadd.s32 s26, s29;
	s30 =	simm.s32 $0x0  }
0x2e5: {  	p1 =	por $0x0, $0x0;
	s31 =	simm.s32 $0xFB;
	s29 =	simm.s32 $0x0  }
0x2e6: {  	s1 =	simm.s32 $0xFD;
	s0 =	simm.s32 $0xFC;
	s4 =	simm.s32 $0x15FB0  }
0x2e7: {  	s6 =	simm.s32 $0x17FB0;
	s3 =	simm.s32 $0x14FB0;
	s13 =	simm.s32 $0xFE;
	v6 =	vadd.s32 v5, v6  }
0x2e8: {  	s5 =	simm.s32 $0x16FB0;
	s23 =	simm.s32 $0x0;
	v5 =	vld [tilespmem:s3+$0x0];
	v8 =	vadd.s32 v8, v6;
	s21 =	sadd.s32 $0x0, s7  }
0x2e9: {  	s22 =	simm.s32 $0xFF;
	v6 =	vld [tilespmem:s4+$0x0];
	(xrf0) =	vadd.scan.msk.s32 $0xffff, v8;
	s7 =	simm.s32 $0xFA;
	s8 =	sadd.s32 s26, s21  }
.LBB2_53:
0x2ea: {  	p2 =	sne.s32 s7, $0x0;
	v7 =	vld [tilespmem:s5+$0x0];
	p4 =	por !p1, !p1;
	p3 =	sgt.s32 s8, $0x12B  }
0x2eb: {  	s8 =	smov.u32 s1;
	s1 =	smov.u32 s0;
	v8 =	vld [tilespmem:s6+$0x0];
	p4 =	por !p3, !p4  }
0x2ec: {  	s0 =	smov.u32 s31;
	s31 =	smov.u32 s7;
	p4 =	por !p4, !p4  }
.Ltmp34:
0x2ed: {  	s30 =	smov.u32 @p4 s22;
	s29 =	smov.u32 @p4 s23;
	(pc) =	sbr.rel @p2 .LBB2_53-.Ltmp34, $4  }
0x2ee: {  	s23 =	smov.u32 s21;
	s22 =	smov.u32 s13;
	s13 =	smov.u32 s8;
	v5 =	vadd.s32 v5, v6  }
0x2ef: {  	s3 =	sadd.s32 $0xFFFFFFF0, s3;
	s4 =	sadd.s32 $0xFFFFFFF0, s4;
	v6 =	vadd.s32 v7, v5;
	v7, _, _ =	vpop (xrf0);
	s8 =	spop (v2sf)  }
0x2f0: {  	s5 =	sadd.s32 $0xFFFFFFF0, s5;
	s6 =	sadd.s32 $0xFFFFFFF0, s6;
	v5 =	vld [tilespmem:s3+$0x0];
	v8 =	vadd.s32 v8, v6;
	(v2sf) =	vpush v7, $0xF;
	s21 =	sadd.s32 s21, s8  }
0x2f1: {  	s7 =	sadd.s32 $0xFFFFFFFF, s7;
	p1 =	por p1, p3;
	v6 =	vld [tilespmem:s4+$0x0];
	(xrf0) =	vadd.scan.msk.s32 $0xffff, v8;
	s8 =	sadd.s32 s26, s21  }
0x2f2: {  	v7 =	vld [tilespmem:s5+$0x0]  }
0x2f3: {  	v8 =	vld [tilespmem:s6+$0x0];
	_ =	sdelay $0x2  }
0x2f4: {  	v5 =	vadd.s32 v5, v6  }
0x2f5: {  	v5 =	vadd.s32 v7, v5  }
0x2f6: {  	v5 =	vadd.s32 v8, v5  }
0x2f7: {  	(xrf0) =	vadd.scan.msk.s32 $0xffff, v5;
	_ =	sdelay $0x3  }
0x2f8: {  	v5, _, _ =	vpop (xrf0)  }
0x2f9: {  	(v2sf) =	vpush v5, $0xF  }
0x2fa: {  	v5, _, _ =	vpop (xrf0)  }
0x2fb: {  	(v2sf) =	vpush v5, $0xF;
	_ =	sdelay $0x5  }
0x2fc: {  	p2 =	por !p1, !p1;
	p3 =	sgt.s32 s8, $0x12B;
	s3 =	spop (v2sf)  }
0x2fd: {  	[tilespmem:$0x1A100] =	vst v3;
	p2 =	por !p3, !p2;
	s3 =	sadd.s32 s21, s3;
	p6 =	por p1, p3  }
0x2fe: {  	[tilespmem:$0x1A110] =	vst v3;
	p2 =	por !p2, !p2;
	s7 =	sadd.s32 s26, s3;
	p3 =	por !p6, !p6  }
0x2ff: {  	[tilespmem:$0x1A120] =	vst v3;
	s30 =	smov.u32 @p2 s22;
	p4 =	sgt.s32 s7, $0x12B;
	s4 =	spop (v2sf)  }
0x300: {  	[tilespmem:$0x1A130] =	vst v3;
	s29 =	smov.u32 @p2 s23;
	p2 =	por !p4, !p3;
	s4 =	sadd.s32 s3, s4  }
0x301: {  	[tilespmem:$0x1A140] =	vst v3;
	p1 =	por p6, p4;
	p2 =	por !p2, !p2;
	s8 =	sadd.s32 s26, s4  }
0x302: {  	[tilespmem:$0x1A150] =	vst v3;
	p3 =	por !p1, !p1;
	s30 =	smov.u32 @p2 s13;
	p4 =	sgt.s32 s8, $0x12B  }
0x303: {  	[tilespmem:$0x1A160] =	vst v3;
	s29 =	smov.u32 @p2 s21;
	p3 =	por !p4, !p3;
	s13 =	spop (v2sf)  }
0x304: {  	[tilespmem:$0x1A170] =	vst v3;
	p1 =	por p1, p4;
	p2 =	por !p3, !p3;
	s5 =	sadd.s32 s4, s13  }
0x305: {  	[tilespmem:$0x1A180] =	vst v3;
	p5 =	por !p1, !p1;
	s22 =	sadd.s32 s26, s5;
	s23 =	spop (v2sf)  }
0x306: {  	[tilespmem:$0x1A190] =	vst v3;
	s30 =	smov.u32 @p2 s1;
	p6 =	sgt.s32 s22, $0x12B;
	s1 =	sadd.s32 s5, s23  }
0x307: {  	[tilespmem:$0x1A1A0] =	vst v3;
	p5 =	por !p6, !p5;
	s1 =	sadd.s32 s26, s1  }
0x308: {  	[tilespmem:$0x1A1B0] =	vst v3;
	p1 =	por p1, p6;
	p6 =	sgt.s32 s1, $0x12B;
	s1 =	sadd.s32 @!p0 $0xF, s25  }
0x309: {  	[tilespmem:$0x1A1C0] =	vst v3;
	s29 =	smov.u32 @p2 s3;
	p2 =	por !p5, !p5;
	s3 =	sshrl.u32 @!p0 s1, $0x4  }
0x30a: {  	[tilespmem:$0x1A1D0] =	vst v3;
	s30 =	smov.u32 @p2 s0;
	s29 =	smov.u32 @p2 s4;
	p2 =	seq.s32 @!p0 s3, $0x0  }
0x30b: {  	[tilespmem:$0x1A1E0] =	vst v3;
	p0 =	por p0, p2  }
.Ltmp35:
0x30c: {  	[tilespmem:$0x1A1F0] =	vst v3;
	p1 =	por !p1, !p1;
	(pc) =	sbr.rel @p0 .LBB2_58-.Ltmp35, $4  }
0x30d: {  	[tilespmem:$0x1A200] =	vst v3;
	p1 =	por !p6, !p1  }
0x30e: {  	[tilespmem:$0x1A210] =	vst v3;
	p1 =	por !p1, !p1  }
0x30f: {  	[tilespmem:$0x1A220] =	vst v3;
	s30 =	smov.u32 @p1 s31;
	s31 =	sshll.u32 s28, $0x8  }
0x310: {  	[tilespmem:$0x1A230] =	vst v3;
	s29 =	smov.u32 @p1 s5;
	s0 =	sor.u32 s31, s30  }
0x311: {  	s1 =	simm.s32 $0x18000  }
0x312: {  	v8 =	vld [tilespmem:s1+$0x0];
	_ =	sdelay $0x2  }
0x313: {  	s13 =	simm.s32 $0x0  }
0x314: {  	v5 =	vmov s25;
	v6 =	vmov s0;
	v7 =	vor.u32 s13, v1  }
0x315: {  	vm0 =	vlt.s32 v7, v5;
	vm1 =	vgt.s32 v8, v6  }
0x316: {  	vm2 =	veq.s32 v8, v6;
	vm1 =	vmand vm0, vm1  }
0x317: {  	vm0 =	vmand vm0, vm2;
	v7 =	vmpcnt.ones.xlane vm1  }
0x318: {  	v9 =	vmpcnt.ones.xlane vm0  }
0x319: {  	(v2sf) =	vpush v7, $0x0  }
0x31a: {  	(v2sf) =	vpush v9, $0x0;
	_ =	sdelay $0xa  }
0x31b: {  	s21 =	simm.s32 $0x19080;
	s22 =	sadd.s32 $0xFFFFFFFF, s3  }
0x31c: {  	p4 =	sne.s32 s22, $0x0;
	v7 =	vld [tilespmem:s21+$0x0]  }
.Ltmp36:
0x31d: {  	_ = 	snop;
	(pc) =	sbr.rel @!p4 .LBB2_57-.Ltmp36, $4  }
0x31e: {  	p0 =	por $0x0, $0x0;
	s4 =	spop (v2sf)  }
0x31f: {  	p1 =	por $0x1, $0x1;
	s3 =	spop (v2sf);
	p2 =	slt.s32 s4, $0x1  }
0x320: {  	s30 =	simm.s32 $0x10;
	p3 =	slt.s32 @!p0 s3, $0x1;
	[tilespmem:s13+$0x1A100] =	vst.msk @!p2 vm1, v8;
	s3 =	simm.s32 @!p1 $0x0  }
0x321: {  	s28 =	sadd.s32 $0x0, s4;
	[tilespmem:s13+$0x1A280] =	vst.msk @!p2 vm1, v7;
	p1 =	por p3, p0;
	s23 =	sadd.s32 $0x0, s3  }
.LBB2_56:
0x322: {  	s22 =	sadd.s32 $0xFFFFFFFF, s22;
	[tilespmem:s13+$0x1A400] =	vst.msk @!p1 vm0, v7;
	s1 =	sadd.s32 $0x10, s1;
	s21 =	sadd.s32 $0x10, s21  }
0x323: {  	s3 =	smov.u32 s28;
	s13 =	smov.u32 s23;
	v8 =	vld [tilespmem:s1+$0x0];
	p0 =	sne.s32 s22, $0x0  }
0x324: {  	_ =	sdelay $0x2  }
0x325: {  	v7 =	vor.u32 s30, v1  }
0x326: {  	vm0 =	vlt.s32 v7, v5;
	vm1 =	vgt.s32 v8, v6;
	vm2 =	veq.s32 v8, v6  }
0x327: {  	vm1 =	vmand vm0, vm1  }
0x328: {  	vm0 =	vmand vm0, vm2;
	v7 =	vmpcnt.ones.xlane vm1  }
0x329: {  	v9 =	vmpcnt.ones.xlane vm0  }
0x32a: {  	(v2sf) =	vpush v7, $0x0  }
0x32b: {  	(v2sf) =	vpush v9, $0x0;
	_ =	sdelay $0xb  }
0x32c: {  	v7 =	vld [tilespmem:s21+$0x0]  }
.Ltmp37:
0x32d: {  	(pc) =	sbr.rel @p0 .LBB2_56-.Ltmp37, $4  }
0x32e: {  	p1 =	sgt.s32 s23, $0x12B;
	p2 =	slt.s32 s23, $0x12C;
	s4 =	spop (v2sf)  }
0x32f: {  	p3 =	slt.s32 s4, $0x1;
	s28 =	sadd.s32 s28, s4;
	s4 =	spop (v2sf)  }
0x330: {  	[tilespmem:s3+$0x1A100] =	vst.msk @!p3 vm1, v8;
	p4 =	slt.s32 @!p1 s4, $0x1;
	s4 =	simm.s32 @!p2 $0x0  }
0x331: {  	s30 =	sadd.s32 $0x10, s30;
	[tilespmem:s3+$0x1A280] =	vst.msk @!p3 vm1, v7;
	p1 =	por p4, p1;
	s23 =	sadd.s32 s23, s4  }
.LBB2_57:
0x332: {  	[tilespmem:s13+$0x1A400] =	vst.msk @!p1 vm0, v7  }
.LBB2_58:
0x333: {  	p0 =	slt.s32 s25, $0x1001  }
.Ltmp38:
0x334: {  	_ = 	snop;
	(pc) =	sbr.rel @p0 .LBB2_62-.Ltmp38, $2  }
0x335: {  	_ =	sdelay $0x2  }
0x336: {  	v5 =	vmov s0;
	s0 =	simm.s32 $0x0  }
0x337: {  	v6 =	vld [tilespmem:s0+$0x0];
	_ =	sdelay $0x4  }
0x338: {  	v7 =	vshra.s32 v6, $0x1F  }
0x339: {  	v7 =	vshrl.u32 v7, $0x1  }
0x33a: {  	v7 =	vxor.u32 v6, v7  }
0x33b: {  	vm0 =	vgt.s32 v7, v5  }
0x33c: {  	vm1 =	veq.s32 v7, v5;
	v6 =	vmpcnt.ones.xlane vm0  }
0x33d: {  	v8 =	vmpcnt.ones.xlane vm1  }
0x33e: {  	(v2sf) =	vpush v6, $0x0  }
0x33f: {  	(v2sf) =	vpush v8, $0x0;
	_ =	sdelay $0xd  }
0x340: {  	s3 =	spop (v2sf)  }
0x341: {  	p0 =	por $0x0, $0x0;
	p2 =	slt.s32 s3, $0x1;
	s4 =	spop (v2sf)  }
0x342: {  	p1 =	por $0x1, $0x1;
	vm0 =	vgt.s32 @!p2 v7, v5;
	p3 =	slt.s32 @!p0 s4, $0x1  }
0x343: {  	s1 =	simm.s32 $0x10;
	v6 =	vor.u32 s0, v1;
	s4 =	simm.s32 @!p1 $0x0;
	[tilespmem:s0+$0x1A100] =	vst.msk @!p2 vm0, v7;
	p1 =	por p3, p0  }
0x344: {  	s22 =	simm.s32 $0x0;
	s13 =	sadd.s32 $0x0, s3;
	s21 =	sadd.s32 $0x0, s4;
	[tilespmem:s0+$0x1A280] =	vst.msk @!p2 vm0, v6;
	vm0 =	veq.s32 @!p1 v7, v5  }
.LBB2_60:
0x345: {  	[tilespmem:s0+$0x1A400] =	vst.msk @!p1 vm0, v6;
	s22 =	sadd.s32 $0x10, s22;
	s3 =	smov.u32 s1;
	s1 =	sadd.s32 $0x10, s1  }
0x346: {  	s4 =	smov.u32 s13;
	s0 =	smov.u32 s21;
	v6 =	vld [tilespmem:s22+$0x0];
	p0 =	sne.s32 s1, $0x14000  }
0x347: {  	_ =	sdelay $0x3  }
0x348: {  	v7 =	vshra.s32 v6, $0x1F  }
0x349: {  	v7 =	vshrl.u32 v7, $0x1  }
0x34a: {  	v7 =	vxor.u32 v6, v7  }
0x34b: {  	vm0 =	vgt.s32 v7, v5;
	vm1 =	veq.s32 v7, v5  }
0x34c: {  	v6 =	vmpcnt.ones.xlane vm0;
	v8 =	vmpcnt.ones.xlane vm1;
	_ =	sdelay $0x1  }
0x34d: {  	(v2sf) =	vpush v6, $0x0  }
0x34e: {  	(v2sf) =	vpush v8, $0x0;
	_ =	sdelay $0xc  }
0x34f: {  	p1 =	slt.s32 s21, $0x12C  }
.Ltmp39:
0x350: {  	p2 =	sgt.s32 s21, $0x12B;
	s5 =	spop (v2sf);
	(pc) =	sbr.rel @p0 .LBB2_60-.Ltmp39, $4  }
0x351: {  	p3 =	slt.s32 s5, $0x1;
	s13 =	sadd.s32 s13, s5;
	s5 =	spop (v2sf)  }
0x352: {  	vm0 =	vgt.s32 @!p3 v7, v5;
	p4 =	slt.s32 @!p2 s5, $0x1;
	s5 =	simm.s32 @!p1 $0x0  }
0x353: {  	v6 =	vor.u32 s3, v1;
	[tilespmem:s4+$0x1A100] =	vst.msk @!p3 vm0, v7;
	p1 =	por p4, p2;
	s21 =	sadd.s32 s21, s5  }
0x354: {  	[tilespmem:s4+$0x1A280] =	vst.msk @!p3 vm0, v6;
	vm0 =	veq.s32 @!p1 v7, v5  }
0x355: {  	[tilespmem:s0+$0x1A400] =	vst.msk @!p1 vm0, v6  }
.LBB2_62:
.Ltmp40:
0x356: {  	s25 =	sadd.s32 s26, s29;
	(pc) =	sbr.rel .LBB2_63-.Ltmp40, $4  }
0x357: {  	s0 =	sshll.u32 s25, $0x2  }
0x358: {  	s0 =	ssub.s32 $0x0, s0  }
0x359: {  	[tilespmem:$0x1B6A0] =	vst v0;
	s0 =	sshra.s32 s0, $0x2  }
0x35a: {  	[tilespmem:$0x1B520] =	vst v0;
	s28 =	simm.s32 $0x0;
	s26 =	sadd.s32 $0x1A400, s0  }
.LBB2_65:
0x35b: {  	v6 =	vmov s28;
	_ =	sdelay $0x4  }
0x35c: {  	[tilespmem:v6+s18+$0x0] =	vst.idx.msk $0x1, v5  }
0x35d: {  	v7 =	vld.msk [tilespmem:s26+$0x0 ss:$0x0], $0xffff;
	_ =	sdelay $0x4  }
0x35e: {  	[tilespmem:v6+s19+$0x0] =	vst.idx.msk $0x1, v7  }
.LBB2_66:
0x35f: {  	s28 =	sadd.s32 $0x1, s28  }
0x360: {  	p0 =	sne.s32 s28, $0x12C  }
.Ltmp41:
0x361: {  	_ = 	snop;
	(pc) =	sbr.rel @!p0 .LBB2_67-.Ltmp41, $2  }
0x362: {  	_ =	sdelay $0x2  }
0x363: {  	s26 =	sadd.s32 $0x1, s26  }
.LBB2_63:
0x364: {  	p0 =	sge.s32 s28, s25  }
.Ltmp42:
0x365: {  	_ = 	snop;
	(pc) =	sbr.rel @p0 .LBB2_65-.Ltmp42, $1  }
0x366: {  	_ =	sdelay $0x3  }
0x367: {  	v24 =	vld [tilespmem:$0x1A100]  }
0x368: {  	v25 =	vld [tilespmem:$0x1A110];
	_ =	sdelay $0x1  }
0x369: {  	v23 =	vld [tilespmem:$0x1A120];
	_ =	sdelay $0x1  }
0x36a: {  	v21 =	vld [tilespmem:$0x1A130]  }
0x36b: {  	vm0 =	vgt.s32 v24, v25  }
0x36c: {  	v22 =	vld [tilespmem:$0x1A140];
	v6 =	vsel vm0, v24, v25  }
0x36d: {  	vm0 =	vgt.s32 v6, v23  }
0x36e: {  	v20 =	vld [tilespmem:$0x1A150];
	v6 =	vsel vm0, v6, v23  }
0x36f: {  	vm0 =	vgt.s32 v6, v21  }
0x370: {  	v18 =	vld [tilespmem:$0x1A160];
	v6 =	vsel vm0, v6, v21  }
0x371: {  	vm0 =	vgt.s32 v6, v22  }
0x372: {  	v19 =	vld [tilespmem:$0x1A170];
	v6 =	vsel vm0, v6, v22  }
0x373: {  	vm0 =	vgt.s32 v6, v20  }
0x374: {  	v17 =	vld [tilespmem:$0x1A180];
	v6 =	vsel vm0, v6, v20  }
0x375: {  	vm0 =	vgt.s32 v6, v18  }
0x376: {  	v15 =	vld [tilespmem:$0x1A190];
	v6 =	vsel vm0, v6, v18  }
0x377: {  	vm0 =	vgt.s32 v6, v19  }
0x378: {  	v16 =	vld [tilespmem:$0x1A1A0];
	v6 =	vsel vm0, v6, v19  }
0x379: {  	vm0 =	vgt.s32 v6, v17  }
0x37a: {  	v14 =	vld [tilespmem:$0x1A1B0];
	v6 =	vsel vm0, v6, v17  }
0x37b: {  	vm0 =	vgt.s32 v6, v15  }
0x37c: {  	v12 =	vld [tilespmem:$0x1A1C0];
	v6 =	vsel vm0, v6, v15  }
0x37d: {  	vm0 =	vgt.s32 v6, v16  }
0x37e: {  	v13 =	vld [tilespmem:$0x1A1D0];
	v6 =	vsel vm0, v6, v16  }
0x37f: {  	vm0 =	vgt.s32 v6, v14  }
0x380: {  	v10 =	vld [tilespmem:$0x1A1E0];
	v6 =	vsel vm0, v6, v14  }
0x381: {  	vm0 =	vgt.s32 v6, v12  }
0x382: {  	v9 =	vld [tilespmem:$0x1A1F0];
	v6 =	vsel vm0, v6, v12  }
0x383: {  	vm0 =	vgt.s32 v6, v13  }
0x384: {  	v11 =	vld [tilespmem:$0x1A200];
	v6 =	vsel vm0, v6, v13  }
0x385: {  	vm0 =	vgt.s32 v6, v10  }
0x386: {  	v8 =	vld [tilespmem:$0x1A210];
	v6 =	vsel vm0, v6, v10  }
0x387: {  	vm0 =	vgt.s32 v6, v9  }
0x388: {  	v7 =	vsel vm0, v6, v9;
	v6 =	vld [tilespmem:$0x1A220]  }
0x389: {  	vm0 =	vgt.s32 v7, v11  }
0x38a: {  	v26 =	vsel vm0, v7, v11;
	v7 =	vld [tilespmem:$0x1A230]  }
0x38b: {  	vm0 =	vgt.s32 v26, v8  }
0x38c: {  	v26 =	vsel vm0, v26, v8  }
0x38d: {  	vm0 =	vgt.s32 v26, v6  }
0x38e: {  	v26 =	vsel vm0, v26, v6  }
0x38f: {  	vm0 =	vgt.s32 v26, v7  }
0x390: {  	v26 =	vsel vm0, v26, v7  }
0x391: {  	v26 =	vxor.u32 $0x80000000, v26  }
0x392: {  	(xrf0) =	vmax.scan.msk.u32 $0xffff, v26;
	_ =	sdelay $0x5  }
0x393: {  	v26, _, _ =	vpop (xrf0)  }
0x394: {  	(v2sf) =	vpush v26, $0xF;
	_ =	sdelay $0xc  }
0x395: {  	v42 =	vld [tilespmem:$0x1A290]  }
0x396: {  	v27 =	vld [tilespmem:$0x1A280]  }
0x397: {  	s0 =	spop (v2sf)  }
0x398: {  	s29 =	sxor.u32 $0x80000000, s0  }
0x399: {  	v43 =	vld [tilespmem:$0x1A2A0];
	vm13 =	veq.s32 v25, s29  }
0x39a: {  	v26 =	vnsel vm13, $0x7FFFFFFF, v42  }
0x39b: {  	vm0 =	vlt.s32 v27, v26  }
0x39c: {  	v30 =	vld [tilespmem:$0x1A2B0];
	vm10 =	veq.s32 v24, s29;
	v29 =	vsel vm0, v27, v26  }
0x39d: {  	v28 =	vimm.s32 $0x0;
	v26 =	vsel vm10, v29, v26  }
0x39e: {  	v28 =	vsel vm13, $0xFFFFFFFF, v28;
	vm14 =	vlt.s32 v26, v43  }
0x39f: {  	v44 =	vld [tilespmem:$0x1A2C0];
	vm6 =	veq.s32 v23, s29;
	[tilespmem:$0x1FFA0] =	vst v28;
	v28 =	vsel vm14, v26, v43  }
0x3a0: {  	v26 =	vsel vm6, v28, v26  }
0x3a1: {  	vm15 =	vlt.s32 v26, v30  }
0x3a2: {  	v47 =	vld [tilespmem:$0x1A2D0];
	vm1 =	veq.s32 v21, s29;
	v46 =	vsel vm15, v26, v30  }
0x3a3: {  	v45 =	vimm.s32 $0x0;
	v26 =	vsel vm1, v46, v26  }
0x3a4: {  	v28 =	vsel vm1, $0xFFFFFFFF, v45;
	vm4 =	vlt.s32 v26, v44  }
0x3a5: {  	v48 =	vld [tilespmem:$0x1A2E0];
	vm12 =	veq.s32 v22, s29;
	[tilespmem:$0x1FFB0] =	vst v28;
	v28 =	vsel vm4, v26, v44  }
0x3a6: {  	v26 =	vsel vm12, v28, v26  }
0x3a7: {  	vm5 =	vlt.s32 v26, v47  }
0x3a8: {  	v51 =	vld [tilespmem:$0x1A2F0];
	vm7 =	veq.s32 v20, s29;
	v50 =	vsel vm5, v26, v47  }
0x3a9: {  	v26 =	vsel vm7, v50, v26  }
0x3aa: {  	vm8 =	vlt.s32 v26, v48  }
0x3ab: {  	v49 =	vimm.s32 $0x0;
	v54 =	vld [tilespmem:$0x1A300];
	vm9 =	veq.s32 v18, s29;
	v53 =	vsel vm8, v26, v48  }
0x3ac: {  	v52 =	vimm.s32 $0x0;
	v28 =	vsel vm7, $0xFFFFFFFF, v49;
	v26 =	vsel vm9, v53, v26  }
0x3ad: {  	[tilespmem:$0x1FFC0] =	vst v28;
	v28 =	vsel vm9, $0xFFFFFFFF, v52;
	vm11 =	vlt.s32 v26, v51  }
0x3ae: {  	v55 =	vld [tilespmem:$0x1A310];
	vm13 =	veq.s32 v19, s29;
	[tilespmem:$0x1FFD0] =	vst v28;
	v28 =	vsel vm11, v26, v51  }
0x3af: {  	v26 =	vsel vm13, v28, v26  }
0x3b0: {  	vm4 =	vlt.s32 v26, v54  }
0x3b1: {  	v58 =	vld [tilespmem:$0x1A320];
	vm5 =	veq.s32 v17, s29;
	v57 =	vsel vm4, v26, v54  }
0x3b2: {  	v26 =	vsel vm5, v57, v26  }
0x3b3: {  	vm7 =	vlt.s32 v26, v55  }
0x3b4: {  	v56 =	vimm.s32 $0x0;
	v61 =	vld [tilespmem:$0x1A330];
	vm8 =	veq.s32 v15, s29;
	v60 =	vsel vm7, v26, v55  }
0x3b5: {  	v59 =	vimm.s32 $0x0;
	v28 =	vsel vm5, $0xFFFFFFFF, v56;
	v26 =	vsel vm8, v60, v26  }
0x3b6: {  	[tilespmem:$0x1FFE0] =	vst v28;
	v28 =	vsel vm8, $0xFFFFFFFF, v59;
	vm9 =	vlt.s32 v26, v58  }
0x3b7: {  	v62 =	vld [tilespmem:$0x1A340];
	vm14 =	veq.s32 v16, s29;
	[tilespmem:$0x1FFF0] =	vst v28;
	v28 =	vsel vm9, v26, v58  }
0x3b8: {  	v26 =	vsel vm14, v28, v26  }
0x3b9: {  	vm11 =	vlt.s32 v26, v61  }
0x3ba: {  	v63 =	vld [tilespmem:$0x1A350];
	vm7 =	veq.s32 v14, s29;
	v28 =	vsel vm11, v26, v61  }
0x3bb: {  	v26 =	vsel vm7, v28, v26  }
0x3bc: {  	vm15 =	vlt.s32 v26, v62  }
0x3bd: {  	v33 =	vld [tilespmem:$0x1A360];
	vm8 =	veq.s32 v12, s29;
	v28 =	vsel vm15, v26, v62  }
0x3be: {  	v26 =	vsel vm8, v28, v26  }
0x3bf: {  	vm4 =	vlt.s32 v26, v63  }
0x3c0: {  	v34 =	vld [tilespmem:$0x1A370];
	vm15 =	veq.s32 v13, s29;
	v28 =	vsel vm4, v26, v63  }
0x3c1: {  	v26 =	vsel vm15, v28, v26  }
0x3c2: {  	vm5 =	vlt.s32 v26, v33  }
0x3c3: {  	v35 =	vld [tilespmem:$0x1A380];
	vm9 =	veq.s32 v10, s29;
	v28 =	vsel vm5, v26, v33  }
0x3c4: {  	v26 =	vsel vm9, v28, v26  }
0x3c5: {  	vm4 =	vlt.s32 v26, v34  }
0x3c6: {  	v36 =	vld [tilespmem:$0x1A390];
	vm11 =	veq.s32 v9, s29;
	v28 =	vsel vm4, v26, v34  }
0x3c7: {  	v26 =	vsel vm11, v28, v26  }
0x3c8: {  	vm5 =	vlt.s32 v26, v35  }
0x3c9: {  	v37 =	vld [tilespmem:$0x1A3A0];
	vm2 =	veq.s32 v11, s29;
	v28 =	vsel vm5, v26, v35  }
0x3ca: {  	v26 =	vsel vm2, v28, v26  }
0x3cb: {  	vm4 =	vlt.s32 v26, v36  }
0x3cc: {  	v38 =	vld [tilespmem:$0x1A3B0];
	vm3 =	veq.s32 v8, s29;
	v28 =	vsel vm4, v26, v36  }
0x3cd: {  	v26 =	vsel vm3, v28, v26  }
0x3ce: {  	vm5 =	vlt.s32 v26, v37  }
0x3cf: {  	v28 =	vsel vm5, v26, v37;
	vm5 =	veq.s32 v6, s29  }
0x3d0: {  	v26 =	vsel vm5, v28, v26  }
0x3d1: {  	vm4 =	vlt.s32 v26, v38  }
0x3d2: {  	v28 =	vsel vm4, v26, v38;
	vm4 =	veq.s32 v7, s29  }
0x3d3: {  	v26 =	vsel vm4, v28, v26  }
0x3d4: {  	v26 =	vxor.u32 $0x80000000, v26  }
0x3d5: {  	(xrf0) =	vmin.scan.msk.u32 $0xffff, v26;
	_ =	sdelay $0x5  }
0x3d6: {  	v26, _, _ =	vpop (xrf0)  }
0x3d7: {  	(v2sf) =	vpush v26, $0xF;
	_ =	sdelay $0x8  }
0x3d8: {  	v39 =	vld [tilespmem:$0x1A290]  }
0x3d9: {  	v40 =	vld [tilespmem:$0x1A2A0]  }
0x3da: {  	v41 =	vld [tilespmem:$0x1A2B0]  }
0x3db: {  	v31 =	vld [tilespmem:$0x1A2D0]  }
0x3dc: {  	v43 =	vld [tilespmem:$0x1FFA0]  }
0x3dd: {  	v32 =	vld [tilespmem:$0x1A2E0]  }
0x3de: {  	v42 =	vld [tilespmem:$0x1A2C0];
	s31 =	spop (v2sf)  }
0x3df: {  	v47 =	vld [tilespmem:$0x1FFB0];
	s0 =	sxor.u32 $0x80000000, s31  }
0x3e0: {  	v44 =	vld [tilespmem:$0x1A2F0];
	vm0 =	veq.s32 v27, s0  }
0x3e1: {  	v50 =	vld [tilespmem:$0x1FFC0];
	vm1 =	veq.s32 v39, s0;
	vm0 =	vmand vm10, vm0;
	vm10 =	vnez.u8 v43  }
0x3e2: {  	v52 =	vld [tilespmem:$0x1FFD0];
	v63 =	vmov s28;
	vm1 =	vmand vm10, vm1;
	vm10 =	veq.s32 v40, s0  }
0x3e3: {  	v55 =	vld [tilespmem:$0x1FFE0];
	v24 =	vsel vm0, $0x80000000, v24;
	v25 =	vsel vm1, $0x80000000, v25;
	vm0 =	vmand vm6, vm10  }
0x3e4: {  	v45 =	vld [tilespmem:$0x1A300];
	vm1 =	veq.s32 v41, s0;
	vm6 =	veq.s32 v42, s0;
	vm10 =	vnez.u8 v47  }
0x3e5: {  	v46 =	vld [tilespmem:$0x1A310];
	[tilespmem:$0x1A100] =	vst v24;
	v23 =	vsel vm0, $0x80000000, v23;
	vm0 =	vmand vm10, vm1;
	vm12 =	vmand vm12, vm6  }
0x3e6: {  	v57 =	vld [tilespmem:$0x1FFF0];
	[tilespmem:$0x1A110] =	vst v25;
	vm6 =	veq.s32 v31, s0;
	vm10 =	vnez.u8 v50;
	vm1 =	veq.s32 v32, s0  }
0x3e7: {  	v48 =	vld [tilespmem:$0x1A320];
	v21 =	vsel vm0, $0x80000000, v21;
	[tilespmem:$0x1A120] =	vst v23;
	v22 =	vsel vm12, $0x80000000, v22;
	vm0 =	vmand vm10, vm6  }
0x3e8: {  	v49 =	vld [tilespmem:$0x1A330];
	vm12 =	veq.s32 v44, s0;
	vm10 =	vnez.u8 v52;
	vm6 =	vnez.u8 v55;
	[tilespmem:$0x1A130] =	vst v21  }
0x3e9: {  	v51 =	vld [tilespmem:$0x1A340];
	v20 =	vsel vm0, $0x80000000, v20;
	vm0 =	vmand vm10, vm1;
	vm12 =	vmand vm13, vm12;
	[tilespmem:$0x1A140] =	vst v22  }
0x3ea: {  	v53 =	vld [tilespmem:$0x1A350];
	vm13 =	veq.s32 v45, s0;
	vm10 =	veq.s32 v46, s0;
	[tilespmem:$0x1A150] =	vst v20;
	v18 =	vsel vm0, $0x80000000, v18  }
0x3eb: {  	v54 =	vld [tilespmem:$0x1A360];
	v19 =	vsel vm12, $0x80000000, v19;
	vm0 =	vmand vm6, vm13;
	vm13 =	vnez.u8 v57;
	[tilespmem:$0x1A160] =	vst v18  }
0x3ec: {  	v56 =	vld [tilespmem:$0x1A370];
	vm12 =	veq.s32 v48, s0;
	v17 =	vsel vm0, $0x80000000, v17;
	vm0 =	vmand vm13, vm10;
	[tilespmem:$0x1A170] =	vst v19  }
0x3ed: {  	v58 =	vld [tilespmem:$0x1A380];
	vm10 =	vmand vm14, vm12;
	vm12 =	veq.s32 v49, s0;
	[tilespmem:$0x1A180] =	vst v17;
	v15 =	vsel vm0, $0x80000000, v15  }
0x3ee: {  	v59 =	vld [tilespmem:$0x1A390];
	vm13 =	veq.s32 v51, s0;
	v16 =	vsel vm10, $0x80000000, v16;
	vm0 =	vmand vm7, vm12;
	[tilespmem:$0x1A190] =	vst v15  }
0x3ef: {  	v60 =	vld [tilespmem:$0x1A3A0];
	vm14 =	veq.s32 v53, s0;
	vm10 =	vmand vm8, vm13;
	v14 =	vsel vm0, $0x80000000, v14;
	[tilespmem:$0x1A1A0] =	vst v16  }
0x3f0: {  	v61 =	vld [tilespmem:$0x1A3B0];
	vm12 =	vmand vm15, vm14;
	vm13 =	veq.s32 v54, s0;
	v12 =	vsel vm10, $0x80000000, v12;
	[tilespmem:$0x1A1B0] =	vst v14  }
0x3f1: {  	vm14 =	veq.s32 v56, s0;
	v13 =	vsel vm12, $0x80000000, v13;
	vm0 =	vmand vm9, vm13;
	[tilespmem:$0x1A1C0] =	vst v12  }
0x3f2: {  	vm15 =	veq.s32 v58, s0;
	vm9 =	vmand vm11, vm14;
	v10 =	vsel vm0, $0x80000000, v10;
	[tilespmem:$0x1A1D0] =	vst v13  }
0x3f3: {  	vm10 =	vmand vm2, vm15;
	vm11 =	veq.s32 v59, s0;
	v9 =	vsel vm9, $0x80000000, v9;
	[tilespmem:$0x1A1E0] =	vst v10  }
0x3f4: {  	vm12 =	veq.s32 v60, s0;
	v62 =	vsel vm10, $0x80000000, v11;
	vm0 =	vmand vm3, vm11;
	[tilespmem:$0x1A1F0] =	vst v9  }
0x3f5: {  	vm14 =	veq.s32 v61, s0;
	vm13 =	vmand vm5, vm12;
	v8 =	vsel vm0, $0x80000000, v8;
	[tilespmem:$0x1A200] =	vst v62  }
.Ltmp43:
0x3f6: {  	vm15 =	vmand vm4, vm14;
	v6 =	vsel vm13, $0x80000000, v6;
	[tilespmem:$0x1A210] =	vst v8;
	(pc) =	sbr.rel .LBB2_66-.Ltmp43, $4  }
0x3f7: {  	v7 =	vsel vm15, $0x80000000, v7;
	[tilespmem:$0x1A220] =	vst v6  }
0x3f8: {  	v6 =	vmov s29;
	[tilespmem:$0x1A230] =	vst v7  }
0x3f9: {  	v7 =	vmov s0;
	[tilespmem:v63+s18+$0x0] =	vst.idx.msk $0x1, v6  }
0x3fa: {  	[tilespmem:v63+s19+$0x0] =	vst.idx.msk $0x1, v7  }
.LBB2_67:
0x3fb: {  	s0 =	simm.s32 $0x0  }
0x3fc: {  	v5 =	vld [tilespmem:s0+$0x1B400];
	_ =	sdelay $0x4  }
0x3fd: {  	v6 =	vshra.s32 v5, $0x1F  }
0x3fe: {  	v6 =	vshrl.u32 v6, $0x1  }
0x3ff: {  	v5 =	vxor.u32 v5, v6  }
0x400: {  	v5 =	vsub.f32 $0.0e+00, v5;
	_ =	sdelay $0x1  }
0x401: {  	v5 =	vmul.f32 $1.442695020e+00, v5  }
0x402: {  	v6 =	vld [tilespmem:s0+$0x1B580]  }
0x403: {  	(erf) = vpow2.f32 v5;
	_ =	sdelay $0x3  }
0x404: {  	v5 =	vcvt.s32.f32 v6;
	_ =	sdelay $0x1  }
0x405: {  	v5 =	vmul.f32 $1.098901130e-02, v5;
	_ =	sdelay $0x1  }
0x406: {  	v5 =	vtrunc.f32 v5  }
0x407: {  	v5 =	vcvt.f32.s32 v5;
	v7 =	vpop (erf)  }
0x408: {  	v7 =	vadd.f32 $1.000000000e+00, v7  }
0x409: {  	v8 =	vmul.u32 $0xFFFFFFA5, v5  }
0x40a: {  	(erf) = vrcp.f32 v7  }
0x40b: {  	v7 =	vadd.s32 v6, v8  }
0x40c: {  	vm0 =	vgt.s32 v7, $0x5A;
	v7 =	vshra.s32 v7, $0x1F  }
0x40d: {  	v8 =	vsel vm0, $0x1, v0;
	v5 =	vadd.s32 v5, v7  }
0x40e: {  	v5 =	vadd.s32 v8, v5  }
0x40f: {  	v7 =	vshll.u32 v5, $0x2  }
0x410: {  	v5 =	vmul.u32 $0xFFFFFFA5, v5;
	v8 =	vor.u32 $0x2, v7  }
0x411: {  	v9 =	vor.u32 $0x3, v7  }
0x412: {  	v5 =	vadd.s32 v6, v5  }
0x413: {  	v10 =	vld [tilespmem:$0x1C800];
	[tilespmem:s0+$0x1C680] =	vst v5;
	v5 =	vor.u32 $0x1, v7;
	v6 =	vpop (erf)  }
0x414: {  	[tilespmem:s0+$0x1C500] =	vst v6  }
0x415: {  	v6 =	vld.idx.msk [tilespmem:v8+s12+$0x0], $0xffff  }
0x416: {  	v8 =	vld.idx.msk [tilespmem:v9+s12+$0x0], $0xffff  }
0x417: {  	v7 =	vld.idx.msk [tilespmem:v7+s12+$0x0], $0xffff  }
0x418: {  	v9 =	vld.idx.msk [tilespmem:v5+s12+$0x0], $0xffff;
	_ =	sdelay $0x1  }
0x419: {  	v6 =	vmul.f32 $5.000000000e-01, v6  }
0x41a: {  	v8 =	vmul.f32 $5.000000000e-01, v8  }
0x41b: {  	v5 =	vbroadcast v10, $0x0;
	v11 =	vsub.f32 v7, v6;
	v7 =	vadd.f32 v6, v7  }
0x41c: {  	s25 =	simm.s32 $0x0;
	v6 =	vbroadcast v10, $0x1;
	v10 =	vsub.f32 v9, v8;
	v9 =	vadd.f32 v8, v9  }
0x41d: {  	v12 =	vmov s25;
	v14 =	vmul.f32 v11, v5;
	v8 =	vmul.f32 v7, v5  }
0x41e: {  	v7 =	vmul.u32 $0x4, v1;
	v10 =	vmul.f32 v10, v6;
	v9 =	vmul.f32 v9, v6  }
0x41f: {  	v11 =	vshll.u32 v12, $0x2  }
0x420: {  	[tilespmem:s0+$0x1BE80] =	vst v4;
	v12 =	vsub.f32 v8, v14;
	v15 =	vor.u32 v7, v11;
	v11 =	vsub.f32 v9, v10  }
0x421: {  	[tilespmem:s0+$0x1B700] =	vst v14  }
0x422: {  	[tilespmem:s0+$0x1B880] =	vst v10;
	v11 =	vmul.f32 v11, v12  }
0x423: {  	[tilespmem:s0+$0x1BB80] =	vst v9;
	v13 =	vor.u32 $0x1, v15  }
0x424: {  	[tilespmem:s0+$0x1BD00] =	vst v11;
	v11 =	vor.u32 $0x2, v15  }
0x425: {  	[tilespmem:s0+$0x1BA00] =	vst v8;
	v12 =	vor.u32 $0x3, v15  }
0x426: {  	s26 =	simm.s32 $0x40;
	s0 =	simm.s32 $0x0;
	[tilespmem:v15+s20+$0x0] =	vst.idx.msk $0xffff, v14  }
.LBB2_68:
0x427: {  	p0 =	sne.s32 s26, $0x480  }
0x428: {  	[tilespmem:v13+s20+$0x0] =	vst.idx.msk $0xffff, v10;
	s0 =	sadd.s32 $0x10, s0;
	s1 =	smov.u32 s26;
	s26 =	sadd.s32 $0x40, s26  }
0x429: {  	s1 =	sshra.s32 s1, $0x2;
	[tilespmem:v11+s20+$0x0] =	vst.idx.msk $0xffff, v8  }
0x42a: {  	[tilespmem:v12+s20+$0x0] =	vst.idx.msk $0xffff, v9  }
0x42b: {  	v8 =	vld [tilespmem:s1+$0x1B400];
	_ =	sdelay $0x4  }
0x42c: {  	v9 =	vshra.s32 v8, $0x1F  }
0x42d: {  	v9 =	vshrl.u32 v9, $0x1  }
0x42e: {  	v8 =	vxor.u32 v8, v9  }
0x42f: {  	v8 =	vsub.f32 $0.0e+00, v8;
	_ =	sdelay $0x1  }
0x430: {  	v8 =	vmul.f32 $1.442695020e+00, v8  }
0x431: {  	v9 =	vld [tilespmem:s1+$0x1B580]  }
0x432: {  	(erf) = vpow2.f32 v8;
	_ =	sdelay $0x3  }
0x433: {  	v8 =	vcvt.s32.f32 v9;
	_ =	sdelay $0x1  }
0x434: {  	v8 =	vmul.f32 $1.098901130e-02, v8;
	_ =	sdelay $0x1  }
0x435: {  	v8 =	vtrunc.f32 v8  }
0x436: {  	v8 =	vcvt.f32.s32 v8;
	v10 =	vpop (erf)  }
0x437: {  	v10 =	vadd.f32 $1.000000000e+00, v10  }
0x438: {  	v11 =	vmul.u32 $0xFFFFFFA5, v8  }
0x439: {  	(erf) = vrcp.f32 v10  }
0x43a: {  	v10 =	vadd.s32 v9, v11  }
0x43b: {  	vm0 =	vgt.s32 v10, $0x5A;
	v10 =	vshra.s32 v10, $0x1F  }
0x43c: {  	v11 =	vsel vm0, $0x1, v0;
	v8 =	vadd.s32 v8, v10  }
0x43d: {  	v8 =	vadd.s32 v11, v8  }
0x43e: {  	v10 =	vmul.u32 $0xFFFFFFA5, v8;
	v8 =	vshll.u32 v8, $0x2  }
0x43f: {  	v11 =	vor.u32 $0x2, v8;
	v12 =	vor.u32 $0x3, v8  }
0x440: {  	v9 =	vadd.s32 v9, v10;
	_ =	sdelay $0x1  }
0x441: {  	[tilespmem:s1+$0x1C680] =	vst v9;
	v9 =	vor.u32 $0x1, v8;
	v10 =	vpop (erf)  }
0x442: {  	[tilespmem:s1+$0x1C500] =	vst v10  }
0x443: {  	v10 =	vld.idx.msk [tilespmem:v11+s12+$0x0], $0xffff  }
0x444: {  	v11 =	vld.idx.msk [tilespmem:v12+s12+$0x0], $0xffff  }
0x445: {  	v8 =	vld.idx.msk [tilespmem:v8+s12+$0x0], $0xffff  }
0x446: {  	v9 =	vld.idx.msk [tilespmem:v9+s12+$0x0], $0xffff  }
0x447: {  	[tilespmem:s1+$0x1BE80] =	vst v4;
	_ =	sdelay $0x1  }
0x448: {  	v10 =	vmul.f32 $5.000000000e-01, v10  }
0x449: {  	v11 =	vmul.f32 $5.000000000e-01, v11  }
0x44a: {  	v12 =	vsub.f32 v8, v10;
	v8 =	vadd.f32 v10, v8  }
0x44b: {  	v10 =	vsub.f32 v9, v11;
	v9 =	vadd.f32 v11, v9;
	v11 =	vmov s0  }
0x44c: {  	v14 =	vmul.f32 v12, v5;
	v8 =	vmul.f32 v8, v5  }
0x44d: {  	v11 =	vshll.u32 v11, $0x2;
	v10 =	vmul.f32 v10, v6;
	v9 =	vmul.f32 v9, v6  }
0x44e: {  	v15 =	vor.u32 v7, v11;
	v12 =	vsub.f32 v8, v14;
	[tilespmem:s1+$0x1B700] =	vst v14  }
0x44f: {  	v13 =	vor.u32 $0x1, v15;
	v16 =	vsub.f32 v9, v10;
	[tilespmem:s1+$0x1B880] =	vst v10  }
.Ltmp44:
0x450: {  	v11 =	vor.u32 $0x2, v15;
	[tilespmem:s1+$0x1BB80] =	vst v9;
	(pc) =	sbr.rel @p0 .LBB2_68-.Ltmp44, $3  }
0x451: {  	v16 =	vmul.f32 v16, v12;
	v12 =	vor.u32 $0x3, v15;
	[tilespmem:s1+$0x1BA00] =	vst v8;
	_ =	sdelay $0x1  }
0x452: {  	[tilespmem:s1+$0x1BD00] =	vst v16  }
0x453: {  	[tilespmem:v15+s20+$0x0] =	vst.idx.msk $0xffff, v14  }
0x454: {  	_ =	sdelay $0x1  }
.Ltmp45:
0x455: {  	_ = 	snop;
	(pc) =	sbr.rel .LBB2_70-.Ltmp45, $4  }
0x456: {  	_ = 	snop  }
0x457: {  	[tilespmem:v13+s20+$0x0] =	vst.idx.msk $0xffff, v10  }
0x458: {  	[tilespmem:v11+s20+$0x0] =	vst.idx.msk $0xffff, v8  }
0x459: {  	[tilespmem:v12+s20+$0x0] =	vst.idx.msk $0xffff, v9  }
.LBB2_73:
0x45a: {  	s25 =	sadd.s32 $0x1, s25  }
0x45b: {  	p0 =	sne.s32 s25, $0x12C  }
.Ltmp46:
0x45c: {  	_ = 	snop;
	(pc) =	sbr.rel @!p0 .LBB2_74-.Ltmp46, $1  }
0x45d: {  	_ =	sdelay $0x3  }
.LBB2_70:
0x45e: {  	v5 =	vld [tilespmem:s25+$0x1BE80];
	_ =	sdelay $0x4  }
0x45f: {  	(v2sf) =	vpush v5, $0x0;
	_ =	sdelay $0xe  }
0x460: {  	s0 =	spop (v2sf)  }
0x461: {  	p0 =	seq.s32 s0, $0x0  }
.Ltmp47:
0x462: {  	_ = 	snop;
	(pc) =	sbr.rel @p0 .LBB2_73-.Ltmp47, $1  }
0x463: {  	_ =	sdelay $0x3  }
0x464: {  	v5 =	vld.msk [tilespmem:s25+$0x1BA00 ss:$0x0], $0xffff  }
0x465: {  	v6 =	vld.msk [tilespmem:s25+$0x1B700 ss:$0x0], $0xffff  }
0x466: {  	s3 =	sand.u32 $0x3FFFFFF0, s25;
	v7 =	vld.msk [tilespmem:s25+$0x1BB80 ss:$0x0], $0xffff  }
0x467: {  	v8 =	vld.msk [tilespmem:s25+$0x1B880 ss:$0x0], $0xffff;
	s4 =	sadd.s32 $0x1BA00, s3  }
0x468: {  	s0 =	sadd.s32 $0x1B700, s3;
	v10 =	vld [tilespmem:s4+$0x0]  }
0x469: {  	s1 =	sadd.s32 $0x1BB80, s3;
	v11 =	vld [tilespmem:s0+$0x0]  }
0x46a: {  	s26 =	sadd.s32 $0x1B880, s3;
	v12 =	vld [tilespmem:s1+$0x0]  }
0x46b: {  	v13 =	vld [tilespmem:s26+$0x0];
	_ =	sdelay $0x2  }
0x46c: {  	v9 =	vld.msk [tilespmem:s25+$0x1BD00 ss:$0x0], $0xffff;
	s13 =	sadd.s32 $0x1BD00, s3  }
0x46d: {  	v14 =	vld [tilespmem:s13+$0x0];
	v10 =	vmin.f32 v5, v10  }
0x46e: {  	v11 =	vmax.f32 v6, v11;
	v12 =	vmin.f32 v7, v12;
	v13 =	vmax.f32 v8, v13  }
0x46f: {  	v10 =	vsub.f32 v10, v11;
	v11 =	vsub.f32 v12, v13;
	_ =	sdelay $0x1  }
0x470: {  	v10 =	vmax.f32 v10, $0.0e+00;
	v11 =	vmax.f32 v11, $0.0e+00  }
0x471: {  	v10 =	vmul.f32 v11, v10;
	v11 =	vadd.f32 v14, v9;
	_ =	sdelay $0x1  }
0x472: {  	v11 =	vsub.f32 v11, v10;
	_ =	sdelay $0x1  }
0x473: {  	v11 =	vmax.f32 v11, $9.999999710e-10  }
0x474: {  	(erf) = vrcp.f32 v11;
	_ =	sdelay $0x6  }
0x475: {  	s31 =	sshrl.u32 s25, $0x4  }
0x476: {  	s21 =	sadd.s32 $0x1BE80, s3;
	s3 =	sadd.s32 $0xFFFFFFFF, s31  }
0x477: {  	s22 =	sadd.s32 $0x1, s3;
	v11 =	vld [tilespmem:s21+$0x0];
	v62 =	vpop (erf)  }
0x478: {  	s28 =	sand.u32 $0xFFFFFFF0, s25;
	p0 =	slt.u32 s22, $0x12;
	v12 =	vmul.f32 v62, v10  }
.Ltmp48:
0x479: {  	v63 =	vor.u32 s28, v1;
	v10 =	vmov s25;
	(pc) =	sbr.rel @!p0 .LBB2_73-.Ltmp48, $4  }
0x47a: {  	vm1 =	vgt.u32 v63, v10;
	vm0 =	vgt.f32 v12, $5.000000000e-01  }
0x47b: {  	vm0 =	vmand vm1, vm0  }
0x47c: {  	v11 =	vsel vm0, $0x0, v11  }
0x47d: {  	s29 =	sadd.s32 $0x10, s4;
	[tilespmem:s21+$0x0] =	vst v11  }
.LBB2_72:
0x47e: {  	v11 =	vld [tilespmem:s29+$0x0];
	s0 =	sadd.s32 $0x10, s0  }
0x47f: {  	s1 =	sadd.s32 $0x10, s1;
	v12 =	vld [tilespmem:s0+$0x0]  }
0x480: {  	s26 =	sadd.s32 $0x10, s26;
	v13 =	vld [tilespmem:s1+$0x0]  }
0x481: {  	s22 =	sadd.s32 $0x1, s22;
	v14 =	vld [tilespmem:s26+$0x0]  }
0x482: {  	p0 =	slt.u32 s22, $0x12;
	_ =	sdelay $0x1  }
0x483: {  	s13 =	sadd.s32 $0x10, s13  }
0x484: {  	v11 =	vmin.f32 v5, v11;
	v15 =	vld [tilespmem:s13+$0x0]  }
0x485: {  	v12 =	vmax.f32 v6, v12;
	v13 =	vmin.f32 v7, v13;
	v14 =	vmax.f32 v8, v14  }
0x486: {  	v11 =	vsub.f32 v11, v12;
	v12 =	vsub.f32 v13, v14;
	_ =	sdelay $0x1  }
0x487: {  	v11 =	vmax.f32 v11, $0.0e+00;
	v12 =	vmax.f32 v12, $0.0e+00  }
0x488: {  	v11 =	vmul.f32 v12, v11;
	v12 =	vadd.f32 v15, v9;
	_ =	sdelay $0x1  }
0x489: {  	v12 =	vsub.f32 v12, v11;
	_ =	sdelay $0x1  }
0x48a: {  	v12 =	vmax.f32 v12, $9.999999710e-10  }
0x48b: {  	(erf) = vrcp.f32 v12;
	_ =	sdelay $0x7  }
0x48c: {  	s21 =	sadd.s32 $0x10, s21  }
0x48d: {  	v12 =	vld [tilespmem:s21+$0x0];
	v13 =	vpop (erf)  }
0x48e: {  	s28 =	sadd.s32 $0x10, s28;
	v11 =	vmul.f32 v13, v11  }
.Ltmp49:
0x48f: {  	v13 =	vor.u32 s28, v1;
	(pc) =	sbr.rel @p0 .LBB2_72-.Ltmp49, $4  }
0x490: {  	vm1 =	vgt.u32 v13, v10;
	vm0 =	vgt.f32 v11, $5.000000000e-01  }
0x491: {  	vm0 =	vmand vm1, vm0  }
0x492: {  	v11 =	vsel vm0, $0x0, v12  }
0x493: {  	s29 =	sadd.s32 $0x10, s29;
	[tilespmem:s21+$0x0] =	vst v11  }
.Ltmp50:
0x494: {  	_ = 	snop;
	(pc) =	sbr.rel .LBB2_73-.Ltmp50, $1  }
0x495: {  	_ =	sdelay $0x3  }
.LBB2_17:
.Ltmp51:
0x496: {  	(pc) =	sbr.rel .LBB2_21-.Ltmp51, $2  }
0x497: {  	_ =	sdelay $0x2  }
0x498: {  	s1 =	simm.s32 $0x0  }
.LBB2_31:
.Ltmp52:
0x499: {  	(pc) =	sbr.rel .LBB2_35-.Ltmp52, $2  }
0x49a: {  	_ =	sdelay $0x2  }
0x49b: {  	s1 =	simm.s32 $0x0  }
.LBB2_45:
.Ltmp53:
0x49c: {  	(pc) =	sbr.rel .LBB2_49-.Ltmp53, $2  }
0x49d: {  	_ =	sdelay $0x2  }
0x49e: {  	s1 =	simm.s32 $0x0  }
.LBB2_19:
.Ltmp54:
0x49f: {  	(pc) =	sbr.rel .LBB2_21-.Ltmp54, $2  }
0x4a0: {  	_ =	sdelay $0x2  }
0x4a1: {  	s1 =	simm.s32 $0x0  }
.LBB2_33:
.Ltmp55:
0x4a2: {  	(pc) =	sbr.rel .LBB2_35-.Ltmp55, $2  }
0x4a3: {  	_ =	sdelay $0x2  }
0x4a4: {  	s1 =	simm.s32 $0x0  }
.LBB2_47:
.Ltmp56:
0x4a5: {  	(pc) =	sbr.rel .LBB2_49-.Ltmp56, $2  }
0x4a6: {  	_ =	sdelay $0x2  }
0x4a7: {  	s1 =	simm.s32 $0x0  }
.LBB2_75:
0x4a8: {  	_ =	sfence.sel $0x180000  }
0x4a9: {  	[bflag:$0x0] =	sbarrier.arrive $0xFFFF  }
0x4aa: {  	_ =	strace $0x90000047  }
0x4ab: {  	s0 =	stileid.u32;
	[bflag:$0x2] =	sbarrier.arrive $0xFFFF  }
0x4ac: {  	p0 =	sne.s32 s0, $0x0;
	s0 =	rddreg [dreg:$0x4]  }
0x4ad: {  	s0 =	sadd.s32 @!p0 $0x100000, s0  }
0x4ae: {  	[sflag:s0] =	ssyncadd.tile.s32 @!p0 $0x1;
	_ =	shalt  }
.Lfunc_end2:
_tile_overlayer_lowered:
.L_overlay_start_2:
0x4af: {  	(tag) =	ssettag $0x2  }
0x4b0: {  	s0 =	rddreg [dreg:$0x0];
	s2 =	stileid.u32  }
0x4b1: {  	s1 =	rddreg [dreg:$0x1];
	p0 =	sne.s32 s2, $0x0  }
0x4b2: {  	s3 =	rddreg [dreg:$0x2];
	[bflag:$0x3] =	sbarrier.arrive $0xFFFF;
	s2 =	simm.s32 @!p0 $0x1C01  }
0x4b3: {  	[timem:s3], [sflag:s2] =	dma.local @!p0 [hbm:s0], s1  }
0x4b4: {  	s0 =	simm.s32 @!p0 $0x1  }
0x4b5: {  	_ =	swait.ge @!p0 [sflag:s0], s1  }
0x4b6: {  	s1 =	ssub.s32 @!p0 $0x0, s1;
	[sflag:s0] =	ssyncset.done @!p0 $0x0  }
0x4b7: {  	[sflag:s0] =	ssyncadd.s32 @!p0 s1  }
0x4b8: {  	[bflag:$0x3] =	sbarrier.arrive $0xFFFF  }
0x4b9: {  	_ =	shalt  }

</sc_bundles>
